<compile_context>
chip_gen: v7x
topology: tpu7x:2x2x1
jax: 0.10.2.dev20260603
libtpu: 0.0.44.dev20260713+nightly
codegen_flags: <defaults>
</compile_context>

<pallas_src>
import functools
import jax
import jax.numpy as jnp
from jax import lax
from jax.experimental import pallas as pl
from jax.experimental.pallas import tpu as pltpu
from jax.experimental.pallas import tpu_sc as plsc

_B = 4096
_L = 200
_D = 64
_GV = 1000
_IV = 1000000
_ROWS = _B * _L
_LANES = 16
_RW = 8192


def _relayout_body(tin_ref, out_ref):
    x = tin_ref[...]
    y = jnp.swapaxes(x, 0, 1)
    y3 = y.reshape(_RW // 2, 2, _D)
    out_ref[...] = jnp.concatenate([y3[:, 0, :], y3[:, 1, :]], axis=1)


def _tc_relayout(item_table_t):
    return pl.pallas_call(
        _relayout_body,
        grid=(pl.cdiv(_IV, _RW),),
        in_specs=[pl.BlockSpec((_D, _RW), lambda i: (0, i))],
        out_specs=pl.BlockSpec((_RW // 2, 128), lambda i: (i, 0)),
        out_shape=jax.ShapeDtypeStruct((_IV // 2, 128), jnp.float32),
    )(item_table_t)


def _prep_body(genre_ref, w_ref, b_ref, pos_ref, pg_ref, pb_ref):
    pg_ref[...] = jnp.dot(genre_ref[...], w_ref[...],
                          preferred_element_type=jnp.float32)
    pb_ref[...] = pos_ref[...] + b_ref[...]


def _tc_prep(genre_table, proj_W, proj_b, pos_table):
    return pl.pallas_call(
        _prep_body,
        out_shape=(
            jax.ShapeDtypeStruct((_GV, _D), jnp.float32),
            jax.ShapeDtypeStruct((_L, _D), jnp.float32),
        ),
    )(genre_table, proj_W, proj_b.reshape(1, _D), pos_table)


def _make_sc_kernel():
    info = plsc.get_sparse_core_info()
    nc, ns = info.num_cores, info.num_subcores
    nw = nc * ns
    rpw = _ROWS // nw
    ch = 160
    nch = rpw // ch

    mesh = plsc.VectorSubcoreMesh(core_axis_name="c", subcore_axis_name="s")

    @functools.partial(
        pl.kernel,
        mesh=mesh,
        out_type=jax.ShapeDtypeStruct((_ROWS, _D), jnp.float32),
        compiler_params=pltpu.CompilerParams(use_tc_tiling_on_sc=False),
        scratch_types=(
            [pltpu.VMEM((ch,), jnp.int32) for _ in range(8)]
            + [pltpu.VMEM((ch, _D), jnp.float32) for _ in range(8)]
            + [
                pltpu.VMEM((2 * _L, _D), jnp.float32),
                pltpu.VMEM_SHARED((_GV, _D), jnp.float32),
            ]
            + [pltpu.SemaphoreType.DMA for _ in range(20)]
        ),
    )
    def sc_kernel(item_tab, pg_tab, pb_tab, item_idx, genre_idx, out, *scr):
        cid = lax.axis_index("c")
        sid = lax.axis_index("s")
        w = sid * nc + cid
        base = w * rpw
        pos_v, pg_sh = scr[16], scr[17]
        sets = tuple(
            (scr[2 * k], scr[2 * k + 1], scr[8 + 2 * k], scr[9 + 2 * k],
             scr[18 + 5 * k], scr[19 + 5 * k], scr[20 + 5 * k],
             scr[21 + 5 * k], scr[22 + 5 * k])
            for k in range(4)
        )

        @pl.when(sid == 0)
        def _fill_shared():
            pltpu.sync_copy(pg_tab, pg_sh)

        pltpu.sync_copy(pb_tab, pos_v.at[pl.ds(0, _L)])
        pltpu.sync_copy(pb_tab, pos_v.at[pl.ds(_L, _L)])
        plsc.subcore_barrier()

        def fetch_idx(c, st):
            r0 = base + c * ch
            pltpu.async_copy(item_idx.at[pl.ds(r0, ch)], st[0], st[4])
            pltpu.async_copy(genre_idx.at[pl.ds(r0, ch)], st[1], st[5])

        def wait_idx(c, st):
            r0 = base + c * ch
            pltpu.make_async_copy(item_idx.at[pl.ds(r0, ch)], st[0], st[4]).wait()
            pltpu.make_async_copy(genre_idx.at[pl.ds(r0, ch)], st[1], st[5]).wait()

        def fetch_rows(st):
            pltpu.async_copy(item_tab.at[st[0]], st[2], st[6])
            pltpu.async_copy(pg_sh.at[st[1]], st[3], st[7])

        def wait_scatter(st):
            pltpu.make_async_copy(st[2], out.at[pl.ds(base, ch)], st[8]).wait()

        def process(c, st):
            rows_i, rows_g = st[2], st[3]
            r0 = base + c * ch
            pltpu.make_async_copy(item_tab.at[st[0]], rows_i, st[6]).wait()
            pltpu.make_async_copy(pg_sh.at[st[1]], rows_g, st[7]).wait()
            l0 = lax.rem(r0, _L)

            def row_body(i, rcarry):
                l = l0 + i
                for jj in range(_D // _LANES):
                    sl = pl.ds(jj * _LANES, _LANES)
                    plsc.addupdate(rows_i.at[i, sl],
                                   rows_g[i, sl] + pos_v[l, sl])
                return rcarry

            lax.fori_loop(0, ch, row_body, 0, unroll=8)
            pltpu.async_copy(rows_i, out.at[pl.ds(r0, ch)], st[8])

        for k in range(3):
            fetch_idx(k, sets[k])
        for k in range(2):
            wait_idx(k, sets[k])
            fetch_rows(sets[k])

        def quad_body(g, carry):
            for b in range(4):
                c = 4 * g + b
                st = sets[b]
                st2 = sets[(b + 2) % 4]
                st3 = sets[(b + 3) % 4]

                @pl.when(c + 2 < nch)
                def _start_next_gather():
                    wait_idx(c + 2, st2)

                    @pl.when(c >= 2)
                    def _wait_prev_scatter():
                        wait_scatter(st2)

                    fetch_rows(st2)

                @pl.when(c + 3 < nch)
                def _start_next_idx():
                    fetch_idx(c + 3, st3)

                process(c, st)
            return carry

        lax.fori_loop(0, nch // 4, quad_body, 0, unroll=False)
        for k in range(4):
            wait_scatter(sets[k])

    return sc_kernel


@jax.jit
def kernel(hist_item_id, hist_genre_id, item_table, genre_table, proj_W,
           proj_b, pos_table):
    item_idx = hist_item_id.reshape(-1).astype(jnp.int32)
    genre_idx = hist_genre_id.reshape(-1).astype(jnp.int32)
    table_lin = _tc_relayout(item_table.T).reshape(_IV, _D)
    pg, pb = _tc_prep(genre_table, proj_W, proj_b, pos_table)
    sc = _make_sc_kernel()
    out = sc(table_lin, pg, pb, item_idx, genre_idx)
    return out.reshape(_B, _L, _D)

# --- scband reference (transcript-rebuilt; emitter-appended) ---
"""Pipeline reference for scband-sequence-feature-processor-62225486184520 (READ-ONLY COPY).

The authoritative reference and input builder live on the scoring server;
editing this copy changes nothing except your own understanding.
"""

import jax, jax.numpy as jnp
import numpy as np

B = 4096
L = 200
ITEM_VOCAB = 1000000
GENRE_VOCAB = 1000
ITEM_DIM = 64
GENRE_DIM = 32
TARGET_DIM = 64
MAX_SEQ_LEN = 200


def setup_inputs(seed: int = 0) -> dict:
    key = jax.random.key(seed)
    k1, k2, k3, k4, k5, k6 = jax.random.split(key, 6)
    hist_item_id = jax.random.randint(k1, (B, L), 0, ITEM_VOCAB)
    hist_genre_id = jax.random.randint(k2, (B, L), 0, GENRE_VOCAB)
    item_table = jax.random.normal(k3, (ITEM_VOCAB, ITEM_DIM), dtype=jnp.float32)
    item_table = item_table.at[0].set(0.0)  # padding_idx=0
    genre_table = jax.random.normal(k4, (GENRE_VOCAB, GENRE_DIM), dtype=jnp.float32)
    genre_table = genre_table.at[0].set(0.0)  # padding_idx=0
    proj_W = jax.random.normal(k5, (GENRE_DIM, TARGET_DIM), dtype=jnp.float32) * (1.0 / jnp.sqrt(GENRE_DIM))
    proj_b = jnp.zeros((TARGET_DIM,), dtype=jnp.float32)
    pos_table = jax.random.normal(k6, (MAX_SEQ_LEN, TARGET_DIM), dtype=jnp.float32)
    return {
        "hist_item_id": hist_item_id,
        "hist_genre_id": hist_genre_id,
        "item_table": item_table,
        "genre_table": genre_table,
        "proj_W": proj_W,
        "proj_b": proj_b,
        "pos_table": pos_table,
    }


def reference(hist_item_id, hist_genre_id, item_table, genre_table, proj_W, proj_b, pos_table):
    # feature 1: hist_item_id -> embedding (dim == target_dim, no projection)
    emb_item = jnp.take(item_table, hist_item_id, axis=0)  # [B, L, 64]
    # feature 2: hist_genre_id -> embedding + linear projection to target_dim
    emb_genre = jnp.take(genre_table, hist_genre_id, axis=0)  # [B, L, 32]
    emb_genre = emb_genre @ proj_W + proj_b  # [B, L, 64]
    total_emb = emb_item + emb_genre
    seq_len = total_emb.shape[1]
    positions = jnp.arange(seq_len)
    total_emb = total_emb + jnp.take(pos_table, positions, axis=0)[None, :, :]
    return total_emb

if __name__ == "__main__":
    import jax
    _d = setup_inputs()
    print(jax.jit(kernel)(*tuple(_d.values())))

</pallas_src>

<mosaic_0001>
#map = affine_map<(d0, d1) -> (0, 0)>
#map1 = affine_map<(d0, d1) -> (0)>
module attributes {stable_mosaic.version = 14 : i64} {
  func.func @sc_kernel(%arg0: i32, %arg1: i32, %arg2: memref<1000000x64xf32, #tpu.memory_space<hbm>>, %arg3: memref<1000x64xf32, #tpu.memory_space<hbm>>, %arg4: memref<200x64xf32, #tpu.memory_space<hbm>>, %arg5: memref<819200xi32, #tpu.memory_space<hbm>>, %arg6: memref<819200xi32, #tpu.memory_space<hbm>>, %arg7: memref<819200x64xf32, #tpu.memory_space<hbm>>, %arg8: memref<160xi32, #tpu.memory_space<vmem>>, %arg9: memref<160xi32, #tpu.memory_space<vmem>>, %arg10: memref<160xi32, #tpu.memory_space<vmem>>, %arg11: memref<160xi32, #tpu.memory_space<vmem>>, %arg12: memref<160xi32, #tpu.memory_space<vmem>>, %arg13: memref<160xi32, #tpu.memory_space<vmem>>, %arg14: memref<160xi32, #tpu.memory_space<vmem>>, %arg15: memref<160xi32, #tpu.memory_space<vmem>>, %arg16: memref<160x64xf32, #tpu.memory_space<vmem>>, %arg17: memref<160x64xf32, #tpu.memory_space<vmem>>, %arg18: memref<160x64xf32, #tpu.memory_space<vmem>>, %arg19: memref<160x64xf32, #tpu.memory_space<vmem>>, %arg20: memref<160x64xf32, #tpu.memory_space<vmem>>, %arg21: memref<160x64xf32, #tpu.memory_space<vmem>>, %arg22: memref<160x64xf32, #tpu.memory_space<vmem>>, %arg23: memref<160x64xf32, #tpu.memory_space<vmem>>, %arg24: memref<400x64xf32, #tpu.memory_space<vmem>>, %arg25: memref<1000x64xf32, #tpu.memory_space<vmem_shared>>, %arg26: memref<!tpu.dma_semaphore, #tpu.memory_space<semaphore_mem>>, %arg27: memref<!tpu.dma_semaphore, #tpu.memory_space<semaphore_mem>>, %arg28: memref<!tpu.dma_semaphore, #tpu.memory_space<semaphore_mem>>, %arg29: memref<!tpu.dma_semaphore, #tpu.memory_space<semaphore_mem>>, %arg30: memref<!tpu.dma_semaphore, #tpu.memory_space<semaphore_mem>>, %arg31: memref<!tpu.dma_semaphore, #tpu.memory_space<semaphore_mem>>, %arg32: memref<!tpu.dma_semaphore, #tpu.memory_space<semaphore_mem>>, %arg33: memref<!tpu.dma_semaphore, #tpu.memory_space<semaphore_mem>>, %arg34: memref<!tpu.dma_semaphore, #tpu.memory_space<semaphore_mem>>, %arg35: memref<!tpu.dma_semaphore, #tpu.memory_space<semaphore_mem>>, %arg36: memref<!tpu.dma_semaphore, #tpu.memory_space<semaphore_mem>>, %arg37: memref<!tpu.dma_semaphore, #tpu.memory_space<semaphore_mem>>, %arg38: memref<!tpu.dma_semaphore, #tpu.memory_space<semaphore_mem>>, %arg39: memref<!tpu.dma_semaphore, #tpu.memory_space<semaphore_mem>>, %arg40: memref<!tpu.dma_semaphore, #tpu.memory_space<semaphore_mem>>, %arg41: memref<!tpu.dma_semaphore, #tpu.memory_space<semaphore_mem>>, %arg42: memref<!tpu.dma_semaphore, #tpu.memory_space<semaphore_mem>>, %arg43: memref<!tpu.dma_semaphore, #tpu.memory_space<semaphore_mem>>, %arg44: memref<!tpu.dma_semaphore, #tpu.memory_space<semaphore_mem>>, %arg45: memref<!tpu.dma_semaphore, #tpu.memory_space<semaphore_mem>>) attributes {dimension_semantics = [#tpu.dimension_semantics<core_parallel>, #tpu.dimension_semantics<subcore_parallel>], iteration_bounds = array<i64: 2, 16>, scalar_prefetch = 0 : i64, scratch_operands = 38 : i64, tpu.core_type = #tpu.core_type<sc_vector_subcore>, window_params = [{transform_indices = #map}, {transform_indices = #map}, {transform_indices = #map}, {transform_indices = #map1}, {transform_indices = #map1}, {transform_indices = #map}]} {
    %mul3A = arith.constant 2 : i32
    %mul3A_0 = arith.muli %arg1, %mul3A : i32
    %add3A = arith.addi %mul3A_0, %arg0 : i32
    %mul3A_1 = arith.constant 25600 : i32
    %mul3A_2 = arith.muli %add3A, %mul3A_1 : i32
    %eq3A = arith.constant 0 : i32
    %eq3A_3 = arith.cmpi eq, %arg1, %eq3A : i32
    %convert_element_type3A = arith.extui %eq3A_3 : i1 to i32
    %cond3A = arith.constant 0 : i32
    %cond3A_4 = arith.cmpi ne, %convert_element_type3A, %cond3A : i32
    scf.if %cond3A_4 {
      "tpu.region"() ({
        %run_scoped3A = tpu.sem_alloc : memref<!tpu.dma_semaphore, #tpu.memory_space<semaphore_mem>>
        tpu.enqueue_dma source(%arg3 : memref<1000x64xf32, #tpu.memory_space<hbm>>) target(%arg25 : memref<1000x64xf32, #tpu.memory_space<vmem_shared>>) target_semaphore(%run_scoped3A : memref<!tpu.dma_semaphore, #tpu.memory_space<semaphore_mem>>)
        tpu.wait_dma2 semaphore(%run_scoped3A : memref<!tpu.dma_semaphore, #tpu.memory_space<semaphore_mem>>) src(%arg3 : memref<1000x64xf32, #tpu.memory_space<hbm>>) dst(%arg25 : memref<1000x64xf32, #tpu.memory_space<vmem_shared>>)
        tpu.yield
      }) : () -> ()
    } else {
    }
    "tpu.region"() ({
      %run_scoped3A = tpu.sem_alloc : memref<!tpu.dma_semaphore, #tpu.memory_space<semaphore_mem>>
      %dma_start3A_66 = arith.constant 0 : i32
      %dma_start3A_67 = arith.constant 0 : i32
      %dma_start3A_68 = tpu.memref_slice %arg24[%dma_start3A_66, %dma_start3A_67] : memref<400x64xf32, #tpu.memory_space<vmem>> -> memref<200x64xf32, #tpu.memory_space<vmem>>
      %dma_start3A_69 = arith.constant 0 : i32
      %dma_start3A_70 = arith.constant 0 : i32
      %dma_start3A_71 = tpu.memref_slice %arg24[%dma_start3A_69, %dma_start3A_70] : memref<400x64xf32, #tpu.memory_space<vmem>> -> memref<200x64xf32, #tpu.memory_space<vmem>>
      tpu.enqueue_dma source(%arg4 : memref<200x64xf32, #tpu.memory_space<hbm>>) target(%dma_start3A_71 : memref<200x64xf32, #tpu.memory_space<vmem>>) target_semaphore(%run_scoped3A : memref<!tpu.dma_semaphore, #tpu.memory_space<semaphore_mem>>)
      %dma_wait3A_72 = arith.constant 0 : i32
      %dma_wait3A_73 = arith.constant 0 : i32
      %dma_wait3A_74 = tpu.memref_slice %arg24[%dma_wait3A_72, %dma_wait3A_73] : memref<400x64xf32, #tpu.memory_space<vmem>> -> memref<200x64xf32, #tpu.memory_space<vmem>>
      %dma_wait3A_75 = arith.constant 0 : i32
      %dma_wait3A_76 = arith.constant 0 : i32
      %dma_wait3A_77 = tpu.memref_slice %arg24[%dma_wait3A_75, %dma_wait3A_76] : memref<400x64xf32, #tpu.memory_space<vmem>> -> memref<200x64xf32, #tpu.memory_space<vmem>>
      tpu.wait_dma2 semaphore(%run_scoped3A : memref<!tpu.dma_semaphore, #tpu.memory_space<semaphore_mem>>) src(%arg4 : memref<200x64xf32, #tpu.memory_space<hbm>>) dst(%dma_wait3A_77 : memref<200x64xf32, #tpu.memory_space<vmem>>)
      tpu.yield
    }) : () -> ()
    "tpu.region"() ({
      %run_scoped3A = tpu.sem_alloc : memref<!tpu.dma_semaphore, #tpu.memory_space<semaphore_mem>>
      %dma_start3A_66 = arith.constant 200 : i32
      %dma_start3A_67 = arith.constant 0 : i32
      %dma_start3A_68 = tpu.memref_slice %arg24[%dma_start3A_66, %dma_start3A_67] : memref<400x64xf32, #tpu.memory_space<vmem>> -> memref<200x64xf32, #tpu.memory_space<vmem>>
      %dma_start3A_69 = arith.constant 200 : i32
      %dma_start3A_70 = arith.constant 0 : i32
      %dma_start3A_71 = tpu.memref_slice %arg24[%dma_start3A_69, %dma_start3A_70] : memref<400x64xf32, #tpu.memory_space<vmem>> -> memref<200x64xf32, #tpu.memory_space<vmem>>
      tpu.enqueue_dma source(%arg4 : memref<200x64xf32, #tpu.memory_space<hbm>>) target(%dma_start3A_71 : memref<200x64xf32, #tpu.memory_space<vmem>>) target_semaphore(%run_scoped3A : memref<!tpu.dma_semaphore, #tpu.memory_space<semaphore_mem>>)
      %dma_wait3A_72 = arith.constant 200 : i32
      %dma_wait3A_73 = arith.constant 0 : i32
      %dma_wait3A_74 = tpu.memref_slice %arg24[%dma_wait3A_72, %dma_wait3A_73] : memref<400x64xf32, #tpu.memory_space<vmem>> -> memref<200x64xf32, #tpu.memory_space<vmem>>
      %dma_wait3A_75 = arith.constant 200 : i32
      %dma_wait3A_76 = arith.constant 0 : i32
      %dma_wait3A_77 = tpu.memref_slice %arg24[%dma_wait3A_75, %dma_wait3A_76] : memref<400x64xf32, #tpu.memory_space<vmem>> -> memref<200x64xf32, #tpu.memory_space<vmem>>
      tpu.wait_dma2 semaphore(%run_scoped3A : memref<!tpu.dma_semaphore, #tpu.memory_space<semaphore_mem>>) src(%arg4 : memref<200x64xf32, #tpu.memory_space<hbm>>) dst(%dma_wait3A_77 : memref<200x64xf32, #tpu.memory_space<vmem>>)
      tpu.yield
    }) : () -> ()
    %barrier3A = arith.constant 0 : index
    tpu.barrier barrier_id(%barrier3A)
    %add3A_5 = arith.constant 0 : i32
    %add3A_6 = arith.addi %mul3A_2, %add3A_5 : i32
    %dma_start3A = tpu.memref_slice %arg5[%add3A_6] : memref<819200xi32, #tpu.memory_space<hbm>> -> memref<160xi32, #tpu.memory_space<hbm>>
    %dma_start3A_7 = tpu.memref_slice %arg5[%add3A_6] : memref<819200xi32, #tpu.memory_space<hbm>> -> memref<160xi32, #tpu.memory_space<hbm>>
    tpu.enqueue_dma source(%dma_start3A_7 : memref<160xi32, #tpu.memory_space<hbm>>) target(%arg8 : memref<160xi32, #tpu.memory_space<vmem>>) target_semaphore(%arg26 : memref<!tpu.dma_semaphore, #tpu.memory_space<semaphore_mem>>)
    %dma_start3A_8 = tpu.memref_slice %arg6[%add3A_6] : memref<819200xi32, #tpu.memory_space<hbm>> -> memref<160xi32, #tpu.memory_space<hbm>>
    %dma_start3A_9 = tpu.memref_slice %arg6[%add3A_6] : memref<819200xi32, #tpu.memory_space<hbm>> -> memref<160xi32, #tpu.memory_space<hbm>>
    tpu.enqueue_dma source(%dma_start3A_9 : memref<160xi32, #tpu.memory_space<hbm>>) target(%arg9 : memref<160xi32, #tpu.memory_space<vmem>>) target_semaphore(%arg27 : memref<!tpu.dma_semaphore, #tpu.memory_space<semaphore_mem>>)
    %add3A_10 = arith.constant 160 : i32
    %add3A_11 = arith.addi %mul3A_2, %add3A_10 : i32
    %dma_start3A_12 = tpu.memref_slice %arg5[%add3A_11] : memref<819200xi32, #tpu.memory_space<hbm>> -> memref<160xi32, #tpu.memory_space<hbm>>
    %dma_start3A_13 = tpu.memref_slice %arg5[%add3A_11] : memref<819200xi32, #tpu.memory_space<hbm>> -> memref<160xi32, #tpu.memory_space<hbm>>
    tpu.enqueue_dma source(%dma_start3A_13 : memref<160xi32, #tpu.memory_space<hbm>>) target(%arg10 : memref<160xi32, #tpu.memory_space<vmem>>) target_semaphore(%arg31 : memref<!tpu.dma_semaphore, #tpu.memory_space<semaphore_mem>>)
    %dma_start3A_14 = tpu.memref_slice %arg6[%add3A_11] : memref<819200xi32, #tpu.memory_space<hbm>> -> memref<160xi32, #tpu.memory_space<hbm>>
    %dma_start3A_15 = tpu.memref_slice %arg6[%add3A_11] : memref<819200xi32, #tpu.memory_space<hbm>> -> memref<160xi32, #tpu.memory_space<hbm>>
    tpu.enqueue_dma source(%dma_start3A_15 : memref<160xi32, #tpu.memory_space<hbm>>) target(%arg11 : memref<160xi32, #tpu.memory_space<vmem>>) target_semaphore(%arg32 : memref<!tpu.dma_semaphore, #tpu.memory_space<semaphore_mem>>)
    %add3A_16 = arith.constant 320 : i32
    %add3A_17 = arith.addi %mul3A_2, %add3A_16 : i32
    %dma_start3A_18 = tpu.memref_slice %arg5[%add3A_17] : memref<819200xi32, #tpu.memory_space<hbm>> -> memref<160xi32, #tpu.memory_space<hbm>>
    %dma_start3A_19 = tpu.memref_slice %arg5[%add3A_17] : memref<819200xi32, #tpu.memory_space<hbm>> -> memref<160xi32, #tpu.memory_space<hbm>>
    tpu.enqueue_dma source(%dma_start3A_19 : memref<160xi32, #tpu.memory_space<hbm>>) target(%arg12 : memref<160xi32, #tpu.memory_space<vmem>>) target_semaphore(%arg36 : memref<!tpu.dma_semaphore, #tpu.memory_space<semaphore_mem>>)
    %dma_start3A_20 = tpu.memref_slice %arg6[%add3A_17] : memref<819200xi32, #tpu.memory_space<hbm>> -> memref<160xi32, #tpu.memory_space<hbm>>
    %dma_start3A_21 = tpu.memref_slice %arg6[%add3A_17] : memref<819200xi32, #tpu.memory_space<hbm>> -> memref<160xi32, #tpu.memory_space<hbm>>
    tpu.enqueue_dma source(%dma_start3A_21 : memref<160xi32, #tpu.memory_space<hbm>>) target(%arg13 : memref<160xi32, #tpu.memory_space<vmem>>) target_semaphore(%arg37 : memref<!tpu.dma_semaphore, #tpu.memory_space<semaphore_mem>>)
    %add3A_22 = arith.constant 0 : i32
    %add3A_23 = arith.addi %mul3A_2, %add3A_22 : i32
    %dma_wait3A = tpu.memref_slice %arg5[%add3A_23] : memref<819200xi32, #tpu.memory_space<hbm>> -> memref<160xi32, #tpu.memory_space<hbm>>
    %dma_wait3A_24 = tpu.memref_slice %arg5[%add3A_23] : memref<819200xi32, #tpu.memory_space<hbm>> -> memref<160xi32, #tpu.memory_space<hbm>>
    tpu.wait_dma2 semaphore(%arg26 : memref<!tpu.dma_semaphore, #tpu.memory_space<semaphore_mem>>) src(%dma_wait3A_24 : memref<160xi32, #tpu.memory_space<hbm>>) dst(%arg8 : memref<160xi32, #tpu.memory_space<vmem>>)
    %dma_wait3A_25 = tpu.memref_slice %arg6[%add3A_23] : memref<819200xi32, #tpu.memory_space<hbm>> -> memref<160xi32, #tpu.memory_space<hbm>>
    %dma_wait3A_26 = tpu.memref_slice %arg6[%add3A_23] : memref<819200xi32, #tpu.memory_space<hbm>> -> memref<160xi32, #tpu.memory_space<hbm>>
    tpu.wait_dma2 semaphore(%arg27 : memref<!tpu.dma_semaphore, #tpu.memory_space<semaphore_mem>>) src(%dma_wait3A_26 : memref<160xi32, #tpu.memory_space<hbm>>) dst(%arg9 : memref<160xi32, #tpu.memory_space<vmem>>)
    %dma_start3A_27 = arith.constant 0 : i32
    %dma_start3A_28 = arith.constant 0 : i32
    %dma_start3A_29 = tpu.memref_slice %arg2[%dma_start3A_27, %dma_start3A_28] : memref<1000000x64xf32, #tpu.memory_space<hbm>> -> memref<1000000x64xf32, #tpu.memory_space<hbm>>
    tpu.enqueue_indirect_dma source(%dma_start3A_29 : memref<1000000x64xf32, #tpu.memory_space<hbm>>) target(%arg16 : memref<160x64xf32, #tpu.memory_space<vmem>>) offsets(%arg8 : memref<160xi32, #tpu.memory_space<vmem>>) semaphore(%arg28 : memref<!tpu.dma_semaphore, #tpu.memory_space<semaphore_mem>>)
    %dma_start3A_30 = arith.constant 0 : i32
    %dma_start3A_31 = arith.constant 0 : i32
    %dma_start3A_32 = tpu.memref_slice %arg25[%dma_start3A_30, %dma_start3A_31] : memref<1000x64xf32, #tpu.memory_space<vmem_shared>> -> memref<1000x64xf32, #tpu.memory_space<vmem_shared>>
    tpu.enqueue_indirect_dma source(%dma_start3A_32 : memref<1000x64xf32, #tpu.memory_space<vmem_shared>>) target(%arg17 : memref<160x64xf32, #tpu.memory_space<vmem>>) offsets(%arg9 : memref<160xi32, #tpu.memory_space<vmem>>) semaphore(%arg29 : memref<!tpu.dma_semaphore, #tpu.memory_space<semaphore_mem>>)
    %add3A_33 = arith.constant 160 : i32
    %add3A_34 = arith.addi %mul3A_2, %add3A_33 : i32
    %dma_wait3A_35 = tpu.memref_slice %arg5[%add3A_34] : memref<819200xi32, #tpu.memory_space<hbm>> -> memref<160xi32, #tpu.memory_space<hbm>>
    %dma_wait3A_36 = tpu.memref_slice %arg5[%add3A_34] : memref<819200xi32, #tpu.memory_space<hbm>> -> memref<160xi32, #tpu.memory_space<hbm>>
    tpu.wait_dma2 semaphore(%arg31 : memref<!tpu.dma_semaphore, #tpu.memory_space<semaphore_mem>>) src(%dma_wait3A_36 : memref<160xi32, #tpu.memory_space<hbm>>) dst(%arg10 : memref<160xi32, #tpu.memory_space<vmem>>)
    %dma_wait3A_37 = tpu.memref_slice %arg6[%add3A_34] : memref<819200xi32, #tpu.memory_space<hbm>> -> memref<160xi32, #tpu.memory_space<hbm>>
    %dma_wait3A_38 = tpu.memref_slice %arg6[%add3A_34] : memref<819200xi32, #tpu.memory_space<hbm>> -> memref<160xi32, #tpu.memory_space<hbm>>
    tpu.wait_dma2 semaphore(%arg32 : memref<!tpu.dma_semaphore, #tpu.memory_space<semaphore_mem>>) src(%dma_wait3A_38 : memref<160xi32, #tpu.memory_space<hbm>>) dst(%arg11 : memref<160xi32, #tpu.memory_space<vmem>>)
    %dma_start3A_39 = arith.constant 0 : i32
    %dma_start3A_40 = arith.constant 0 : i32
    %dma_start3A_41 = tpu.memref_slice %arg2[%dma_start3A_39, %dma_start3A_40] : memref<1000000x64xf32, #tpu.memory_space<hbm>> -> memref<1000000x64xf32, #tpu.memory_space<hbm>>
    tpu.enqueue_indirect_dma source(%dma_start3A_41 : memref<1000000x64xf32, #tpu.memory_space<hbm>>) target(%arg18 : memref<160x64xf32, #tpu.memory_space<vmem>>) offsets(%arg10 : memref<160xi32, #tpu.memory_space<vmem>>) semaphore(%arg33 : memref<!tpu.dma_semaphore, #tpu.memory_space<semaphore_mem>>)
    %dma_start3A_42 = arith.constant 0 : i32
    %dma_start3A_43 = arith.constant 0 : i32
    %dma_start3A_44 = tpu.memref_slice %arg25[%dma_start3A_42, %dma_start3A_43] : memref<1000x64xf32, #tpu.memory_space<vmem_shared>> -> memref<1000x64xf32, #tpu.memory_space<vmem_shared>>
    tpu.enqueue_indirect_dma source(%dma_start3A_44 : memref<1000x64xf32, #tpu.memory_space<vmem_shared>>) target(%arg19 : memref<160x64xf32, #tpu.memory_space<vmem>>) offsets(%arg11 : memref<160xi32, #tpu.memory_space<vmem>>) semaphore(%arg34 : memref<!tpu.dma_semaphore, #tpu.memory_space<semaphore_mem>>)
    %scan3A = arith.constant 0 : i32
    %scan3A_45 = arith.constant 0 : i32
    %scan3A_46 = arith.constant 40 : i32
    %scan3A_47 = arith.addi %scan3A_45, %scan3A_46 : i32
    %scan3A_48 = arith.constant 1 : i32
    scf.for %scan3A_66 = %scan3A_45 to %scan3A_47 step %scan3A_48  : i32 {
      %mul3A_67 = arith.constant 4 : i32
      %mul3A_68 = arith.muli %mul3A_67, %scan3A_66 : i32
      %add3A_69 = arith.constant 0 : i32
      %add3A_70 = arith.addi %mul3A_68, %add3A_69 : i32
      %add3A_71 = arith.constant 2 : i32
      %add3A_72 = arith.addi %add3A_70, %add3A_71 : i32
      %lt3A = arith.constant 160 : i32
      %lt3A_73 = arith.cmpi slt, %add3A_72, %lt3A : i32
      %convert_element_type3A_74 = arith.extui %lt3A_73 : i1 to i32
      %cond3A_75 = arith.constant 0 : i32
      %cond3A_76 = arith.cmpi ne, %convert_element_type3A_74, %cond3A_75 : i32
      scf.if %cond3A_76 {
        %add3A_221 = arith.constant 2 : i32
        %add3A_222 = arith.addi %add3A_70, %add3A_221 : i32
        %mul3A_223 = arith.constant 160 : i32
        %mul3A_224 = arith.muli %add3A_222, %mul3A_223 : i32
        %add3A_225 = arith.addi %mul3A_2, %mul3A_224 : i32
        %dma_wait3A_226 = tpu.memref_slice %arg5[%add3A_225] : memref<819200xi32, #tpu.memory_space<hbm>> -> memref<160xi32, #tpu.memory_space<hbm>>
        %dma_wait3A_227 = tpu.memref_slice %arg5[%add3A_225] : memref<819200xi32, #tpu.memory_space<hbm>> -> memref<160xi32, #tpu.memory_space<hbm>>
        tpu.wait_dma2 semaphore(%arg36 : memref<!tpu.dma_semaphore, #tpu.memory_space<semaphore_mem>>) src(%dma_wait3A_227 : memref<160xi32, #tpu.memory_space<hbm>>) dst(%arg12 : memref<160xi32, #tpu.memory_space<vmem>>)
        %dma_wait3A_228 = tpu.memref_slice %arg6[%add3A_225] : memref<819200xi32, #tpu.memory_space<hbm>> -> memref<160xi32, #tpu.memory_space<hbm>>
        %dma_wait3A_229 = tpu.memref_slice %arg6[%add3A_225] : memref<819200xi32, #tpu.memory_space<hbm>> -> memref<160xi32, #tpu.memory_space<hbm>>
        tpu.wait_dma2 semaphore(%arg37 : memref<!tpu.dma_semaphore, #tpu.memory_space<semaphore_mem>>) src(%dma_wait3A_229 : memref<160xi32, #tpu.memory_space<hbm>>) dst(%arg13 : memref<160xi32, #tpu.memory_space<vmem>>)
        %ge3A = arith.constant 2 : i32
        %ge3A_230 = arith.cmpi sge, %add3A_70, %ge3A : i32
        %convert_element_type3A_231 = arith.extui %ge3A_230 : i1 to i32
        %cond3A_232 = arith.constant 0 : i32
        %cond3A_233 = arith.cmpi ne, %convert_element_type3A_231, %cond3A_232 : i32
        scf.if %cond3A_233 {
          %dma_wait3A_240 = arith.constant 0 : i32
          %dma_wait3A_241 = tpu.memref_slice %arg7[%mul3A_2, %dma_wait3A_240] : memref<819200x64xf32, #tpu.memory_space<hbm>> -> memref<160x64xf32, #tpu.memory_space<hbm>>
          %dma_wait3A_242 = arith.constant 0 : i32
          %dma_wait3A_243 = tpu.memref_slice %arg7[%mul3A_2, %dma_wait3A_242] : memref<819200x64xf32, #tpu.memory_space<hbm>> -> memref<160x64xf32, #tpu.memory_space<hbm>>
          tpu.wait_dma2 semaphore(%arg40 : memref<!tpu.dma_semaphore, #tpu.memory_space<semaphore_mem>>) src(%arg20 : memref<160x64xf32, #tpu.memory_space<vmem>>) dst(%dma_wait3A_243 : memref<160x64xf32, #tpu.memory_space<hbm>>)
        } else {
        }
        %dma_start3A_234 = arith.constant 0 : i32
        %dma_start3A_235 = arith.constant 0 : i32
        %dma_start3A_236 = tpu.memref_slice %arg2[%dma_start3A_234, %dma_start3A_235] : memref<1000000x64xf32, #tpu.memory_space<hbm>> -> memref<1000000x64xf32, #tpu.memory_space<hbm>>
        tpu.enqueue_indirect_dma source(%dma_start3A_236 : memref<1000000x64xf32, #tpu.memory_space<hbm>>) target(%arg20 : memref<160x64xf32, #tpu.memory_space<vmem>>) offsets(%arg12 : memref<160xi32, #tpu.memory_space<vmem>>) semaphore(%arg38 : memref<!tpu.dma_semaphore, #tpu.memory_space<semaphore_mem>>)
        %dma_start3A_237 = arith.constant 0 : i32
        %dma_start3A_238 = arith.constant 0 : i32
        %dma_start3A_239 = tpu.memref_slice %arg25[%dma_start3A_237, %dma_start3A_238] : memref<1000x64xf32, #tpu.memory_space<vmem_shared>> -> memref<1000x64xf32, #tpu.memory_space<vmem_shared>>
        tpu.enqueue_indirect_dma source(%dma_start3A_239 : memref<1000x64xf32, #tpu.memory_space<vmem_shared>>) target(%arg21 : memref<160x64xf32, #tpu.memory_space<vmem>>) offsets(%arg13 : memref<160xi32, #tpu.memory_space<vmem>>) semaphore(%arg39 : memref<!tpu.dma_semaphore, #tpu.memory_space<semaphore_mem>>)
      } else {
      }
      %add3A_77 = arith.constant 3 : i32
      %add3A_78 = arith.addi %add3A_70, %add3A_77 : i32
      %lt3A_79 = arith.constant 160 : i32
      %lt3A_80 = arith.cmpi slt, %add3A_78, %lt3A_79 : i32
      %convert_element_type3A_81 = arith.extui %lt3A_80 : i1 to i32
      %cond3A_82 = arith.constant 0 : i32
      %cond3A_83 = arith.cmpi ne, %convert_element_type3A_81, %cond3A_82 : i32
      scf.if %cond3A_83 {
        %add3A_221 = arith.constant 3 : i32
        %add3A_222 = arith.addi %add3A_70, %add3A_221 : i32
        %mul3A_223 = arith.constant 160 : i32
        %mul3A_224 = arith.muli %add3A_222, %mul3A_223 : i32
        %add3A_225 = arith.addi %mul3A_2, %mul3A_224 : i32
        %dma_start3A_226 = tpu.memref_slice %arg5[%add3A_225] : memref<819200xi32, #tpu.memory_space<hbm>> -> memref<160xi32, #tpu.memory_space<hbm>>
        %dma_start3A_227 = tpu.memref_slice %arg5[%add3A_225] : memref<819200xi32, #tpu.memory_space<hbm>> -> memref<160xi32, #tpu.memory_space<hbm>>
        tpu.enqueue_dma source(%dma_start3A_227 : memref<160xi32, #tpu.memory_space<hbm>>) target(%arg14 : memref<160xi32, #tpu.memory_space<vmem>>) target_semaphore(%arg41 : memref<!tpu.dma_semaphore, #tpu.memory_space<semaphore_mem>>)
        %dma_start3A_228 = tpu.memref_slice %arg6[%add3A_225] : memref<819200xi32, #tpu.memory_space<hbm>> -> memref<160xi32, #tpu.memory_space<hbm>>
        %dma_start3A_229 = tpu.memref_slice %arg6[%add3A_225] : memref<819200xi32, #tpu.memory_space<hbm>> -> memref<160xi32, #tpu.memory_space<hbm>>
        tpu.enqueue_dma source(%dma_start3A_229 : memref<160xi32, #tpu.memory_space<hbm>>) target(%arg15 : memref<160xi32, #tpu.memory_space<vmem>>) target_semaphore(%arg42 : memref<!tpu.dma_semaphore, #tpu.memory_space<semaphore_mem>>)
      } else {
      }
      %mul3A_84 = arith.constant 160 : i32
      %mul3A_85 = arith.muli %add3A_70, %mul3A_84 : i32
      %add3A_86 = arith.addi %mul3A_2, %mul3A_85 : i32
      %dma_wait3A_87 = arith.constant 0 : i32
      %dma_wait3A_88 = arith.constant 0 : i32
      %dma_wait3A_89 = tpu.memref_slice %arg2[%dma_wait3A_87, %dma_wait3A_88] : memref<1000000x64xf32, #tpu.memory_space<hbm>> -> memref<1000000x64xf32, #tpu.memory_space<hbm>>
      tpu.wait_indirect_dma semaphore(%arg28 : memref<!tpu.dma_semaphore, #tpu.memory_space<semaphore_mem>>) src(%dma_wait3A_89 : memref<1000000x64xf32, #tpu.memory_space<hbm>>) dst(%arg16 : memref<160x64xf32, #tpu.memory_space<vmem>>)
      %dma_wait3A_90 = arith.constant 0 : i32
      %dma_wait3A_91 = arith.constant 0 : i32
      %dma_wait3A_92 = tpu.memref_slice %arg25[%dma_wait3A_90, %dma_wait3A_91] : memref<1000x64xf32, #tpu.memory_space<vmem_shared>> -> memref<1000x64xf32, #tpu.memory_space<vmem_shared>>
      tpu.wait_indirect_dma semaphore(%arg29 : memref<!tpu.dma_semaphore, #tpu.memory_space<semaphore_mem>>) src(%dma_wait3A_92 : memref<1000x64xf32, #tpu.memory_space<vmem_shared>>) dst(%arg17 : memref<160x64xf32, #tpu.memory_space<vmem>>)
      %rem3A = arith.constant 200 : i32
      %rem3A_93 = arith.remsi %add3A_86, %rem3A : i32
      %scan3A_94 = arith.constant 0 : i32
      %scan3A_95 = arith.constant 0 : i32
      %scan3A_96 = arith.constant 160 : i32
      %scan3A_97 = arith.addi %scan3A_95, %scan3A_96 : i32
      %scan3A_98 = arith.constant 8 : i32
      scf.for %scan3A_221 = %scan3A_95 to %scan3A_97 step %scan3A_98  : i32 {
        %add3A_222 = arith.addi %rem3A_93, %scan3A_221 : i32
        %get3A = arith.index_cast %scan3A_221 : i32 to index
        %get3A_223 = arith.constant 0 : index
        %get3A_224 = tpu.vector_load %arg17[%get3A, %get3A_223] {strides = array<i32>} : memref<160x64xf32, #tpu.memory_space<vmem>>, vector<1x16xf32>,
        %get3A_225 = vector.shape_cast %get3A_224 : vector<1x16xf32> to vector<16xf32>
        %get3A_226 = arith.index_cast %add3A_222 : i32 to index
        %get3A_227 = arith.constant 0 : index
        %get3A_228 = tpu.vector_load %arg24[%get3A_226, %get3A_227] {strides = array<i32>} : memref<400x64xf32, #tpu.memory_space<vmem>>, vector<1x16xf32>,
        %get3A_229 = vector.shape_cast %get3A_228 : vector<1x16xf32> to vector<16xf32>
        %add3A_230 = arith.addf %get3A_225, %get3A_229 : vector<16xf32>
        %swap3A = arith.index_cast %scan3A_221 : i32 to index
        %swap3A_231 = arith.constant 0 : index
        %swap3A_232 = tpu.vector_load %arg16[%swap3A, %swap3A_231] {strides = array<i32>} : memref<160x64xf32, #tpu.memory_space<vmem>>, vector<1x16xf32>,
        %swap3A_233 = vector.shape_cast %swap3A_232 : vector<1x16xf32> to vector<16xf32>
        %swap3A_234 = vector.shape_cast %add3A_230 : vector<16xf32> to vector<1x16xf32>
        tpu.vector_store %arg16[%swap3A, %swap3A_231], %swap3A_234 {add = true, strides = array<i32>} : memref<160x64xf32, #tpu.memory_space<vmem>>, vector<1x16xf32>,
        %get3A_235 = arith.index_cast %scan3A_221 : i32 to index
        %get3A_236 = arith.constant 16 : index
        %get3A_237 = tpu.vector_load %arg17[%get3A_235, %get3A_236] {strides = array<i32>} : memref<160x64xf32, #tpu.memory_space<vmem>>, vector<1x16xf32>,
        %get3A_238 = vector.shape_cast %get3A_237 : vector<1x16xf32> to vector<16xf32>
        %get3A_239 = arith.index_cast %add3A_222 : i32 to index
        %get3A_240 = arith.constant 16 : index
        %get3A_241 = tpu.vector_load %arg24[%get3A_239, %get3A_240] {strides = array<i32>} : memref<400x64xf32, #tpu.memory_space<vmem>>, vector<1x16xf32>,
        %get3A_242 = vector.shape_cast %get3A_241 : vector<1x16xf32> to vector<16xf32>
        %add3A_243 = arith.addf %get3A_238, %get3A_242 : vector<16xf32>
        %swap3A_244 = arith.index_cast %scan3A_221 : i32 to index
        %swap3A_245 = arith.constant 16 : index
        %swap3A_246 = tpu.vector_load %arg16[%swap3A_244, %swap3A_245] {strides = array<i32>} : memref<160x64xf32, #tpu.memory_space<vmem>>, vector<1x16xf32>,
        %swap3A_247 = vector.shape_cast %swap3A_246 : vector<1x16xf32> to vector<16xf32>
        %swap3A_248 = vector.shape_cast %add3A_243 : vector<16xf32> to vector<1x16xf32>
        tpu.vector_store %arg16[%swap3A_244, %swap3A_245], %swap3A_248 {add = true, strides = array<i32>} : memref<160x64xf32, #tpu.memory_space<vmem>>, vector<1x16xf32>,
        %get3A_249 = arith.index_cast %scan3A_221 : i32 to index
        %get3A_250 = arith.constant 32 : index
        %get3A_251 = tpu.vector_load %arg17[%get3A_249, %get3A_250] {strides = array<i32>} : memref<160x64xf32, #tpu.memory_space<vmem>>, vector<1x16xf32>,
        %get3A_252 = vector.shape_cast %get3A_251 : vector<1x16xf32> to vector<16xf32>
        %get3A_253 = arith.index_cast %add3A_222 : i32 to index
        %get3A_254 = arith.constant 32 : index
        %get3A_255 = tpu.vector_load %arg24[%get3A_253, %get3A_254] {strides = array<i32>} : memref<400x64xf32, #tpu.memory_space<vmem>>, vector<1x16xf32>,
        %get3A_256 = vector.shape_cast %get3A_255 : vector<1x16xf32> to vector<16xf32>
        %add3A_257 = arith.addf %get3A_252, %get3A_256 : vector<16xf32>
        %swap3A_258 = arith.index_cast %scan3A_221 : i32 to index
        %swap3A_259 = arith.constant 32 : index
        %swap3A_260 = tpu.vector_load %arg16[%swap3A_258, %swap3A_259] {strides = array<i32>} : memref<160x64xf32, #tpu.memory_space<vmem>>, vector<1x16xf32>,
        %swap3A_261 = vector.shape_cast %swap3A_260 : vector<1x16xf32> to vector<16xf32>
        %swap3A_262 = vector.shape_cast %add3A_257 : vector<16xf32> to vector<1x16xf32>
        tpu.vector_store %arg16[%swap3A_258, %swap3A_259], %swap3A_262 {add = true, strides = array<i32>} : memref<160x64xf32, #tpu.memory_space<vmem>>, vector<1x16xf32>,
        %get3A_263 = arith.index_cast %scan3A_221 : i32 to index
        %get3A_264 = arith.constant 48 : index
        %get3A_265 = tpu.vector_load %arg17[%get3A_263, %get3A_264] {strides = array<i32>} : memref<160x64xf32, #tpu.memory_space<vmem>>, vector<1x16xf32>,
        %get3A_266 = vector.shape_cast %get3A_265 : vector<1x16xf32> to vector<16xf32>
        %get3A_267 = arith.index_cast %add3A_222 : i32 to index
        %get3A_268 = arith.constant 48 : index
        %get3A_269 = tpu.vector_load %arg24[%get3A_267, %get3A_268] {strides = array<i32>} : memref<400x64xf32, #tpu.memory_space<vmem>>, vector<1x16xf32>,
        %get3A_270 = vector.shape_cast %get3A_269 : vector<1x16xf32> to vector<16xf32>
        %add3A_271 = arith.addf %get3A_266, %get3A_270 : vector<16xf32>
        %swap3A_272 = arith.index_cast %scan3A_221 : i32 to index
        %swap3A_273 = arith.constant 48 : index
        %swap3A_274 = tpu.vector_load %arg16[%swap3A_272, %swap3A_273] {strides = array<i32>} : memref<160x64xf32, #tpu.memory_space<vmem>>, vector<1x16xf32>,
        %swap3A_275 = vector.shape_cast %swap3A_274 : vector<1x16xf32> to vector<16xf32>
        %swap3A_276 = vector.shape_cast %add3A_271 : vector<16xf32> to vector<1x16xf32>
        tpu.vector_store %arg16[%swap3A_272, %swap3A_273], %swap3A_276 {add = true, strides = array<i32>} : memref<160x64xf32, #tpu.memory_space<vmem>>, vector<1x16xf32>,
        %scan3A_277 = arith.constant 1 : i32
        %scan3A_278 = arith.addi %scan3A_221, %scan3A_277 : i32
        %add3A_279 = arith.addi %rem3A_93, %scan3A_278 : i32
        %get3A_280 = arith.index_cast %scan3A_278 : i32 to index
        %get3A_281 = arith.constant 0 : index
        %get3A_282 = tpu.vector_load %arg17[%get3A_280, %get3A_281] {strides = array<i32>} : memref<160x64xf32, #tpu.memory_space<vmem>>, vector<1x16xf32>,
        %get3A_283 = vector.shape_cast %get3A_282 : vector<1x16xf32> to vector<16xf32>
        %get3A_284 = arith.index_cast %add3A_279 : i32 to index
        %get3A_285 = arith.constant 0 : index
        %get3A_286 = tpu.vector_load %arg24[%get3A_284, %get3A_285] {strides = array<i32>} : memref<400x64xf32, #tpu.memory_space<vmem>>, vector<1x16xf32>,
        %get3A_287 = vector.shape_cast %get3A_286 : vector<1x16xf32> to vector<16xf32>
        %add3A_288 = arith.addf %get3A_283, %get3A_287 : vector<16xf32>
        %swap3A_289 = arith.index_cast %scan3A_278 : i32 to index
        %swap3A_290 = arith.constant 0 : index
        %swap3A_291 = tpu.vector_load %arg16[%swap3A_289, %swap3A_290] {strides = array<i32>} : memref<160x64xf32, #tpu.memory_space<vmem>>, vector<1x16xf32>,
        %swap3A_292 = vector.shape_cast %swap3A_291 : vector<1x16xf32> to vector<16xf32>
        %swap3A_293 = vector.shape_cast %add3A_288 : vector<16xf32> to vector<1x16xf32>
        tpu.vector_store %arg16[%swap3A_289, %swap3A_290], %swap3A_293 {add = true, strides = array<i32>} : memref<160x64xf32, #tpu.memory_space<vmem>>, vector<1x16xf32>,
        %get3A_294 = arith.index_cast %scan3A_278 : i32 to index
        %get3A_295 = arith.constant 16 : index
        %get3A_296 = tpu.vector_load %arg17[%get3A_294, %get3A_295] {strides = array<i32>} : memref<160x64xf32, #tpu.memory_space<vmem>>, vector<1x16xf32>,
        %get3A_297 = vector.shape_cast %get3A_296 : vector<1x16xf32> to vector<16xf32>
        %get3A_298 = arith.index_cast %add3A_279 : i32 to index
        %get3A_299 = arith.constant 16 : index
        %get3A_300 = tpu.vector_load %arg24[%get3A_298, %get3A_299] {strides = array<i32>} : memref<400x64xf32, #tpu.memory_space<vmem>>, vector<1x16xf32>,
        %get3A_301 = vector.shape_cast %get3A_300 : vector<1x16xf32> to vector<16xf32>
        %add3A_302 = arith.addf %get3A_297, %get3A_301 : vector<16xf32>
        %swap3A_303 = arith.index_cast %scan3A_278 : i32 to index
        %swap3A_304 = arith.constant 16 : index
        %swap3A_305 = tpu.vector_load %arg16[%swap3A_303, %swap3A_304] {strides = array<i32>} : memref<160x64xf32, #tpu.memory_space<vmem>>, vector<1x16xf32>,
        %swap3A_306 = vector.shape_cast %swap3A_305 : vector<1x16xf32> to vector<16xf32>
        %swap3A_307 = vector.shape_cast %add3A_302 : vector<16xf32> to vector<1x16xf32>
        tpu.vector_store %arg16[%swap3A_303, %swap3A_304], %swap3A_307 {add = true, strides = array<i32>} : memref<160x64xf32, #tpu.memory_space<vmem>>, vector<1x16xf32>,
        %get3A_308 = arith.index_cast %scan3A_278 : i32 to index
        %get3A_309 = arith.constant 32 : index
        %get3A_310 = tpu.vector_load %arg17[%get3A_308, %get3A_309] {strides = array<i32>} : memref<160x64xf32, #tpu.memory_space<vmem>>, vector<1x16xf32>,
        %get3A_311 = vector.shape_cast %get3A_310 : vector<1x16xf32> to vector<16xf32>
        %get3A_312 = arith.index_cast %add3A_279 : i32 to index
        %get3A_313 = arith.constant 32 : index
        %get3A_314 = tpu.vector_load %arg24[%get3A_312, %get3A_313] {strides = array<i32>} : memref<400x64xf32, #tpu.memory_space<vmem>>, vector<1x16xf32>,
        %get3A_315 = vector.shape_cast %get3A_314 : vector<1x16xf32> to vector<16xf32>
        %add3A_316 = arith.addf %get3A_311, %get3A_315 : vector<16xf32>
        %swap3A_317 = arith.index_cast %scan3A_278 : i32 to index
        %swap3A_318 = arith.constant 32 : index
        %swap3A_319 = tpu.vector_load %arg16[%swap3A_317, %swap3A_318] {strides = array<i32>} : memref<160x64xf32, #tpu.memory_space<vmem>>, vector<1x16xf32>,
        %swap3A_320 = vector.shape_cast %swap3A_319 : vector<1x16xf32> to vector<16xf32>
        %swap3A_321 = vector.shape_cast %add3A_316 : vector<16xf32> to vector<1x16xf32>
        tpu.vector_store %arg16[%swap3A_317, %swap3A_318], %swap3A_321 {add = true, strides = array<i32>} : memref<160x64xf32, #tpu.memory_space<vmem>>, vector<1x16xf32>,
        %get3A_322 = arith.index_cast %scan3A_278 : i32 to index
        %get3A_323 = arith.constant 48 : index
        %get3A_324 = tpu.vector_load %arg17[%get3A_322, %get3A_323] {strides = array<i32>} : memref<160x64xf32, #tpu.memory_space<vmem>>, vector<1x16xf32>,
        %get3A_325 = vector.shape_cast %get3A_324 : vector<1x16xf32> to vector<16xf32>
        %get3A_326 = arith.index_cast %add3A_279 : i32 to index
        %get3A_327 = arith.constant 48 : index
        %get3A_328 = tpu.vector_load %arg24[%get3A_326, %get3A_327] {strides = array<i32>} : memref<400x64xf32, #tpu.memory_space<vmem>>, vector<1x16xf32>,
        %get3A_329 = vector.shape_cast %get3A_328 : vector<1x16xf32> to vector<16xf32>
        %add3A_330 = arith.addf %get3A_325, %get3A_329 : vector<16xf32>
        %swap3A_331 = arith.index_cast %scan3A_278 : i32 to index
        %swap3A_332 = arith.constant 48 : index
        %swap3A_333 = tpu.vector_load %arg16[%swap3A_331, %swap3A_332] {strides = array<i32>} : memref<160x64xf32, #tpu.memory_space<vmem>>, vector<1x16xf32>,
        %swap3A_334 = vector.shape_cast %swap3A_333 : vector<1x16xf32> to vector<16xf32>
        %swap3A_335 = vector.shape_cast %add3A_330 : vector<16xf32> to vector<1x16xf32>
        tpu.vector_store %arg16[%swap3A_331, %swap3A_332], %swap3A_335 {add = true, strides = array<i32>} : memref<160x64xf32, #tpu.memory_space<vmem>>, vector<1x16xf32>,
        %scan3A_336 = arith.constant 2 : i32
        %scan3A_337 = arith.addi %scan3A_221, %scan3A_336 : i32
        %add3A_338 = arith.addi %rem3A_93, %scan3A_337 : i32
        %get3A_339 = arith.index_cast %scan3A_337 : i32 to index
        %get3A_340 = arith.constant 0 : index
        %get3A_341 = tpu.vector_load %arg17[%get3A_339, %get3A_340] {strides = array<i32>} : memref<160x64xf32, #tpu.memory_space<vmem>>, vector<1x16xf32>,
        %get3A_342 = vector.shape_cast %get3A_341 : vector<1x16xf32> to vector<16xf32>
        %get3A_343 = arith.index_cast %add3A_338 : i32 to index
        %get3A_344 = arith.constant 0 : index
        %get3A_345 = tpu.vector_load %arg24[%get3A_343, %get3A_344] {strides = array<i32>} : memref<400x64xf32, #tpu.memory_space<vmem>>, vector<1x16xf32>,
        %get3A_346 = vector.shape_cast %get3A_345 : vector<1x16xf32> to vector<16xf32>
        %add3A_347 = arith.addf %get3A_342, %get3A_346 : vector<16xf32>
        %swap3A_348 = arith.index_cast %scan3A_337 : i32 to index
        %swap3A_349 = arith.constant 0 : index
        %swap3A_350 = tpu.vector_load %arg16[%swap3A_348, %swap3A_349] {strides = array<i32>} : memref<160x64xf32, #tpu.memory_space<vmem>>, vector<1x16xf32>,
        %swap3A_351 = vector.shape_cast %swap3A_350 : vector<1x16xf32> to vector<16xf32>
        %swap3A_352 = vector.shape_cast %add3A_347 : vector<16xf32> to vector<1x16xf32>
        tpu.vector_store %arg16[%swap3A_348, %swap3A_349], %swap3A_352 {add = true, strides = array<i32>} : memref<160x64xf32, #tpu.memory_space<vmem>>, vector<1x16xf32>,
        %get3A_353 = arith.index_cast %scan3A_337 : i32 to index
        %get3A_354 = arith.constant 16 : index
        %get3A_355 = tpu.vector_load %arg17[%get3A_353, %get3A_354] {strides = array<i32>} : memref<160x64xf32, #tpu.memory_space<vmem>>, vector<1x16xf32>,
        %get3A_356 = vector.shape_cast %get3A_355 : vector<1x16xf32> to vector<16xf32>
        %get3A_357 = arith.index_cast %add3A_338 : i32 to index
        %get3A_358 = arith.constant 16 : index
        %get3A_359 = tpu.vector_load %arg24[%get3A_357, %get3A_358] {strides = array<i32>} : memref<400x64xf32, #tpu.memory_space<vmem>>, vector<1x16xf32>,
        %get3A_360 = vector.shape_cast %get3A_359 : vector<1x16xf32> to vector<16xf32>
        %add3A_361 = arith.addf %get3A_356, %get3A_360 : vector<16xf32>
        %swap3A_362 = arith.index_cast %scan3A_337 : i32 to index
        %swap3A_363 = arith.constant 16 : index
        %swap3A_364 = tpu.vector_load %arg16[%swap3A_362, %swap3A_363] {strides = array<i32>} : memref<160x64xf32, #tpu.memory_space<vmem>>, vector<1x16xf32>,
        %swap3A_365 = vector.shape_cast %swap3A_364 : vector<1x16xf32> to vector<16xf32>
        %swap3A_366 = vector.shape_cast %add3A_361 : vector<16xf32> to vector<1x16xf32>
        tpu.vector_store %arg16[%swap3A_362, %swap3A_363], %swap3A_366 {add = true, strides = array<i32>} : memref<160x64xf32, #tpu.memory_space<vmem>>, vector<1x16xf32>,
        %get3A_367 = arith.index_cast %scan3A_337 : i32 to index
        %get3A_368 = arith.constant 32 : index
        %get3A_369 = tpu.vector_load %arg17[%get3A_367, %get3A_368] {strides = array<i32>} : memref<160x64xf32, #tpu.memory_space<vmem>>, vector<1x16xf32>,
        %get3A_370 = vector.shape_cast %get3A_369 : vector<1x16xf32> to vector<16xf32>
        %get3A_371 = arith.index_cast %add3A_338 : i32 to index
        %get3A_372 = arith.constant 32 : index
        %get3A_373 = tpu.vector_load %arg24[%get3A_371, %get3A_372] {strides = array<i32>} : memref<400x64xf32, #tpu.memory_space<vmem>>, vector<1x16xf32>,
        %get3A_374 = vector.shape_cast %get3A_373 : vector<1x16xf32> to vector<16xf32>
        %add3A_375 = arith.addf %get3A_370, %get3A_374 : vector<16xf32>
        %swap3A_376 = arith.index_cast %scan3A_337 : i32 to index
        %swap3A_377 = arith.constant 32 : index
        %swap3A_378 = tpu.vector_load %arg16[%swap3A_376, %swap3A_377] {strides = array<i32>} : memref<160x64xf32, #tpu.memory_space<vmem>>, vector<1x16xf32>,
        %swap3A_379 = vector.shape_cast %swap3A_378 : vector<1x16xf32> to vector<16xf32>
        %swap3A_380 = vector.shape_cast %add3A_375 : vector<16xf32> to vector<1x16xf32>
        tpu.vector_store %arg16[%swap3A_376, %swap3A_377], %swap3A_380 {add = true, strides = array<i32>} : memref<160x64xf32, #tpu.memory_space<vmem>>, vector<1x16xf32>,
        %get3A_381 = arith.index_cast %scan3A_337 : i32 to index
        %get3A_382 = arith.constant 48 : index
        %get3A_383 = tpu.vector_load %arg17[%get3A_381, %get3A_382] {strides = array<i32>} : memref<160x64xf32, #tpu.memory_space<vmem>>, vector<1x16xf32>,
        %get3A_384 = vector.shape_cast %get3A_383 : vector<1x16xf32> to vector<16xf32>
        %get3A_385 = arith.index_cast %add3A_338 : i32 to index
        %get3A_386 = arith.constant 48 : index
        %get3A_387 = tpu.vector_load %arg24[%get3A_385, %get3A_386] {strides = array<i32>} : memref<400x64xf32, #tpu.memory_space<vmem>>, vector<1x16xf32>,
        %get3A_388 = vector.shape_cast %get3A_387 : vector<1x16xf32> to vector<16xf32>
        %add3A_389 = arith.addf %get3A_384, %get3A_388 : vector<16xf32>
        %swap3A_390 = arith.index_cast %scan3A_337 : i32 to index
        %swap3A_391 = arith.constant 48 : index
        %swap3A_392 = tpu.vector_load %arg16[%swap3A_390, %swap3A_391] {strides = array<i32>} : memref<160x64xf32, #tpu.memory_space<vmem>>, vector<1x16xf32>,
        %swap3A_393 = vector.shape_cast %swap3A_392 : vector<1x16xf32> to vector<16xf32>
        %swap3A_394 = vector.shape_cast %add3A_389 : vector<16xf32> to vector<1x16xf32>
        tpu.vector_store %arg16[%swap3A_390, %swap3A_391], %swap3A_394 {add = true, strides = array<i32>} : memref<160x64xf32, #tpu.memory_space<vmem>>, vector<1x16xf32>,
        %scan3A_395 = arith.constant 3 : i32
        %scan3A_396 = arith.addi %scan3A_221, %scan3A_395 : i32
        %add3A_397 = arith.addi %rem3A_93, %scan3A_396 : i32
        %get3A_398 = arith.index_cast %scan3A_396 : i32 to index
        %get3A_399 = arith.constant 0 : index
        %get3A_400 = tpu.vector_load %arg17[%get3A_398, %get3A_399] {strides = array<i32>} : memref<160x64xf32, #tpu.memory_space<vmem>>, vector<1x16xf32>,
        %get3A_401 = vector.shape_cast %get3A_400 : vector<1x16xf32> to vector<16xf32>
        %get3A_402 = arith.index_cast %add3A_397 : i32 to index
        %get3A_403 = arith.constant 0 : index
        %get3A_404 = tpu.vector_load %arg24[%get3A_402, %get3A_403] {strides = array<i32>} : memref<400x64xf32, #tpu.memory_space<vmem>>, vector<1x16xf32>,
        %get3A_405 = vector.shape_cast %get3A_404 : vector<1x16xf32> to vector<16xf32>
        %add3A_406 = arith.addf %get3A_401, %get3A_405 : vector<16xf32>
        %swap3A_407 = arith.index_cast %scan3A_396 : i32 to index
        %swap3A_408 = arith.constant 0 : index
        %swap3A_409 = tpu.vector_load %arg16[%swap3A_407, %swap3A_408] {strides = array<i32>} : memref<160x64xf32, #tpu.memory_space<vmem>>, vector<1x16xf32>,
        %swap3A_410 = vector.shape_cast %swap3A_409 : vector<1x16xf32> to vector<16xf32>
        %swap3A_411 = vector.shape_cast %add3A_406 : vector<16xf32> to vector<1x16xf32>
        tpu.vector_store %arg16[%swap3A_407, %swap3A_408], %swap3A_411 {add = true, strides = array<i32>} : memref<160x64xf32, #tpu.memory_space<vmem>>, vector<1x16xf32>,
        %get3A_412 = arith.index_cast %scan3A_396 : i32 to index
        %get3A_413 = arith.constant 16 : index
        %get3A_414 = tpu.vector_load %arg17[%get3A_412, %get3A_413] {strides = array<i32>} : memref<160x64xf32, #tpu.memory_space<vmem>>, vector<1x16xf32>,
        %get3A_415 = vector.shape_cast %get3A_414 : vector<1x16xf32> to vector<16xf32>
        %get3A_416 = arith.index_cast %add3A_397 : i32 to index
        %get3A_417 = arith.constant 16 : index
        %get3A_418 = tpu.vector_load %arg24[%get3A_416, %get3A_417] {strides = array<i32>} : memref<400x64xf32, #tpu.memory_space<vmem>>, vector<1x16xf32>,
        %get3A_419 = vector.shape_cast %get3A_418 : vector<1x16xf32> to vector<16xf32>
        %add3A_420 = arith.addf %get3A_415, %get3A_419 : vector<16xf32>
        %swap3A_421 = arith.index_cast %scan3A_396 : i32 to index
        %swap3A_422 = arith.constant 16 : index
        %swap3A_423 = tpu.vector_load %arg16[%swap3A_421, %swap3A_422] {strides = array<i32>} : memref<160x64xf32, #tpu.memory_space<vmem>>, vector<1x16xf32>,
        %swap3A_424 = vector.shape_cast %swap3A_423 : vector<1x16xf32> to vector<16xf32>
        %swap3A_425 = vector.shape_cast %add3A_420 : vector<16xf32> to vector<1x16xf32>
        tpu.vector_store %arg16[%swap3A_421, %swap3A_422], %swap3A_425 {add = true, strides = array<i32>} : memref<160x64xf32, #tpu.memory_space<vmem>>, vector<1x16xf32>,
        %get3A_426 = arith.index_cast %scan3A_396 : i32 to index
        %get3A_427 = arith.constant 32 : index
        %get3A_428 = tpu.vector_load %arg17[%get3A_426, %get3A_427] {strides = array<i32>} : memref<160x64xf32, #tpu.memory_space<vmem>>, vector<1x16xf32>,
        %get3A_429 = vector.shape_cast %get3A_428 : vector<1x16xf32> to vector<16xf32>
        %get3A_430 = arith.index_cast %add3A_397 : i32 to index
        %get3A_431 = arith.constant 32 : index
        %get3A_432 = tpu.vector_load %arg24[%get3A_430, %get3A_431] {strides = array<i32>} : memref<400x64xf32, #tpu.memory_space<vmem>>, vector<1x16xf32>,
        %get3A_433 = vector.shape_cast %get3A_432 : vector<1x16xf32> to vector<16xf32>
        %add3A_434 = arith.addf %get3A_429, %get3A_433 : vector<16xf32>
        %swap3A_435 = arith.index_cast %scan3A_396 : i32 to index
        %swap3A_436 = arith.constant 32 : index
        %swap3A_437 = tpu.vector_load %arg16[%swap3A_435, %swap3A_436] {strides = array<i32>} : memref<160x64xf32, #tpu.memory_space<vmem>>, vector<1x16xf32>,
        %swap3A_438 = vector.shape_cast %swap3A_437 : vector<1x16xf32> to vector<16xf32>
        %swap3A_439 = vector.shape_cast %add3A_434 : vector<16xf32> to vector<1x16xf32>
        tpu.vector_store %arg16[%swap3A_435, %swap3A_436], %swap3A_439 {add = true, strides = array<i32>} : memref<160x64xf32, #tpu.memory_space<vmem>>, vector<1x16xf32>,
        %get3A_440 = arith.index_cast %scan3A_396 : i32 to index
        %get3A_441 = arith.constant 48 : index
        %get3A_442 = tpu.vector_load %arg17[%get3A_440, %get3A_441] {strides = array<i32>} : memref<160x64xf32, #tpu.memory_space<vmem>>, vector<1x16xf32>,
        %get3A_443 = vector.shape_cast %get3A_442 : vector<1x16xf32> to vector<16xf32>
        %get3A_444 = arith.index_cast %add3A_397 : i32 to index
        %get3A_445 = arith.constant 48 : index
        %get3A_446 = tpu.vector_load %arg24[%get3A_444, %get3A_445] {strides = array<i32>} : memref<400x64xf32, #tpu.memory_space<vmem>>, vector<1x16xf32>,
        %get3A_447 = vector.shape_cast %get3A_446 : vector<1x16xf32> to vector<16xf32>
        %add3A_448 = arith.addf %get3A_443, %get3A_447 : vector<16xf32>
        %swap3A_449 = arith.index_cast %scan3A_396 : i32 to index
        %swap3A_450 = arith.constant 48 : index
        %swap3A_451 = tpu.vector_load %arg16[%swap3A_449, %swap3A_450] {strides = array<i32>} : memref<160x64xf32, #tpu.memory_space<vmem>>, vector<1x16xf32>,
        %swap3A_452 = vector.shape_cast %swap3A_451 : vector<1x16xf32> to vector<16xf32>
        %swap3A_453 = vector.shape_cast %add3A_448 : vector<16xf32> to vector<1x16xf32>
        tpu.vector_store %arg16[%swap3A_449, %swap3A_450], %swap3A_453 {add = true, strides = array<i32>} : memref<160x64xf32, #tpu.memory_space<vmem>>, vector<1x16xf32>,
        %scan3A_454 = arith.constant 4 : i32
        %scan3A_455 = arith.addi %scan3A_221, %scan3A_454 : i32
        %add3A_456 = arith.addi %rem3A_93, %scan3A_455 : i32
        %get3A_457 = arith.index_cast %scan3A_455 : i32 to index
        %get3A_458 = arith.constant 0 : index
        %get3A_459 = tpu.vector_load %arg17[%get3A_457, %get3A_458] {strides = array<i32>} : memref<160x64xf32, #tpu.memory_space<vmem>>, vector<1x16xf32>,
        %get3A_460 = vector.shape_cast %get3A_459 : vector<1x16xf32> to vector<16xf32>
        %get3A_461 = arith.index_cast %add3A_456 : i32 to index
        %get3A_462 = arith.constant 0 : index
        %get3A_463 = tpu.vector_load %arg24[%get3A_461, %get3A_462] {strides = array<i32>} : memref<400x64xf32, #tpu.memory_space<vmem>>, vector<1x16xf32>,
        %get3A_464 = vector.shape_cast %get3A_463 : vector<1x16xf32> to vector<16xf32>
        %add3A_465 = arith.addf %get3A_460, %get3A_464 : vector<16xf32>
        %swap3A_466 = arith.index_cast %scan3A_455 : i32 to index
        %swap3A_467 = arith.constant 0 : index
        %swap3A_468 = tpu.vector_load %arg16[%swap3A_466, %swap3A_467] {strides = array<i32>} : memref<160x64xf32, #tpu.memory_space<vmem>>, vector<1x16xf32>,
        %swap3A_469 = vector.shape_cast %swap3A_468 : vector<1x16xf32> to vector<16xf32>
        %swap3A_470 = vector.shape_cast %add3A_465 : vector<16xf32> to vector<1x16xf32>
        tpu.vector_store %arg16[%swap3A_466, %swap3A_467], %swap3A_470 {add = true, strides = array<i32>} : memref<160x64xf32, #tpu.memory_space<vmem>>, vector<1x16xf32>,
        %get3A_471 = arith.index_cast %scan3A_455 : i32 to index
        %get3A_472 = arith.constant 16 : index
        %get3A_473 = tpu.vector_load %arg17[%get3A_471, %get3A_472] {strides = array<i32>} : memref<160x64xf32, #tpu.memory_space<vmem>>, vector<1x16xf32>,
        %get3A_474 = vector.shape_cast %get3A_473 : vector<1x16xf32> to vector<16xf32>
        %get3A_475 = arith.index_cast %add3A_456 : i32 to index
        %get3A_476 = arith.constant 16 : index
        %get3A_477 = tpu.vector_load %arg24[%get3A_475, %get3A_476] {strides = array<i32>} : memref<400x64xf32, #tpu.memory_space<vmem>>, vector<1x16xf32>,
        %get3A_478 = vector.shape_cast %get3A_477 : vector<1x16xf32> to vector<16xf32>
        %add3A_479 = arith.addf %get3A_474, %get3A_478 : vector<16xf32>
        %swap3A_480 = arith.index_cast %scan3A_455 : i32 to index
        %swap3A_481 = arith.constant 16 : index
        %swap3A_482 = tpu.vector_load %arg16[%swap3A_480, %swap3A_481] {strides = array<i32>} : memref<160x64xf32, #tpu.memory_space<vmem>>, vector<1x16xf32>,
        %swap3A_483 = vector.shape_cast %swap3A_482 : vector<1x16xf32> to vector<16xf32>
        %swap3A_484 = vector.shape_cast %add3A_479 : vector<16xf32> to vector<1x16xf32>
        tpu.vector_store %arg16[%swap3A_480, %swap3A_481], %swap3A_484 {add = true, strides = array<i32>} : memref<160x64xf32, #tpu.memory_space<vmem>>, vector<1x16xf32>,
        %get3A_485 = arith.index_cast %scan3A_455 : i32 to index
        %get3A_486 = arith.constant 32 : index
        %get3A_487 = tpu.vector_load %arg17[%get3A_485, %get3A_486] {strides = array<i32>} : memref<160x64xf32, #tpu.memory_space<vmem>>, vector<1x16xf32>,
        %get3A_488 = vector.shape_cast %get3A_487 : vector<1x16xf32> to vector<16xf32>
        %get3A_489 = arith.index_cast %add3A_456 : i32 to index
        %get3A_490 = arith.constant 32 : index
        %get3A_491 = tpu.vector_load %arg24[%get3A_489, %get3A_490] {strides = array<i32>} : memref<400x64xf32, #tpu.memory_space<vmem>>, vector<1x16xf32>,
        %get3A_492 = vector.shape_cast %get3A_491 : vector<1x16xf32> to vector<16xf32>
        %add3A_493 = arith.addf %get3A_488, %get3A_492 : vector<16xf32>
        %swap3A_494 = arith.index_cast %scan3A_455 : i32 to index
        %swap3A_495 = arith.constant 32 : index
        %swap3A_496 = tpu.vector_load %arg16[%swap3A_494, %swap3A_495] {strides = array<i32>} : memref<160x64xf32, #tpu.memory_space<vmem>>, vector<1x16xf32>,
        %swap3A_497 = vector.shape_cast %swap3A_496 : vector<1x16xf32> to vector<16xf32>
        %swap3A_498 = vector.shape_cast %add3A_493 : vector<16xf32> to vector<1x16xf32>
        tpu.vector_store %arg16[%swap3A_494, %swap3A_495], %swap3A_498 {add = true, strides = array<i32>} : memref<160x64xf32, #tpu.memory_space<vmem>>, vector<1x16xf32>,
        %get3A_499 = arith.index_cast %scan3A_455 : i32 to index
        %get3A_500 = arith.constant 48 : index
        %get3A_501 = tpu.vector_load %arg17[%get3A_499, %get3A_500] {strides = array<i32>} : memref<160x64xf32, #tpu.memory_space<vmem>>, vector<1x16xf32>,
        %get3A_502 = vector.shape_cast %get3A_501 : vector<1x16xf32> to vector<16xf32>
        %get3A_503 = arith.index_cast %add3A_456 : i32 to index
        %get3A_504 = arith.constant 48 : index
        %get3A_505 = tpu.vector_load %arg24[%get3A_503, %get3A_504] {strides = array<i32>} : memref<400x64xf32, #tpu.memory_space<vmem>>, vector<1x16xf32>,
        %get3A_506 = vector.shape_cast %get3A_505 : vector<1x16xf32> to vector<16xf32>
        %add3A_507 = arith.addf %get3A_502, %get3A_506 : vector<16xf32>
        %swap3A_508 = arith.index_cast %scan3A_455 : i32 to index
        %swap3A_509 = arith.constant 48 : index
        %swap3A_510 = tpu.vector_load %arg16[%swap3A_508, %swap3A_509] {strides = array<i32>} : memref<160x64xf32, #tpu.memory_space<vmem>>, vector<1x16xf32>,
        %swap3A_511 = vector.shape_cast %swap3A_510 : vector<1x16xf32> to vector<16xf32>
        %swap3A_512 = vector.shape_cast %add3A_507 : vector<16xf32> to vector<1x16xf32>
        tpu.vector_store %arg16[%swap3A_508, %swap3A_509], %swap3A_512 {add = true, strides = array<i32>} : memref<160x64xf32, #tpu.memory_space<vmem>>, vector<1x16xf32>,
        %scan3A_513 = arith.constant 5 : i32
        %scan3A_514 = arith.addi %scan3A_221, %scan3A_513 : i32
        %add3A_515 = arith.addi %rem3A_93, %scan3A_514 : i32
        %get3A_516 = arith.index_cast %scan3A_514 : i32 to index
        %get3A_517 = arith.constant 0 : index
        %get3A_518 = tpu.vector_load %arg17[%get3A_516, %get3A_517] {strides = array<i32>} : memref<160x64xf32, #tpu.memory_space<vmem>>, vector<1x16xf32>,
        %get3A_519 = vector.shape_cast %get3A_518 : vector<1x16xf32> to vector<16xf32>
        %get3A_520 = arith.index_cast %add3A_515 : i32 to index
        %get3A_521 = arith.constant 0 : index
        %get3A_522 = tpu.vector_load %arg24[%get3A_520, %get3A_521] {strides = array<i32>} : memref<400x64xf32, #tpu.memory_space<vmem>>, vector<1x16xf32>,
        %get3A_523 = vector.shape_cast %get3A_522 : vector<1x16xf32> to vector<16xf32>
        %add3A_524 = arith.addf %get3A_519, %get3A_523 : vector<16xf32>
        %swap3A_525 = arith.index_cast %scan3A_514 : i32 to index
        %swap3A_526 = arith.constant 0 : index
        %swap3A_527 = tpu.vector_load %arg16[%swap3A_525, %swap3A_526] {strides = array<i32>} : memref<160x64xf32, #tpu.memory_space<vmem>>, vector<1x16xf32>,
        %swap3A_528 = vector.shape_cast %swap3A_527 : vector<1x16xf32> to vector<16xf32>
        %swap3A_529 = vector.shape_cast %add3A_524 : vector<16xf32> to vector<1x16xf32>
        tpu.vector_store %arg16[%swap3A_525, %swap3A_526], %swap3A_529 {add = true, strides = array<i32>} : memref<160x64xf32, #tpu.memory_space<vmem>>, vector<1x16xf32>,
        %get3A_530 = arith.index_cast %scan3A_514 : i32 to index
        %get3A_531 = arith.constant 16 : index
        %get3A_532 = tpu.vector_load %arg17[%get3A_530, %get3A_531] {strides = array<i32>} : memref<160x64xf32, #tpu.memory_space<vmem>>, vector<1x16xf32>,
        %get3A_533 = vector.shape_cast %get3A_532 : vector<1x16xf32> to vector<16xf32>
        %get3A_534 = arith.index_cast %add3A_515 : i32 to index
        %get3A_535 = arith.constant 16 : index
        %get3A_536 = tpu.vector_load %arg24[%get3A_534, %get3A_535] {strides = array<i32>} : memref<400x64xf32, #tpu.memory_space<vmem>>, vector<1x16xf32>,
        %get3A_537 = vector.shape_cast %get3A_536 : vector<1x16xf32> to vector<16xf32>
        %add3A_538 = arith.addf %get3A_533, %get3A_537 : vector<16xf32>
        %swap3A_539 = arith.index_cast %scan3A_514 : i32 to index
        %swap3A_540 = arith.constant 16 : index
        %swap3A_541 = tpu.vector_load %arg16[%swap3A_539, %swap3A_540] {strides = array<i32>} : memref<160x64xf32, #tpu.memory_space<vmem>>, vector<1x16xf32>,
        %swap3A_542 = vector.shape_cast %swap3A_541 : vector<1x16xf32> to vector<16xf32>
        %swap3A_543 = vector.shape_cast %add3A_538 : vector<16xf32> to vector<1x16xf32>
        tpu.vector_store %arg16[%swap3A_539, %swap3A_540], %swap3A_543 {add = true, strides = array<i32>} : memref<160x64xf32, #tpu.memory_space<vmem>>, vector<1x16xf32>,
        %get3A_544 = arith.index_cast %scan3A_514 : i32 to index
        %get3A_545 = arith.constant 32 : index
        %get3A_546 = tpu.vector_load %arg17[%get3A_544, %get3A_545] {strides = array<i32>} : memref<160x64xf32, #tpu.memory_space<vmem>>, vector<1x16xf32>,
        %get3A_547 = vector.shape_cast %get3A_546 : vector<1x16xf32> to vector<16xf32>
        %get3A_548 = arith.index_cast %add3A_515 : i32 to index
        %get3A_549 = arith.constant 32 : index
        %get3A_550 = tpu.vector_load %arg24[%get3A_548, %get3A_549] {strides = array<i32>} : memref<400x64xf32, #tpu.memory_space<vmem>>, vector<1x16xf32>,
        %get3A_551 = vector.shape_cast %get3A_550 : vector<1x16xf32> to vector<16xf32>
        %add3A_552 = arith.addf %get3A_547, %get3A_551 : vector<16xf32>
        %swap3A_553 = arith.index_cast %scan3A_514 : i32 to index
        %swap3A_554 = arith.constant 32 : index
        %swap3A_555 = tpu.vector_load %arg16[%swap3A_553, %swap3A_554] {strides = array<i32>} : memref<160x64xf32, #tpu.memory_space<vmem>>, vector<1x16xf32>,
        %swap3A_556 = vector.shape_cast %swap3A_555 : vector<1x16xf32> to vector<16xf32>
        %swap3A_557 = vector.shape_cast %add3A_552 : vector<16xf32> to vector<1x16xf32>
        tpu.vector_store %arg16[%swap3A_553, %swap3A_554], %swap3A_557 {add = true, strides = array<i32>} : memref<160x64xf32, #tpu.memory_space<vmem>>, vector<1x16xf32>,
        %get3A_558 = arith.index_cast %scan3A_514 : i32 to index
        %get3A_559 = arith.constant 48 : index
        %get3A_560 = tpu.vector_load %arg17[%get3A_558, %get3A_559] {strides = array<i32>} : memref<160x64xf32, #tpu.memory_space<vmem>>, vector<1x16xf32>,
        %get3A_561 = vector.shape_cast %get3A_560 : vector<1x16xf32> to vector<16xf32>
        %get3A_562 = arith.index_cast %add3A_515 : i32 to index
        %get3A_563 = arith.constant 48 : index
        %get3A_564 = tpu.vector_load %arg24[%get3A_562, %get3A_563] {strides = array<i32>} : memref<400x64xf32, #tpu.memory_space<vmem>>, vector<1x16xf32>,
        %get3A_565 = vector.shape_cast %get3A_564 : vector<1x16xf32> to vector<16xf32>
        %add3A_566 = arith.addf %get3A_561, %get3A_565 : vector<16xf32>
        %swap3A_567 = arith.index_cast %scan3A_514 : i32 to index
        %swap3A_568 = arith.constant 48 : index
        %swap3A_569 = tpu.vector_load %arg16[%swap3A_567, %swap3A_568] {strides = array<i32>} : memref<160x64xf32, #tpu.memory_space<vmem>>, vector<1x16xf32>,
        %swap3A_570 = vector.shape_cast %swap3A_569 : vector<1x16xf32> to vector<16xf32>
        %swap3A_571 = vector.shape_cast %add3A_566 : vector<16xf32> to vector<1x16xf32>
        tpu.vector_store %arg16[%swap3A_567, %swap3A_568], %swap3A_571 {add = true, strides = array<i32>} : memref<160x64xf32, #tpu.memory_space<vmem>>, vector<1x16xf32>,
        %scan3A_572 = arith.constant 6 : i32
        %scan3A_573 = arith.addi %scan3A_221, %scan3A_572 : i32
        %add3A_574 = arith.addi %rem3A_93, %scan3A_573 : i32
        %get3A_575 = arith.index_cast %scan3A_573 : i32 to index
        %get3A_576 = arith.constant 0 : index
        %get3A_577 = tpu.vector_load %arg17[%get3A_575, %get3A_576] {strides = array<i32>} : memref<160x64xf32, #tpu.memory_space<vmem>>, vector<1x16xf32>,
        %get3A_578 = vector.shape_cast %get3A_577 : vector<1x16xf32> to vector<16xf32>
        %get3A_579 = arith.index_cast %add3A_574 : i32 to index
        %get3A_580 = arith.constant 0 : index
        %get3A_581 = tpu.vector_load %arg24[%get3A_579, %get3A_580] {strides = array<i32>} : memref<400x64xf32, #tpu.memory_space<vmem>>, vector<1x16xf32>,
        %get3A_582 = vector.shape_cast %get3A_581 : vector<1x16xf32> to vector<16xf32>
        %add3A_583 = arith.addf %get3A_578, %get3A_582 : vector<16xf32>
        %swap3A_584 = arith.index_cast %scan3A_573 : i32 to index
        %swap3A_585 = arith.constant 0 : index
        %swap3A_586 = tpu.vector_load %arg16[%swap3A_584, %swap3A_585] {strides = array<i32>} : memref<160x64xf32, #tpu.memory_space<vmem>>, vector<1x16xf32>,
        %swap3A_587 = vector.shape_cast %swap3A_586 : vector<1x16xf32> to vector<16xf32>
        %swap3A_588 = vector.shape_cast %add3A_583 : vector<16xf32> to vector<1x16xf32>
        tpu.vector_store %arg16[%swap3A_584, %swap3A_585], %swap3A_588 {add = true, strides = array<i32>} : memref<160x64xf32, #tpu.memory_space<vmem>>, vector<1x16xf32>,
        %get3A_589 = arith.index_cast %scan3A_573 : i32 to index
        %get3A_590 = arith.constant 16 : index
        %get3A_591 = tpu.vector_load %arg17[%get3A_589, %get3A_590] {strides = array<i32>} : memref<160x64xf32, #tpu.memory_space<vmem>>, vector<1x16xf32>,
        %get3A_592 = vector.shape_cast %get3A_591 : vector<1x16xf32> to vector<16xf32>
        %get3A_593 = arith.index_cast %add3A_574 : i32 to index
        %get3A_594 = arith.constant 16 : index
        %get3A_595 = tpu.vector_load %arg24[%get3A_593, %get3A_594] {strides = array<i32>} : memref<400x64xf32, #tpu.memory_space<vmem>>, vector<1x16xf32>,
        %get3A_596 = vector.shape_cast %get3A_595 : vector<1x16xf32> to vector<16xf32>
        %add3A_597 = arith.addf %get3A_592, %get3A_596 : vector<16xf32>
        %swap3A_598 = arith.index_cast %scan3A_573 : i32 to index
        %swap3A_599 = arith.constant 16 : index
        %swap3A_600 = tpu.vector_load %arg16[%swap3A_598, %swap3A_599] {strides = array<i32>} : memref<160x64xf32, #tpu.memory_space<vmem>>, vector<1x16xf32>,
        %swap3A_601 = vector.shape_cast %swap3A_600 : vector<1x16xf32> to vector<16xf32>
        %swap3A_602 = vector.shape_cast %add3A_597 : vector<16xf32> to vector<1x16xf32>
        tpu.vector_store %arg16[%swap3A_598, %swap3A_599], %swap3A_602 {add = true, strides = array<i32>} : memref<160x64xf32, #tpu.memory_space<vmem>>, vector<1x16xf32>,
        %get3A_603 = arith.index_cast %scan3A_573 : i32 to index
        %get3A_604 = arith.constant 32 : index
        %get3A_605 = tpu.vector_load %arg17[%get3A_603, %get3A_604] {strides = array<i32>} : memref<160x64xf32, #tpu.memory_space<vmem>>, vector<1x16xf32>,
        %get3A_606 = vector.shape_cast %get3A_605 : vector<1x16xf32> to vector<16xf32>
        %get3A_607 = arith.index_cast %add3A_574 : i32 to index
        %get3A_608 = arith.constant 32 : index
        %get3A_609 = tpu.vector_load %arg24[%get3A_607, %get3A_608] {strides = array<i32>} : memref<400x64xf32, #tpu.memory_space<vmem>>, vector<1x16xf32>,
        %get3A_610 = vector.shape_cast %get3A_609 : vector<1x16xf32> to vector<16xf32>
        %add3A_611 = arith.addf %get3A_606, %get3A_610 : vector<16xf32>
        %swap3A_612 = arith.index_cast %scan3A_573 : i32 to index
        %swap3A_613 = arith.constant 32 : index
        %swap3A_614 = tpu.vector_load %arg16[%swap3A_612, %swap3A_613] {strides = array<i32>} : memref<160x64xf32, #tpu.memory_space<vmem>>, vector<1x16xf32>,
        %swap3A_615 = vector.shape_cast %swap3A_614 : vector<1x16xf32> to vector<16xf32>
        %swap3A_616 = vector.shape_cast %add3A_611 : vector<16xf32> to vector<1x16xf32>
        tpu.vector_store %arg16[%swap3A_612, %swap3A_613], %swap3A_616 {add = true, strides = array<i32>} : memref<160x64xf32, #tpu.memory_space<vmem>>, vector<1x16xf32>,
        %get3A_617 = arith.index_cast %scan3A_573 : i32 to index
        %get3A_618 = arith.constant 48 : index
        %get3A_619 = tpu.vector_load %arg17[%get3A_617, %get3A_618] {strides = array<i32>} : memref<160x64xf32, #tpu.memory_space<vmem>>, vector<1x16xf32>,
        %get3A_620 = vector.shape_cast %get3A_619 : vector<1x16xf32> to vector<16xf32>
        %get3A_621 = arith.index_cast %add3A_574 : i32 to index
        %get3A_622 = arith.constant 48 : index
        %get3A_623 = tpu.vector_load %arg24[%get3A_621, %get3A_622] {strides = array<i32>} : memref<400x64xf32, #tpu.memory_space<vmem>>, vector<1x16xf32>,
        %get3A_624 = vector.shape_cast %get3A_623 : vector<1x16xf32> to vector<16xf32>
        %add3A_625 = arith.addf %get3A_620, %get3A_624 : vector<16xf32>
        %swap3A_626 = arith.index_cast %scan3A_573 : i32 to index
        %swap3A_627 = arith.constant 48 : index
        %swap3A_628 = tpu.vector_load %arg16[%swap3A_626, %swap3A_627] {strides = array<i32>} : memref<160x64xf32, #tpu.memory_space<vmem>>, vector<1x16xf32>,
        %swap3A_629 = vector.shape_cast %swap3A_628 : vector<1x16xf32> to vector<16xf32>
        %swap3A_630 = vector.shape_cast %add3A_625 : vector<16xf32> to vector<1x16xf32>
        tpu.vector_store %arg16[%swap3A_626, %swap3A_627], %swap3A_630 {add = true, strides = array<i32>} : memref<160x64xf32, #tpu.memory_space<vmem>>, vector<1x16xf32>,
        %scan3A_631 = arith.constant 7 : i32
        %scan3A_632 = arith.addi %scan3A_221, %scan3A_631 : i32
        %add3A_633 = arith.addi %rem3A_93, %scan3A_632 : i32
        %get3A_634 = arith.index_cast %scan3A_632 : i32 to index
        %get3A_635 = arith.constant 0 : index
        %get3A_636 = tpu.vector_load %arg17[%get3A_634, %get3A_635] {strides = array<i32>} : memref<160x64xf32, #tpu.memory_space<vmem>>, vector<1x16xf32>,
        %get3A_637 = vector.shape_cast %get3A_636 : vector<1x16xf32> to vector<16xf32>
        %get3A_638 = arith.index_cast %add3A_633 : i32 to index
        %get3A_639 = arith.constant 0 : index
        %get3A_640 = tpu.vector_load %arg24[%get3A_638, %get3A_639] {strides = array<i32>} : memref<400x64xf32, #tpu.memory_space<vmem>>, vector<1x16xf32>,
        %get3A_641 = vector.shape_cast %get3A_640 : vector<1x16xf32> to vector<16xf32>
        %add3A_642 = arith.addf %get3A_637, %get3A_641 : vector<16xf32>
        %swap3A_643 = arith.index_cast %scan3A_632 : i32 to index
        %swap3A_644 = arith.constant 0 : index
        %swap3A_645 = tpu.vector_load %arg16[%swap3A_643, %swap3A_644] {strides = array<i32>} : memref<160x64xf32, #tpu.memory_space<vmem>>, vector<1x16xf32>,
        %swap3A_646 = vector.shape_cast %swap3A_645 : vector<1x16xf32> to vector<16xf32>
        %swap3A_647 = vector.shape_cast %add3A_642 : vector<16xf32> to vector<1x16xf32>
        tpu.vector_store %arg16[%swap3A_643, %swap3A_644], %swap3A_647 {add = true, strides = array<i32>} : memref<160x64xf32, #tpu.memory_space<vmem>>, vector<1x16xf32>,
        %get3A_648 = arith.index_cast %scan3A_632 : i32 to index
        %get3A_649 = arith.constant 16 : index
        %get3A_650 = tpu.vector_load %arg17[%get3A_648, %get3A_649] {strides = array<i32>} : memref<160x64xf32, #tpu.memory_space<vmem>>, vector<1x16xf32>,
        %get3A_651 = vector.shape_cast %get3A_650 : vector<1x16xf32> to vector<16xf32>
        %get3A_652 = arith.index_cast %add3A_633 : i32 to index
        %get3A_653 = arith.constant 16 : index
        %get3A_654 = tpu.vector_load %arg24[%get3A_652, %get3A_653] {strides = array<i32>} : memref<400x64xf32, #tpu.memory_space<vmem>>, vector<1x16xf32>,
        %get3A_655 = vector.shape_cast %get3A_654 : vector<1x16xf32> to vector<16xf32>
        %add3A_656 = arith.addf %get3A_651, %get3A_655 : vector<16xf32>
        %swap3A_657 = arith.index_cast %scan3A_632 : i32 to index
        %swap3A_658 = arith.constant 16 : index
        %swap3A_659 = tpu.vector_load %arg16[%swap3A_657, %swap3A_658] {strides = array<i32>} : memref<160x64xf32, #tpu.memory_space<vmem>>, vector<1x16xf32>,
        %swap3A_660 = vector.shape_cast %swap3A_659 : vector<1x16xf32> to vector<16xf32>
        %swap3A_661 = vector.shape_cast %add3A_656 : vector<16xf32> to vector<1x16xf32>
        tpu.vector_store %arg16[%swap3A_657, %swap3A_658], %swap3A_661 {add = true, strides = array<i32>} : memref<160x64xf32, #tpu.memory_space<vmem>>, vector<1x16xf32>,
        %get3A_662 = arith.index_cast %scan3A_632 : i32 to index
        %get3A_663 = arith.constant 32 : index
        %get3A_664 = tpu.vector_load %arg17[%get3A_662, %get3A_663] {strides = array<i32>} : memref<160x64xf32, #tpu.memory_space<vmem>>, vector<1x16xf32>,
        %get3A_665 = vector.shape_cast %get3A_664 : vector<1x16xf32> to vector<16xf32>
        %get3A_666 = arith.index_cast %add3A_633 : i32 to index
        %get3A_667 = arith.constant 32 : index
        %get3A_668 = tpu.vector_load %arg24[%get3A_666, %get3A_667] {strides = array<i32>} : memref<400x64xf32, #tpu.memory_space<vmem>>, vector<1x16xf32>,
        %get3A_669 = vector.shape_cast %get3A_668 : vector<1x16xf32> to vector<16xf32>
        %add3A_670 = arith.addf %get3A_665, %get3A_669 : vector<16xf32>
        %swap3A_671 = arith.index_cast %scan3A_632 : i32 to index
        %swap3A_672 = arith.constant 32 : index
        %swap3A_673 = tpu.vector_load %arg16[%swap3A_671, %swap3A_672] {strides = array<i32>} : memref<160x64xf32, #tpu.memory_space<vmem>>, vector<1x16xf32>,
        %swap3A_674 = vector.shape_cast %swap3A_673 : vector<1x16xf32> to vector<16xf32>
        %swap3A_675 = vector.shape_cast %add3A_670 : vector<16xf32> to vector<1x16xf32>
        tpu.vector_store %arg16[%swap3A_671, %swap3A_672], %swap3A_675 {add = true, strides = array<i32>} : memref<160x64xf32, #tpu.memory_space<vmem>>, vector<1x16xf32>,
        %get3A_676 = arith.index_cast %scan3A_632 : i32 to index
        %get3A_677 = arith.constant 48 : index
        %get3A_678 = tpu.vector_load %arg17[%get3A_676, %get3A_677] {strides = array<i32>} : memref<160x64xf32, #tpu.memory_space<vmem>>, vector<1x16xf32>,
        %get3A_679 = vector.shape_cast %get3A_678 : vector<1x16xf32> to vector<16xf32>
        %get3A_680 = arith.index_cast %add3A_633 : i32 to index
        %get3A_681 = arith.constant 48 : index
        %get3A_682 = tpu.vector_load %arg24[%get3A_680, %get3A_681] {strides = array<i32>} : memref<400x64xf32, #tpu.memory_space<vmem>>, vector<1x16xf32>,
        %get3A_683 = vector.shape_cast %get3A_682 : vector<1x16xf32> to vector<16xf32>
        %add3A_684 = arith.addf %get3A_679, %get3A_683 : vector<16xf32>
        %swap3A_685 = arith.index_cast %scan3A_632 : i32 to index
        %swap3A_686 = arith.constant 48 : index
        %swap3A_687 = tpu.vector_load %arg16[%swap3A_685, %swap3A_686] {strides = array<i32>} : memref<160x64xf32, #tpu.memory_space<vmem>>, vector<1x16xf32>,
        %swap3A_688 = vector.shape_cast %swap3A_687 : vector<1x16xf32> to vector<16xf32>
        %swap3A_689 = vector.shape_cast %add3A_684 : vector<16xf32> to vector<1x16xf32>
        tpu.vector_store %arg16[%swap3A_685, %swap3A_686], %swap3A_689 {add = true, strides = array<i32>} : memref<160x64xf32, #tpu.memory_space<vmem>>, vector<1x16xf32>,
      }
      %scan3A_99 = arith.constant 160 : i32
      %dma_start3A_100 = arith.constant 0 : i32
      %dma_start3A_101 = tpu.memref_slice %arg7[%add3A_86, %dma_start3A_100] : memref<819200x64xf32, #tpu.memory_space<hbm>> -> memref<160x64xf32, #tpu.memory_space<hbm>>
      %dma_start3A_102 = arith.constant 0 : i32
      %dma_start3A_103 = tpu.memref_slice %arg7[%add3A_86, %dma_start3A_102] : memref<819200x64xf32, #tpu.memory_space<hbm>> -> memref<160x64xf32, #tpu.memory_space<hbm>>
      tpu.enqueue_dma source(%arg16 : memref<160x64xf32, #tpu.memory_space<vmem>>) target(%dma_start3A_103 : memref<160x64xf32, #tpu.memory_space<hbm>>) target_semaphore(%arg30 : memref<!tpu.dma_semaphore, #tpu.memory_space<semaphore_mem>>)
      %mul3A_104 = arith.constant 4 : i32
      %mul3A_105 = arith.muli %mul3A_104, %scan3A_66 : i32
      %add3A_106 = arith.constant 1 : i32
      %add3A_107 = arith.addi %mul3A_105, %add3A_106 : i32
      %add3A_108 = arith.constant 2 : i32
      %add3A_109 = arith.addi %add3A_107, %add3A_108 : i32
      %lt3A_110 = arith.constant 160 : i32
      %lt3A_111 = arith.cmpi slt, %add3A_109, %lt3A_110 : i32
      %convert_element_type3A_112 = arith.extui %lt3A_111 : i1 to i32
      %cond3A_113 = arith.constant 0 : i32
      %cond3A_114 = arith.cmpi ne, %convert_element_type3A_112, %cond3A_113 : i32
      scf.if %cond3A_114 {
        %add3A_221 = arith.constant 2 : i32
        %add3A_222 = arith.addi %add3A_107, %add3A_221 : i32
        %mul3A_223 = arith.constant 160 : i32
        %mul3A_224 = arith.muli %add3A_222, %mul3A_223 : i32
        %add3A_225 = arith.addi %mul3A_2, %mul3A_224 : i32
        %dma_wait3A_226 = tpu.memref_slice %arg5[%add3A_225] : memref<819200xi32, #tpu.memory_space<hbm>> -> memref<160xi32, #tpu.memory_space<hbm>>
        %dma_wait3A_227 = tpu.memref_slice %arg5[%add3A_225] : memref<819200xi32, #tpu.memory_space<hbm>> -> memref<160xi32, #tpu.memory_space<hbm>>
        tpu.wait_dma2 semaphore(%arg41 : memref<!tpu.dma_semaphore, #tpu.memory_space<semaphore_mem>>) src(%dma_wait3A_227 : memref<160xi32, #tpu.memory_space<hbm>>) dst(%arg14 : memref<160xi32, #tpu.memory_space<vmem>>)
        %dma_wait3A_228 = tpu.memref_slice %arg6[%add3A_225] : memref<819200xi32, #tpu.memory_space<hbm>> -> memref<160xi32, #tpu.memory_space<hbm>>
        %dma_wait3A_229 = tpu.memref_slice %arg6[%add3A_225] : memref<819200xi32, #tpu.memory_space<hbm>> -> memref<160xi32, #tpu.memory_space<hbm>>
        tpu.wait_dma2 semaphore(%arg42 : memref<!tpu.dma_semaphore, #tpu.memory_space<semaphore_mem>>) src(%dma_wait3A_229 : memref<160xi32, #tpu.memory_space<hbm>>) dst(%arg15 : memref<160xi32, #tpu.memory_space<vmem>>)
        %ge3A = arith.constant 2 : i32
        %ge3A_230 = arith.cmpi sge, %add3A_107, %ge3A : i32
        %convert_element_type3A_231 = arith.extui %ge3A_230 : i1 to i32
        %cond3A_232 = arith.constant 0 : i32
        %cond3A_233 = arith.cmpi ne, %convert_element_type3A_231, %cond3A_232 : i32
        scf.if %cond3A_233 {
          %dma_wait3A_240 = arith.constant 0 : i32
          %dma_wait3A_241 = tpu.memref_slice %arg7[%mul3A_2, %dma_wait3A_240] : memref<819200x64xf32, #tpu.memory_space<hbm>> -> memref<160x64xf32, #tpu.memory_space<hbm>>
          %dma_wait3A_242 = arith.constant 0 : i32
          %dma_wait3A_243 = tpu.memref_slice %arg7[%mul3A_2, %dma_wait3A_242] : memref<819200x64xf32, #tpu.memory_space<hbm>> -> memref<160x64xf32, #tpu.memory_space<hbm>>
          tpu.wait_dma2 semaphore(%arg45 : memref<!tpu.dma_semaphore, #tpu.memory_space<semaphore_mem>>) src(%arg22 : memref<160x64xf32, #tpu.memory_space<vmem>>) dst(%dma_wait3A_243 : memref<160x64xf32, #tpu.memory_space<hbm>>)
        } else {
        }
        %dma_start3A_234 = arith.constant 0 : i32
        %dma_start3A_235 = arith.constant 0 : i32
        %dma_start3A_236 = tpu.memref_slice %arg2[%dma_start3A_234, %dma_start3A_235] : memref<1000000x64xf32, #tpu.memory_space<hbm>> -> memref<1000000x64xf32, #tpu.memory_space<hbm>>
        tpu.enqueue_indirect_dma source(%dma_start3A_236 : memref<1000000x64xf32, #tpu.memory_space<hbm>>) target(%arg22 : memref<160x64xf32, #tpu.memory_space<vmem>>) offsets(%arg14 : memref<160xi32, #tpu.memory_space<vmem>>) semaphore(%arg43 : memref<!tpu.dma_semaphore, #tpu.memory_space<semaphore_mem>>)
        %dma_start3A_237 = arith.constant 0 : i32
        %dma_start3A_238 = arith.constant 0 : i32
        %dma_start3A_239 = tpu.memref_slice %arg25[%dma_start3A_237, %dma_start3A_238] : memref<1000x64xf32, #tpu.memory_space<vmem_shared>> -> memref<1000x64xf32, #tpu.memory_space<vmem_shared>>
        tpu.enqueue_indirect_dma source(%dma_start3A_239 : memref<1000x64xf32, #tpu.memory_space<vmem_shared>>) target(%arg23 : memref<160x64xf32, #tpu.memory_space<vmem>>) offsets(%arg15 : memref<160xi32, #tpu.memory_space<vmem>>) semaphore(%arg44 : memref<!tpu.dma_semaphore, #tpu.memory_space<semaphore_mem>>)
      } else {
      }
      %add3A_115 = arith.constant 3 : i32
      %add3A_116 = arith.addi %add3A_107, %add3A_115 : i32
      %lt3A_117 = arith.constant 160 : i32
      %lt3A_118 = arith.cmpi slt, %add3A_116, %lt3A_117 : i32
      %convert_element_type3A_119 = arith.extui %lt3A_118 : i1 to i32
      %cond3A_120 = arith.constant 0 : i32
      %cond3A_121 = arith.cmpi ne, %convert_element_type3A_119, %cond3A_120 : i32
      scf.if %cond3A_121 {
        %add3A_221 = arith.constant 3 : i32
        %add3A_222 = arith.addi %add3A_107, %add3A_221 : i32
        %mul3A_223 = arith.constant 160 : i32
        %mul3A_224 = arith.muli %add3A_222, %mul3A_223 : i32
        %add3A_225 = arith.addi %mul3A_2, %mul3A_224 : i32
        %dma_start3A_226 = tpu.memref_slice %arg5[%add3A_225] : memref<819200xi32, #tpu.memory_space<hbm>> -> memref<160xi32, #tpu.memory_space<hbm>>
        %dma_start3A_227 = tpu.memref_slice %arg5[%add3A_225] : memref<819200xi32, #tpu.memory_space<hbm>> -> memref<160xi32, #tpu.memory_space<hbm>>
        tpu.enqueue_dma source(%dma_start3A_227 : memref<160xi32, #tpu.memory_space<hbm>>) target(%arg8 : memref<160xi32, #tpu.memory_space<vmem>>) target_semaphore(%arg26 : memref<!tpu.dma_semaphore, #tpu.memory_space<semaphore_mem>>)
        %dma_start3A_228 = tpu.memref_slice %arg6[%add3A_225] : memref<819200xi32, #tpu.memory_space<hbm>> -> memref<160xi32, #tpu.memory_space<hbm>>
        %dma_start3A_229 = tpu.memref_slice %arg6[%add3A_225] : memref<819200xi32, #tpu.memory_space<hbm>> -> memref<160xi32, #tpu.memory_space<hbm>>
        tpu.enqueue_dma source(%dma_start3A_229 : memref<160xi32, #tpu.memory_space<hbm>>) target(%arg9 : memref<160xi32, #tpu.memory_space<vmem>>) target_semaphore(%arg27 : memref<!tpu.dma_semaphore, #tpu.memory_space<semaphore_mem>>)
      } else {
      }
      %mul3A_122 = arith.constant 160 : i32
      %mul3A_123 = arith.muli %add3A_107, %mul3A_122 : i32
      %add3A_124 = arith.addi %mul3A_2, %mul3A_123 : i32
      %dma_wait3A_125 = arith.constant 0 : i32
      %dma_wait3A_126 = arith.constant 0 : i32
      %dma_wait3A_127 = tpu.memref_slice %arg2[%dma_wait3A_125, %dma_wait3A_126] : memref<1000000x64xf32, #tpu.memory_space<hbm>> -> memref<1000000x64xf32, #tpu.memory_space<hbm>>
      tpu.wait_indirect_dma semaphore(%arg33 : memref<!tpu.dma_semaphore, #tpu.memory_space<semaphore_mem>>) src(%dma_wait3A_127 : memref<1000000x64xf32, #tpu.memory_space<hbm>>) dst(%arg18 : memref<160x64xf32, #tpu.memory_space<vmem>>)
      %dma_wait3A_128 = arith.constant 0 : i32
      %dma_wait3A_129 = arith.constant 0 : i32
      %dma_wait3A_130 = tpu.memref_slice %arg25[%dma_wait3A_128, %dma_wait3A_129] : memref<1000x64xf32, #tpu.memory_space<vmem_shared>> -> memref<1000x64xf32, #tpu.memory_space<vmem_shared>>
      tpu.wait_indirect_dma semaphore(%arg34 : memref<!tpu.dma_semaphore, #tpu.memory_space<semaphore_mem>>) src(%dma_wait3A_130 : memref<1000x64xf32, #tpu.memory_space<vmem_shared>>) dst(%arg19 : memref<160x64xf32, #tpu.memory_space<vmem>>)
      %rem3A_131 = arith.constant 200 : i32
      %rem3A_132 = arith.remsi %add3A_124, %rem3A_131 : i32
      %scan3A_133 = arith.constant 0 : i32
      %scan3A_134 = arith.constant 0 : i32
      %scan3A_135 = arith.constant 160 : i32
      %scan3A_136 = arith.addi %scan3A_134, %scan3A_135 : i32
      %scan3A_137 = arith.constant 8 : i32
      scf.for %scan3A_221 = %scan3A_134 to %scan3A_136 step %scan3A_137  : i32 {
        %add3A_222 = arith.addi %rem3A_132, %scan3A_221 : i32
        %get3A = arith.index_cast %scan3A_221 : i32 to index
        %get3A_223 = arith.constant 0 : index
        %get3A_224 = tpu.vector_load %arg19[%get3A, %get3A_223] {strides = array<i32>} : memref<160x64xf32, #tpu.memory_space<vmem>>, vector<1x16xf32>,
        %get3A_225 = vector.shape_cast %get3A_224 : vector<1x16xf32> to vector<16xf32>
        %get3A_226 = arith.index_cast %add3A_222 : i32 to index
        %get3A_227 = arith.constant 0 : index
        %get3A_228 = tpu.vector_load %arg24[%get3A_226, %get3A_227] {strides = array<i32>} : memref<400x64xf32, #tpu.memory_space<vmem>>, vector<1x16xf32>,
        %get3A_229 = vector.shape_cast %get3A_228 : vector<1x16xf32> to vector<16xf32>
        %add3A_230 = arith.addf %get3A_225, %get3A_229 : vector<16xf32>
        %swap3A = arith.index_cast %scan3A_221 : i32 to index
        %swap3A_231 = arith.constant 0 : index
        %swap3A_232 = tpu.vector_load %arg18[%swap3A, %swap3A_231] {strides = array<i32>} : memref<160x64xf32, #tpu.memory_space<vmem>>, vector<1x16xf32>,
        %swap3A_233 = vector.shape_cast %swap3A_232 : vector<1x16xf32> to vector<16xf32>
        %swap3A_234 = vector.shape_cast %add3A_230 : vector<16xf32> to vector<1x16xf32>
        tpu.vector_store %arg18[%swap3A, %swap3A_231], %swap3A_234 {add = true, strides = array<i32>} : memref<160x64xf32, #tpu.memory_space<vmem>>, vector<1x16xf32>,
        %get3A_235 = arith.index_cast %scan3A_221 : i32 to index
        %get3A_236 = arith.constant 16 : index
        %get3A_237 = tpu.vector_load %arg19[%get3A_235, %get3A_236] {strides = array<i32>} : memref<160x64xf32, #tpu.memory_space<vmem>>, vector<1x16xf32>,
        %get3A_238 = vector.shape_cast %get3A_237 : vector<1x16xf32> to vector<16xf32>
        %get3A_239 = arith.index_cast %add3A_222 : i32 to index
        %get3A_240 = arith.constant 16 : index
        %get3A_241 = tpu.vector_load %arg24[%get3A_239, %get3A_240] {strides = array<i32>} : memref<400x64xf32, #tpu.memory_space<vmem>>, vector<1x16xf32>,
        %get3A_242 = vector.shape_cast %get3A_241 : vector<1x16xf32> to vector<16xf32>
        %add3A_243 = arith.addf %get3A_238, %get3A_242 : vector<16xf32>
        %swap3A_244 = arith.index_cast %scan3A_221 : i32 to index
        %swap3A_245 = arith.constant 16 : index
        %swap3A_246 = tpu.vector_load %arg18[%swap3A_244, %swap3A_245] {strides = array<i32>} : memref<160x64xf32, #tpu.memory_space<vmem>>, vector<1x16xf32>,
        %swap3A_247 = vector.shape_cast %swap3A_246 : vector<1x16xf32> to vector<16xf32>
        %swap3A_248 = vector.shape_cast %add3A_243 : vector<16xf32> to vector<1x16xf32>
        tpu.vector_store %arg18[%swap3A_244, %swap3A_245], %swap3A_248 {add = true, strides = array<i32>} : memref<160x64xf32, #tpu.memory_space<vmem>>, vector<1x16xf32>,
        %get3A_249 = arith.index_cast %scan3A_221 : i32 to index
        %get3A_250 = arith.constant 32 : index
        %get3A_251 = tpu.vector_load %arg19[%get3A_249, %get3A_250] {strides = array<i32>} : memref<160x64xf32, #tpu.memory_space<vmem>>, vector<1x16xf32>,
        %get3A_252 = vector.shape_cast %get3A_251 : vector<1x16xf32> to vector<16xf32>
        %get3A_253 = arith.index_cast %add3A_222 : i32 to index
        %get3A_254 = arith.constant 32 : index
        %get3A_255 = tpu.vector_load %arg24[%get3A_253, %get3A_254] {strides = array<i32>} : memref<400x64xf32, #tpu.memory_space<vmem>>, vector<1x16xf32>,
        %get3A_256 = vector.shape_cast %get3A_255 : vector<1x16xf32> to vector<16xf32>
        %add3A_257 = arith.addf %get3A_252, %get3A_256 : vector<16xf32>
        %swap3A_258 = arith.index_cast %scan3A_221 : i32 to index
        %swap3A_259 = arith.constant 32 : index
        %swap3A_260 = tpu.vector_load %arg18[%swap3A_258, %swap3A_259] {strides = array<i32>} : memref<160x64xf32, #tpu.memory_space<vmem>>, vector<1x16xf32>,
        %swap3A_261 = vector.shape_cast %swap3A_260 : vector<1x16xf32> to vector<16xf32>
        %swap3A_262 = vector.shape_cast %add3A_257 : vector<16xf32> to vector<1x16xf32>
        tpu.vector_store %arg18[%swap3A_258, %swap3A_259], %swap3A_262 {add = true, strides = array<i32>} : memref<160x64xf32, #tpu.memory_space<vmem>>, vector<1x16xf32>,
        %get3A_263 = arith.index_cast %scan3A_221 : i32 to index
        %get3A_264 = arith.constant 48 : index
        %get3A_265 = tpu.vector_load %arg19[%get3A_263, %get3A_264] {strides = array<i32>} : memref<160x64xf32, #tpu.memory_space<vmem>>, vector<1x16xf32>,
        %get3A_266 = vector.shape_cast %get3A_265 : vector<1x16xf32> to vector<16xf32>
        %get3A_267 = arith.index_cast %add3A_222 : i32 to index
        %get3A_268 = arith.constant 48 : index
        %get3A_269 = tpu.vector_load %arg24[%get3A_267, %get3A_268] {strides = array<i32>} : memref<400x64xf32, #tpu.memory_space<vmem>>, vector<1x16xf32>,
        %get3A_270 = vector.shape_cast %get3A_269 : vector<1x16xf32> to vector<16xf32>
        %add3A_271 = arith.addf %get3A_266, %get3A_270 : vector<16xf32>
        %swap3A_272 = arith.index_cast %scan3A_221 : i32 to index
        %swap3A_273 = arith.constant 48 : index
        %swap3A_274 = tpu.vector_load %arg18[%swap3A_272, %swap3A_273] {strides = array<i32>} : memref<160x64xf32, #tpu.memory_space<vmem>>, vector<1x16xf32>,
        %swap3A_275 = vector.shape_cast %swap3A_274 : vector<1x16xf32> to vector<16xf32>
        %swap3A_276 = vector.shape_cast %add3A_271 : vector<16xf32> to vector<1x16xf32>
        tpu.vector_store %arg18[%swap3A_272, %swap3A_273], %swap3A_276 {add = true, strides = array<i32>} : memref<160x64xf32, #tpu.memory_space<vmem>>, vector<1x16xf32>,
        %scan3A_277 = arith.constant 1 : i32
        %scan3A_278 = arith.addi %scan3A_221, %scan3A_277 : i32
        %add3A_279 = arith.addi %rem3A_132, %scan3A_278 : i32
        %get3A_280 = arith.index_cast %scan3A_278 : i32 to index
        %get3A_281 = arith.constant 0 : index
        %get3A_282 = tpu.vector_load %arg19[%get3A_280, %get3A_281] {strides = array<i32>} : memref<160x64xf32, #tpu.memory_space<vmem>>, vector<1x16xf32>,
        %get3A_283 = vector.shape_cast %get3A_282 : vector<1x16xf32> to vector<16xf32>
        %get3A_284 = arith.index_cast %add3A_279 : i32 to index
        %get3A_285 = arith.constant 0 : index
        %get3A_286 = tpu.vector_load %arg24[%get3A_284, %get3A_285] {strides = array<i32>} : memref<400x64xf32, #tpu.memory_space<vmem>>, vector<1x16xf32>,
        %get3A_287 = vector.shape_cast %get3A_286 : vector<1x16xf32> to vector<16xf32>
        %add3A_288 = arith.addf %get3A_283, %get3A_287 : vector<16xf32>
        %swap3A_289 = arith.index_cast %scan3A_278 : i32 to index
        %swap3A_290 = arith.constant 0 : index
        %swap3A_291 = tpu.vector_load %arg18[%swap3A_289, %swap3A_290] {strides = array<i32>} : memref<160x64xf32, #tpu.memory_space<vmem>>, vector<1x16xf32>,
        %swap3A_292 = vector.shape_cast %swap3A_291 : vector<1x16xf32> to vector<16xf32>
        %swap3A_293 = vector.shape_cast %add3A_288 : vector<16xf32> to vector<1x16xf32>
        tpu.vector_store %arg18[%swap3A_289, %swap3A_290], %swap3A_293 {add = true, strides = array<i32>} : memref<160x64xf32, #tpu.memory_space<vmem>>, vector<1x16xf32>,
        %get3A_294 = arith.index_cast %scan3A_278 : i32 to index
        %get3A_295 = arith.constant 16 : index
        %get3A_296 = tpu.vector_load %arg19[%get3A_294, %get3A_295] {strides = array<i32>} : memref<160x64xf32, #tpu.memory_space<vmem>>, vector<1x16xf32>,
        %get3A_297 = vector.shape_cast %get3A_296 : vector<1x16xf32> to vector<16xf32>
        %get3A_298 = arith.index_cast %add3A_279 : i32 to index
        %get3A_299 = arith.constant 16 : index
        %get3A_300 = tpu.vector_load %arg24[%get3A_298, %get3A_299] {strides = array<i32>} : memref<400x64xf32, #tpu.memory_space<vmem>>, vector<1x16xf32>,
        %get3A_301 = vector.shape_cast %get3A_300 : vector<1x16xf32> to vector<16xf32>
        %add3A_302 = arith.addf %get3A_297, %get3A_301 : vector<16xf32>
        %swap3A_303 = arith.index_cast %scan3A_278 : i32 to index
        %swap3A_304 = arith.constant 16 : index
        %swap3A_305 = tpu.vector_load %arg18[%swap3A_303, %swap3A_304] {strides = array<i32>} : memref<160x64xf32, #tpu.memory_space<vmem>>, vector<1x16xf32>,
        %swap3A_306 = vector.shape_cast %swap3A_305 : vector<1x16xf32> to vector<16xf32>
        %swap3A_307 = vector.shape_cast %add3A_302 : vector<16xf32> to vector<1x16xf32>
        tpu.vector_store %arg18[%swap3A_303, %swap3A_304], %swap3A_307 {add = true, strides = array<i32>} : memref<160x64xf32, #tpu.memory_space<vmem>>, vector<1x16xf32>,
        %get3A_308 = arith.index_cast %scan3A_278 : i32 to index
        %get3A_309 = arith.constant 32 : index
        %get3A_310 = tpu.vector_load %arg19[%get3A_308, %get3A_309] {strides = array<i32>} : memref<160x64xf32, #tpu.memory_space<vmem>>, vector<1x16xf32>,
        %get3A_311 = vector.shape_cast %get3A_310 : vector<1x16xf32> to vector<16xf32>
        %get3A_312 = arith.index_cast %add3A_279 : i32 to index
        %get3A_313 = arith.constant 32 : index
        %get3A_314 = tpu.vector_load %arg24[%get3A_312, %get3A_313] {strides = array<i32>} : memref<400x64xf32, #tpu.memory_space<vmem>>, vector<1x16xf32>,
        %get3A_315 = vector.shape_cast %get3A_314 : vector<1x16xf32> to vector<16xf32>
        %add3A_316 = arith.addf %get3A_311, %get3A_315 : vector<16xf32>
        %swap3A_317 = arith.index_cast %scan3A_278 : i32 to index
        %swap3A_318 = arith.constant 32 : index
        %swap3A_319 = tpu.vector_load %arg18[%swap3A_317, %swap3A_318] {strides = array<i32>} : memref<160x64xf32, #tpu.memory_space<vmem>>, vector<1x16xf32>,
        %swap3A_320 = vector.shape_cast %swap3A_319 : vector<1x16xf32> to vector<16xf32>
        %swap3A_321 = vector.shape_cast %add3A_316 : vector<16xf32> to vector<1x16xf32>
        tpu.vector_store %arg18[%swap3A_317, %swap3A_318], %swap3A_321 {add = true, strides = array<i32>} : memref<160x64xf32, #tpu.memory_space<vmem>>, vector<1x16xf32>,
        %get3A_322 = arith.index_cast %scan3A_278 : i32 to index
        %get3A_323 = arith.constant 48 : index
        %get3A_324 = tpu.vector_load %arg19[%get3A_322, %get3A_323] {strides = array<i32>} : memref<160x64xf32, #tpu.memory_space<vmem>>, vector<1x16xf32>,
        %get3A_325 = vector.shape_cast %get3A_324 : vector<1x16xf32> to vector<16xf32>
        %get3A_326 = arith.index_cast %add3A_279 : i32 to index
        %get3A_327 = arith.constant 48 : index
        %get3A_328 = tpu.vector_load %arg24[%get3A_326, %get3A_327] {strides = array<i32>} : memref<400x64xf32, #tpu.memory_space<vmem>>, vector<1x16xf32>,
        %get3A_329 = vector.shape_cast %get3A_328 : vector<1x16xf32> to vector<16xf32>
        %add3A_330 = arith.addf %get3A_325, %get3A_329 : vector<16xf32>
        %swap3A_331 = arith.index_cast %scan3A_278 : i32 to index
        %swap3A_332 = arith.constant 48 : index
        %swap3A_333 = tpu.vector_load %arg18[%swap3A_331, %swap3A_332] {strides = array<i32>} : memref<160x64xf32, #tpu.memory_space<vmem>>, vector<1x16xf32>,
        %swap3A_334 = vector.shape_cast %swap3A_333 : vector<1x16xf32> to vector<16xf32>
        %swap3A_335 = vector.shape_cast %add3A_330 : vector<16xf32> to vector<1x16xf32>
        tpu.vector_store %arg18[%swap3A_331, %swap3A_332], %swap3A_335 {add = true, strides = array<i32>} : memref<160x64xf32, #tpu.memory_space<vmem>>, vector<1x16xf32>,
        %scan3A_336 = arith.constant 2 : i32
        %scan3A_337 = arith.addi %scan3A_221, %scan3A_336 : i32
        %add3A_338 = arith.addi %rem3A_132, %scan3A_337 : i32
        %get3A_339 = arith.index_cast %scan3A_337 : i32 to index
        %get3A_340 = arith.constant 0 : index
        %get3A_341 = tpu.vector_load %arg19[%get3A_339, %get3A_340] {strides = array<i32>} : memref<160x64xf32, #tpu.memory_space<vmem>>, vector<1x16xf32>,
        %get3A_342 = vector.shape_cast %get3A_341 : vector<1x16xf32> to vector<16xf32>
        %get3A_343 = arith.index_cast %add3A_338 : i32 to index
        %get3A_344 = arith.constant 0 : index
        %get3A_345 = tpu.vector_load %arg24[%get3A_343, %get3A_344] {strides = array<i32>} : memref<400x64xf32, #tpu.memory_space<vmem>>, vector<1x16xf32>,
        %get3A_346 = vector.shape_cast %get3A_345 : vector<1x16xf32> to vector<16xf32>
        %add3A_347 = arith.addf %get3A_342, %get3A_346 : vector<16xf32>
        %swap3A_348 = arith.index_cast %scan3A_337 : i32 to index
        %swap3A_349 = arith.constant 0 : index
        %swap3A_350 = tpu.vector_load %arg18[%swap3A_348, %swap3A_349] {strides = array<i32>} : memref<160x64xf32, #tpu.memory_space<vmem>>, vector<1x16xf32>,
        %swap3A_351 = vector.shape_cast %swap3A_350 : vector<1x16xf32> to vector<16xf32>
        %swap3A_352 = vector.shape_cast %add3A_347 : vector<16xf32> to vector<1x16xf32>
        tpu.vector_store %arg18[%swap3A_348, %swap3A_349], %swap3A_352 {add = true, strides = array<i32>} : memref<160x64xf32, #tpu.memory_space<vmem>>, vector<1x16xf32>,
        %get3A_353 = arith.index_cast %scan3A_337 : i32 to index
        %get3A_354 = arith.constant 16 : index
        %get3A_355 = tpu.vector_load %arg19[%get3A_353, %get3A_354] {strides = array<i32>} : memref<160x64xf32, #tpu.memory_space<vmem>>, vector<1x16xf32>,
        %get3A_356 = vector.shape_cast %get3A_355 : vector<1x16xf32> to vector<16xf32>
        %get3A_357 = arith.index_cast %add3A_338 : i32 to index
        %get3A_358 = arith.constant 16 : index
        %get3A_359 = tpu.vector_load %arg24[%get3A_357, %get3A_358] {strides = array<i32>} : memref<400x64xf32, #tpu.memory_space<vmem>>, vector<1x16xf32>,
        %get3A_360 = vector.shape_cast %get3A_359 : vector<1x16xf32> to vector<16xf32>
        %add3A_361 = arith.addf %get3A_356, %get3A_360 : vector<16xf32>
        %swap3A_362 = arith.index_cast %scan3A_337 : i32 to index
        %swap3A_363 = arith.constant 16 : index
        %swap3A_364 = tpu.vector_load %arg18[%swap3A_362, %swap3A_363] {strides = array<i32>} : memref<160x64xf32, #tpu.memory_space<vmem>>, vector<1x16xf32>,
        %swap3A_365 = vector.shape_cast %swap3A_364 : vector<1x16xf32> to vector<16xf32>
        %swap3A_366 = vector.shape_cast %add3A_361 : vector<16xf32> to vector<1x16xf32>
        tpu.vector_store %arg18[%swap3A_362, %swap3A_363], %swap3A_366 {add = true, strides = array<i32>} : memref<160x64xf32, #tpu.memory_space<vmem>>, vector<1x16xf32>,
        %get3A_367 = arith.index_cast %scan3A_337 : i32 to index
        %get3A_368 = arith.constant 32 : index
        %get3A_369 = tpu.vector_load %arg19[%get3A_367, %get3A_368] {strides = array<i32>} : memref<160x64xf32, #tpu.memory_space<vmem>>, vector<1x16xf32>,
        %get3A_370 = vector.shape_cast %get3A_369 : vector<1x16xf32> to vector<16xf32>
        %get3A_371 = arith.index_cast %add3A_338 : i32 to index
        %get3A_372 = arith.constant 32 : index
        %get3A_373 = tpu.vector_load %arg24[%get3A_371, %get3A_372] {strides = array<i32>} : memref<400x64xf32, #tpu.memory_space<vmem>>, vector<1x16xf32>,
        %get3A_374 = vector.shape_cast %get3A_373 : vector<1x16xf32> to vector<16xf32>
        %add3A_375 = arith.addf %get3A_370, %get3A_374 : vector<16xf32>
        %swap3A_376 = arith.index_cast %scan3A_337 : i32 to index
        %swap3A_377 = arith.constant 32 : index
        %swap3A_378 = tpu.vector_load %arg18[%swap3A_376, %swap3A_377] {strides = array<i32>} : memref<160x64xf32, #tpu.memory_space<vmem>>, vector<1x16xf32>,
        %swap3A_379 = vector.shape_cast %swap3A_378 : vector<1x16xf32> to vector<16xf32>
        %swap3A_380 = vector.shape_cast %add3A_375 : vector<16xf32> to vector<1x16xf32>
        tpu.vector_store %arg18[%swap3A_376, %swap3A_377], %swap3A_380 {add = true, strides = array<i32>} : memref<160x64xf32, #tpu.memory_space<vmem>>, vector<1x16xf32>,
        %get3A_381 = arith.index_cast %scan3A_337 : i32 to index
        %get3A_382 = arith.constant 48 : index
        %get3A_383 = tpu.vector_load %arg19[%get3A_381, %get3A_382] {strides = array<i32>} : memref<160x64xf32, #tpu.memory_space<vmem>>, vector<1x16xf32>,
        %get3A_384 = vector.shape_cast %get3A_383 : vector<1x16xf32> to vector<16xf32>
        %get3A_385 = arith.index_cast %add3A_338 : i32 to index
        %get3A_386 = arith.constant 48 : index
        %get3A_387 = tpu.vector_load %arg24[%get3A_385, %get3A_386] {strides = array<i32>} : memref<400x64xf32, #tpu.memory_space<vmem>>, vector<1x16xf32>,
        %get3A_388 = vector.shape_cast %get3A_387 : vector<1x16xf32> to vector<16xf32>
        %add3A_389 = arith.addf %get3A_384, %get3A_388 : vector<16xf32>
        %swap3A_390 = arith.index_cast %scan3A_337 : i32 to index
        %swap3A_391 = arith.constant 48 : index
        %swap3A_392 = tpu.vector_load %arg18[%swap3A_390, %swap3A_391] {strides = array<i32>} : memref<160x64xf32, #tpu.memory_space<vmem>>, vector<1x16xf32>,
        %swap3A_393 = vector.shape_cast %swap3A_392 : vector<1x16xf32> to vector<16xf32>
        %swap3A_394 = vector.shape_cast %add3A_389 : vector<16xf32> to vector<1x16xf32>
        tpu.vector_store %arg18[%swap3A_390, %swap3A_391], %swap3A_394 {add = true, strides = array<i32>} : memref<160x64xf32, #tpu.memory_space<vmem>>, vector<1x16xf32>,
        %scan3A_395 = arith.constant 3 : i32
        %scan3A_396 = arith.addi %scan3A_221, %scan3A_395 : i32
        %add3A_397 = arith.addi %rem3A_132, %scan3A_396 : i32
        %get3A_398 = arith.index_cast %scan3A_396 : i32 to index
        %get3A_399 = arith.constant 0 : index
        %get3A_400 = tpu.vector_load %arg19[%get3A_398, %get3A_399] {strides = array<i32>} : memref<160x64xf32, #tpu.memory_space<vmem>>, vector<1x16xf32>,
        %get3A_401 = vector.shape_cast %get3A_400 : vector<1x16xf32> to vector<16xf32>
        %get3A_402 = arith.index_cast %add3A_397 : i32 to index
        %get3A_403 = arith.constant 0 : index
        %get3A_404 = tpu.vector_load %arg24[%get3A_402, %get3A_403] {strides = array<i32>} : memref<400x64xf32, #tpu.memory_space<vmem>>, vector<1x16xf32>,
        %get3A_405 = vector.shape_cast %get3A_404 : vector<1x16xf32> to vector<16xf32>
        %add3A_406 = arith.addf %get3A_401, %get3A_405 : vector<16xf32>
        %swap3A_407 = arith.index_cast %scan3A_396 : i32 to index
        %swap3A_408 = arith.constant 0 : index
        %swap3A_409 = tpu.vector_load %arg18[%swap3A_407, %swap3A_408] {strides = array<i32>} : memref<160x64xf32, #tpu.memory_space<vmem>>, vector<1x16xf32>,
        %swap3A_410 = vector.shape_cast %swap3A_409 : vector<1x16xf32> to vector<16xf32>
        %swap3A_411 = vector.shape_cast %add3A_406 : vector<16xf32> to vector<1x16xf32>
        tpu.vector_store %arg18[%swap3A_407, %swap3A_408], %swap3A_411 {add = true, strides = array<i32>} : memref<160x64xf32, #tpu.memory_space<vmem>>, vector<1x16xf32>,
        %get3A_412 = arith.index_cast %scan3A_396 : i32 to index
        %get3A_413 = arith.constant 16 : index
        %get3A_414 = tpu.vector_load %arg19[%get3A_412, %get3A_413] {strides = array<i32>} : memref<160x64xf32, #tpu.memory_space<vmem>>, vector<1x16xf32>,
        %get3A_415 = vector.shape_cast %get3A_414 : vector<1x16xf32> to vector<16xf32>
        %get3A_416 = arith.index_cast %add3A_397 : i32 to index
        %get3A_417 = arith.constant 16 : index
        %get3A_418 = tpu.vector_load %arg24[%get3A_416, %get3A_417] {strides = array<i32>} : memref<400x64xf32, #tpu.memory_space<vmem>>, vector<1x16xf32>,
        %get3A_419 = vector.shape_cast %get3A_418 : vector<1x16xf32> to vector<16xf32>
        %add3A_420 = arith.addf %get3A_415, %get3A_419 : vector<16xf32>
        %swap3A_421 = arith.index_cast %scan3A_396 : i32 to index
        %swap3A_422 = arith.constant 16 : index
        %swap3A_423 = tpu.vector_load %arg18[%swap3A_421, %swap3A_422] {strides = array<i32>} : memref<160x64xf32, #tpu.memory_space<vmem>>, vector<1x16xf32>,
        %swap3A_424 = vector.shape_cast %swap3A_423 : vector<1x16xf32> to vector<16xf32>
        %swap3A_425 = vector.shape_cast %add3A_420 : vector<16xf32> to vector<1x16xf32>
        tpu.vector_store %arg18[%swap3A_421, %swap3A_422], %swap3A_425 {add = true, strides = array<i32>} : memref<160x64xf32, #tpu.memory_space<vmem>>, vector<1x16xf32>,
        %get3A_426 = arith.index_cast %scan3A_396 : i32 to index
        %get3A_427 = arith.constant 32 : index
        %get3A_428 = tpu.vector_load %arg19[%get3A_426, %get3A_427] {strides = array<i32>} : memref<160x64xf32, #tpu.memory_space<vmem>>, vector<1x16xf32>,
        %get3A_429 = vector.shape_cast %get3A_428 : vector<1x16xf32> to vector<16xf32>
        %get3A_430 = arith.index_cast %add3A_397 : i32 to index
        %get3A_431 = arith.constant 32 : index
        %get3A_432 = tpu.vector_load %arg24[%get3A_430, %get3A_431] {strides = array<i32>} : memref<400x64xf32, #tpu.memory_space<vmem>>, vector<1x16xf32>,
        %get3A_433 = vector.shape_cast %get3A_432 : vector<1x16xf32> to vector<16xf32>
        %add3A_434 = arith.addf %get3A_429, %get3A_433 : vector<16xf32>
        %swap3A_435 = arith.index_cast %scan3A_396 : i32 to index
        %swap3A_436 = arith.constant 32 : index
        %swap3A_437 = tpu.vector_load %arg18[%swap3A_435, %swap3A_436] {strides = array<i32>} : memref<160x64xf32, #tpu.memory_space<vmem>>, vector<1x16xf32>,
        %swap3A_438 = vector.shape_cast %swap3A_437 : vector<1x16xf32> to vector<16xf32>
        %swap3A_439 = vector.shape_cast %add3A_434 : vector<16xf32> to vector<1x16xf32>
        tpu.vector_store %arg18[%swap3A_435, %swap3A_436], %swap3A_439 {add = true, strides = array<i32>} : memref<160x64xf32, #tpu.memory_space<vmem>>, vector<1x16xf32>,
        %get3A_440 = arith.index_cast %scan3A_396 : i32 to index
        %get3A_441 = arith.constant 48 : index
        %get3A_442 = tpu.vector_load %arg19[%get3A_440, %get3A_441] {strides = array<i32>} : memref<160x64xf32, #tpu.memory_space<vmem>>, vector<1x16xf32>,
        %get3A_443 = vector.shape_cast %get3A_442 : vector<1x16xf32> to vector<16xf32>
        %get3A_444 = arith.index_cast %add3A_397 : i32 to index
        %get3A_445 = arith.constant 48 : index
        %get3A_446 = tpu.vector_load %arg24[%get3A_444, %get3A_445] {strides = array<i32>} : memref<400x64xf32, #tpu.memory_space<vmem>>, vector<1x16xf32>,
        %get3A_447 = vector.shape_cast %get3A_446 : vector<1x16xf32> to vector<16xf32>
        %add3A_448 = arith.addf %get3A_443, %get3A_447 : vector<16xf32>
        %swap3A_449 = arith.index_cast %scan3A_396 : i32 to index
        %swap3A_450 = arith.constant 48 : index
        %swap3A_451 = tpu.vector_load %arg18[%swap3A_449, %swap3A_450] {strides = array<i32>} : memref<160x64xf32, #tpu.memory_space<vmem>>, vector<1x16xf32>,
        %swap3A_452 = vector.shape_cast %swap3A_451 : vector<1x16xf32> to vector<16xf32>
        %swap3A_453 = vector.shape_cast %add3A_448 : vector<16xf32> to vector<1x16xf32>
        tpu.vector_store %arg18[%swap3A_449, %swap3A_450], %swap3A_453 {add = true, strides = array<i32>} : memref<160x64xf32, #tpu.memory_space<vmem>>, vector<1x16xf32>,
        %scan3A_454 = arith.constant 4 : i32
        %scan3A_455 = arith.addi %scan3A_221, %scan3A_454 : i32
        %add3A_456 = arith.addi %rem3A_132, %scan3A_455 : i32
        %get3A_457 = arith.index_cast %scan3A_455 : i32 to index
        %get3A_458 = arith.constant 0 : index
        %get3A_459 = tpu.vector_load %arg19[%get3A_457, %get3A_458] {strides = array<i32>} : memref<160x64xf32, #tpu.memory_space<vmem>>, vector<1x16xf32>,
        %get3A_460 = vector.shape_cast %get3A_459 : vector<1x16xf32> to vector<16xf32>
        %get3A_461 = arith.index_cast %add3A_456 : i32 to index
        %get3A_462 = arith.constant 0 : index
        %get3A_463 = tpu.vector_load %arg24[%get3A_461, %get3A_462] {strides = array<i32>} : memref<400x64xf32, #tpu.memory_space<vmem>>, vector<1x16xf32>,
        %get3A_464 = vector.shape_cast %get3A_463 : vector<1x16xf32> to vector<16xf32>
        %add3A_465 = arith.addf %get3A_460, %get3A_464 : vector<16xf32>
        %swap3A_466 = arith.index_cast %scan3A_455 : i32 to index
        %swap3A_467 = arith.constant 0 : index
        %swap3A_468 = tpu.vector_load %arg18[%swap3A_466, %swap3A_467] {strides = array<i32>} : memref<160x64xf32, #tpu.memory_space<vmem>>, vector<1x16xf32>,
        %swap3A_469 = vector.shape_cast %swap3A_468 : vector<1x16xf32> to vector<16xf32>
        %swap3A_470 = vector.shape_cast %add3A_465 : vector<16xf32> to vector<1x16xf32>
        tpu.vector_store %arg18[%swap3A_466, %swap3A_467], %swap3A_470 {add = true, strides = array<i32>} : memref<160x64xf32, #tpu.memory_space<vmem>>, vector<1x16xf32>,
        %get3A_471 = arith.index_cast %scan3A_455 : i32 to index
        %get3A_472 = arith.constant 16 : index
        %get3A_473 = tpu.vector_load %arg19[%get3A_471, %get3A_472] {strides = array<i32>} : memref<160x64xf32, #tpu.memory_space<vmem>>, vector<1x16xf32>,
        %get3A_474 = vector.shape_cast %get3A_473 : vector<1x16xf32> to vector<16xf32>
        %get3A_475 = arith.index_cast %add3A_456 : i32 to index
        %get3A_476 = arith.constant 16 : index
        %get3A_477 = tpu.vector_load %arg24[%get3A_475, %get3A_476] {strides = array<i32>} : memref<400x64xf32, #tpu.memory_space<vmem>>, vector<1x16xf32>,
        %get3A_478 = vector.shape_cast %get3A_477 : vector<1x16xf32> to vector<16xf32>
        %add3A_479 = arith.addf %get3A_474, %get3A_478 : vector<16xf32>
        %swap3A_480 = arith.index_cast %scan3A_455 : i32 to index
        %swap3A_481 = arith.constant 16 : index
        %swap3A_482 = tpu.vector_load %arg18[%swap3A_480, %swap3A_481] {strides = array<i32>} : memref<160x64xf32, #tpu.memory_space<vmem>>, vector<1x16xf32>,
        %swap3A_483 = vector.shape_cast %swap3A_482 : vector<1x16xf32> to vector<16xf32>
        %swap3A_484 = vector.shape_cast %add3A_479 : vector<16xf32> to vector<1x16xf32>
        tpu.vector_store %arg18[%swap3A_480, %swap3A_481], %swap3A_484 {add = true, strides = array<i32>} : memref<160x64xf32, #tpu.memory_space<vmem>>, vector<1x16xf32>,
        %get3A_485 = arith.index_cast %scan3A_455 : i32 to index
        %get3A_486 = arith.constant 32 : index
        %get3A_487 = tpu.vector_load %arg19[%get3A_485, %get3A_486] {strides = array<i32>} : memref<160x64xf32, #tpu.memory_space<vmem>>, vector<1x16xf32>,
        %get3A_488 = vector.shape_cast %get3A_487 : vector<1x16xf32> to vector<16xf32>
        %get3A_489 = arith.index_cast %add3A_456 : i32 to index
        %get3A_490 = arith.constant 32 : index
        %get3A_491 = tpu.vector_load %arg24[%get3A_489, %get3A_490] {strides = array<i32>} : memref<400x64xf32, #tpu.memory_space<vmem>>, vector<1x16xf32>,
        %get3A_492 = vector.shape_cast %get3A_491 : vector<1x16xf32> to vector<16xf32>
        %add3A_493 = arith.addf %get3A_488, %get3A_492 : vector<16xf32>
        %swap3A_494 = arith.index_cast %scan3A_455 : i32 to index
        %swap3A_495 = arith.constant 32 : index
        %swap3A_496 = tpu.vector_load %arg18[%swap3A_494, %swap3A_495] {strides = array<i32>} : memref<160x64xf32, #tpu.memory_space<vmem>>, vector<1x16xf32>,
        %swap3A_497 = vector.shape_cast %swap3A_496 : vector<1x16xf32> to vector<16xf32>
        %swap3A_498 = vector.shape_cast %add3A_493 : vector<16xf32> to vector<1x16xf32>
        tpu.vector_store %arg18[%swap3A_494, %swap3A_495], %swap3A_498 {add = true, strides = array<i32>} : memref<160x64xf32, #tpu.memory_space<vmem>>, vector<1x16xf32>,
        %get3A_499 = arith.index_cast %scan3A_455 : i32 to index
        %get3A_500 = arith.constant 48 : index
        %get3A_501 = tpu.vector_load %arg19[%get3A_499, %get3A_500] {strides = array<i32>} : memref<160x64xf32, #tpu.memory_space<vmem>>, vector<1x16xf32>,
        %get3A_502 = vector.shape_cast %get3A_501 : vector<1x16xf32> to vector<16xf32>
        %get3A_503 = arith.index_cast %add3A_456 : i32 to index
        %get3A_504 = arith.constant 48 : index
        %get3A_505 = tpu.vector_load %arg24[%get3A_503, %get3A_504] {strides = array<i32>} : memref<400x64xf32, #tpu.memory_space<vmem>>, vector<1x16xf32>,
        %get3A_506 = vector.shape_cast %get3A_505 : vector<1x16xf32> to vector<16xf32>
        %add3A_507 = arith.addf %get3A_502, %get3A_506 : vector<16xf32>
        %swap3A_508 = arith.index_cast %scan3A_455 : i32 to index
        %swap3A_509 = arith.constant 48 : index
        %swap3A_510 = tpu.vector_load %arg18[%swap3A_508, %swap3A_509] {strides = array<i32>} : memref<160x64xf32, #tpu.memory_space<vmem>>, vector<1x16xf32>,
        %swap3A_511 = vector.shape_cast %swap3A_510 : vector<1x16xf32> to vector<16xf32>
        %swap3A_512 = vector.shape_cast %add3A_507 : vector<16xf32> to vector<1x16xf32>
        tpu.vector_store %arg18[%swap3A_508, %swap3A_509], %swap3A_512 {add = true, strides = array<i32>} : memref<160x64xf32, #tpu.memory_space<vmem>>, vector<1x16xf32>,
        %scan3A_513 = arith.constant 5 : i32
        %scan3A_514 = arith.addi %scan3A_221, %scan3A_513 : i32
        %add3A_515 = arith.addi %rem3A_132, %scan3A_514 : i32
        %get3A_516 = arith.index_cast %scan3A_514 : i32 to index
        %get3A_517 = arith.constant 0 : index
        %get3A_518 = tpu.vector_load %arg19[%get3A_516, %get3A_517] {strides = array<i32>} : memref<160x64xf32, #tpu.memory_space<vmem>>, vector<1x16xf32>,
        %get3A_519 = vector.shape_cast %get3A_518 : vector<1x16xf32> to vector<16xf32>
        %get3A_520 = arith.index_cast %add3A_515 : i32 to index
        %get3A_521 = arith.constant 0 : index
        %get3A_522 = tpu.vector_load %arg24[%get3A_520, %get3A_521] {strides = array<i32>} : memref<400x64xf32, #tpu.memory_space<vmem>>, vector<1x16xf32>,
        %get3A_523 = vector.shape_cast %get3A_522 : vector<1x16xf32> to vector<16xf32>
        %add3A_524 = arith.addf %get3A_519, %get3A_523 : vector<16xf32>
        %swap3A_525 = arith.index_cast %scan3A_514 : i32 to index
        %swap3A_526 = arith.constant 0 : index
        %swap3A_527 = tpu.vector_load %arg18[%swap3A_525, %swap3A_526] {strides = array<i32>} : memref<160x64xf32, #tpu.memory_space<vmem>>, vector<1x16xf32>,
        %swap3A_528 = vector.shape_cast %swap3A_527 : vector<1x16xf32> to vector<16xf32>
        %swap3A_529 = vector.shape_cast %add3A_524 : vector<16xf32> to vector<1x16xf32>
        tpu.vector_store %arg18[%swap3A_525, %swap3A_526], %swap3A_529 {add = true, strides = array<i32>} : memref<160x64xf32, #tpu.memory_space<vmem>>, vector<1x16xf32>,
        %get3A_530 = arith.index_cast %scan3A_514 : i32 to index
        %get3A_531 = arith.constant 16 : index
        %get3A_532 = tpu.vector_load %arg19[%get3A_530, %get3A_531] {strides = array<i32>} : memref<160x64xf32, #tpu.memory_space<vmem>>, vector<1x16xf32>,
        %get3A_533 = vector.shape_cast %get3A_532 : vector<1x16xf32> to vector<16xf32>
        %get3A_534 = arith.index_cast %add3A_515 : i32 to index
        %get3A_535 = arith.constant 16 : index
        %get3A_536 = tpu.vector_load %arg24[%get3A_534, %get3A_535] {strides = array<i32>} : memref<400x64xf32, #tpu.memory_space<vmem>>, vector<1x16xf32>,
        %get3A_537 = vector.shape_cast %get3A_536 : vector<1x16xf32> to vector<16xf32>
        %add3A_538 = arith.addf %get3A_533, %get3A_537 : vector<16xf32>
        %swap3A_539 = arith.index_cast %scan3A_514 : i32 to index
        %swap3A_540 = arith.constant 16 : index
        %swap3A_541 = tpu.vector_load %arg18[%swap3A_539, %swap3A_540] {strides = array<i32>} : memref<160x64xf32, #tpu.memory_space<vmem>>, vector<1x16xf32>,
        %swap3A_542 = vector.shape_cast %swap3A_541 : vector<1x16xf32> to vector<16xf32>
        %swap3A_543 = vector.shape_cast %add3A_538 : vector<16xf32> to vector<1x16xf32>
        tpu.vector_store %arg18[%swap3A_539, %swap3A_540], %swap3A_543 {add = true, strides = array<i32>} : memref<160x64xf32, #tpu.memory_space<vmem>>, vector<1x16xf32>,
        %get3A_544 = arith.index_cast %scan3A_514 : i32 to index
        %get3A_545 = arith.constant 32 : index
        %get3A_546 = tpu.vector_load %arg19[%get3A_544, %get3A_545] {strides = array<i32>} : memref<160x64xf32, #tpu.memory_space<vmem>>, vector<1x16xf32>,
        %get3A_547 = vector.shape_cast %get3A_546 : vector<1x16xf32> to vector<16xf32>
        %get3A_548 = arith.index_cast %add3A_515 : i32 to index
        %get3A_549 = arith.constant 32 : index
        %get3A_550 = tpu.vector_load %arg24[%get3A_548, %get3A_549] {strides = array<i32>} : memref<400x64xf32, #tpu.memory_space<vmem>>, vector<1x16xf32>,
        %get3A_551 = vector.shape_cast %get3A_550 : vector<1x16xf32> to vector<16xf32>
        %add3A_552 = arith.addf %get3A_547, %get3A_551 : vector<16xf32>
        %swap3A_553 = arith.index_cast %scan3A_514 : i32 to index
        %swap3A_554 = arith.constant 32 : index
        %swap3A_555 = tpu.vector_load %arg18[%swap3A_553, %swap3A_554] {strides = array<i32>} : memref<160x64xf32, #tpu.memory_space<vmem>>, vector<1x16xf32>,
        %swap3A_556 = vector.shape_cast %swap3A_555 : vector<1x16xf32> to vector<16xf32>
        %swap3A_557 = vector.shape_cast %add3A_552 : vector<16xf32> to vector<1x16xf32>
        tpu.vector_store %arg18[%swap3A_553, %swap3A_554], %swap3A_557 {add = true, strides = array<i32>} : memref<160x64xf32, #tpu.memory_space<vmem>>, vector<1x16xf32>,
        %get3A_558 = arith.index_cast %scan3A_514 : i32 to index
        %get3A_559 = arith.constant 48 : index
        %get3A_560 = tpu.vector_load %arg19[%get3A_558, %get3A_559] {strides = array<i32>} : memref<160x64xf32, #tpu.memory_space<vmem>>, vector<1x16xf32>,
        %get3A_561 = vector.shape_cast %get3A_560 : vector<1x16xf32> to vector<16xf32>
        %get3A_562 = arith.index_cast %add3A_515 : i32 to index
        %get3A_563 = arith.constant 48 : index
        %get3A_564 = tpu.vector_load %arg24[%get3A_562, %get3A_563] {strides = array<i32>} : memref<400x64xf32, #tpu.memory_space<vmem>>, vector<1x16xf32>,
        %get3A_565 = vector.shape_cast %get3A_564 : vector<1x16xf32> to vector<16xf32>
        %add3A_566 = arith.addf %get3A_561, %get3A_565 : vector<16xf32>
        %swap3A_567 = arith.index_cast %scan3A_514 : i32 to index
        %swap3A_568 = arith.constant 48 : index
        %swap3A_569 = tpu.vector_load %arg18[%swap3A_567, %swap3A_568] {strides = array<i32>} : memref<160x64xf32, #tpu.memory_space<vmem>>, vector<1x16xf32>,
        %swap3A_570 = vector.shape_cast %swap3A_569 : vector<1x16xf32> to vector<16xf32>
        %swap3A_571 = vector.shape_cast %add3A_566 : vector<16xf32> to vector<1x16xf32>
        tpu.vector_store %arg18[%swap3A_567, %swap3A_568], %swap3A_571 {add = true, strides = array<i32>} : memref<160x64xf32, #tpu.memory_space<vmem>>, vector<1x16xf32>,
        %scan3A_572 = arith.constant 6 : i32
        %scan3A_573 = arith.addi %scan3A_221, %scan3A_572 : i32
        %add3A_574 = arith.addi %rem3A_132, %scan3A_573 : i32
        %get3A_575 = arith.index_cast %scan3A_573 : i32 to index
        %get3A_576 = arith.constant 0 : index
        %get3A_577 = tpu.vector_load %arg19[%get3A_575, %get3A_576] {strides = array<i32>} : memref<160x64xf32, #tpu.memory_space<vmem>>, vector<1x16xf32>,
        %get3A_578 = vector.shape_cast %get3A_577 : vector<1x16xf32> to vector<16xf32>
        %get3A_579 = arith.index_cast %add3A_574 : i32 to index
        %get3A_580 = arith.constant 0 : index
        %get3A_581 = tpu.vector_load %arg24[%get3A_579, %get3A_580] {strides = array<i32>} : memref<400x64xf32, #tpu.memory_space<vmem>>, vector<1x16xf32>,
        %get3A_582 = vector.shape_cast %get3A_581 : vector<1x16xf32> to vector<16xf32>
        %add3A_583 = arith.addf %get3A_578, %get3A_582 : vector<16xf32>
        %swap3A_584 = arith.index_cast %scan3A_573 : i32 to index
        %swap3A_585 = arith.constant 0 : index
        %swap3A_586 = tpu.vector_load %arg18[%swap3A_584, %swap3A_585] {strides = array<i32>} : memref<160x64xf32, #tpu.memory_space<vmem>>, vector<1x16xf32>,
        %swap3A_587 = vector.shape_cast %swap3A_586 : vector<1x16xf32> to vector<16xf32>
        %swap3A_588 = vector.shape_cast %add3A_583 : vector<16xf32> to vector<1x16xf32>
        tpu.vector_store %arg18[%swap3A_584, %swap3A_585], %swap3A_588 {add = true, strides = array<i32>} : memref<160x64xf32, #tpu.memory_space<vmem>>, vector<1x16xf32>,
        %get3A_589 = arith.index_cast %scan3A_573 : i32 to index
        %get3A_590 = arith.constant 16 : index
        %get3A_591 = tpu.vector_load %arg19[%get3A_589, %get3A_590] {strides = array<i32>} : memref<160x64xf32, #tpu.memory_space<vmem>>, vector<1x16xf32>,
        %get3A_592 = vector.shape_cast %get3A_591 : vector<1x16xf32> to vector<16xf32>
        %get3A_593 = arith.index_cast %add3A_574 : i32 to index
        %get3A_594 = arith.constant 16 : index
        %get3A_595 = tpu.vector_load %arg24[%get3A_593, %get3A_594] {strides = array<i32>} : memref<400x64xf32, #tpu.memory_space<vmem>>, vector<1x16xf32>,
        %get3A_596 = vector.shape_cast %get3A_595 : vector<1x16xf32> to vector<16xf32>
        %add3A_597 = arith.addf %get3A_592, %get3A_596 : vector<16xf32>
        %swap3A_598 = arith.index_cast %scan3A_573 : i32 to index
        %swap3A_599 = arith.constant 16 : index
        %swap3A_600 = tpu.vector_load %arg18[%swap3A_598, %swap3A_599] {strides = array<i32>} : memref<160x64xf32, #tpu.memory_space<vmem>>, vector<1x16xf32>,
        %swap3A_601 = vector.shape_cast %swap3A_600 : vector<1x16xf32> to vector<16xf32>
        %swap3A_602 = vector.shape_cast %add3A_597 : vector<16xf32> to vector<1x16xf32>
        tpu.vector_store %arg18[%swap3A_598, %swap3A_599], %swap3A_602 {add = true, strides = array<i32>} : memref<160x64xf32, #tpu.memory_space<vmem>>, vector<1x16xf32>,
        %get3A_603 = arith.index_cast %scan3A_573 : i32 to index
        %get3A_604 = arith.constant 32 : index
        %get3A_605 = tpu.vector_load %arg19[%get3A_603, %get3A_604] {strides = array<i32>} : memref<160x64xf32, #tpu.memory_space<vmem>>, vector<1x16xf32>,
        %get3A_606 = vector.shape_cast %get3A_605 : vector<1x16xf32> to vector<16xf32>
        %get3A_607 = arith.index_cast %add3A_574 : i32 to index
        %get3A_608 = arith.constant 32 : index
        %get3A_609 = tpu.vector_load %arg24[%get3A_607, %get3A_608] {strides = array<i32>} : memref<400x64xf32, #tpu.memory_space<vmem>>, vector<1x16xf32>,
        %get3A_610 = vector.shape_cast %get3A_609 : vector<1x16xf32> to vector<16xf32>
        %add3A_611 = arith.addf %get3A_606, %get3A_610 : vector<16xf32>
        %swap3A_612 = arith.index_cast %scan3A_573 : i32 to index
        %swap3A_613 = arith.constant 32 : index
        %swap3A_614 = tpu.vector_load %arg18[%swap3A_612, %swap3A_613] {strides = array<i32>} : memref<160x64xf32, #tpu.memory_space<vmem>>, vector<1x16xf32>,
        %swap3A_615 = vector.shape_cast %swap3A_614 : vector<1x16xf32> to vector<16xf32>
        %swap3A_616 = vector.shape_cast %add3A_611 : vector<16xf32> to vector<1x16xf32>
        tpu.vector_store %arg18[%swap3A_612, %swap3A_613], %swap3A_616 {add = true, strides = array<i32>} : memref<160x64xf32, #tpu.memory_space<vmem>>, vector<1x16xf32>,
        %get3A_617 = arith.index_cast %scan3A_573 : i32 to index
        %get3A_618 = arith.constant 48 : index
        %get3A_619 = tpu.vector_load %arg19[%get3A_617, %get3A_618] {strides = array<i32>} : memref<160x64xf32, #tpu.memory_space<vmem>>, vector<1x16xf32>,
        %get3A_620 = vector.shape_cast %get3A_619 : vector<1x16xf32> to vector<16xf32>
        %get3A_621 = arith.index_cast %add3A_574 : i32 to index
        %get3A_622 = arith.constant 48 : index
        %get3A_623 = tpu.vector_load %arg24[%get3A_621, %get3A_622] {strides = array<i32>} : memref<400x64xf32, #tpu.memory_space<vmem>>, vector<1x16xf32>,
        %get3A_624 = vector.shape_cast %get3A_623 : vector<1x16xf32> to vector<16xf32>
        %add3A_625 = arith.addf %get3A_620, %get3A_624 : vector<16xf32>
        %swap3A_626 = arith.index_cast %scan3A_573 : i32 to index
        %swap3A_627 = arith.constant 48 : index
        %swap3A_628 = tpu.vector_load %arg18[%swap3A_626, %swap3A_627] {strides = array<i32>} : memref<160x64xf32, #tpu.memory_space<vmem>>, vector<1x16xf32>,
        %swap3A_629 = vector.shape_cast %swap3A_628 : vector<1x16xf32> to vector<16xf32>
        %swap3A_630 = vector.shape_cast %add3A_625 : vector<16xf32> to vector<1x16xf32>
        tpu.vector_store %arg18[%swap3A_626, %swap3A_627], %swap3A_630 {add = true, strides = array<i32>} : memref<160x64xf32, #tpu.memory_space<vmem>>, vector<1x16xf32>,
        %scan3A_631 = arith.constant 7 : i32
        %scan3A_632 = arith.addi %scan3A_221, %scan3A_631 : i32
        %add3A_633 = arith.addi %rem3A_132, %scan3A_632 : i32
        %get3A_634 = arith.index_cast %scan3A_632 : i32 to index
        %get3A_635 = arith.constant 0 : index
        %get3A_636 = tpu.vector_load %arg19[%get3A_634, %get3A_635] {strides = array<i32>} : memref<160x64xf32, #tpu.memory_space<vmem>>, vector<1x16xf32>,
        %get3A_637 = vector.shape_cast %get3A_636 : vector<1x16xf32> to vector<16xf32>
        %get3A_638 = arith.index_cast %add3A_633 : i32 to index
        %get3A_639 = arith.constant 0 : index
        %get3A_640 = tpu.vector_load %arg24[%get3A_638, %get3A_639] {strides = array<i32>} : memref<400x64xf32, #tpu.memory_space<vmem>>, vector<1x16xf32>,
        %get3A_641 = vector.shape_cast %get3A_640 : vector<1x16xf32> to vector<16xf32>
        %add3A_642 = arith.addf %get3A_637, %get3A_641 : vector<16xf32>
        %swap3A_643 = arith.index_cast %scan3A_632 : i32 to index
        %swap3A_644 = arith.constant 0 : index
        %swap3A_645 = tpu.vector_load %arg18[%swap3A_643, %swap3A_644] {strides = array<i32>} : memref<160x64xf32, #tpu.memory_space<vmem>>, vector<1x16xf32>,
        %swap3A_646 = vector.shape_cast %swap3A_645 : vector<1x16xf32> to vector<16xf32>
        %swap3A_647 = vector.shape_cast %add3A_642 : vector<16xf32> to vector<1x16xf32>
        tpu.vector_store %arg18[%swap3A_643, %swap3A_644], %swap3A_647 {add = true, strides = array<i32>} : memref<160x64xf32, #tpu.memory_space<vmem>>, vector<1x16xf32>,
        %get3A_648 = arith.index_cast %scan3A_632 : i32 to index
        %get3A_649 = arith.constant 16 : index
        %get3A_650 = tpu.vector_load %arg19[%get3A_648, %get3A_649] {strides = array<i32>} : memref<160x64xf32, #tpu.memory_space<vmem>>, vector<1x16xf32>,
        %get3A_651 = vector.shape_cast %get3A_650 : vector<1x16xf32> to vector<16xf32>
        %get3A_652 = arith.index_cast %add3A_633 : i32 to index
        %get3A_653 = arith.constant 16 : index
        %get3A_654 = tpu.vector_load %arg24[%get3A_652, %get3A_653] {strides = array<i32>} : memref<400x64xf32, #tpu.memory_space<vmem>>, vector<1x16xf32>,
        %get3A_655 = vector.shape_cast %get3A_654 : vector<1x16xf32> to vector<16xf32>
        %add3A_656 = arith.addf %get3A_651, %get3A_655 : vector<16xf32>
        %swap3A_657 = arith.index_cast %scan3A_632 : i32 to index
        %swap3A_658 = arith.constant 16 : index
        %swap3A_659 = tpu.vector_load %arg18[%swap3A_657, %swap3A_658] {strides = array<i32>} : memref<160x64xf32, #tpu.memory_space<vmem>>, vector<1x16xf32>,
        %swap3A_660 = vector.shape_cast %swap3A_659 : vector<1x16xf32> to vector<16xf32>
        %swap3A_661 = vector.shape_cast %add3A_656 : vector<16xf32> to vector<1x16xf32>
        tpu.vector_store %arg18[%swap3A_657, %swap3A_658], %swap3A_661 {add = true, strides = array<i32>} : memref<160x64xf32, #tpu.memory_space<vmem>>, vector<1x16xf32>,
        %get3A_662 = arith.index_cast %scan3A_632 : i32 to index
        %get3A_663 = arith.constant 32 : index
        %get3A_664 = tpu.vector_load %arg19[%get3A_662, %get3A_663] {strides = array<i32>} : memref<160x64xf32, #tpu.memory_space<vmem>>, vector<1x16xf32>,
        %get3A_665 = vector.shape_cast %get3A_664 : vector<1x16xf32> to vector<16xf32>
        %get3A_666 = arith.index_cast %add3A_633 : i32 to index
        %get3A_667 = arith.constant 32 : index
        %get3A_668 = tpu.vector_load %arg24[%get3A_666, %get3A_667] {strides = array<i32>} : memref<400x64xf32, #tpu.memory_space<vmem>>, vector<1x16xf32>,
        %get3A_669 = vector.shape_cast %get3A_668 : vector<1x16xf32> to vector<16xf32>
        %add3A_670 = arith.addf %get3A_665, %get3A_669 : vector<16xf32>
        %swap3A_671 = arith.index_cast %scan3A_632 : i32 to index
        %swap3A_672 = arith.constant 32 : index
        %swap3A_673 = tpu.vector_load %arg18[%swap3A_671, %swap3A_672] {strides = array<i32>} : memref<160x64xf32, #tpu.memory_space<vmem>>, vector<1x16xf32>,
        %swap3A_674 = vector.shape_cast %swap3A_673 : vector<1x16xf32> to vector<16xf32>
        %swap3A_675 = vector.shape_cast %add3A_670 : vector<16xf32> to vector<1x16xf32>
        tpu.vector_store %arg18[%swap3A_671, %swap3A_672], %swap3A_675 {add = true, strides = array<i32>} : memref<160x64xf32, #tpu.memory_space<vmem>>, vector<1x16xf32>,
        %get3A_676 = arith.index_cast %scan3A_632 : i32 to index
        %get3A_677 = arith.constant 48 : index
        %get3A_678 = tpu.vector_load %arg19[%get3A_676, %get3A_677] {strides = array<i32>} : memref<160x64xf32, #tpu.memory_space<vmem>>, vector<1x16xf32>,
        %get3A_679 = vector.shape_cast %get3A_678 : vector<1x16xf32> to vector<16xf32>
        %get3A_680 = arith.index_cast %add3A_633 : i32 to index
        %get3A_681 = arith.constant 48 : index
        %get3A_682 = tpu.vector_load %arg24[%get3A_680, %get3A_681] {strides = array<i32>} : memref<400x64xf32, #tpu.memory_space<vmem>>, vector<1x16xf32>,
        %get3A_683 = vector.shape_cast %get3A_682 : vector<1x16xf32> to vector<16xf32>
        %add3A_684 = arith.addf %get3A_679, %get3A_683 : vector<16xf32>
        %swap3A_685 = arith.index_cast %scan3A_632 : i32 to index
        %swap3A_686 = arith.constant 48 : index
        %swap3A_687 = tpu.vector_load %arg18[%swap3A_685, %swap3A_686] {strides = array<i32>} : memref<160x64xf32, #tpu.memory_space<vmem>>, vector<1x16xf32>,
        %swap3A_688 = vector.shape_cast %swap3A_687 : vector<1x16xf32> to vector<16xf32>
        %swap3A_689 = vector.shape_cast %add3A_684 : vector<16xf32> to vector<1x16xf32>
        tpu.vector_store %arg18[%swap3A_685, %swap3A_686], %swap3A_689 {add = true, strides = array<i32>} : memref<160x64xf32, #tpu.memory_space<vmem>>, vector<1x16xf32>,
      }
      %scan3A_138 = arith.constant 160 : i32
      %dma_start3A_139 = arith.constant 0 : i32
      %dma_start3A_140 = tpu.memref_slice %arg7[%add3A_124, %dma_start3A_139] : memref<819200x64xf32, #tpu.memory_space<hbm>> -> memref<160x64xf32, #tpu.memory_space<hbm>>
      %dma_start3A_141 = arith.constant 0 : i32
      %dma_start3A_142 = tpu.memref_slice %arg7[%add3A_124, %dma_start3A_141] : memref<819200x64xf32, #tpu.memory_space<hbm>> -> memref<160x64xf32, #tpu.memory_space<hbm>>
      tpu.enqueue_dma source(%arg18 : memref<160x64xf32, #tpu.memory_space<vmem>>) target(%dma_start3A_142 : memref<160x64xf32, #tpu.memory_space<hbm>>) target_semaphore(%arg35 : memref<!tpu.dma_semaphore, #tpu.memory_space<semaphore_mem>>)
      %mul3A_143 = arith.constant 4 : i32
      %mul3A_144 = arith.muli %mul3A_143, %scan3A_66 : i32
      %add3A_145 = arith.constant 2 : i32
      %add3A_146 = arith.addi %mul3A_144, %add3A_145 : i32
      %add3A_147 = arith.constant 2 : i32
      %add3A_148 = arith.addi %add3A_146, %add3A_147 : i32
      %lt3A_149 = arith.constant 160 : i32
      %lt3A_150 = arith.cmpi slt, %add3A_148, %lt3A_149 : i32
      %convert_element_type3A_151 = arith.extui %lt3A_150 : i1 to i32
      %cond3A_152 = arith.constant 0 : i32
      %cond3A_153 = arith.cmpi ne, %convert_element_type3A_151, %cond3A_152 : i32
      scf.if %cond3A_153 {
        %add3A_221 = arith.constant 2 : i32
        %add3A_222 = arith.addi %add3A_146, %add3A_221 : i32
        %mul3A_223 = arith.constant 160 : i32
        %mul3A_224 = arith.muli %add3A_222, %mul3A_223 : i32
        %add3A_225 = arith.addi %mul3A_2, %mul3A_224 : i32
        %dma_wait3A_226 = tpu.memref_slice %arg5[%add3A_225] : memref<819200xi32, #tpu.memory_space<hbm>> -> memref<160xi32, #tpu.memory_space<hbm>>
        %dma_wait3A_227 = tpu.memref_slice %arg5[%add3A_225] : memref<819200xi32, #tpu.memory_space<hbm>> -> memref<160xi32, #tpu.memory_space<hbm>>
        tpu.wait_dma2 semaphore(%arg26 : memref<!tpu.dma_semaphore, #tpu.memory_space<semaphore_mem>>) src(%dma_wait3A_227 : memref<160xi32, #tpu.memory_space<hbm>>) dst(%arg8 : memref<160xi32, #tpu.memory_space<vmem>>)
        %dma_wait3A_228 = tpu.memref_slice %arg6[%add3A_225] : memref<819200xi32, #tpu.memory_space<hbm>> -> memref<160xi32, #tpu.memory_space<hbm>>
        %dma_wait3A_229 = tpu.memref_slice %arg6[%add3A_225] : memref<819200xi32, #tpu.memory_space<hbm>> -> memref<160xi32, #tpu.memory_space<hbm>>
        tpu.wait_dma2 semaphore(%arg27 : memref<!tpu.dma_semaphore, #tpu.memory_space<semaphore_mem>>) src(%dma_wait3A_229 : memref<160xi32, #tpu.memory_space<hbm>>) dst(%arg9 : memref<160xi32, #tpu.memory_space<vmem>>)
        %ge3A = arith.constant 2 : i32
        %ge3A_230 = arith.cmpi sge, %add3A_146, %ge3A : i32
        %convert_element_type3A_231 = arith.extui %ge3A_230 : i1 to i32
        %cond3A_232 = arith.constant 0 : i32
        %cond3A_233 = arith.cmpi ne, %convert_element_type3A_231, %cond3A_232 : i32
        scf.if %cond3A_233 {
          %dma_wait3A_240 = arith.constant 0 : i32
          %dma_wait3A_241 = tpu.memref_slice %arg7[%mul3A_2, %dma_wait3A_240] : memref<819200x64xf32, #tpu.memory_space<hbm>> -> memref<160x64xf32, #tpu.memory_space<hbm>>
          %dma_wait3A_242 = arith.constant 0 : i32
          %dma_wait3A_243 = tpu.memref_slice %arg7[%mul3A_2, %dma_wait3A_242] : memref<819200x64xf32, #tpu.memory_space<hbm>> -> memref<160x64xf32, #tpu.memory_space<hbm>>
          tpu.wait_dma2 semaphore(%arg30 : memref<!tpu.dma_semaphore, #tpu.memory_space<semaphore_mem>>) src(%arg16 : memref<160x64xf32, #tpu.memory_space<vmem>>) dst(%dma_wait3A_243 : memref<160x64xf32, #tpu.memory_space<hbm>>)
        } else {
        }
        %dma_start3A_234 = arith.constant 0 : i32
        %dma_start3A_235 = arith.constant 0 : i32
        %dma_start3A_236 = tpu.memref_slice %arg2[%dma_start3A_234, %dma_start3A_235] : memref<1000000x64xf32, #tpu.memory_space<hbm>> -> memref<1000000x64xf32, #tpu.memory_space<hbm>>
        tpu.enqueue_indirect_dma source(%dma_start3A_236 : memref<1000000x64xf32, #tpu.memory_space<hbm>>) target(%arg16 : memref<160x64xf32, #tpu.memory_space<vmem>>) offsets(%arg8 : memref<160xi32, #tpu.memory_space<vmem>>) semaphore(%arg28 : memref<!tpu.dma_semaphore, #tpu.memory_space<semaphore_mem>>)
        %dma_start3A_237 = arith.constant 0 : i32
        %dma_start3A_238 = arith.constant 0 : i32
        %dma_start3A_239 = tpu.memref_slice %arg25[%dma_start3A_237, %dma_start3A_238] : memref<1000x64xf32, #tpu.memory_space<vmem_shared>> -> memref<1000x64xf32, #tpu.memory_space<vmem_shared>>
        tpu.enqueue_indirect_dma source(%dma_start3A_239 : memref<1000x64xf32, #tpu.memory_space<vmem_shared>>) target(%arg17 : memref<160x64xf32, #tpu.memory_space<vmem>>) offsets(%arg9 : memref<160xi32, #tpu.memory_space<vmem>>) semaphore(%arg29 : memref<!tpu.dma_semaphore, #tpu.memory_space<semaphore_mem>>)
      } else {
      }
      %add3A_154 = arith.constant 3 : i32
      %add3A_155 = arith.addi %add3A_146, %add3A_154 : i32
      %lt3A_156 = arith.constant 160 : i32
      %lt3A_157 = arith.cmpi slt, %add3A_155, %lt3A_156 : i32
      %convert_element_type3A_158 = arith.extui %lt3A_157 : i1 to i32
      %cond3A_159 = arith.constant 0 : i32
      %cond3A_160 = arith.cmpi ne, %convert_element_type3A_158, %cond3A_159 : i32
      scf.if %cond3A_160 {
        %add3A_221 = arith.constant 3 : i32
        %add3A_222 = arith.addi %add3A_146, %add3A_221 : i32
        %mul3A_223 = arith.constant 160 : i32
        %mul3A_224 = arith.muli %add3A_222, %mul3A_223 : i32
        %add3A_225 = arith.addi %mul3A_2, %mul3A_224 : i32
        %dma_start3A_226 = tpu.memref_slice %arg5[%add3A_225] : memref<819200xi32, #tpu.memory_space<hbm>> -> memref<160xi32, #tpu.memory_space<hbm>>
        %dma_start3A_227 = tpu.memref_slice %arg5[%add3A_225] : memref<819200xi32, #tpu.memory_space<hbm>> -> memref<160xi32, #tpu.memory_space<hbm>>
        tpu.enqueue_dma source(%dma_start3A_227 : memref<160xi32, #tpu.memory_space<hbm>>) target(%arg10 : memref<160xi32, #tpu.memory_space<vmem>>) target_semaphore(%arg31 : memref<!tpu.dma_semaphore, #tpu.memory_space<semaphore_mem>>)
        %dma_start3A_228 = tpu.memref_slice %arg6[%add3A_225] : memref<819200xi32, #tpu.memory_space<hbm>> -> memref<160xi32, #tpu.memory_space<hbm>>
        %dma_start3A_229 = tpu.memref_slice %arg6[%add3A_225] : memref<819200xi32, #tpu.memory_space<hbm>> -> memref<160xi32, #tpu.memory_space<hbm>>
        tpu.enqueue_dma source(%dma_start3A_229 : memref<160xi32, #tpu.memory_space<hbm>>) target(%arg11 : memref<160xi32, #tpu.memory_space<vmem>>) target_semaphore(%arg32 : memref<!tpu.dma_semaphore, #tpu.memory_space<semaphore_mem>>)
      } else {
      }
      %mul3A_161 = arith.constant 160 : i32
      %mul3A_162 = arith.muli %add3A_146, %mul3A_161 : i32
      %add3A_163 = arith.addi %mul3A_2, %mul3A_162 : i32
      %dma_wait3A_164 = arith.constant 0 : i32
      %dma_wait3A_165 = arith.constant 0 : i32
      %dma_wait3A_166 = tpu.memref_slice %arg2[%dma_wait3A_164, %dma_wait3A_165] : memref<1000000x64xf32, #tpu.memory_space<hbm>> -> memref<1000000x64xf32, #tpu.memory_space<hbm>>
      tpu.wait_indirect_dma semaphore(%arg38 : memref<!tpu.dma_semaphore, #tpu.memory_space<semaphore_mem>>) src(%dma_wait3A_166 : memref<1000000x64xf32, #tpu.memory_space<hbm>>) dst(%arg20 : memref<160x64xf32, #tpu.memory_space<vmem>>)
      %dma_wait3A_167 = arith.constant 0 : i32
      %dma_wait3A_168 = arith.constant 0 : i32
      %dma_wait3A_169 = tpu.memref_slice %arg25[%dma_wait3A_167, %dma_wait3A_168] : memref<1000x64xf32, #tpu.memory_space<vmem_shared>> -> memref<1000x64xf32, #tpu.memory_space<vmem_shared>>
      tpu.wait_indirect_dma semaphore(%arg39 : memref<!tpu.dma_semaphore, #tpu.memory_space<semaphore_mem>>) src(%dma_wait3A_169 : memref<1000x64xf32, #tpu.memory_space<vmem_shared>>) dst(%arg21 : memref<160x64xf32, #tpu.memory_space<vmem>>)
      %rem3A_170 = arith.constant 200 : i32
      %rem3A_171 = arith.remsi %add3A_163, %rem3A_170 : i32
      %scan3A_172 = arith.constant 0 : i32
      %scan3A_173 = arith.constant 0 : i32
      %scan3A_174 = arith.constant 160 : i32
      %scan3A_175 = arith.addi %scan3A_173, %scan3A_174 : i32
      %scan3A_176 = arith.constant 8 : i32
      scf.for %scan3A_221 = %scan3A_173 to %scan3A_175 step %scan3A_176  : i32 {
        %add3A_222 = arith.addi %rem3A_171, %scan3A_221 : i32
        %get3A = arith.index_cast %scan3A_221 : i32 to index
        %get3A_223 = arith.constant 0 : index
        %get3A_224 = tpu.vector_load %arg21[%get3A, %get3A_223] {strides = array<i32>} : memref<160x64xf32, #tpu.memory_space<vmem>>, vector<1x16xf32>,
        %get3A_225 = vector.shape_cast %get3A_224 : vector<1x16xf32> to vector<16xf32>
        %get3A_226 = arith.index_cast %add3A_222 : i32 to index
        %get3A_227 = arith.constant 0 : index
        %get3A_228 = tpu.vector_load %arg24[%get3A_226, %get3A_227] {strides = array<i32>} : memref<400x64xf32, #tpu.memory_space<vmem>>, vector<1x16xf32>,
        %get3A_229 = vector.shape_cast %get3A_228 : vector<1x16xf32> to vector<16xf32>
        %add3A_230 = arith.addf %get3A_225, %get3A_229 : vector<16xf32>
        %swap3A = arith.index_cast %scan3A_221 : i32 to index
        %swap3A_231 = arith.constant 0 : index
        %swap3A_232 = tpu.vector_load %arg20[%swap3A, %swap3A_231] {strides = array<i32>} : memref<160x64xf32, #tpu.memory_space<vmem>>, vector<1x16xf32>,
        %swap3A_233 = vector.shape_cast %swap3A_232 : vector<1x16xf32> to vector<16xf32>
        %swap3A_234 = vector.shape_cast %add3A_230 : vector<16xf32> to vector<1x16xf32>
        tpu.vector_store %arg20[%swap3A, %swap3A_231], %swap3A_234 {add = true, strides = array<i32>} : memref<160x64xf32, #tpu.memory_space<vmem>>, vector<1x16xf32>,
        %get3A_235 = arith.index_cast %scan3A_221 : i32 to index
        %get3A_236 = arith.constant 16 : index
        %get3A_237 = tpu.vector_load %arg21[%get3A_235, %get3A_236] {strides = array<i32>} : memref<160x64xf32, #tpu.memory_space<vmem>>, vector<1x16xf32>,
        %get3A_238 = vector.shape_cast %get3A_237 : vector<1x16xf32> to vector<16xf32>
        %get3A_239 = arith.index_cast %add3A_222 : i32 to index
        %get3A_240 = arith.constant 16 : index
        %get3A_241 = tpu.vector_load %arg24[%get3A_239, %get3A_240] {strides = array<i32>} : memref<400x64xf32, #tpu.memory_space<vmem>>, vector<1x16xf32>,
        %get3A_242 = vector.shape_cast %get3A_241 : vector<1x16xf32> to vector<16xf32>
        %add3A_243 = arith.addf %get3A_238, %get3A_242 : vector<16xf32>
        %swap3A_244 = arith.index_cast %scan3A_221 : i32 to index
        %swap3A_245 = arith.constant 16 : index
        %swap3A_246 = tpu.vector_load %arg20[%swap3A_244, %swap3A_245] {strides = array<i32>} : memref<160x64xf32, #tpu.memory_space<vmem>>, vector<1x16xf32>,
        %swap3A_247 = vector.shape_cast %swap3A_246 : vector<1x16xf32> to vector<16xf32>
        %swap3A_248 = vector.shape_cast %add3A_243 : vector<16xf32> to vector<1x16xf32>
        tpu.vector_store %arg20[%swap3A_244, %swap3A_245], %swap3A_248 {add = true, strides = array<i32>} : memref<160x64xf32, #tpu.memory_space<vmem>>, vector<1x16xf32>,
        %get3A_249 = arith.index_cast %scan3A_221 : i32 to index
        %get3A_250 = arith.constant 32 : index
        %get3A_251 = tpu.vector_load %arg21[%get3A_249, %get3A_250] {strides = array<i32>} : memref<160x64xf32, #tpu.memory_space<vmem>>, vector<1x16xf32>,
        %get3A_252 = vector.shape_cast %get3A_251 : vector<1x16xf32> to vector<16xf32>
        %get3A_253 = arith.index_cast %add3A_222 : i32 to index
        %get3A_254 = arith.constant 32 : index
        %get3A_255 = tpu.vector_load %arg24[%get3A_253, %get3A_254] {strides = array<i32>} : memref<400x64xf32, #tpu.memory_space<vmem>>, vector<1x16xf32>,
        %get3A_256 = vector.shape_cast %get3A_255 : vector<1x16xf32> to vector<16xf32>
        %add3A_257 = arith.addf %get3A_252, %get3A_256 : vector<16xf32>
        %swap3A_258 = arith.index_cast %scan3A_221 : i32 to index
        %swap3A_259 = arith.constant 32 : index
        %swap3A_260 = tpu.vector_load %arg20[%swap3A_258, %swap3A_259] {strides = array<i32>} : memref<160x64xf32, #tpu.memory_space<vmem>>, vector<1x16xf32>,
        %swap3A_261 = vector.shape_cast %swap3A_260 : vector<1x16xf32> to vector<16xf32>
        %swap3A_262 = vector.shape_cast %add3A_257 : vector<16xf32> to vector<1x16xf32>
        tpu.vector_store %arg20[%swap3A_258, %swap3A_259], %swap3A_262 {add = true, strides = array<i32>} : memref<160x64xf32, #tpu.memory_space<vmem>>, vector<1x16xf32>,
        %get3A_263 = arith.index_cast %scan3A_221 : i32 to index
        %get3A_264 = arith.constant 48 : index
        %get3A_265 = tpu.vector_load %arg21[%get3A_263, %get3A_264] {strides = array<i32>} : memref<160x64xf32, #tpu.memory_space<vmem>>, vector<1x16xf32>,
        %get3A_266 = vector.shape_cast %get3A_265 : vector<1x16xf32> to vector<16xf32>
        %get3A_267 = arith.index_cast %add3A_222 : i32 to index
        %get3A_268 = arith.constant 48 : index
        %get3A_269 = tpu.vector_load %arg24[%get3A_267, %get3A_268] {strides = array<i32>} : memref<400x64xf32, #tpu.memory_space<vmem>>, vector<1x16xf32>,
        %get3A_270 = vector.shape_cast %get3A_269 : vector<1x16xf32> to vector<16xf32>
        %add3A_271 = arith.addf %get3A_266, %get3A_270 : vector<16xf32>
        %swap3A_272 = arith.index_cast %scan3A_221 : i32 to index
        %swap3A_273 = arith.constant 48 : index
        %swap3A_274 = tpu.vector_load %arg20[%swap3A_272, %swap3A_273] {strides = array<i32>} : memref<160x64xf32, #tpu.memory_space<vmem>>, vector<1x16xf32>,
        %swap3A_275 = vector.shape_cast %swap3A_274 : vector<1x16xf32> to vector<16xf32>
        %swap3A_276 = vector.shape_cast %add3A_271 : vector<16xf32> to vector<1x16xf32>
        tpu.vector_store %arg20[%swap3A_272, %swap3A_273], %swap3A_276 {add = true, strides = array<i32>} : memref<160x64xf32, #tpu.memory_space<vmem>>, vector<1x16xf32>,
        %scan3A_277 = arith.constant 1 : i32
        %scan3A_278 = arith.addi %scan3A_221, %scan3A_277 : i32
        %add3A_279 = arith.addi %rem3A_171, %scan3A_278 : i32
        %get3A_280 = arith.index_cast %scan3A_278 : i32 to index
        %get3A_281 = arith.constant 0 : index
        %get3A_282 = tpu.vector_load %arg21[%get3A_280, %get3A_281] {strides = array<i32>} : memref<160x64xf32, #tpu.memory_space<vmem>>, vector<1x16xf32>,
        %get3A_283 = vector.shape_cast %get3A_282 : vector<1x16xf32> to vector<16xf32>
        %get3A_284 = arith.index_cast %add3A_279 : i32 to index
        %get3A_285 = arith.constant 0 : index
        %get3A_286 = tpu.vector_load %arg24[%get3A_284, %get3A_285] {strides = array<i32>} : memref<400x64xf32, #tpu.memory_space<vmem>>, vector<1x16xf32>,
        %get3A_287 = vector.shape_cast %get3A_286 : vector<1x16xf32> to vector<16xf32>
        %add3A_288 = arith.addf %get3A_283, %get3A_287 : vector<16xf32>
        %swap3A_289 = arith.index_cast %scan3A_278 : i32 to index
        %swap3A_290 = arith.constant 0 : index
        %swap3A_291 = tpu.vector_load %arg20[%swap3A_289, %swap3A_290] {strides = array<i32>} : memref<160x64xf32, #tpu.memory_space<vmem>>, vector<1x16xf32>,
        %swap3A_292 = vector.shape_cast %swap3A_291 : vector<1x16xf32> to vector<16xf32>
        %swap3A_293 = vector.shape_cast %add3A_288 : vector<16xf32> to vector<1x16xf32>
        tpu.vector_store %arg20[%swap3A_289, %swap3A_290], %swap3A_293 {add = true, strides = array<i32>} : memref<160x64xf32, #tpu.memory_space<vmem>>, vector<1x16xf32>,
        %get3A_294 = arith.index_cast %scan3A_278 : i32 to index
        %get3A_295 = arith.constant 16 : index
        %get3A_296 = tpu.vector_load %arg21[%get3A_294, %get3A_295] {strides = array<i32>} : memref<160x64xf32, #tpu.memory_space<vmem>>, vector<1x16xf32>,
        %get3A_297 = vector.shape_cast %get3A_296 : vector<1x16xf32> to vector<16xf32>
        %get3A_298 = arith.index_cast %add3A_279 : i32 to index
        %get3A_299 = arith.constant 16 : index
        %get3A_300 = tpu.vector_load %arg24[%get3A_298, %get3A_299] {strides = array<i32>} : memref<400x64xf32, #tpu.memory_space<vmem>>, vector<1x16xf32>,
        %get3A_301 = vector.shape_cast %get3A_300 : vector<1x16xf32> to vector<16xf32>
        %add3A_302 = arith.addf %get3A_297, %get3A_301 : vector<16xf32>
        %swap3A_303 = arith.index_cast %scan3A_278 : i32 to index
        %swap3A_304 = arith.constant 16 : index
        %swap3A_305 = tpu.vector_load %arg20[%swap3A_303, %swap3A_304] {strides = array<i32>} : memref<160x64xf32, #tpu.memory_space<vmem>>, vector<1x16xf32>,
        %swap3A_306 = vector.shape_cast %swap3A_305 : vector<1x16xf32> to vector<16xf32>
        %swap3A_307 = vector.shape_cast %add3A_302 : vector<16xf32> to vector<1x16xf32>
        tpu.vector_store %arg20[%swap3A_303, %swap3A_304], %swap3A_307 {add = true, strides = array<i32>} : memref<160x64xf32, #tpu.memory_space<vmem>>, vector<1x16xf32>,
        %get3A_308 = arith.index_cast %scan3A_278 : i32 to index
        %get3A_309 = arith.constant 32 : index
        %get3A_310 = tpu.vector_load %arg21[%get3A_308, %get3A_309] {strides = array<i32>} : memref<160x64xf32, #tpu.memory_space<vmem>>, vector<1x16xf32>,
        %get3A_311 = vector.shape_cast %get3A_310 : vector<1x16xf32> to vector<16xf32>
        %get3A_312 = arith.index_cast %add3A_279 : i32 to index
        %get3A_313 = arith.constant 32 : index
        %get3A_314 = tpu.vector_load %arg24[%get3A_312, %get3A_313] {strides = array<i32>} : memref<400x64xf32, #tpu.memory_space<vmem>>, vector<1x16xf32>,
        %get3A_315 = vector.shape_cast %get3A_314 : vector<1x16xf32> to vector<16xf32>
        %add3A_316 = arith.addf %get3A_311, %get3A_315 : vector<16xf32>
        %swap3A_317 = arith.index_cast %scan3A_278 : i32 to index
        %swap3A_318 = arith.constant 32 : index
        %swap3A_319 = tpu.vector_load %arg20[%swap3A_317, %swap3A_318] {strides = array<i32>} : memref<160x64xf32, #tpu.memory_space<vmem>>, vector<1x16xf32>,
        %swap3A_320 = vector.shape_cast %swap3A_319 : vector<1x16xf32> to vector<16xf32>
        %swap3A_321 = vector.shape_cast %add3A_316 : vector<16xf32> to vector<1x16xf32>
        tpu.vector_store %arg20[%swap3A_317, %swap3A_318], %swap3A_321 {add = true, strides = array<i32>} : memref<160x64xf32, #tpu.memory_space<vmem>>, vector<1x16xf32>,
        %get3A_322 = arith.index_cast %scan3A_278 : i32 to index
        %get3A_323 = arith.constant 48 : index
        %get3A_324 = tpu.vector_load %arg21[%get3A_322, %get3A_323] {strides = array<i32>} : memref<160x64xf32, #tpu.memory_space<vmem>>, vector<1x16xf32>,
        %get3A_325 = vector.shape_cast %get3A_324 : vector<1x16xf32> to vector<16xf32>
        %get3A_326 = arith.index_cast %add3A_279 : i32 to index
        %get3A_327 = arith.constant 48 : index
        %get3A_328 = tpu.vector_load %arg24[%get3A_326, %get3A_327] {strides = array<i32>} : memref<400x64xf32, #tpu.memory_space<vmem>>, vector<1x16xf32>,
        %get3A_329 = vector.shape_cast %get3A_328 : vector<1x16xf32> to vector<16xf32>
        %add3A_330 = arith.addf %get3A_325, %get3A_329 : vector<16xf32>
        %swap3A_331 = arith.index_cast %scan3A_278 : i32 to index
        %swap3A_332 = arith.constant 48 : index
        %swap3A_333 = tpu.vector_load %arg20[%swap3A_331, %swap3A_332] {strides = array<i32>} : memref<160x64xf32, #tpu.memory_space<vmem>>, vector<1x16xf32>,
        %swap3A_334 = vector.shape_cast %swap3A_333 : vector<1x16xf32> to vector<16xf32>
        %swap3A_335 = vector.shape_cast %add3A_330 : vector<16xf32> to vector<1x16xf32>
        tpu.vector_store %arg20[%swap3A_331, %swap3A_332], %swap3A_335 {add = true, strides = array<i32>} : memref<160x64xf32, #tpu.memory_space<vmem>>, vector<1x16xf32>,
        %scan3A_336 = arith.constant 2 : i32
        %scan3A_337 = arith.addi %scan3A_221, %scan3A_336 : i32
        %add3A_338 = arith.addi %rem3A_171, %scan3A_337 : i32
        %get3A_339 = arith.index_cast %scan3A_337 : i32 to index
        %get3A_340 = arith.constant 0 : index
        %get3A_341 = tpu.vector_load %arg21[%get3A_339, %get3A_340] {strides = array<i32>} : memref<160x64xf32, #tpu.memory_space<vmem>>, vector<1x16xf32>,
        %get3A_342 = vector.shape_cast %get3A_341 : vector<1x16xf32> to vector<16xf32>
        %get3A_343 = arith.index_cast %add3A_338 : i32 to index
        %get3A_344 = arith.constant 0 : index
        %get3A_345 = tpu.vector_load %arg24[%get3A_343, %get3A_344] {strides = array<i32>} : memref<400x64xf32, #tpu.memory_space<vmem>>, vector<1x16xf32>,
        %get3A_346 = vector.shape_cast %get3A_345 : vector<1x16xf32> to vector<16xf32>
        %add3A_347 = arith.addf %get3A_342, %get3A_346 : vector<16xf32>
        %swap3A_348 = arith.index_cast %scan3A_337 : i32 to index
        %swap3A_349 = arith.constant 0 : index
        %swap3A_350 = tpu.vector_load %arg20[%swap3A_348, %swap3A_349] {strides = array<i32>} : memref<160x64xf32, #tpu.memory_space<vmem>>, vector<1x16xf32>,
        %swap3A_351 = vector.shape_cast %swap3A_350 : vector<1x16xf32> to vector<16xf32>
        %swap3A_352 = vector.shape_cast %add3A_347 : vector<16xf32> to vector<1x16xf32>
        tpu.vector_store %arg20[%swap3A_348, %swap3A_349], %swap3A_352 {add = true, strides = array<i32>} : memref<160x64xf32, #tpu.memory_space<vmem>>, vector<1x16xf32>,
        %get3A_353 = arith.index_cast %scan3A_337 : i32 to index
        %get3A_354 = arith.constant 16 : index
        %get3A_355 = tpu.vector_load %arg21[%get3A_353, %get3A_354] {strides = array<i32>} : memref<160x64xf32, #tpu.memory_space<vmem>>, vector<1x16xf32>,
        %get3A_356 = vector.shape_cast %get3A_355 : vector<1x16xf32> to vector<16xf32>
        %get3A_357 = arith.index_cast %add3A_338 : i32 to index
        %get3A_358 = arith.constant 16 : index
        %get3A_359 = tpu.vector_load %arg24[%get3A_357, %get3A_358] {strides = array<i32>} : memref<400x64xf32, #tpu.memory_space<vmem>>, vector<1x16xf32>,
        %get3A_360 = vector.shape_cast %get3A_359 : vector<1x16xf32> to vector<16xf32>
        %add3A_361 = arith.addf %get3A_356, %get3A_360 : vector<16xf32>
        %swap3A_362 = arith.index_cast %scan3A_337 : i32 to index
        %swap3A_363 = arith.constant 16 : index
        %swap3A_364 = tpu.vector_load %arg20[%swap3A_362, %swap3A_363] {strides = array<i32>} : memref<160x64xf32, #tpu.memory_space<vmem>>, vector<1x16xf32>,
        %swap3A_365 = vector.shape_cast %swap3A_364 : vector<1x16xf32> to vector<16xf32>
        %swap3A_366 = vector.shape_cast %add3A_361 : vector<16xf32> to vector<1x16xf32>
        tpu.vector_store %arg20[%swap3A_362, %swap3A_363], %swap3A_366 {add = true, strides = array<i32>} : memref<160x64xf32, #tpu.memory_space<vmem>>, vector<1x16xf32>,
        %get3A_367 = arith.index_cast %scan3A_337 : i32 to index
        %get3A_368 = arith.constant 32 : index
        %get3A_369 = tpu.vector_load %arg21[%get3A_367, %get3A_368] {strides = array<i32>} : memref<160x64xf32, #tpu.memory_space<vmem>>, vector<1x16xf32>,
        %get3A_370 = vector.shape_cast %get3A_369 : vector<1x16xf32> to vector<16xf32>
        %get3A_371 = arith.index_cast %add3A_338 : i32 to index
        %get3A_372 = arith.constant 32 : index
        %get3A_373 = tpu.vector_load %arg24[%get3A_371, %get3A_372] {strides = array<i32>} : memref<400x64xf32, #tpu.memory_space<vmem>>, vector<1x16xf32>,
        %get3A_374 = vector.shape_cast %get3A_373 : vector<1x16xf32> to vector<16xf32>
        %add3A_375 = arith.addf %get3A_370, %get3A_374 : vector<16xf32>
        %swap3A_376 = arith.index_cast %scan3A_337 : i32 to index
        %swap3A_377 = arith.constant 32 : index
        %swap3A_378 = tpu.vector_load %arg20[%swap3A_376, %swap3A_377] {strides = array<i32>} : memref<160x64xf32, #tpu.memory_space<vmem>>, vector<1x16xf32>,
        %swap3A_379 = vector.shape_cast %swap3A_378 : vector<1x16xf32> to vector<16xf32>
        %swap3A_380 = vector.shape_cast %add3A_375 : vector<16xf32> to vector<1x16xf32>
        tpu.vector_store %arg20[%swap3A_376, %swap3A_377], %swap3A_380 {add = true, strides = array<i32>} : memref<160x64xf32, #tpu.memory_space<vmem>>, vector<1x16xf32>,
        %get3A_381 = arith.index_cast %scan3A_337 : i32 to index
        %get3A_382 = arith.constant 48 : index
        %get3A_383 = tpu.vector_load %arg21[%get3A_381, %get3A_382] {strides = array<i32>} : memref<160x64xf32, #tpu.memory_space<vmem>>, vector<1x16xf32>,
        %get3A_384 = vector.shape_cast %get3A_383 : vector<1x16xf32> to vector<16xf32>
        %get3A_385 = arith.index_cast %add3A_338 : i32 to index
        %get3A_386 = arith.constant 48 : index
        %get3A_387 = tpu.vector_load %arg24[%get3A_385, %get3A_386] {strides = array<i32>} : memref<400x64xf32, #tpu.memory_space<vmem>>, vector<1x16xf32>,
        %get3A_388 = vector.shape_cast %get3A_387 : vector<1x16xf32> to vector<16xf32>
        %add3A_389 = arith.addf %get3A_384, %get3A_388 : vector<16xf32>
        %swap3A_390 = arith.index_cast %scan3A_337 : i32 to index
        %swap3A_391 = arith.constant 48 : index
        %swap3A_392 = tpu.vector_load %arg20[%swap3A_390, %swap3A_391] {strides = array<i32>} : memref<160x64xf32, #tpu.memory_space<vmem>>, vector<1x16xf32>,
        %swap3A_393 = vector.shape_cast %swap3A_392 : vector<1x16xf32> to vector<16xf32>
        %swap3A_394 = vector.shape_cast %add3A_389 : vector<16xf32> to vector<1x16xf32>
        tpu.vector_store %arg20[%swap3A_390, %swap3A_391], %swap3A_394 {add = true, strides = array<i32>} : memref<160x64xf32, #tpu.memory_space<vmem>>, vector<1x16xf32>,
        %scan3A_395 = arith.constant 3 : i32
        %scan3A_396 = arith.addi %scan3A_221, %scan3A_395 : i32
        %add3A_397 = arith.addi %rem3A_171, %scan3A_396 : i32
        %get3A_398 = arith.index_cast %scan3A_396 : i32 to index
        %get3A_399 = arith.constant 0 : index
        %get3A_400 = tpu.vector_load %arg21[%get3A_398, %get3A_399] {strides = array<i32>} : memref<160x64xf32, #tpu.memory_space<vmem>>, vector<1x16xf32>,
        %get3A_401 = vector.shape_cast %get3A_400 : vector<1x16xf32> to vector<16xf32>
        %get3A_402 = arith.index_cast %add3A_397 : i32 to index
        %get3A_403 = arith.constant 0 : index
        %get3A_404 = tpu.vector_load %arg24[%get3A_402, %get3A_403] {strides = array<i32>} : memref<400x64xf32, #tpu.memory_space<vmem>>, vector<1x16xf32>,
        %get3A_405 = vector.shape_cast %get3A_404 : vector<1x16xf32> to vector<16xf32>
        %add3A_406 = arith.addf %get3A_401, %get3A_405 : vector<16xf32>
        %swap3A_407 = arith.index_cast %scan3A_396 : i32 to index
        %swap3A_408 = arith.constant 0 : index
        %swap3A_409 = tpu.vector_load %arg20[%swap3A_407, %swap3A_408] {strides = array<i32>} : memref<160x64xf32, #tpu.memory_space<vmem>>, vector<1x16xf32>,
        %swap3A_410 = vector.shape_cast %swap3A_409 : vector<1x16xf32> to vector<16xf32>
        %swap3A_411 = vector.shape_cast %add3A_406 : vector<16xf32> to vector<1x16xf32>
        tpu.vector_store %arg20[%swap3A_407, %swap3A_408], %swap3A_411 {add = true, strides = array<i32>} : memref<160x64xf32, #tpu.memory_space<vmem>>, vector<1x16xf32>,
        %get3A_412 = arith.index_cast %scan3A_396 : i32 to index
        %get3A_413 = arith.constant 16 : index
        %get3A_414 = tpu.vector_load %arg21[%get3A_412, %get3A_413] {strides = array<i32>} : memref<160x64xf32, #tpu.memory_space<vmem>>, vector<1x16xf32>,
        %get3A_415 = vector.shape_cast %get3A_414 : vector<1x16xf32> to vector<16xf32>
        %get3A_416 = arith.index_cast %add3A_397 : i32 to index
        %get3A_417 = arith.constant 16 : index
        %get3A_418 = tpu.vector_load %arg24[%get3A_416, %get3A_417] {strides = array<i32>} : memref<400x64xf32, #tpu.memory_space<vmem>>, vector<1x16xf32>,
        %get3A_419 = vector.shape_cast %get3A_418 : vector<1x16xf32> to vector<16xf32>
        %add3A_420 = arith.addf %get3A_415, %get3A_419 : vector<16xf32>
        %swap3A_421 = arith.index_cast %scan3A_396 : i32 to index
        %swap3A_422 = arith.constant 16 : index
        %swap3A_423 = tpu.vector_load %arg20[%swap3A_421, %swap3A_422] {strides = array<i32>} : memref<160x64xf32, #tpu.memory_space<vmem>>, vector<1x16xf32>,
        %swap3A_424 = vector.shape_cast %swap3A_423 : vector<1x16xf32> to vector<16xf32>
        %swap3A_425 = vector.shape_cast %add3A_420 : vector<16xf32> to vector<1x16xf32>
        tpu.vector_store %arg20[%swap3A_421, %swap3A_422], %swap3A_425 {add = true, strides = array<i32>} : memref<160x64xf32, #tpu.memory_space<vmem>>, vector<1x16xf32>,
        %get3A_426 = arith.index_cast %scan3A_396 : i32 to index
        %get3A_427 = arith.constant 32 : index
        %get3A_428 = tpu.vector_load %arg21[%get3A_426, %get3A_427] {strides = array<i32>} : memref<160x64xf32, #tpu.memory_space<vmem>>, vector<1x16xf32>,
        %get3A_429 = vector.shape_cast %get3A_428 : vector<1x16xf32> to vector<16xf32>
        %get3A_430 = arith.index_cast %add3A_397 : i32 to index
        %get3A_431 = arith.constant 32 : index
        %get3A_432 = tpu.vector_load %arg24[%get3A_430, %get3A_431] {strides = array<i32>} : memref<400x64xf32, #tpu.memory_space<vmem>>, vector<1x16xf32>,
        %get3A_433 = vector.shape_cast %get3A_432 : vector<1x16xf32> to vector<16xf32>
        %add3A_434 = arith.addf %get3A_429, %get3A_433 : vector<16xf32>
        %swap3A_435 = arith.index_cast %scan3A_396 : i32 to index
        %swap3A_436 = arith.constant 32 : index
        %swap3A_437 = tpu.vector_load %arg20[%swap3A_435, %swap3A_436] {strides = array<i32>} : memref<160x64xf32, #tpu.memory_space<vmem>>, vector<1x16xf32>,
        %swap3A_438 = vector.shape_cast %swap3A_437 : vector<1x16xf32> to vector<16xf32>
        %swap3A_439 = vector.shape_cast %add3A_434 : vector<16xf32> to vector<1x16xf32>
        tpu.vector_store %arg20[%swap3A_435, %swap3A_436], %swap3A_439 {add = true, strides = array<i32>} : memref<160x64xf32, #tpu.memory_space<vmem>>, vector<1x16xf32>,
        %get3A_440 = arith.index_cast %scan3A_396 : i32 to index
        %get3A_441 = arith.constant 48 : index
        %get3A_442 = tpu.vector_load %arg21[%get3A_440, %get3A_441] {strides = array<i32>} : memref<160x64xf32, #tpu.memory_space<vmem>>, vector<1x16xf32>,
        %get3A_443 = vector.shape_cast %get3A_442 : vector<1x16xf32> to vector<16xf32>
        %get3A_444 = arith.index_cast %add3A_397 : i32 to index
        %get3A_445 = arith.constant 48 : index
        %get3A_446 = tpu.vector_load %arg24[%get3A_444, %get3A_445] {strides = array<i32>} : memref<400x64xf32, #tpu.memory_space<vmem>>, vector<1x16xf32>,
        %get3A_447 = vector.shape_cast %get3A_446 : vector<1x16xf32> to vector<16xf32>
        %add3A_448 = arith.addf %get3A_443, %get3A_447 : vector<16xf32>
        %swap3A_449 = arith.index_cast %scan3A_396 : i32 to index
        %swap3A_450 = arith.constant 48 : index
        %swap3A_451 = tpu.vector_load %arg20[%swap3A_449, %swap3A_450] {strides = array<i32>} : memref<160x64xf32, #tpu.memory_space<vmem>>, vector<1x16xf32>,
        %swap3A_452 = vector.shape_cast %swap3A_451 : vector<1x16xf32> to vector<16xf32>
        %swap3A_453 = vector.shape_cast %add3A_448 : vector<16xf32> to vector<1x16xf32>
        tpu.vector_store %arg20[%swap3A_449, %swap3A_450], %swap3A_453 {add = true, strides = array<i32>} : memref<160x64xf32, #tpu.memory_space<vmem>>, vector<1x16xf32>,
        %scan3A_454 = arith.constant 4 : i32
        %scan3A_455 = arith.addi %scan3A_221, %scan3A_454 : i32
        %add3A_456 = arith.addi %rem3A_171, %scan3A_455 : i32
        %get3A_457 = arith.index_cast %scan3A_455 : i32 to index
        %get3A_458 = arith.constant 0 : index
        %get3A_459 = tpu.vector_load %arg21[%get3A_457, %get3A_458] {strides = array<i32>} : memref<160x64xf32, #tpu.memory_space<vmem>>, vector<1x16xf32>,
        %get3A_460 = vector.shape_cast %get3A_459 : vector<1x16xf32> to vector<16xf32>
        %get3A_461 = arith.index_cast %add3A_456 : i32 to index
        %get3A_462 = arith.constant 0 : index
        %get3A_463 = tpu.vector_load %arg24[%get3A_461, %get3A_462] {strides = array<i32>} : memref<400x64xf32, #tpu.memory_space<vmem>>, vector<1x16xf32>,
        %get3A_464 = vector.shape_cast %get3A_463 : vector<1x16xf32> to vector<16xf32>
        %add3A_465 = arith.addf %get3A_460, %get3A_464 : vector<16xf32>
        %swap3A_466 = arith.index_cast %scan3A_455 : i32 to index
        %swap3A_467 = arith.constant 0 : index
        %swap3A_468 = tpu.vector_load %arg20[%swap3A_466, %swap3A_467] {strides = array<i32>} : memref<160x64xf32, #tpu.memory_space<vmem>>, vector<1x16xf32>,
        %swap3A_469 = vector.shape_cast %swap3A_468 : vector<1x16xf32> to vector<16xf32>
        %swap3A_470 = vector.shape_cast %add3A_465 : vector<16xf32> to vector<1x16xf32>
        tpu.vector_store %arg20[%swap3A_466, %swap3A_467], %swap3A_470 {add = true, strides = array<i32>} : memref<160x64xf32, #tpu.memory_space<vmem>>, vector<1x16xf32>,
        %get3A_471 = arith.index_cast %scan3A_455 : i32 to index
        %get3A_472 = arith.constant 16 : index
        %get3A_473 = tpu.vector_load %arg21[%get3A_471, %get3A_472] {strides = array<i32>} : memref<160x64xf32, #tpu.memory_space<vmem>>, vector<1x16xf32>,
        %get3A_474 = vector.shape_cast %get3A_473 : vector<1x16xf32> to vector<16xf32>
        %get3A_475 = arith.index_cast %add3A_456 : i32 to index
        %get3A_476 = arith.constant 16 : index
        %get3A_477 = tpu.vector_load %arg24[%get3A_475, %get3A_476] {strides = array<i32>} : memref<400x64xf32, #tpu.memory_space<vmem>>, vector<1x16xf32>,
        %get3A_478 = vector.shape_cast %get3A_477 : vector<1x16xf32> to vector<16xf32>
        %add3A_479 = arith.addf %get3A_474, %get3A_478 : vector<16xf32>
        %swap3A_480 = arith.index_cast %scan3A_455 : i32 to index
        %swap3A_481 = arith.constant 16 : index
        %swap3A_482 = tpu.vector_load %arg20[%swap3A_480, %swap3A_481] {strides = array<i32>} : memref<160x64xf32, #tpu.memory_space<vmem>>, vector<1x16xf32>,
        %swap3A_483 = vector.shape_cast %swap3A_482 : vector<1x16xf32> to vector<16xf32>
        %swap3A_484 = vector.shape_cast %add3A_479 : vector<16xf32> to vector<1x16xf32>
        tpu.vector_store %arg20[%swap3A_480, %swap3A_481], %swap3A_484 {add = true, strides = array<i32>} : memref<160x64xf32, #tpu.memory_space<vmem>>, vector<1x16xf32>,
        %get3A_485 = arith.index_cast %scan3A_455 : i32 to index
        %get3A_486 = arith.constant 32 : index
        %get3A_487 = tpu.vector_load %arg21[%get3A_485, %get3A_486] {strides = array<i32>} : memref<160x64xf32, #tpu.memory_space<vmem>>, vector<1x16xf32>,
        %get3A_488 = vector.shape_cast %get3A_487 : vector<1x16xf32> to vector<16xf32>
        %get3A_489 = arith.index_cast %add3A_456 : i32 to index
        %get3A_490 = arith.constant 32 : index
        %get3A_491 = tpu.vector_load %arg24[%get3A_489, %get3A_490] {strides = array<i32>} : memref<400x64xf32, #tpu.memory_space<vmem>>, vector<1x16xf32>,
        %get3A_492 = vector.shape_cast %get3A_491 : vector<1x16xf32> to vector<16xf32>
        %add3A_493 = arith.addf %get3A_488, %get3A_492 : vector<16xf32>
        %swap3A_494 = arith.index_cast %scan3A_455 : i32 to index
        %swap3A_495 = arith.constant 32 : index
        %swap3A_496 = tpu.vector_load %arg20[%swap3A_494, %swap3A_495] {strides = array<i32>} : memref<160x64xf32, #tpu.memory_space<vmem>>, vector<1x16xf32>,
        %swap3A_497 = vector.shape_cast %swap3A_496 : vector<1x16xf32> to vector<16xf32>
        %swap3A_498 = vector.shape_cast %add3A_493 : vector<16xf32> to vector<1x16xf32>
        tpu.vector_store %arg20[%swap3A_494, %swap3A_495], %swap3A_498 {add = true, strides = array<i32>} : memref<160x64xf32, #tpu.memory_space<vmem>>, vector<1x16xf32>,
        %get3A_499 = arith.index_cast %scan3A_455 : i32 to index
        %get3A_500 = arith.constant 48 : index
        %get3A_501 = tpu.vector_load %arg21[%get3A_499, %get3A_500] {strides = array<i32>} : memref<160x64xf32, #tpu.memory_space<vmem>>, vector<1x16xf32>,
        %get3A_502 = vector.shape_cast %get3A_501 : vector<1x16xf32> to vector<16xf32>
        %get3A_503 = arith.index_cast %add3A_456 : i32 to index
        %get3A_504 = arith.constant 48 : index
        %get3A_505 = tpu.vector_load %arg24[%get3A_503, %get3A_504] {strides = array<i32>} : memref<400x64xf32, #tpu.memory_space<vmem>>, vector<1x16xf32>,
        %get3A_506 = vector.shape_cast %get3A_505 : vector<1x16xf32> to vector<16xf32>
        %add3A_507 = arith.addf %get3A_502, %get3A_506 : vector<16xf32>
        %swap3A_508 = arith.index_cast %scan3A_455 : i32 to index
        %swap3A_509 = arith.constant 48 : index
        %swap3A_510 = tpu.vector_load %arg20[%swap3A_508, %swap3A_509] {strides = array<i32>} : memref<160x64xf32, #tpu.memory_space<vmem>>, vector<1x16xf32>,
        %swap3A_511 = vector.shape_cast %swap3A_510 : vector<1x16xf32> to vector<16xf32>
        %swap3A_512 = vector.shape_cast %add3A_507 : vector<16xf32> to vector<1x16xf32>
        tpu.vector_store %arg20[%swap3A_508, %swap3A_509], %swap3A_512 {add = true, strides = array<i32>} : memref<160x64xf32, #tpu.memory_space<vmem>>, vector<1x16xf32>,
        %scan3A_513 = arith.constant 5 : i32
        %scan3A_514 = arith.addi %scan3A_221, %scan3A_513 : i32
        %add3A_515 = arith.addi %rem3A_171, %scan3A_514 : i32
        %get3A_516 = arith.index_cast %scan3A_514 : i32 to index
        %get3A_517 = arith.constant 0 : index
        %get3A_518 = tpu.vector_load %arg21[%get3A_516, %get3A_517] {strides = array<i32>} : memref<160x64xf32, #tpu.memory_space<vmem>>, vector<1x16xf32>,
        %get3A_519 = vector.shape_cast %get3A_518 : vector<1x16xf32> to vector<16xf32>
        %get3A_520 = arith.index_cast %add3A_515 : i32 to index
        %get3A_521 = arith.constant 0 : index
        %get3A_522 = tpu.vector_load %arg24[%get3A_520, %get3A_521] {strides = array<i32>} : memref<400x64xf32, #tpu.memory_space<vmem>>, vector<1x16xf32>,
        %get3A_523 = vector.shape_cast %get3A_522 : vector<1x16xf32> to vector<16xf32>
        %add3A_524 = arith.addf %get3A_519, %get3A_523 : vector<16xf32>
        %swap3A_525 = arith.index_cast %scan3A_514 : i32 to index
        %swap3A_526 = arith.constant 0 : index
        %swap3A_527 = tpu.vector_load %arg20[%swap3A_525, %swap3A_526] {strides = array<i32>} : memref<160x64xf32, #tpu.memory_space<vmem>>, vector<1x16xf32>,
        %swap3A_528 = vector.shape_cast %swap3A_527 : vector<1x16xf32> to vector<16xf32>
        %swap3A_529 = vector.shape_cast %add3A_524 : vector<16xf32> to vector<1x16xf32>
        tpu.vector_store %arg20[%swap3A_525, %swap3A_526], %swap3A_529 {add = true, strides = array<i32>} : memref<160x64xf32, #tpu.memory_space<vmem>>, vector<1x16xf32>,
        %get3A_530 = arith.index_cast %scan3A_514 : i32 to index
        %get3A_531 = arith.constant 16 : index
        %get3A_532 = tpu.vector_load %arg21[%get3A_530, %get3A_531] {strides = array<i32>} : memref<160x64xf32, #tpu.memory_space<vmem>>, vector<1x16xf32>,
        %get3A_533 = vector.shape_cast %get3A_532 : vector<1x16xf32> to vector<16xf32>
        %get3A_534 = arith.index_cast %add3A_515 : i32 to index
        %get3A_535 = arith.constant 16 : index
        %get3A_536 = tpu.vector_load %arg24[%get3A_534, %get3A_535] {strides = array<i32>} : memref<400x64xf32, #tpu.memory_space<vmem>>, vector<1x16xf32>,
        %get3A_537 = vector.shape_cast %get3A_536 : vector<1x16xf32> to vector<16xf32>
        %add3A_538 = arith.addf %get3A_533, %get3A_537 : vector<16xf32>
        %swap3A_539 = arith.index_cast %scan3A_514 : i32 to index
        %swap3A_540 = arith.constant 16 : index
        %swap3A_541 = tpu.vector_load %arg20[%swap3A_539, %swap3A_540] {strides = array<i32>} : memref<160x64xf32, #tpu.memory_space<vmem>>, vector<1x16xf32>,
        %swap3A_542 = vector.shape_cast %swap3A_541 : vector<1x16xf32> to vector<16xf32>
        %swap3A_543 = vector.shape_cast %add3A_538 : vector<16xf32> to vector<1x16xf32>
        tpu.vector_store %arg20[%swap3A_539, %swap3A_540], %swap3A_543 {add = true, strides = array<i32>} : memref<160x64xf32, #tpu.memory_space<vmem>>, vector<1x16xf32>,
        %get3A_544 = arith.index_cast %scan3A_514 : i32 to index
        %get3A_545 = arith.constant 32 : index
        %get3A_546 = tpu.vector_load %arg21[%get3A_544, %get3A_545] {strides = array<i32>} : memref<160x64xf32, #tpu.memory_space<vmem>>, vector<1x16xf32>,
        %get3A_547 = vector.shape_cast %get3A_546 : vector<1x16xf32> to vector<16xf32>
        %get3A_548 = arith.index_cast %add3A_515 : i32 to index
        %get3A_549 = arith.constant 32 : index
        %get3A_550 = tpu.vector_load %arg24[%get3A_548, %get3A_549] {strides = array<i32>} : memref<400x64xf32, #tpu.memory_space<vmem>>, vector<1x16xf32>,
        %get3A_551 = vector.shape_cast %get3A_550 : vector<1x16xf32> to vector<16xf32>
        %add3A_552 = arith.addf %get3A_547, %get3A_551 : vector<16xf32>
        %swap3A_553 = arith.index_cast %scan3A_514 : i32 to index
        %swap3A_554 = arith.constant 32 : index
        %swap3A_555 = tpu.vector_load %arg20[%swap3A_553, %swap3A_554] {strides = array<i32>} : memref<160x64xf32, #tpu.memory_space<vmem>>, vector<1x16xf32>,
        %swap3A_556 = vector.shape_cast %swap3A_555 : vector<1x16xf32> to vector<16xf32>
        %swap3A_557 = vector.shape_cast %add3A_552 : vector<16xf32> to vector<1x16xf32>
        tpu.vector_store %arg20[%swap3A_553, %swap3A_554], %swap3A_557 {add = true, strides = array<i32>} : memref<160x64xf32, #tpu.memory_space<vmem>>, vector<1x16xf32>,
        %get3A_558 = arith.index_cast %scan3A_514 : i32 to index
        %get3A_559 = arith.constant 48 : index
        %get3A_560 = tpu.vector_load %arg21[%get3A_558, %get3A_559] {strides = array<i32>} : memref<160x64xf32, #tpu.memory_space<vmem>>, vector<1x16xf32>,
        %get3A_561 = vector.shape_cast %get3A_560 : vector<1x16xf32> to vector<16xf32>
        %get3A_562 = arith.index_cast %add3A_515 : i32 to index
        %get3A_563 = arith.constant 48 : index
        %get3A_564 = tpu.vector_load %arg24[%get3A_562, %get3A_563] {strides = array<i32>} : memref<400x64xf32, #tpu.memory_space<vmem>>, vector<1x16xf32>,
        %get3A_565 = vector.shape_cast %get3A_564 : vector<1x16xf32> to vector<16xf32>
        %add3A_566 = arith.addf %get3A_561, %get3A_565 : vector<16xf32>
        %swap3A_567 = arith.index_cast %scan3A_514 : i32 to index
        %swap3A_568 = arith.constant 48 : index
        %swap3A_569 = tpu.vector_load %arg20[%swap3A_567, %swap3A_568] {strides = array<i32>} : memref<160x64xf32, #tpu.memory_space<vmem>>, vector<1x16xf32>,
        %swap3A_570 = vector.shape_cast %swap3A_569 : vector<1x16xf32> to vector<16xf32>
        %swap3A_571 = vector.shape_cast %add3A_566 : vector<16xf32> to vector<1x16xf32>
        tpu.vector_store %arg20[%swap3A_567, %swap3A_568], %swap3A_571 {add = true, strides = array<i32>} : memref<160x64xf32, #tpu.memory_space<vmem>>, vector<1x16xf32>,
        %scan3A_572 = arith.constant 6 : i32
        %scan3A_573 = arith.addi %scan3A_221, %scan3A_572 : i32
        %add3A_574 = arith.addi %rem3A_171, %scan3A_573 : i32
        %get3A_575 = arith.index_cast %scan3A_573 : i32 to index
        %get3A_576 = arith.constant 0 : index
        %get3A_577 = tpu.vector_load %arg21[%get3A_575, %get3A_576] {strides = array<i32>} : memref<160x64xf32, #tpu.memory_space<vmem>>, vector<1x16xf32>,
        %get3A_578 = vector.shape_cast %get3A_577 : vector<1x16xf32> to vector<16xf32>
        %get3A_579 = arith.index_cast %add3A_574 : i32 to index
        %get3A_580 = arith.constant 0 : index
        %get3A_581 = tpu.vector_load %arg24[%get3A_579, %get3A_580] {strides = array<i32>} : memref<400x64xf32, #tpu.memory_space<vmem>>, vector<1x16xf32>,
        %get3A_582 = vector.shape_cast %get3A_581 : vector<1x16xf32> to vector<16xf32>
        %add3A_583 = arith.addf %get3A_578, %get3A_582 : vector<16xf32>
        %swap3A_584 = arith.index_cast %scan3A_573 : i32 to index
        %swap3A_585 = arith.constant 0 : index
        %swap3A_586 = tpu.vector_load %arg20[%swap3A_584, %swap3A_585] {strides = array<i32>} : memref<160x64xf32, #tpu.memory_space<vmem>>, vector<1x16xf32>,
        %swap3A_587 = vector.shape_cast %swap3A_586 : vector<1x16xf32> to vector<16xf32>
        %swap3A_588 = vector.shape_cast %add3A_583 : vector<16xf32> to vector<1x16xf32>
        tpu.vector_store %arg20[%swap3A_584, %swap3A_585], %swap3A_588 {add = true, strides = array<i32>} : memref<160x64xf32, #tpu.memory_space<vmem>>, vector<1x16xf32>,
        %get3A_589 = arith.index_cast %scan3A_573 : i32 to index
        %get3A_590 = arith.constant 16 : index
        %get3A_591 = tpu.vector_load %arg21[%get3A_589, %get3A_590] {strides = array<i32>} : memref<160x64xf32, #tpu.memory_space<vmem>>, vector<1x16xf32>,
        %get3A_592 = vector.shape_cast %get3A_591 : vector<1x16xf32> to vector<16xf32>
        %get3A_593 = arith.index_cast %add3A_574 : i32 to index
        %get3A_594 = arith.constant 16 : index
        %get3A_595 = tpu.vector_load %arg24[%get3A_593, %get3A_594] {strides = array<i32>} : memref<400x64xf32, #tpu.memory_space<vmem>>, vector<1x16xf32>,
        %get3A_596 = vector.shape_cast %get3A_595 : vector<1x16xf32> to vector<16xf32>
        %add3A_597 = arith.addf %get3A_592, %get3A_596 : vector<16xf32>
        %swap3A_598 = arith.index_cast %scan3A_573 : i32 to index
        %swap3A_599 = arith.constant 16 : index
        %swap3A_600 = tpu.vector_load %arg20[%swap3A_598, %swap3A_599] {strides = array<i32>} : memref<160x64xf32, #tpu.memory_space<vmem>>, vector<1x16xf32>,
        %swap3A_601 = vector.shape_cast %swap3A_600 : vector<1x16xf32> to vector<16xf32>
        %swap3A_602 = vector.shape_cast %add3A_597 : vector<16xf32> to vector<1x16xf32>
        tpu.vector_store %arg20[%swap3A_598, %swap3A_599], %swap3A_602 {add = true, strides = array<i32>} : memref<160x64xf32, #tpu.memory_space<vmem>>, vector<1x16xf32>,
        %get3A_603 = arith.index_cast %scan3A_573 : i32 to index
        %get3A_604 = arith.constant 32 : index
        %get3A_605 = tpu.vector_load %arg21[%get3A_603, %get3A_604] {strides = array<i32>} : memref<160x64xf32, #tpu.memory_space<vmem>>, vector<1x16xf32>,
        %get3A_606 = vector.shape_cast %get3A_605 : vector<1x16xf32> to vector<16xf32>
        %get3A_607 = arith.index_cast %add3A_574 : i32 to index
        %get3A_608 = arith.constant 32 : index
        %get3A_609 = tpu.vector_load %arg24[%get3A_607, %get3A_608] {strides = array<i32>} : memref<400x64xf32, #tpu.memory_space<vmem>>, vector<1x16xf32>,
        %get3A_610 = vector.shape_cast %get3A_609 : vector<1x16xf32> to vector<16xf32>
        %add3A_611 = arith.addf %get3A_606, %get3A_610 : vector<16xf32>
        %swap3A_612 = arith.index_cast %scan3A_573 : i32 to index
        %swap3A_613 = arith.constant 32 : index
        %swap3A_614 = tpu.vector_load %arg20[%swap3A_612, %swap3A_613] {strides = array<i32>} : memref<160x64xf32, #tpu.memory_space<vmem>>, vector<1x16xf32>,
        %swap3A_615 = vector.shape_cast %swap3A_614 : vector<1x16xf32> to vector<16xf32>
        %swap3A_616 = vector.shape_cast %add3A_611 : vector<16xf32> to vector<1x16xf32>
        tpu.vector_store %arg20[%swap3A_612, %swap3A_613], %swap3A_616 {add = true, strides = array<i32>} : memref<160x64xf32, #tpu.memory_space<vmem>>, vector<1x16xf32>,
        %get3A_617 = arith.index_cast %scan3A_573 : i32 to index
        %get3A_618 = arith.constant 48 : index
        %get3A_619 = tpu.vector_load %arg21[%get3A_617, %get3A_618] {strides = array<i32>} : memref<160x64xf32, #tpu.memory_space<vmem>>, vector<1x16xf32>,
        %get3A_620 = vector.shape_cast %get3A_619 : vector<1x16xf32> to vector<16xf32>
        %get3A_621 = arith.index_cast %add3A_574 : i32 to index
        %get3A_622 = arith.constant 48 : index
        %get3A_623 = tpu.vector_load %arg24[%get3A_621, %get3A_622] {strides = array<i32>} : memref<400x64xf32, #tpu.memory_space<vmem>>, vector<1x16xf32>,
        %get3A_624 = vector.shape_cast %get3A_623 : vector<1x16xf32> to vector<16xf32>
        %add3A_625 = arith.addf %get3A_620, %get3A_624 : vector<16xf32>
        %swap3A_626 = arith.index_cast %scan3A_573 : i32 to index
        %swap3A_627 = arith.constant 48 : index
        %swap3A_628 = tpu.vector_load %arg20[%swap3A_626, %swap3A_627] {strides = array<i32>} : memref<160x64xf32, #tpu.memory_space<vmem>>, vector<1x16xf32>,
        %swap3A_629 = vector.shape_cast %swap3A_628 : vector<1x16xf32> to vector<16xf32>
        %swap3A_630 = vector.shape_cast %add3A_625 : vector<16xf32> to vector<1x16xf32>
        tpu.vector_store %arg20[%swap3A_626, %swap3A_627], %swap3A_630 {add = true, strides = array<i32>} : memref<160x64xf32, #tpu.memory_space<vmem>>, vector<1x16xf32>,
        %scan3A_631 = arith.constant 7 : i32
        %scan3A_632 = arith.addi %scan3A_221, %scan3A_631 : i32
        %add3A_633 = arith.addi %rem3A_171, %scan3A_632 : i32
        %get3A_634 = arith.index_cast %scan3A_632 : i32 to index
        %get3A_635 = arith.constant 0 : index
        %get3A_636 = tpu.vector_load %arg21[%get3A_634, %get3A_635] {strides = array<i32>} : memref<160x64xf32, #tpu.memory_space<vmem>>, vector<1x16xf32>,
        %get3A_637 = vector.shape_cast %get3A_636 : vector<1x16xf32> to vector<16xf32>
        %get3A_638 = arith.index_cast %add3A_633 : i32 to index
        %get3A_639 = arith.constant 0 : index
        %get3A_640 = tpu.vector_load %arg24[%get3A_638, %get3A_639] {strides = array<i32>} : memref<400x64xf32, #tpu.memory_space<vmem>>, vector<1x16xf32>,
        %get3A_641 = vector.shape_cast %get3A_640 : vector<1x16xf32> to vector<16xf32>
        %add3A_642 = arith.addf %get3A_637, %get3A_641 : vector<16xf32>
        %swap3A_643 = arith.index_cast %scan3A_632 : i32 to index
        %swap3A_644 = arith.constant 0 : index
        %swap3A_645 = tpu.vector_load %arg20[%swap3A_643, %swap3A_644] {strides = array<i32>} : memref<160x64xf32, #tpu.memory_space<vmem>>, vector<1x16xf32>,
        %swap3A_646 = vector.shape_cast %swap3A_645 : vector<1x16xf32> to vector<16xf32>
        %swap3A_647 = vector.shape_cast %add3A_642 : vector<16xf32> to vector<1x16xf32>
        tpu.vector_store %arg20[%swap3A_643, %swap3A_644], %swap3A_647 {add = true, strides = array<i32>} : memref<160x64xf32, #tpu.memory_space<vmem>>, vector<1x16xf32>,
        %get3A_648 = arith.index_cast %scan3A_632 : i32 to index
        %get3A_649 = arith.constant 16 : index
        %get3A_650 = tpu.vector_load %arg21[%get3A_648, %get3A_649] {strides = array<i32>} : memref<160x64xf32, #tpu.memory_space<vmem>>, vector<1x16xf32>,
        %get3A_651 = vector.shape_cast %get3A_650 : vector<1x16xf32> to vector<16xf32>
        %get3A_652 = arith.index_cast %add3A_633 : i32 to index
        %get3A_653 = arith.constant 16 : index
        %get3A_654 = tpu.vector_load %arg24[%get3A_652, %get3A_653] {strides = array<i32>} : memref<400x64xf32, #tpu.memory_space<vmem>>, vector<1x16xf32>,
        %get3A_655 = vector.shape_cast %get3A_654 : vector<1x16xf32> to vector<16xf32>
        %add3A_656 = arith.addf %get3A_651, %get3A_655 : vector<16xf32>
        %swap3A_657 = arith.index_cast %scan3A_632 : i32 to index
        %swap3A_658 = arith.constant 16 : index
        %swap3A_659 = tpu.vector_load %arg20[%swap3A_657, %swap3A_658] {strides = array<i32>} : memref<160x64xf32, #tpu.memory_space<vmem>>, vector<1x16xf32>,
        %swap3A_660 = vector.shape_cast %swap3A_659 : vector<1x16xf32> to vector<16xf32>
        %swap3A_661 = vector.shape_cast %add3A_656 : vector<16xf32> to vector<1x16xf32>
        tpu.vector_store %arg20[%swap3A_657, %swap3A_658], %swap3A_661 {add = true, strides = array<i32>} : memref<160x64xf32, #tpu.memory_space<vmem>>, vector<1x16xf32>,
        %get3A_662 = arith.index_cast %scan3A_632 : i32 to index
        %get3A_663 = arith.constant 32 : index
        %get3A_664 = tpu.vector_load %arg21[%get3A_662, %get3A_663] {strides = array<i32>} : memref<160x64xf32, #tpu.memory_space<vmem>>, vector<1x16xf32>,
        %get3A_665 = vector.shape_cast %get3A_664 : vector<1x16xf32> to vector<16xf32>
        %get3A_666 = arith.index_cast %add3A_633 : i32 to index
        %get3A_667 = arith.constant 32 : index
        %get3A_668 = tpu.vector_load %arg24[%get3A_666, %get3A_667] {strides = array<i32>} : memref<400x64xf32, #tpu.memory_space<vmem>>, vector<1x16xf32>,
        %get3A_669 = vector.shape_cast %get3A_668 : vector<1x16xf32> to vector<16xf32>
        %add3A_670 = arith.addf %get3A_665, %get3A_669 : vector<16xf32>
        %swap3A_671 = arith.index_cast %scan3A_632 : i32 to index
        %swap3A_672 = arith.constant 32 : index
        %swap3A_673 = tpu.vector_load %arg20[%swap3A_671, %swap3A_672] {strides = array<i32>} : memref<160x64xf32, #tpu.memory_space<vmem>>, vector<1x16xf32>,
        %swap3A_674 = vector.shape_cast %swap3A_673 : vector<1x16xf32> to vector<16xf32>
        %swap3A_675 = vector.shape_cast %add3A_670 : vector<16xf32> to vector<1x16xf32>
        tpu.vector_store %arg20[%swap3A_671, %swap3A_672], %swap3A_675 {add = true, strides = array<i32>} : memref<160x64xf32, #tpu.memory_space<vmem>>, vector<1x16xf32>,
        %get3A_676 = arith.index_cast %scan3A_632 : i32 to index
        %get3A_677 = arith.constant 48 : index
        %get3A_678 = tpu.vector_load %arg21[%get3A_676, %get3A_677] {strides = array<i32>} : memref<160x64xf32, #tpu.memory_space<vmem>>, vector<1x16xf32>,
        %get3A_679 = vector.shape_cast %get3A_678 : vector<1x16xf32> to vector<16xf32>
        %get3A_680 = arith.index_cast %add3A_633 : i32 to index
        %get3A_681 = arith.constant 48 : index
        %get3A_682 = tpu.vector_load %arg24[%get3A_680, %get3A_681] {strides = array<i32>} : memref<400x64xf32, #tpu.memory_space<vmem>>, vector<1x16xf32>,
        %get3A_683 = vector.shape_cast %get3A_682 : vector<1x16xf32> to vector<16xf32>
        %add3A_684 = arith.addf %get3A_679, %get3A_683 : vector<16xf32>
        %swap3A_685 = arith.index_cast %scan3A_632 : i32 to index
        %swap3A_686 = arith.constant 48 : index
        %swap3A_687 = tpu.vector_load %arg20[%swap3A_685, %swap3A_686] {strides = array<i32>} : memref<160x64xf32, #tpu.memory_space<vmem>>, vector<1x16xf32>,
        %swap3A_688 = vector.shape_cast %swap3A_687 : vector<1x16xf32> to vector<16xf32>
        %swap3A_689 = vector.shape_cast %add3A_684 : vector<16xf32> to vector<1x16xf32>
        tpu.vector_store %arg20[%swap3A_685, %swap3A_686], %swap3A_689 {add = true, strides = array<i32>} : memref<160x64xf32, #tpu.memory_space<vmem>>, vector<1x16xf32>,
      }
      %scan3A_177 = arith.constant 160 : i32
      %dma_start3A_178 = arith.constant 0 : i32
      %dma_start3A_179 = tpu.memref_slice %arg7[%add3A_163, %dma_start3A_178] : memref<819200x64xf32, #tpu.memory_space<hbm>> -> memref<160x64xf32, #tpu.memory_space<hbm>>
      %dma_start3A_180 = arith.constant 0 : i32
      %dma_start3A_181 = tpu.memref_slice %arg7[%add3A_163, %dma_start3A_180] : memref<819200x64xf32, #tpu.memory_space<hbm>> -> memref<160x64xf32, #tpu.memory_space<hbm>>
      tpu.enqueue_dma source(%arg20 : memref<160x64xf32, #tpu.memory_space<vmem>>) target(%dma_start3A_181 : memref<160x64xf32, #tpu.memory_space<hbm>>) target_semaphore(%arg40 : memref<!tpu.dma_semaphore, #tpu.memory_space<semaphore_mem>>)
      %mul3A_182 = arith.constant 4 : i32
      %mul3A_183 = arith.muli %mul3A_182, %scan3A_66 : i32
      %add3A_184 = arith.constant 3 : i32
      %add3A_185 = arith.addi %mul3A_183, %add3A_184 : i32
      %add3A_186 = arith.constant 2 : i32
      %add3A_187 = arith.addi %add3A_185, %add3A_186 : i32
      %lt3A_188 = arith.constant 160 : i32
      %lt3A_189 = arith.cmpi slt, %add3A_187, %lt3A_188 : i32
      %convert_element_type3A_190 = arith.extui %lt3A_189 : i1 to i32
      %cond3A_191 = arith.constant 0 : i32
      %cond3A_192 = arith.cmpi ne, %convert_element_type3A_190, %cond3A_191 : i32
      scf.if %cond3A_192 {
        %add3A_221 = arith.constant 2 : i32
        %add3A_222 = arith.addi %add3A_185, %add3A_221 : i32
        %mul3A_223 = arith.constant 160 : i32
        %mul3A_224 = arith.muli %add3A_222, %mul3A_223 : i32
        %add3A_225 = arith.addi %mul3A_2, %mul3A_224 : i32
        %dma_wait3A_226 = tpu.memref_slice %arg5[%add3A_225] : memref<819200xi32, #tpu.memory_space<hbm>> -> memref<160xi32, #tpu.memory_space<hbm>>
        %dma_wait3A_227 = tpu.memref_slice %arg5[%add3A_225] : memref<819200xi32, #tpu.memory_space<hbm>> -> memref<160xi32, #tpu.memory_space<hbm>>
        tpu.wait_dma2 semaphore(%arg31 : memref<!tpu.dma_semaphore, #tpu.memory_space<semaphore_mem>>) src(%dma_wait3A_227 : memref<160xi32, #tpu.memory_space<hbm>>) dst(%arg10 : memref<160xi32, #tpu.memory_space<vmem>>)
        %dma_wait3A_228 = tpu.memref_slice %arg6[%add3A_225] : memref<819200xi32, #tpu.memory_space<hbm>> -> memref<160xi32, #tpu.memory_space<hbm>>
        %dma_wait3A_229 = tpu.memref_slice %arg6[%add3A_225] : memref<819200xi32, #tpu.memory_space<hbm>> -> memref<160xi32, #tpu.memory_space<hbm>>
        tpu.wait_dma2 semaphore(%arg32 : memref<!tpu.dma_semaphore, #tpu.memory_space<semaphore_mem>>) src(%dma_wait3A_229 : memref<160xi32, #tpu.memory_space<hbm>>) dst(%arg11 : memref<160xi32, #tpu.memory_space<vmem>>)
        %ge3A = arith.constant 2 : i32
        %ge3A_230 = arith.cmpi sge, %add3A_185, %ge3A : i32
        %convert_element_type3A_231 = arith.extui %ge3A_230 : i1 to i32
        %cond3A_232 = arith.constant 0 : i32
        %cond3A_233 = arith.cmpi ne, %convert_element_type3A_231, %cond3A_232 : i32
        scf.if %cond3A_233 {
          %dma_wait3A_240 = arith.constant 0 : i32
          %dma_wait3A_241 = tpu.memref_slice %arg7[%mul3A_2, %dma_wait3A_240] : memref<819200x64xf32, #tpu.memory_space<hbm>> -> memref<160x64xf32, #tpu.memory_space<hbm>>
          %dma_wait3A_242 = arith.constant 0 : i32
          %dma_wait3A_243 = tpu.memref_slice %arg7[%mul3A_2, %dma_wait3A_242] : memref<819200x64xf32, #tpu.memory_space<hbm>> -> memref<160x64xf32, #tpu.memory_space<hbm>>
          tpu.wait_dma2 semaphore(%arg35 : memref<!tpu.dma_semaphore, #tpu.memory_space<semaphore_mem>>) src(%arg18 : memref<160x64xf32, #tpu.memory_space<vmem>>) dst(%dma_wait3A_243 : memref<160x64xf32, #tpu.memory_space<hbm>>)
        } else {
        }
        %dma_start3A_234 = arith.constant 0 : i32
        %dma_start3A_235 = arith.constant 0 : i32
        %dma_start3A_236 = tpu.memref_slice %arg2[%dma_start3A_234, %dma_start3A_235] : memref<1000000x64xf32, #tpu.memory_space<hbm>> -> memref<1000000x64xf32, #tpu.memory_space<hbm>>
        tpu.enqueue_indirect_dma source(%dma_start3A_236 : memref<1000000x64xf32, #tpu.memory_space<hbm>>) target(%arg18 : memref<160x64xf32, #tpu.memory_space<vmem>>) offsets(%arg10 : memref<160xi32, #tpu.memory_space<vmem>>) semaphore(%arg33 : memref<!tpu.dma_semaphore, #tpu.memory_space<semaphore_mem>>)
        %dma_start3A_237 = arith.constant 0 : i32
        %dma_start3A_238 = arith.constant 0 : i32
        %dma_start3A_239 = tpu.memref_slice %arg25[%dma_start3A_237, %dma_start3A_238] : memref<1000x64xf32, #tpu.memory_space<vmem_shared>> -> memref<1000x64xf32, #tpu.memory_space<vmem_shared>>
        tpu.enqueue_indirect_dma source(%dma_start3A_239 : memref<1000x64xf32, #tpu.memory_space<vmem_shared>>) target(%arg19 : memref<160x64xf32, #tpu.memory_space<vmem>>) offsets(%arg11 : memref<160xi32, #tpu.memory_space<vmem>>) semaphore(%arg34 : memref<!tpu.dma_semaphore, #tpu.memory_space<semaphore_mem>>)
      } else {
      }
      %add3A_193 = arith.constant 3 : i32
      %add3A_194 = arith.addi %add3A_185, %add3A_193 : i32
      %lt3A_195 = arith.constant 160 : i32
      %lt3A_196 = arith.cmpi slt, %add3A_194, %lt3A_195 : i32
      %convert_element_type3A_197 = arith.extui %lt3A_196 : i1 to i32
      %cond3A_198 = arith.constant 0 : i32
      %cond3A_199 = arith.cmpi ne, %convert_element_type3A_197, %cond3A_198 : i32
      scf.if %cond3A_199 {
        %add3A_221 = arith.constant 3 : i32
        %add3A_222 = arith.addi %add3A_185, %add3A_221 : i32
        %mul3A_223 = arith.constant 160 : i32
        %mul3A_224 = arith.muli %add3A_222, %mul3A_223 : i32
        %add3A_225 = arith.addi %mul3A_2, %mul3A_224 : i32
        %dma_start3A_226 = tpu.memref_slice %arg5[%add3A_225] : memref<819200xi32, #tpu.memory_space<hbm>> -> memref<160xi32, #tpu.memory_space<hbm>>
        %dma_start3A_227 = tpu.memref_slice %arg5[%add3A_225] : memref<819200xi32, #tpu.memory_space<hbm>> -> memref<160xi32, #tpu.memory_space<hbm>>
        tpu.enqueue_dma source(%dma_start3A_227 : memref<160xi32, #tpu.memory_space<hbm>>) target(%arg12 : memref<160xi32, #tpu.memory_space<vmem>>) target_semaphore(%arg36 : memref<!tpu.dma_semaphore, #tpu.memory_space<semaphore_mem>>)
        %dma_start3A_228 = tpu.memref_slice %arg6[%add3A_225] : memref<819200xi32, #tpu.memory_space<hbm>> -> memref<160xi32, #tpu.memory_space<hbm>>
        %dma_start3A_229 = tpu.memref_slice %arg6[%add3A_225] : memref<819200xi32, #tpu.memory_space<hbm>> -> memref<160xi32, #tpu.memory_space<hbm>>
        tpu.enqueue_dma source(%dma_start3A_229 : memref<160xi32, #tpu.memory_space<hbm>>) target(%arg13 : memref<160xi32, #tpu.memory_space<vmem>>) target_semaphore(%arg37 : memref<!tpu.dma_semaphore, #tpu.memory_space<semaphore_mem>>)
      } else {
      }
      %mul3A_200 = arith.constant 160 : i32
      %mul3A_201 = arith.muli %add3A_185, %mul3A_200 : i32
      %add3A_202 = arith.addi %mul3A_2, %mul3A_201 : i32
      %dma_wait3A_203 = arith.constant 0 : i32
      %dma_wait3A_204 = arith.constant 0 : i32
      %dma_wait3A_205 = tpu.memref_slice %arg2[%dma_wait3A_203, %dma_wait3A_204] : memref<1000000x64xf32, #tpu.memory_space<hbm>> -> memref<1000000x64xf32, #tpu.memory_space<hbm>>
      tpu.wait_indirect_dma semaphore(%arg43 : memref<!tpu.dma_semaphore, #tpu.memory_space<semaphore_mem>>) src(%dma_wait3A_205 : memref<1000000x64xf32, #tpu.memory_space<hbm>>) dst(%arg22 : memref<160x64xf32, #tpu.memory_space<vmem>>)
      %dma_wait3A_206 = arith.constant 0 : i32
      %dma_wait3A_207 = arith.constant 0 : i32
      %dma_wait3A_208 = tpu.memref_slice %arg25[%dma_wait3A_206, %dma_wait3A_207] : memref<1000x64xf32, #tpu.memory_space<vmem_shared>> -> memref<1000x64xf32, #tpu.memory_space<vmem_shared>>
      tpu.wait_indirect_dma semaphore(%arg44 : memref<!tpu.dma_semaphore, #tpu.memory_space<semaphore_mem>>) src(%dma_wait3A_208 : memref<1000x64xf32, #tpu.memory_space<vmem_shared>>) dst(%arg23 : memref<160x64xf32, #tpu.memory_space<vmem>>)
      %rem3A_209 = arith.constant 200 : i32
      %rem3A_210 = arith.remsi %add3A_202, %rem3A_209 : i32
      %scan3A_211 = arith.constant 0 : i32
      %scan3A_212 = arith.constant 0 : i32
      %scan3A_213 = arith.constant 160 : i32
      %scan3A_214 = arith.addi %scan3A_212, %scan3A_213 : i32
      %scan3A_215 = arith.constant 8 : i32
      scf.for %scan3A_221 = %scan3A_212 to %scan3A_214 step %scan3A_215  : i32 {
        %add3A_222 = arith.addi %rem3A_210, %scan3A_221 : i32
        %get3A = arith.index_cast %scan3A_221 : i32 to index
        %get3A_223 = arith.constant 0 : index
        %get3A_224 = tpu.vector_load %arg23[%get3A, %get3A_223] {strides = array<i32>} : memref<160x64xf32, #tpu.memory_space<vmem>>, vector<1x16xf32>,
        %get3A_225 = vector.shape_cast %get3A_224 : vector<1x16xf32> to vector<16xf32>
        %get3A_226 = arith.index_cast %add3A_222 : i32 to index
        %get3A_227 = arith.constant 0 : index
        %get3A_228 = tpu.vector_load %arg24[%get3A_226, %get3A_227] {strides = array<i32>} : memref<400x64xf32, #tpu.memory_space<vmem>>, vector<1x16xf32>,
        %get3A_229 = vector.shape_cast %get3A_228 : vector<1x16xf32> to vector<16xf32>
        %add3A_230 = arith.addf %get3A_225, %get3A_229 : vector<16xf32>
        %swap3A = arith.index_cast %scan3A_221 : i32 to index
        %swap3A_231 = arith.constant 0 : index
        %swap3A_232 = tpu.vector_load %arg22[%swap3A, %swap3A_231] {strides = array<i32>} : memref<160x64xf32, #tpu.memory_space<vmem>>, vector<1x16xf32>,
        %swap3A_233 = vector.shape_cast %swap3A_232 : vector<1x16xf32> to vector<16xf32>
        %swap3A_234 = vector.shape_cast %add3A_230 : vector<16xf32> to vector<1x16xf32>
        tpu.vector_store %arg22[%swap3A, %swap3A_231], %swap3A_234 {add = true, strides = array<i32>} : memref<160x64xf32, #tpu.memory_space<vmem>>, vector<1x16xf32>,
        %get3A_235 = arith.index_cast %scan3A_221 : i32 to index
        %get3A_236 = arith.constant 16 : index
        %get3A_237 = tpu.vector_load %arg23[%get3A_235, %get3A_236] {strides = array<i32>} : memref<160x64xf32, #tpu.memory_space<vmem>>, vector<1x16xf32>,
        %get3A_238 = vector.shape_cast %get3A_237 : vector<1x16xf32> to vector<16xf32>
        %get3A_239 = arith.index_cast %add3A_222 : i32 to index
        %get3A_240 = arith.constant 16 : index
        %get3A_241 = tpu.vector_load %arg24[%get3A_239, %get3A_240] {strides = array<i32>} : memref<400x64xf32, #tpu.memory_space<vmem>>, vector<1x16xf32>,
        %get3A_242 = vector.shape_cast %get3A_241 : vector<1x16xf32> to vector<16xf32>
        %add3A_243 = arith.addf %get3A_238, %get3A_242 : vector<16xf32>
        %swap3A_244 = arith.index_cast %scan3A_221 : i32 to index
        %swap3A_245 = arith.constant 16 : index
        %swap3A_246 = tpu.vector_load %arg22[%swap3A_244, %swap3A_245] {strides = array<i32>} : memref<160x64xf32, #tpu.memory_space<vmem>>, vector<1x16xf32>,
        %swap3A_247 = vector.shape_cast %swap3A_246 : vector<1x16xf32> to vector<16xf32>
        %swap3A_248 = vector.shape_cast %add3A_243 : vector<16xf32> to vector<1x16xf32>
        tpu.vector_store %arg22[%swap3A_244, %swap3A_245], %swap3A_248 {add = true, strides = array<i32>} : memref<160x64xf32, #tpu.memory_space<vmem>>, vector<1x16xf32>,
        %get3A_249 = arith.index_cast %scan3A_221 : i32 to index
        %get3A_250 = arith.constant 32 : index
        %get3A_251 = tpu.vector_load %arg23[%get3A_249, %get3A_250] {strides = array<i32>} : memref<160x64xf32, #tpu.memory_space<vmem>>, vector<1x16xf32>,
        %get3A_252 = vector.shape_cast %get3A_251 : vector<1x16xf32> to vector<16xf32>
        %get3A_253 = arith.index_cast %add3A_222 : i32 to index
        %get3A_254 = arith.constant 32 : index
        %get3A_255 = tpu.vector_load %arg24[%get3A_253, %get3A_254] {strides = array<i32>} : memref<400x64xf32, #tpu.memory_space<vmem>>, vector<1x16xf32>,
        %get3A_256 = vector.shape_cast %get3A_255 : vector<1x16xf32> to vector<16xf32>
        %add3A_257 = arith.addf %get3A_252, %get3A_256 : vector<16xf32>
        %swap3A_258 = arith.index_cast %scan3A_221 : i32 to index
        %swap3A_259 = arith.constant 32 : index
        %swap3A_260 = tpu.vector_load %arg22[%swap3A_258, %swap3A_259] {strides = array<i32>} : memref<160x64xf32, #tpu.memory_space<vmem>>, vector<1x16xf32>,
        %swap3A_261 = vector.shape_cast %swap3A_260 : vector<1x16xf32> to vector<16xf32>
        %swap3A_262 = vector.shape_cast %add3A_257 : vector<16xf32> to vector<1x16xf32>
        tpu.vector_store %arg22[%swap3A_258, %swap3A_259], %swap3A_262 {add = true, strides = array<i32>} : memref<160x64xf32, #tpu.memory_space<vmem>>, vector<1x16xf32>,
        %get3A_263 = arith.index_cast %scan3A_221 : i32 to index
        %get3A_264 = arith.constant 48 : index
        %get3A_265 = tpu.vector_load %arg23[%get3A_263, %get3A_264] {strides = array<i32>} : memref<160x64xf32, #tpu.memory_space<vmem>>, vector<1x16xf32>,
        %get3A_266 = vector.shape_cast %get3A_265 : vector<1x16xf32> to vector<16xf32>
        %get3A_267 = arith.index_cast %add3A_222 : i32 to index
        %get3A_268 = arith.constant 48 : index
        %get3A_269 = tpu.vector_load %arg24[%get3A_267, %get3A_268] {strides = array<i32>} : memref<400x64xf32, #tpu.memory_space<vmem>>, vector<1x16xf32>,
        %get3A_270 = vector.shape_cast %get3A_269 : vector<1x16xf32> to vector<16xf32>
        %add3A_271 = arith.addf %get3A_266, %get3A_270 : vector<16xf32>
        %swap3A_272 = arith.index_cast %scan3A_221 : i32 to index
        %swap3A_273 = arith.constant 48 : index
        %swap3A_274 = tpu.vector_load %arg22[%swap3A_272, %swap3A_273] {strides = array<i32>} : memref<160x64xf32, #tpu.memory_space<vmem>>, vector<1x16xf32>,
        %swap3A_275 = vector.shape_cast %swap3A_274 : vector<1x16xf32> to vector<16xf32>
        %swap3A_276 = vector.shape_cast %add3A_271 : vector<16xf32> to vector<1x16xf32>
        tpu.vector_store %arg22[%swap3A_272, %swap3A_273], %swap3A_276 {add = true, strides = array<i32>} : memref<160x64xf32, #tpu.memory_space<vmem>>, vector<1x16xf32>,
        %scan3A_277 = arith.constant 1 : i32
        %scan3A_278 = arith.addi %scan3A_221, %scan3A_277 : i32
        %add3A_279 = arith.addi %rem3A_210, %scan3A_278 : i32
        %get3A_280 = arith.index_cast %scan3A_278 : i32 to index
        %get3A_281 = arith.constant 0 : index
        %get3A_282 = tpu.vector_load %arg23[%get3A_280, %get3A_281] {strides = array<i32>} : memref<160x64xf32, #tpu.memory_space<vmem>>, vector<1x16xf32>,
        %get3A_283 = vector.shape_cast %get3A_282 : vector<1x16xf32> to vector<16xf32>
        %get3A_284 = arith.index_cast %add3A_279 : i32 to index
        %get3A_285 = arith.constant 0 : index
        %get3A_286 = tpu.vector_load %arg24[%get3A_284, %get3A_285] {strides = array<i32>} : memref<400x64xf32, #tpu.memory_space<vmem>>, vector<1x16xf32>,
        %get3A_287 = vector.shape_cast %get3A_286 : vector<1x16xf32> to vector<16xf32>
        %add3A_288 = arith.addf %get3A_283, %get3A_287 : vector<16xf32>
        %swap3A_289 = arith.index_cast %scan3A_278 : i32 to index
        %swap3A_290 = arith.constant 0 : index
        %swap3A_291 = tpu.vector_load %arg22[%swap3A_289, %swap3A_290] {strides = array<i32>} : memref<160x64xf32, #tpu.memory_space<vmem>>, vector<1x16xf32>,
        %swap3A_292 = vector.shape_cast %swap3A_291 : vector<1x16xf32> to vector<16xf32>
        %swap3A_293 = vector.shape_cast %add3A_288 : vector<16xf32> to vector<1x16xf32>
        tpu.vector_store %arg22[%swap3A_289, %swap3A_290], %swap3A_293 {add = true, strides = array<i32>} : memref<160x64xf32, #tpu.memory_space<vmem>>, vector<1x16xf32>,
        %get3A_294 = arith.index_cast %scan3A_278 : i32 to index
        %get3A_295 = arith.constant 16 : index
        %get3A_296 = tpu.vector_load %arg23[%get3A_294, %get3A_295] {strides = array<i32>} : memref<160x64xf32, #tpu.memory_space<vmem>>, vector<1x16xf32>,
        %get3A_297 = vector.shape_cast %get3A_296 : vector<1x16xf32> to vector<16xf32>
        %get3A_298 = arith.index_cast %add3A_279 : i32 to index
        %get3A_299 = arith.constant 16 : index
        %get3A_300 = tpu.vector_load %arg24[%get3A_298, %get3A_299] {strides = array<i32>} : memref<400x64xf32, #tpu.memory_space<vmem>>, vector<1x16xf32>,
        %get3A_301 = vector.shape_cast %get3A_300 : vector<1x16xf32> to vector<16xf32>
        %add3A_302 = arith.addf %get3A_297, %get3A_301 : vector<16xf32>
        %swap3A_303 = arith.index_cast %scan3A_278 : i32 to index
        %swap3A_304 = arith.constant 16 : index
        %swap3A_305 = tpu.vector_load %arg22[%swap3A_303, %swap3A_304] {strides = array<i32>} : memref<160x64xf32, #tpu.memory_space<vmem>>, vector<1x16xf32>,
        %swap3A_306 = vector.shape_cast %swap3A_305 : vector<1x16xf32> to vector<16xf32>
        %swap3A_307 = vector.shape_cast %add3A_302 : vector<16xf32> to vector<1x16xf32>
        tpu.vector_store %arg22[%swap3A_303, %swap3A_304], %swap3A_307 {add = true, strides = array<i32>} : memref<160x64xf32, #tpu.memory_space<vmem>>, vector<1x16xf32>,
        %get3A_308 = arith.index_cast %scan3A_278 : i32 to index
        %get3A_309 = arith.constant 32 : index
        %get3A_310 = tpu.vector_load %arg23[%get3A_308, %get3A_309] {strides = array<i32>} : memref<160x64xf32, #tpu.memory_space<vmem>>, vector<1x16xf32>,
        %get3A_311 = vector.shape_cast %get3A_310 : vector<1x16xf32> to vector<16xf32>
        %get3A_312 = arith.index_cast %add3A_279 : i32 to index
        %get3A_313 = arith.constant 32 : index
        %get3A_314 = tpu.vector_load %arg24[%get3A_312, %get3A_313] {strides = array<i32>} : memref<400x64xf32, #tpu.memory_space<vmem>>, vector<1x16xf32>,
        %get3A_315 = vector.shape_cast %get3A_314 : vector<1x16xf32> to vector<16xf32>
        %add3A_316 = arith.addf %get3A_311, %get3A_315 : vector<16xf32>
        %swap3A_317 = arith.index_cast %scan3A_278 : i32 to index
        %swap3A_318 = arith.constant 32 : index
        %swap3A_319 = tpu.vector_load %arg22[%swap3A_317, %swap3A_318] {strides = array<i32>} : memref<160x64xf32, #tpu.memory_space<vmem>>, vector<1x16xf32>,
        %swap3A_320 = vector.shape_cast %swap3A_319 : vector<1x16xf32> to vector<16xf32>
        %swap3A_321 = vector.shape_cast %add3A_316 : vector<16xf32> to vector<1x16xf32>
        tpu.vector_store %arg22[%swap3A_317, %swap3A_318], %swap3A_321 {add = true, strides = array<i32>} : memref<160x64xf32, #tpu.memory_space<vmem>>, vector<1x16xf32>,
        %get3A_322 = arith.index_cast %scan3A_278 : i32 to index
        %get3A_323 = arith.constant 48 : index
        %get3A_324 = tpu.vector_load %arg23[%get3A_322, %get3A_323] {strides = array<i32>} : memref<160x64xf32, #tpu.memory_space<vmem>>, vector<1x16xf32>,
        %get3A_325 = vector.shape_cast %get3A_324 : vector<1x16xf32> to vector<16xf32>
        %get3A_326 = arith.index_cast %add3A_279 : i32 to index
        %get3A_327 = arith.constant 48 : index
        %get3A_328 = tpu.vector_load %arg24[%get3A_326, %get3A_327] {strides = array<i32>} : memref<400x64xf32, #tpu.memory_space<vmem>>, vector<1x16xf32>,
        %get3A_329 = vector.shape_cast %get3A_328 : vector<1x16xf32> to vector<16xf32>
        %add3A_330 = arith.addf %get3A_325, %get3A_329 : vector<16xf32>
        %swap3A_331 = arith.index_cast %scan3A_278 : i32 to index
        %swap3A_332 = arith.constant 48 : index
        %swap3A_333 = tpu.vector_load %arg22[%swap3A_331, %swap3A_332] {strides = array<i32>} : memref<160x64xf32, #tpu.memory_space<vmem>>, vector<1x16xf32>,
        %swap3A_334 = vector.shape_cast %swap3A_333 : vector<1x16xf32> to vector<16xf32>
        %swap3A_335 = vector.shape_cast %add3A_330 : vector<16xf32> to vector<1x16xf32>
        tpu.vector_store %arg22[%swap3A_331, %swap3A_332], %swap3A_335 {add = true, strides = array<i32>} : memref<160x64xf32, #tpu.memory_space<vmem>>, vector<1x16xf32>,
        %scan3A_336 = arith.constant 2 : i32
        %scan3A_337 = arith.addi %scan3A_221, %scan3A_336 : i32
        %add3A_338 = arith.addi %rem3A_210, %scan3A_337 : i32
        %get3A_339 = arith.index_cast %scan3A_337 : i32 to index
        %get3A_340 = arith.constant 0 : index
        %get3A_341 = tpu.vector_load %arg23[%get3A_339, %get3A_340] {strides = array<i32>} : memref<160x64xf32, #tpu.memory_space<vmem>>, vector<1x16xf32>,
        %get3A_342 = vector.shape_cast %get3A_341 : vector<1x16xf32> to vector<16xf32>
        %get3A_343 = arith.index_cast %add3A_338 : i32 to index
        %get3A_344 = arith.constant 0 : index
        %get3A_345 = tpu.vector_load %arg24[%get3A_343, %get3A_344] {strides = array<i32>} : memref<400x64xf32, #tpu.memory_space<vmem>>, vector<1x16xf32>,
        %get3A_346 = vector.shape_cast %get3A_345 : vector<1x16xf32> to vector<16xf32>
        %add3A_347 = arith.addf %get3A_342, %get3A_346 : vector<16xf32>
        %swap3A_348 = arith.index_cast %scan3A_337 : i32 to index
        %swap3A_349 = arith.constant 0 : index
        %swap3A_350 = tpu.vector_load %arg22[%swap3A_348, %swap3A_349] {strides = array<i32>} : memref<160x64xf32, #tpu.memory_space<vmem>>, vector<1x16xf32>,
        %swap3A_351 = vector.shape_cast %swap3A_350 : vector<1x16xf32> to vector<16xf32>
        %swap3A_352 = vector.shape_cast %add3A_347 : vector<16xf32> to vector<1x16xf32>
        tpu.vector_store %arg22[%swap3A_348, %swap3A_349], %swap3A_352 {add = true, strides = array<i32>} : memref<160x64xf32, #tpu.memory_space<vmem>>, vector<1x16xf32>,
        %get3A_353 = arith.index_cast %scan3A_337 : i32 to index
        %get3A_354 = arith.constant 16 : index
        %get3A_355 = tpu.vector_load %arg23[%get3A_353, %get3A_354] {strides = array<i32>} : memref<160x64xf32, #tpu.memory_space<vmem>>, vector<1x16xf32>,
        %get3A_356 = vector.shape_cast %get3A_355 : vector<1x16xf32> to vector<16xf32>
        %get3A_357 = arith.index_cast %add3A_338 : i32 to index
        %get3A_358 = arith.constant 16 : index
        %get3A_359 = tpu.vector_load %arg24[%get3A_357, %get3A_358] {strides = array<i32>} : memref<400x64xf32, #tpu.memory_space<vmem>>, vector<1x16xf32>,
        %get3A_360 = vector.shape_cast %get3A_359 : vector<1x16xf32> to vector<16xf32>
        %add3A_361 = arith.addf %get3A_356, %get3A_360 : vector<16xf32>
        %swap3A_362 = arith.index_cast %scan3A_337 : i32 to index
        %swap3A_363 = arith.constant 16 : index
        %swap3A_364 = tpu.vector_load %arg22[%swap3A_362, %swap3A_363] {strides = array<i32>} : memref<160x64xf32, #tpu.memory_space<vmem>>, vector<1x16xf32>,
        %swap3A_365 = vector.shape_cast %swap3A_364 : vector<1x16xf32> to vector<16xf32>
        %swap3A_366 = vector.shape_cast %add3A_361 : vector<16xf32> to vector<1x16xf32>
        tpu.vector_store %arg22[%swap3A_362, %swap3A_363], %swap3A_366 {add = true, strides = array<i32>} : memref<160x64xf32, #tpu.memory_space<vmem>>, vector<1x16xf32>,
        %get3A_367 = arith.index_cast %scan3A_337 : i32 to index
        %get3A_368 = arith.constant 32 : index
        %get3A_369 = tpu.vector_load %arg23[%get3A_367, %get3A_368] {strides = array<i32>} : memref<160x64xf32, #tpu.memory_space<vmem>>, vector<1x16xf32>,
        %get3A_370 = vector.shape_cast %get3A_369 : vector<1x16xf32> to vector<16xf32>
        %get3A_371 = arith.index_cast %add3A_338 : i32 to index
        %get3A_372 = arith.constant 32 : index
        %get3A_373 = tpu.vector_load %arg24[%get3A_371, %get3A_372] {strides = array<i32>} : memref<400x64xf32, #tpu.memory_space<vmem>>, vector<1x16xf32>,
        %get3A_374 = vector.shape_cast %get3A_373 : vector<1x16xf32> to vector<16xf32>
        %add3A_375 = arith.addf %get3A_370, %get3A_374 : vector<16xf32>
        %swap3A_376 = arith.index_cast %scan3A_337 : i32 to index
        %swap3A_377 = arith.constant 32 : index
        %swap3A_378 = tpu.vector_load %arg22[%swap3A_376, %swap3A_377] {strides = array<i32>} : memref<160x64xf32, #tpu.memory_space<vmem>>, vector<1x16xf32>,
        %swap3A_379 = vector.shape_cast %swap3A_378 : vector<1x16xf32> to vector<16xf32>
        %swap3A_380 = vector.shape_cast %add3A_375 : vector<16xf32> to vector<1x16xf32>
        tpu.vector_store %arg22[%swap3A_376, %swap3A_377], %swap3A_380 {add = true, strides = array<i32>} : memref<160x64xf32, #tpu.memory_space<vmem>>, vector<1x16xf32>,
        %get3A_381 = arith.index_cast %scan3A_337 : i32 to index
        %get3A_382 = arith.constant 48 : index
        %get3A_383 = tpu.vector_load %arg23[%get3A_381, %get3A_382] {strides = array<i32>} : memref<160x64xf32, #tpu.memory_space<vmem>>, vector<1x16xf32>,
        %get3A_384 = vector.shape_cast %get3A_383 : vector<1x16xf32> to vector<16xf32>
        %get3A_385 = arith.index_cast %add3A_338 : i32 to index
        %get3A_386 = arith.constant 48 : index
        %get3A_387 = tpu.vector_load %arg24[%get3A_385, %get3A_386] {strides = array<i32>} : memref<400x64xf32, #tpu.memory_space<vmem>>, vector<1x16xf32>,
        %get3A_388 = vector.shape_cast %get3A_387 : vector<1x16xf32> to vector<16xf32>
        %add3A_389 = arith.addf %get3A_384, %get3A_388 : vector<16xf32>
        %swap3A_390 = arith.index_cast %scan3A_337 : i32 to index
        %swap3A_391 = arith.constant 48 : index
        %swap3A_392 = tpu.vector_load %arg22[%swap3A_390, %swap3A_391] {strides = array<i32>} : memref<160x64xf32, #tpu.memory_space<vmem>>, vector<1x16xf32>,
        %swap3A_393 = vector.shape_cast %swap3A_392 : vector<1x16xf32> to vector<16xf32>
        %swap3A_394 = vector.shape_cast %add3A_389 : vector<16xf32> to vector<1x16xf32>
        tpu.vector_store %arg22[%swap3A_390, %swap3A_391], %swap3A_394 {add = true, strides = array<i32>} : memref<160x64xf32, #tpu.memory_space<vmem>>, vector<1x16xf32>,
        %scan3A_395 = arith.constant 3 : i32
        %scan3A_396 = arith.addi %scan3A_221, %scan3A_395 : i32
        %add3A_397 = arith.addi %rem3A_210, %scan3A_396 : i32
        %get3A_398 = arith.index_cast %scan3A_396 : i32 to index
        %get3A_399 = arith.constant 0 : index
        %get3A_400 = tpu.vector_load %arg23[%get3A_398, %get3A_399] {strides = array<i32>} : memref<160x64xf32, #tpu.memory_space<vmem>>, vector<1x16xf32>,
        %get3A_401 = vector.shape_cast %get3A_400 : vector<1x16xf32> to vector<16xf32>
        %get3A_402 = arith.index_cast %add3A_397 : i32 to index
        %get3A_403 = arith.constant 0 : index
        %get3A_404 = tpu.vector_load %arg24[%get3A_402, %get3A_403] {strides = array<i32>} : memref<400x64xf32, #tpu.memory_space<vmem>>, vector<1x16xf32>,
        %get3A_405 = vector.shape_cast %get3A_404 : vector<1x16xf32> to vector<16xf32>
        %add3A_406 = arith.addf %get3A_401, %get3A_405 : vector<16xf32>
        %swap3A_407 = arith.index_cast %scan3A_396 : i32 to index
        %swap3A_408 = arith.constant 0 : index
        %swap3A_409 = tpu.vector_load %arg22[%swap3A_407, %swap3A_408] {strides = array<i32>} : memref<160x64xf32, #tpu.memory_space<vmem>>, vector<1x16xf32>,
        %swap3A_410 = vector.shape_cast %swap3A_409 : vector<1x16xf32> to vector<16xf32>
        %swap3A_411 = vector.shape_cast %add3A_406 : vector<16xf32> to vector<1x16xf32>
        tpu.vector_store %arg22[%swap3A_407, %swap3A_408], %swap3A_411 {add = true, strides = array<i32>} : memref<160x64xf32, #tpu.memory_space<vmem>>, vector<1x16xf32>,
        %get3A_412 = arith.index_cast %scan3A_396 : i32 to index
        %get3A_413 = arith.constant 16 : index
        %get3A_414 = tpu.vector_load %arg23[%get3A_412, %get3A_413] {strides = array<i32>} : memref<160x64xf32, #tpu.memory_space<vmem>>, vector<1x16xf32>,
        %get3A_415 = vector.shape_cast %get3A_414 : vector<1x16xf32> to vector<16xf32>
        %get3A_416 = arith.index_cast %add3A_397 : i32 to index
        %get3A_417 = arith.constant 16 : index
        %get3A_418 = tpu.vector_load %arg24[%get3A_416, %get3A_417] {strides = array<i32>} : memref<400x64xf32, #tpu.memory_space<vmem>>, vector<1x16xf32>,
        %get3A_419 = vector.shape_cast %get3A_418 : vector<1x16xf32> to vector<16xf32>
        %add3A_420 = arith.addf %get3A_415, %get3A_419 : vector<16xf32>
        %swap3A_421 = arith.index_cast %scan3A_396 : i32 to index
        %swap3A_422 = arith.constant 16 : index
        %swap3A_423 = tpu.vector_load %arg22[%swap3A_421, %swap3A_422] {strides = array<i32>} : memref<160x64xf32, #tpu.memory_space<vmem>>, vector<1x16xf32>,
        %swap3A_424 = vector.shape_cast %swap3A_423 : vector<1x16xf32> to vector<16xf32>
        %swap3A_425 = vector.shape_cast %add3A_420 : vector<16xf32> to vector<1x16xf32>
        tpu.vector_store %arg22[%swap3A_421, %swap3A_422], %swap3A_425 {add = true, strides = array<i32>} : memref<160x64xf32, #tpu.memory_space<vmem>>, vector<1x16xf32>,
        %get3A_426 = arith.index_cast %scan3A_396 : i32 to index
        %get3A_427 = arith.constant 32 : index
        %get3A_428 = tpu.vector_load %arg23[%get3A_426, %get3A_427] {strides = array<i32>} : memref<160x64xf32, #tpu.memory_space<vmem>>, vector<1x16xf32>,
        %get3A_429 = vector.shape_cast %get3A_428 : vector<1x16xf32> to vector<16xf32>
        %get3A_430 = arith.index_cast %add3A_397 : i32 to index
        %get3A_431 = arith.constant 32 : index
        %get3A_432 = tpu.vector_load %arg24[%get3A_430, %get3A_431] {strides = array<i32>} : memref<400x64xf32, #tpu.memory_space<vmem>>, vector<1x16xf32>,
        %get3A_433 = vector.shape_cast %get3A_432 : vector<1x16xf32> to vector<16xf32>
        %add3A_434 = arith.addf %get3A_429, %get3A_433 : vector<16xf32>
        %swap3A_435 = arith.index_cast %scan3A_396 : i32 to index
        %swap3A_436 = arith.constant 32 : index
        %swap3A_437 = tpu.vector_load %arg22[%swap3A_435, %swap3A_436] {strides = array<i32>} : memref<160x64xf32, #tpu.memory_space<vmem>>, vector<1x16xf32>,
        %swap3A_438 = vector.shape_cast %swap3A_437 : vector<1x16xf32> to vector<16xf32>
        %swap3A_439 = vector.shape_cast %add3A_434 : vector<16xf32> to vector<1x16xf32>
        tpu.vector_store %arg22[%swap3A_435, %swap3A_436], %swap3A_439 {add = true, strides = array<i32>} : memref<160x64xf32, #tpu.memory_space<vmem>>, vector<1x16xf32>,
        %get3A_440 = arith.index_cast %scan3A_396 : i32 to index
        %get3A_441 = arith.constant 48 : index
        %get3A_442 = tpu.vector_load %arg23[%get3A_440, %get3A_441] {strides = array<i32>} : memref<160x64xf32, #tpu.memory_space<vmem>>, vector<1x16xf32>,
        %get3A_443 = vector.shape_cast %get3A_442 : vector<1x16xf32> to vector<16xf32>
        %get3A_444 = arith.index_cast %add3A_397 : i32 to index
        %get3A_445 = arith.constant 48 : index
        %get3A_446 = tpu.vector_load %arg24[%get3A_444, %get3A_445] {strides = array<i32>} : memref<400x64xf32, #tpu.memory_space<vmem>>, vector<1x16xf32>,
        %get3A_447 = vector.shape_cast %get3A_446 : vector<1x16xf32> to vector<16xf32>
        %add3A_448 = arith.addf %get3A_443, %get3A_447 : vector<16xf32>
        %swap3A_449 = arith.index_cast %scan3A_396 : i32 to index
        %swap3A_450 = arith.constant 48 : index
        %swap3A_451 = tpu.vector_load %arg22[%swap3A_449, %swap3A_450] {strides = array<i32>} : memref<160x64xf32, #tpu.memory_space<vmem>>, vector<1x16xf32>,
        %swap3A_452 = vector.shape_cast %swap3A_451 : vector<1x16xf32> to vector<16xf32>
        %swap3A_453 = vector.shape_cast %add3A_448 : vector<16xf32> to vector<1x16xf32>
        tpu.vector_store %arg22[%swap3A_449, %swap3A_450], %swap3A_453 {add = true, strides = array<i32>} : memref<160x64xf32, #tpu.memory_space<vmem>>, vector<1x16xf32>,
        %scan3A_454 = arith.constant 4 : i32
        %scan3A_455 = arith.addi %scan3A_221, %scan3A_454 : i32
        %add3A_456 = arith.addi %rem3A_210, %scan3A_455 : i32
        %get3A_457 = arith.index_cast %scan3A_455 : i32 to index
        %get3A_458 = arith.constant 0 : index
        %get3A_459 = tpu.vector_load %arg23[%get3A_457, %get3A_458] {strides = array<i32>} : memref<160x64xf32, #tpu.memory_space<vmem>>, vector<1x16xf32>,
        %get3A_460 = vector.shape_cast %get3A_459 : vector<1x16xf32> to vector<16xf32>
        %get3A_461 = arith.index_cast %add3A_456 : i32 to index
        %get3A_462 = arith.constant 0 : index
        %get3A_463 = tpu.vector_load %arg24[%get3A_461, %get3A_462] {strides = array<i32>} : memref<400x64xf32, #tpu.memory_space<vmem>>, vector<1x16xf32>,
        %get3A_464 = vector.shape_cast %get3A_463 : vector<1x16xf32> to vector<16xf32>
        %add3A_465 = arith.addf %get3A_460, %get3A_464 : vector<16xf32>
        %swap3A_466 = arith.index_cast %scan3A_455 : i32 to index
        %swap3A_467 = arith.constant 0 : index
        %swap3A_468 = tpu.vector_load %arg22[%swap3A_466, %swap3A_467] {strides = array<i32>} : memref<160x64xf32, #tpu.memory_space<vmem>>, vector<1x16xf32>,
        %swap3A_469 = vector.shape_cast %swap3A_468 : vector<1x16xf32> to vector<16xf32>
        %swap3A_470 = vector.shape_cast %add3A_465 : vector<16xf32> to vector<1x16xf32>
        tpu.vector_store %arg22[%swap3A_466, %swap3A_467], %swap3A_470 {add = true, strides = array<i32>} : memref<160x64xf32, #tpu.memory_space<vmem>>, vector<1x16xf32>,
        %get3A_471 = arith.index_cast %scan3A_455 : i32 to index
        %get3A_472 = arith.constant 16 : index
        %get3A_473 = tpu.vector_load %arg23[%get3A_471, %get3A_472] {strides = array<i32>} : memref<160x64xf32, #tpu.memory_space<vmem>>, vector<1x16xf32>,
        %get3A_474 = vector.shape_cast %get3A_473 : vector<1x16xf32> to vector<16xf32>
        %get3A_475 = arith.index_cast %add3A_456 : i32 to index
        %get3A_476 = arith.constant 16 : index
        %get3A_477 = tpu.vector_load %arg24[%get3A_475, %get3A_476] {strides = array<i32>} : memref<400x64xf32, #tpu.memory_space<vmem>>, vector<1x16xf32>,
        %get3A_478 = vector.shape_cast %get3A_477 : vector<1x16xf32> to vector<16xf32>
        %add3A_479 = arith.addf %get3A_474, %get3A_478 : vector<16xf32>
        %swap3A_480 = arith.index_cast %scan3A_455 : i32 to index
        %swap3A_481 = arith.constant 16 : index
        %swap3A_482 = tpu.vector_load %arg22[%swap3A_480, %swap3A_481] {strides = array<i32>} : memref<160x64xf32, #tpu.memory_space<vmem>>, vector<1x16xf32>,
        %swap3A_483 = vector.shape_cast %swap3A_482 : vector<1x16xf32> to vector<16xf32>
        %swap3A_484 = vector.shape_cast %add3A_479 : vector<16xf32> to vector<1x16xf32>
        tpu.vector_store %arg22[%swap3A_480, %swap3A_481], %swap3A_484 {add = true, strides = array<i32>} : memref<160x64xf32, #tpu.memory_space<vmem>>, vector<1x16xf32>,
        %get3A_485 = arith.index_cast %scan3A_455 : i32 to index
        %get3A_486 = arith.constant 32 : index
        %get3A_487 = tpu.vector_load %arg23[%get3A_485, %get3A_486] {strides = array<i32>} : memref<160x64xf32, #tpu.memory_space<vmem>>, vector<1x16xf32>,
        %get3A_488 = vector.shape_cast %get3A_487 : vector<1x16xf32> to vector<16xf32>
        %get3A_489 = arith.index_cast %add3A_456 : i32 to index
        %get3A_490 = arith.constant 32 : index
        %get3A_491 = tpu.vector_load %arg24[%get3A_489, %get3A_490] {strides = array<i32>} : memref<400x64xf32, #tpu.memory_space<vmem>>, vector<1x16xf32>,
        %get3A_492 = vector.shape_cast %get3A_491 : vector<1x16xf32> to vector<16xf32>
        %add3A_493 = arith.addf %get3A_488, %get3A_492 : vector<16xf32>
        %swap3A_494 = arith.index_cast %scan3A_455 : i32 to index
        %swap3A_495 = arith.constant 32 : index
        %swap3A_496 = tpu.vector_load %arg22[%swap3A_494, %swap3A_495] {strides = array<i32>} : memref<160x64xf32, #tpu.memory_space<vmem>>, vector<1x16xf32>,
        %swap3A_497 = vector.shape_cast %swap3A_496 : vector<1x16xf32> to vector<16xf32>
        %swap3A_498 = vector.shape_cast %add3A_493 : vector<16xf32> to vector<1x16xf32>
        tpu.vector_store %arg22[%swap3A_494, %swap3A_495], %swap3A_498 {add = true, strides = array<i32>} : memref<160x64xf32, #tpu.memory_space<vmem>>, vector<1x16xf32>,
        %get3A_499 = arith.index_cast %scan3A_455 : i32 to index
        %get3A_500 = arith.constant 48 : index
        %get3A_501 = tpu.vector_load %arg23[%get3A_499, %get3A_500] {strides = array<i32>} : memref<160x64xf32, #tpu.memory_space<vmem>>, vector<1x16xf32>,
        %get3A_502 = vector.shape_cast %get3A_501 : vector<1x16xf32> to vector<16xf32>
        %get3A_503 = arith.index_cast %add3A_456 : i32 to index
        %get3A_504 = arith.constant 48 : index
        %get3A_505 = tpu.vector_load %arg24[%get3A_503, %get3A_504] {strides = array<i32>} : memref<400x64xf32, #tpu.memory_space<vmem>>, vector<1x16xf32>,
        %get3A_506 = vector.shape_cast %get3A_505 : vector<1x16xf32> to vector<16xf32>
        %add3A_507 = arith.addf %get3A_502, %get3A_506 : vector<16xf32>
        %swap3A_508 = arith.index_cast %scan3A_455 : i32 to index
        %swap3A_509 = arith.constant 48 : index
        %swap3A_510 = tpu.vector_load %arg22[%swap3A_508, %swap3A_509] {strides = array<i32>} : memref<160x64xf32, #tpu.memory_space<vmem>>, vector<1x16xf32>,
        %swap3A_511 = vector.shape_cast %swap3A_510 : vector<1x16xf32> to vector<16xf32>
        %swap3A_512 = vector.shape_cast %add3A_507 : vector<16xf32> to vector<1x16xf32>
        tpu.vector_store %arg22[%swap3A_508, %swap3A_509], %swap3A_512 {add = true, strides = array<i32>} : memref<160x64xf32, #tpu.memory_space<vmem>>, vector<1x16xf32>,
        %scan3A_513 = arith.constant 5 : i32
        %scan3A_514 = arith.addi %scan3A_221, %scan3A_513 : i32
        %add3A_515 = arith.addi %rem3A_210, %scan3A_514 : i32
        %get3A_516 = arith.index_cast %scan3A_514 : i32 to index
        %get3A_517 = arith.constant 0 : index
        %get3A_518 = tpu.vector_load %arg23[%get3A_516, %get3A_517] {strides = array<i32>} : memref<160x64xf32, #tpu.memory_space<vmem>>, vector<1x16xf32>,
        %get3A_519 = vector.shape_cast %get3A_518 : vector<1x16xf32> to vector<16xf32>
        %get3A_520 = arith.index_cast %add3A_515 : i32 to index
        %get3A_521 = arith.constant 0 : index
        %get3A_522 = tpu.vector_load %arg24[%get3A_520, %get3A_521] {strides = array<i32>} : memref<400x64xf32, #tpu.memory_space<vmem>>, vector<1x16xf32>,
        %get3A_523 = vector.shape_cast %get3A_522 : vector<1x16xf32> to vector<16xf32>
        %add3A_524 = arith.addf %get3A_519, %get3A_523 : vector<16xf32>
        %swap3A_525 = arith.index_cast %scan3A_514 : i32 to index
        %swap3A_526 = arith.constant 0 : index
        %swap3A_527 = tpu.vector_load %arg22[%swap3A_525, %swap3A_526] {strides = array<i32>} : memref<160x64xf32, #tpu.memory_space<vmem>>, vector<1x16xf32>,
        %swap3A_528 = vector.shape_cast %swap3A_527 : vector<1x16xf32> to vector<16xf32>
        %swap3A_529 = vector.shape_cast %add3A_524 : vector<16xf32> to vector<1x16xf32>
        tpu.vector_store %arg22[%swap3A_525, %swap3A_526], %swap3A_529 {add = true, strides = array<i32>} : memref<160x64xf32, #tpu.memory_space<vmem>>, vector<1x16xf32>,
        %get3A_530 = arith.index_cast %scan3A_514 : i32 to index
        %get3A_531 = arith.constant 16 : index
        %get3A_532 = tpu.vector_load %arg23[%get3A_530, %get3A_531] {strides = array<i32>} : memref<160x64xf32, #tpu.memory_space<vmem>>, vector<1x16xf32>,
        %get3A_533 = vector.shape_cast %get3A_532 : vector<1x16xf32> to vector<16xf32>
        %get3A_534 = arith.index_cast %add3A_515 : i32 to index
        %get3A_535 = arith.constant 16 : index
        %get3A_536 = tpu.vector_load %arg24[%get3A_534, %get3A_535] {strides = array<i32>} : memref<400x64xf32, #tpu.memory_space<vmem>>, vector<1x16xf32>,
        %get3A_537 = vector.shape_cast %get3A_536 : vector<1x16xf32> to vector<16xf32>
        %add3A_538 = arith.addf %get3A_533, %get3A_537 : vector<16xf32>
        %swap3A_539 = arith.index_cast %scan3A_514 : i32 to index
        %swap3A_540 = arith.constant 16 : index
        %swap3A_541 = tpu.vector_load %arg22[%swap3A_539, %swap3A_540] {strides = array<i32>} : memref<160x64xf32, #tpu.memory_space<vmem>>, vector<1x16xf32>,
        %swap3A_542 = vector.shape_cast %swap3A_541 : vector<1x16xf32> to vector<16xf32>
        %swap3A_543 = vector.shape_cast %add3A_538 : vector<16xf32> to vector<1x16xf32>
        tpu.vector_store %arg22[%swap3A_539, %swap3A_540], %swap3A_543 {add = true, strides = array<i32>} : memref<160x64xf32, #tpu.memory_space<vmem>>, vector<1x16xf32>,
        %get3A_544 = arith.index_cast %scan3A_514 : i32 to index
        %get3A_545 = arith.constant 32 : index
        %get3A_546 = tpu.vector_load %arg23[%get3A_544, %get3A_545] {strides = array<i32>} : memref<160x64xf32, #tpu.memory_space<vmem>>, vector<1x16xf32>,
        %get3A_547 = vector.shape_cast %get3A_546 : vector<1x16xf32> to vector<16xf32>
        %get3A_548 = arith.index_cast %add3A_515 : i32 to index
        %get3A_549 = arith.constant 32 : index
        %get3A_550 = tpu.vector_load %arg24[%get3A_548, %get3A_549] {strides = array<i32>} : memref<400x64xf32, #tpu.memory_space<vmem>>, vector<1x16xf32>,
        %get3A_551 = vector.shape_cast %get3A_550 : vector<1x16xf32> to vector<16xf32>
        %add3A_552 = arith.addf %get3A_547, %get3A_551 : vector<16xf32>
        %swap3A_553 = arith.index_cast %scan3A_514 : i32 to index
        %swap3A_554 = arith.constant 32 : index
        %swap3A_555 = tpu.vector_load %arg22[%swap3A_553, %swap3A_554] {strides = array<i32>} : memref<160x64xf32, #tpu.memory_space<vmem>>, vector<1x16xf32>,
        %swap3A_556 = vector.shape_cast %swap3A_555 : vector<1x16xf32> to vector<16xf32>
        %swap3A_557 = vector.shape_cast %add3A_552 : vector<16xf32> to vector<1x16xf32>
        tpu.vector_store %arg22[%swap3A_553, %swap3A_554], %swap3A_557 {add = true, strides = array<i32>} : memref<160x64xf32, #tpu.memory_space<vmem>>, vector<1x16xf32>,
        %get3A_558 = arith.index_cast %scan3A_514 : i32 to index
        %get3A_559 = arith.constant 48 : index
        %get3A_560 = tpu.vector_load %arg23[%get3A_558, %get3A_559] {strides = array<i32>} : memref<160x64xf32, #tpu.memory_space<vmem>>, vector<1x16xf32>,
        %get3A_561 = vector.shape_cast %get3A_560 : vector<1x16xf32> to vector<16xf32>
        %get3A_562 = arith.index_cast %add3A_515 : i32 to index
        %get3A_563 = arith.constant 48 : index
        %get3A_564 = tpu.vector_load %arg24[%get3A_562, %get3A_563] {strides = array<i32>} : memref<400x64xf32, #tpu.memory_space<vmem>>, vector<1x16xf32>,
        %get3A_565 = vector.shape_cast %get3A_564 : vector<1x16xf32> to vector<16xf32>
        %add3A_566 = arith.addf %get3A_561, %get3A_565 : vector<16xf32>
        %swap3A_567 = arith.index_cast %scan3A_514 : i32 to index
        %swap3A_568 = arith.constant 48 : index
        %swap3A_569 = tpu.vector_load %arg22[%swap3A_567, %swap3A_568] {strides = array<i32>} : memref<160x64xf32, #tpu.memory_space<vmem>>, vector<1x16xf32>,
        %swap3A_570 = vector.shape_cast %swap3A_569 : vector<1x16xf32> to vector<16xf32>
        %swap3A_571 = vector.shape_cast %add3A_566 : vector<16xf32> to vector<1x16xf32>
        tpu.vector_store %arg22[%swap3A_567, %swap3A_568], %swap3A_571 {add = true, strides = array<i32>} : memref<160x64xf32, #tpu.memory_space<vmem>>, vector<1x16xf32>,
        %scan3A_572 = arith.constant 6 : i32
        %scan3A_573 = arith.addi %scan3A_221, %scan3A_572 : i32
        %add3A_574 = arith.addi %rem3A_210, %scan3A_573 : i32
        %get3A_575 = arith.index_cast %scan3A_573 : i32 to index
        %get3A_576 = arith.constant 0 : index
        %get3A_577 = tpu.vector_load %arg23[%get3A_575, %get3A_576] {strides = array<i32>} : memref<160x64xf32, #tpu.memory_space<vmem>>, vector<1x16xf32>,
        %get3A_578 = vector.shape_cast %get3A_577 : vector<1x16xf32> to vector<16xf32>
        %get3A_579 = arith.index_cast %add3A_574 : i32 to index
        %get3A_580 = arith.constant 0 : index
        %get3A_581 = tpu.vector_load %arg24[%get3A_579, %get3A_580] {strides = array<i32>} : memref<400x64xf32, #tpu.memory_space<vmem>>, vector<1x16xf32>,
        %get3A_582 = vector.shape_cast %get3A_581 : vector<1x16xf32> to vector<16xf32>
        %add3A_583 = arith.addf %get3A_578, %get3A_582 : vector<16xf32>
        %swap3A_584 = arith.index_cast %scan3A_573 : i32 to index
        %swap3A_585 = arith.constant 0 : index
        %swap3A_586 = tpu.vector_load %arg22[%swap3A_584, %swap3A_585] {strides = array<i32>} : memref<160x64xf32, #tpu.memory_space<vmem>>, vector<1x16xf32>,
        %swap3A_587 = vector.shape_cast %swap3A_586 : vector<1x16xf32> to vector<16xf32>
        %swap3A_588 = vector.shape_cast %add3A_583 : vector<16xf32> to vector<1x16xf32>
        tpu.vector_store %arg22[%swap3A_584, %swap3A_585], %swap3A_588 {add = true, strides = array<i32>} : memref<160x64xf32, #tpu.memory_space<vmem>>, vector<1x16xf32>,
        %get3A_589 = arith.index_cast %scan3A_573 : i32 to index
        %get3A_590 = arith.constant 16 : index
        %get3A_591 = tpu.vector_load %arg23[%get3A_589, %get3A_590] {strides = array<i32>} : memref<160x64xf32, #tpu.memory_space<vmem>>, vector<1x16xf32>,
        %get3A_592 = vector.shape_cast %get3A_591 : vector<1x16xf32> to vector<16xf32>
        %get3A_593 = arith.index_cast %add3A_574 : i32 to index
        %get3A_594 = arith.constant 16 : index
        %get3A_595 = tpu.vector_load %arg24[%get3A_593, %get3A_594] {strides = array<i32>} : memref<400x64xf32, #tpu.memory_space<vmem>>, vector<1x16xf32>,
        %get3A_596 = vector.shape_cast %get3A_595 : vector<1x16xf32> to vector<16xf32>
        %add3A_597 = arith.addf %get3A_592, %get3A_596 : vector<16xf32>
        %swap3A_598 = arith.index_cast %scan3A_573 : i32 to index
        %swap3A_599 = arith.constant 16 : index
        %swap3A_600 = tpu.vector_load %arg22[%swap3A_598, %swap3A_599] {strides = array<i32>} : memref<160x64xf32, #tpu.memory_space<vmem>>, vector<1x16xf32>,
        %swap3A_601 = vector.shape_cast %swap3A_600 : vector<1x16xf32> to vector<16xf32>
        %swap3A_602 = vector.shape_cast %add3A_597 : vector<16xf32> to vector<1x16xf32>
        tpu.vector_store %arg22[%swap3A_598, %swap3A_599], %swap3A_602 {add = true, strides = array<i32>} : memref<160x64xf32, #tpu.memory_space<vmem>>, vector<1x16xf32>,
        %get3A_603 = arith.index_cast %scan3A_573 : i32 to index
        %get3A_604 = arith.constant 32 : index
        %get3A_605 = tpu.vector_load %arg23[%get3A_603, %get3A_604] {strides = array<i32>} : memref<160x64xf32, #tpu.memory_space<vmem>>, vector<1x16xf32>,
        %get3A_606 = vector.shape_cast %get3A_605 : vector<1x16xf32> to vector<16xf32>
        %get3A_607 = arith.index_cast %add3A_574 : i32 to index
        %get3A_608 = arith.constant 32 : index
        %get3A_609 = tpu.vector_load %arg24[%get3A_607, %get3A_608] {strides = array<i32>} : memref<400x64xf32, #tpu.memory_space<vmem>>, vector<1x16xf32>,
        %get3A_610 = vector.shape_cast %get3A_609 : vector<1x16xf32> to vector<16xf32>
        %add3A_611 = arith.addf %get3A_606, %get3A_610 : vector<16xf32>
        %swap3A_612 = arith.index_cast %scan3A_573 : i32 to index
        %swap3A_613 = arith.constant 32 : index
        %swap3A_614 = tpu.vector_load %arg22[%swap3A_612, %swap3A_613] {strides = array<i32>} : memref<160x64xf32, #tpu.memory_space<vmem>>, vector<1x16xf32>,
        %swap3A_615 = vector.shape_cast %swap3A_614 : vector<1x16xf32> to vector<16xf32>
        %swap3A_616 = vector.shape_cast %add3A_611 : vector<16xf32> to vector<1x16xf32>
        tpu.vector_store %arg22[%swap3A_612, %swap3A_613], %swap3A_616 {add = true, strides = array<i32>} : memref<160x64xf32, #tpu.memory_space<vmem>>, vector<1x16xf32>,
        %get3A_617 = arith.index_cast %scan3A_573 : i32 to index
        %get3A_618 = arith.constant 48 : index
        %get3A_619 = tpu.vector_load %arg23[%get3A_617, %get3A_618] {strides = array<i32>} : memref<160x64xf32, #tpu.memory_space<vmem>>, vector<1x16xf32>,
        %get3A_620 = vector.shape_cast %get3A_619 : vector<1x16xf32> to vector<16xf32>
        %get3A_621 = arith.index_cast %add3A_574 : i32 to index
        %get3A_622 = arith.constant 48 : index
        %get3A_623 = tpu.vector_load %arg24[%get3A_621, %get3A_622] {strides = array<i32>} : memref<400x64xf32, #tpu.memory_space<vmem>>, vector<1x16xf32>,
        %get3A_624 = vector.shape_cast %get3A_623 : vector<1x16xf32> to vector<16xf32>
        %add3A_625 = arith.addf %get3A_620, %get3A_624 : vector<16xf32>
        %swap3A_626 = arith.index_cast %scan3A_573 : i32 to index
        %swap3A_627 = arith.constant 48 : index
        %swap3A_628 = tpu.vector_load %arg22[%swap3A_626, %swap3A_627] {strides = array<i32>} : memref<160x64xf32, #tpu.memory_space<vmem>>, vector<1x16xf32>,
        %swap3A_629 = vector.shape_cast %swap3A_628 : vector<1x16xf32> to vector<16xf32>
        %swap3A_630 = vector.shape_cast %add3A_625 : vector<16xf32> to vector<1x16xf32>
        tpu.vector_store %arg22[%swap3A_626, %swap3A_627], %swap3A_630 {add = true, strides = array<i32>} : memref<160x64xf32, #tpu.memory_space<vmem>>, vector<1x16xf32>,
        %scan3A_631 = arith.constant 7 : i32
        %scan3A_632 = arith.addi %scan3A_221, %scan3A_631 : i32
        %add3A_633 = arith.addi %rem3A_210, %scan3A_632 : i32
        %get3A_634 = arith.index_cast %scan3A_632 : i32 to index
        %get3A_635 = arith.constant 0 : index
        %get3A_636 = tpu.vector_load %arg23[%get3A_634, %get3A_635] {strides = array<i32>} : memref<160x64xf32, #tpu.memory_space<vmem>>, vector<1x16xf32>,
        %get3A_637 = vector.shape_cast %get3A_636 : vector<1x16xf32> to vector<16xf32>
        %get3A_638 = arith.index_cast %add3A_633 : i32 to index
        %get3A_639 = arith.constant 0 : index
        %get3A_640 = tpu.vector_load %arg24[%get3A_638, %get3A_639] {strides = array<i32>} : memref<400x64xf32, #tpu.memory_space<vmem>>, vector<1x16xf32>,
        %get3A_641 = vector.shape_cast %get3A_640 : vector<1x16xf32> to vector<16xf32>
        %add3A_642 = arith.addf %get3A_637, %get3A_641 : vector<16xf32>
        %swap3A_643 = arith.index_cast %scan3A_632 : i32 to index
        %swap3A_644 = arith.constant 0 : index
        %swap3A_645 = tpu.vector_load %arg22[%swap3A_643, %swap3A_644] {strides = array<i32>} : memref<160x64xf32, #tpu.memory_space<vmem>>, vector<1x16xf32>,
        %swap3A_646 = vector.shape_cast %swap3A_645 : vector<1x16xf32> to vector<16xf32>
        %swap3A_647 = vector.shape_cast %add3A_642 : vector<16xf32> to vector<1x16xf32>
        tpu.vector_store %arg22[%swap3A_643, %swap3A_644], %swap3A_647 {add = true, strides = array<i32>} : memref<160x64xf32, #tpu.memory_space<vmem>>, vector<1x16xf32>,
        %get3A_648 = arith.index_cast %scan3A_632 : i32 to index
        %get3A_649 = arith.constant 16 : index
        %get3A_650 = tpu.vector_load %arg23[%get3A_648, %get3A_649] {strides = array<i32>} : memref<160x64xf32, #tpu.memory_space<vmem>>, vector<1x16xf32>,
        %get3A_651 = vector.shape_cast %get3A_650 : vector<1x16xf32> to vector<16xf32>
        %get3A_652 = arith.index_cast %add3A_633 : i32 to index
        %get3A_653 = arith.constant 16 : index
        %get3A_654 = tpu.vector_load %arg24[%get3A_652, %get3A_653] {strides = array<i32>} : memref<400x64xf32, #tpu.memory_space<vmem>>, vector<1x16xf32>,
        %get3A_655 = vector.shape_cast %get3A_654 : vector<1x16xf32> to vector<16xf32>
        %add3A_656 = arith.addf %get3A_651, %get3A_655 : vector<16xf32>
        %swap3A_657 = arith.index_cast %scan3A_632 : i32 to index
        %swap3A_658 = arith.constant 16 : index
        %swap3A_659 = tpu.vector_load %arg22[%swap3A_657, %swap3A_658] {strides = array<i32>} : memref<160x64xf32, #tpu.memory_space<vmem>>, vector<1x16xf32>,
        %swap3A_660 = vector.shape_cast %swap3A_659 : vector<1x16xf32> to vector<16xf32>
        %swap3A_661 = vector.shape_cast %add3A_656 : vector<16xf32> to vector<1x16xf32>
        tpu.vector_store %arg22[%swap3A_657, %swap3A_658], %swap3A_661 {add = true, strides = array<i32>} : memref<160x64xf32, #tpu.memory_space<vmem>>, vector<1x16xf32>,
        %get3A_662 = arith.index_cast %scan3A_632 : i32 to index
        %get3A_663 = arith.constant 32 : index
        %get3A_664 = tpu.vector_load %arg23[%get3A_662, %get3A_663] {strides = array<i32>} : memref<160x64xf32, #tpu.memory_space<vmem>>, vector<1x16xf32>,
        %get3A_665 = vector.shape_cast %get3A_664 : vector<1x16xf32> to vector<16xf32>
        %get3A_666 = arith.index_cast %add3A_633 : i32 to index
        %get3A_667 = arith.constant 32 : index
        %get3A_668 = tpu.vector_load %arg24[%get3A_666, %get3A_667] {strides = array<i32>} : memref<400x64xf32, #tpu.memory_space<vmem>>, vector<1x16xf32>,
        %get3A_669 = vector.shape_cast %get3A_668 : vector<1x16xf32> to vector<16xf32>
        %add3A_670 = arith.addf %get3A_665, %get3A_669 : vector<16xf32>
        %swap3A_671 = arith.index_cast %scan3A_632 : i32 to index
        %swap3A_672 = arith.constant 32 : index
        %swap3A_673 = tpu.vector_load %arg22[%swap3A_671, %swap3A_672] {strides = array<i32>} : memref<160x64xf32, #tpu.memory_space<vmem>>, vector<1x16xf32>,
        %swap3A_674 = vector.shape_cast %swap3A_673 : vector<1x16xf32> to vector<16xf32>
        %swap3A_675 = vector.shape_cast %add3A_670 : vector<16xf32> to vector<1x16xf32>
        tpu.vector_store %arg22[%swap3A_671, %swap3A_672], %swap3A_675 {add = true, strides = array<i32>} : memref<160x64xf32, #tpu.memory_space<vmem>>, vector<1x16xf32>,
        %get3A_676 = arith.index_cast %scan3A_632 : i32 to index
        %get3A_677 = arith.constant 48 : index
        %get3A_678 = tpu.vector_load %arg23[%get3A_676, %get3A_677] {strides = array<i32>} : memref<160x64xf32, #tpu.memory_space<vmem>>, vector<1x16xf32>,
        %get3A_679 = vector.shape_cast %get3A_678 : vector<1x16xf32> to vector<16xf32>
        %get3A_680 = arith.index_cast %add3A_633 : i32 to index
        %get3A_681 = arith.constant 48 : index
        %get3A_682 = tpu.vector_load %arg24[%get3A_680, %get3A_681] {strides = array<i32>} : memref<400x64xf32, #tpu.memory_space<vmem>>, vector<1x16xf32>,
        %get3A_683 = vector.shape_cast %get3A_682 : vector<1x16xf32> to vector<16xf32>
        %add3A_684 = arith.addf %get3A_679, %get3A_683 : vector<16xf32>
        %swap3A_685 = arith.index_cast %scan3A_632 : i32 to index
        %swap3A_686 = arith.constant 48 : index
        %swap3A_687 = tpu.vector_load %arg22[%swap3A_685, %swap3A_686] {strides = array<i32>} : memref<160x64xf32, #tpu.memory_space<vmem>>, vector<1x16xf32>,
        %swap3A_688 = vector.shape_cast %swap3A_687 : vector<1x16xf32> to vector<16xf32>
        %swap3A_689 = vector.shape_cast %add3A_684 : vector<16xf32> to vector<1x16xf32>
        tpu.vector_store %arg22[%swap3A_685, %swap3A_686], %swap3A_689 {add = true, strides = array<i32>} : memref<160x64xf32, #tpu.memory_space<vmem>>, vector<1x16xf32>,
      }
      %scan3A_216 = arith.constant 160 : i32
      %dma_start3A_217 = arith.constant 0 : i32
      %dma_start3A_218 = tpu.memref_slice %arg7[%add3A_202, %dma_start3A_217] : memref<819200x64xf32, #tpu.memory_space<hbm>> -> memref<160x64xf32, #tpu.memory_space<hbm>>
      %dma_start3A_219 = arith.constant 0 : i32
      %dma_start3A_220 = tpu.memref_slice %arg7[%add3A_202, %dma_start3A_219] : memref<819200x64xf32, #tpu.memory_space<hbm>> -> memref<160x64xf32, #tpu.memory_space<hbm>>
      tpu.enqueue_dma source(%arg22 : memref<160x64xf32, #tpu.memory_space<vmem>>) target(%dma_start3A_220 : memref<160x64xf32, #tpu.memory_space<hbm>>) target_semaphore(%arg45 : memref<!tpu.dma_semaphore, #tpu.memory_space<semaphore_mem>>)
    }
    %scan3A_49 = arith.constant 40 : i32
    %dma_wait3A_50 = arith.constant 0 : i32
    %dma_wait3A_51 = tpu.memref_slice %arg7[%mul3A_2, %dma_wait3A_50] : memref<819200x64xf32, #tpu.memory_space<hbm>> -> memref<160x64xf32, #tpu.memory_space<hbm>>
    %dma_wait3A_52 = arith.constant 0 : i32
    %dma_wait3A_53 = tpu.memref_slice %arg7[%mul3A_2, %dma_wait3A_52] : memref<819200x64xf32, #tpu.memory_space<hbm>> -> memref<160x64xf32, #tpu.memory_space<hbm>>
    tpu.wait_dma2 semaphore(%arg30 : memref<!tpu.dma_semaphore, #tpu.memory_space<semaphore_mem>>) src(%arg16 : memref<160x64xf32, #tpu.memory_space<vmem>>) dst(%dma_wait3A_53 : memref<160x64xf32, #tpu.memory_space<hbm>>)
    %dma_wait3A_54 = arith.constant 0 : i32
    %dma_wait3A_55 = tpu.memref_slice %arg7[%mul3A_2, %dma_wait3A_54] : memref<819200x64xf32, #tpu.memory_space<hbm>> -> memref<160x64xf32, #tpu.memory_space<hbm>>
    %dma_wait3A_56 = arith.constant 0 : i32
    %dma_wait3A_57 = tpu.memref_slice %arg7[%mul3A_2, %dma_wait3A_56] : memref<819200x64xf32, #tpu.memory_space<hbm>> -> memref<160x64xf32, #tpu.memory_space<hbm>>
    tpu.wait_dma2 semaphore(%arg35 : memref<!tpu.dma_semaphore, #tpu.memory_space<semaphore_mem>>) src(%arg18 : memref<160x64xf32, #tpu.memory_space<vmem>>) dst(%dma_wait3A_57 : memref<160x64xf32, #tpu.memory_space<hbm>>)
    %dma_wait3A_58 = arith.constant 0 : i32
    %dma_wait3A_59 = tpu.memref_slice %arg7[%mul3A_2, %dma_wait3A_58] : memref<819200x64xf32, #tpu.memory_space<hbm>> -> memref<160x64xf32, #tpu.memory_space<hbm>>
    %dma_wait3A_60 = arith.constant 0 : i32
    %dma_wait3A_61 = tpu.memref_slice %arg7[%mul3A_2, %dma_wait3A_60] : memref<819200x64xf32, #tpu.memory_space<hbm>> -> memref<160x64xf32, #tpu.memory_space<hbm>>
    tpu.wait_dma2 semaphore(%arg40 : memref<!tpu.dma_semaphore, #tpu.memory_space<semaphore_mem>>) src(%arg20 : memref<160x64xf32, #tpu.memory_space<vmem>>) dst(%dma_wait3A_61 : memref<160x64xf32, #tpu.memory_space<hbm>>)
    %dma_wait3A_62 = arith.constant 0 : i32
    %dma_wait3A_63 = tpu.memref_slice %arg7[%mul3A_2, %dma_wait3A_62] : memref<819200x64xf32, #tpu.memory_space<hbm>> -> memref<160x64xf32, #tpu.memory_space<hbm>>
    %dma_wait3A_64 = arith.constant 0 : i32
    %dma_wait3A_65 = tpu.memref_slice %arg7[%mul3A_2, %dma_wait3A_64] : memref<819200x64xf32, #tpu.memory_space<hbm>> -> memref<160x64xf32, #tpu.memory_space<hbm>>
    tpu.wait_dma2 semaphore(%arg45 : memref<!tpu.dma_semaphore, #tpu.memory_space<semaphore_mem>>) src(%arg22 : memref<160x64xf32, #tpu.memory_space<vmem>>) dst(%dma_wait3A_65 : memref<160x64xf32, #tpu.memory_space<hbm>>)
    return
  }
}

module attributes {stable_mosaic.version = 14 : i64} {
  func.func @_prep_body(%arg0: memref<1000x32xf32, #tpu.memory_space<vmem>>, %arg1: memref<32x64xf32, #tpu.memory_space<vmem>>, %arg2: memref<1x64xf32, #tpu.memory_space<vmem>>, %arg3: memref<200x64xf32, #tpu.memory_space<vmem>>, %arg4: memref<1000x64xf32, #tpu.memory_space<vmem>>, %arg5: memref<200x64xf32, #tpu.memory_space<vmem>>) attributes {dimension_semantics = [], scalar_prefetch = 0 : i64, scratch_operands = 0 : i64, tpu.core_type = #tpu.core_type<tc>} {
    %get3A = arith.constant 0 : index
    %get3A_0 = arith.constant 0 : index
    %get3A_1 = vector.load %arg0[%get3A, %get3A_0] : memref<1000x32xf32, #tpu.memory_space<vmem>>, vector<1000x32xf32>
    %get3A_2 = arith.constant 0 : index
    %get3A_3 = arith.constant 0 : index
    %get3A_4 = vector.load %arg1[%get3A_2, %get3A_3] : memref<32x64xf32, #tpu.memory_space<vmem>>, vector<32x64xf32>
    %dot_general3A = arith.constant dense<0.000000e+00> : vector<1000x64xf32>
    %dot_general3A_5 = tpu.matmul %get3A_1, %get3A_4, %dot_general3A {dimension_numbers = #tpu.dot_dimension_numbers<[1], [0], [0], [1], [0, 0, 1, 1], [], []>, transpose_lhs_hint = false} : vector<1000x32xf32>, vector<32x64xf32>, vector<1000x64xf32> -> vector<1000x64xf32>
    %swap3A = arith.constant 0 : index
    %swap3A_6 = arith.constant 0 : index
    %swap3A_7 = vector.load %arg4[%swap3A, %swap3A_6] : memref<1000x64xf32, #tpu.memory_space<vmem>>, vector<1000x64xf32>
    tpu.vector_store %arg4[%swap3A, %swap3A_6], %dot_general3A_5 {strides = array<i32>} : memref<1000x64xf32, #tpu.memory_space<vmem>>, vector<1000x64xf32>,
    %get3A_8 = arith.constant 0 : index
    %get3A_9 = arith.constant 0 : index
    %get3A_10 = vector.load %arg3[%get3A_8, %get3A_9] : memref<200x64xf32, #tpu.memory_space<vmem>>, vector<200x64xf32>
    %get3A_11 = arith.constant 0 : index
    %get3A_12 = arith.constant 0 : index
    %get3A_13 = vector.load %arg2[%get3A_11, %get3A_12] : memref<1x64xf32, #tpu.memory_space<vmem>>, vector<1x64xf32>
    %add3A = vector.broadcast %get3A_13 : vector<1x64xf32> to vector<200x64xf32>
    %add3A_14 = arith.addf %get3A_10, %add3A : vector<200x64xf32>
    %swap3A_15 = arith.constant 0 : index
    %swap3A_16 = arith.constant 0 : index
    %swap3A_17 = vector.load %arg5[%swap3A_15, %swap3A_16] : memref<200x64xf32, #tpu.memory_space<vmem>>, vector<200x64xf32>
    tpu.vector_store %arg5[%swap3A_15, %swap3A_16], %add3A_14 {strides = array<i32>} : memref<200x64xf32, #tpu.memory_space<vmem>>, vector<200x64xf32>,
    return
  }
}

module attributes {stable_mosaic.version = 14 : i64} {
  func.func @_relayout_body(%arg0: i32, %arg1: memref<64x8192xf32, #tpu.memory_space<vmem>>, %arg2: memref<4096x128xf32, #tpu.memory_space<vmem>>) attributes {dimension_semantics = [#tpu.dimension_semantics<arbitrary>], iteration_bounds = array<i64: 123>, scalar_prefetch = 0 : i64, scratch_operands = 0 : i64, tpu.core_type = #tpu.core_type<tc>, window_params = [{transform_indices = @transform_0, window_bounds = array<i64: 64, 8192>}, {transform_indices = @transform_1, window_bounds = array<i64: 4096, 128>}]} {
    %get3A = arith.constant 0 : index
    %get3A_0 = arith.constant 0 : index
    %get3A_1 = vector.load %arg1[%get3A, %get3A_0] : memref<64x8192xf32, #tpu.memory_space<vmem>>, vector<64x8192xf32>
    %transpose3A = tpu.transpose %get3A_1, [1, 0] : vector<64x8192xf32> -> vector<8192x64xf32>
    %reshape3A = vector.shape_cast %transpose3A : vector<8192x64xf32> to vector<4096x2x64xf32>
    %slice3A = vector.extract_strided_slice %reshape3A {offsets = [0, 0, 0], sizes = [4096, 1, 64], strides = [1, 1, 1]} : vector<4096x2x64xf32> to vector<4096x1x64xf32>
    %squeeze3A = vector.shape_cast %slice3A : vector<4096x1x64xf32> to vector<4096x64xf32>
    %slice3A_2 = vector.extract_strided_slice %reshape3A {offsets = [0, 1, 0], sizes = [4096, 1, 64], strides = [1, 1, 1]} : vector<4096x2x64xf32> to vector<4096x1x64xf32>
    %squeeze3A_3 = vector.shape_cast %slice3A_2 : vector<4096x1x64xf32> to vector<4096x64xf32>
    %concatenate3A = tpu.concatenate %squeeze3A, %squeeze3A_3 in 1 : vector<4096x64xf32>, vector<4096x64xf32> -> vector<4096x128xf32>
    %swap3A = arith.constant 0 : index
    %swap3A_4 = arith.constant 0 : index
    %swap3A_5 = vector.load %arg2[%swap3A, %swap3A_4] : memref<4096x128xf32, #tpu.memory_space<vmem>>, vector<4096x128xf32>
    tpu.vector_store %arg2[%swap3A, %swap3A_4], %concatenate3A {strides = array<i32>} : memref<4096x128xf32, #tpu.memory_space<vmem>>, vector<4096x128xf32>,
    return
  }
  func.func @transform_0(%arg0: i32) -> (i32, i32) {
    %c0_i32 = arith.constant 0 : i32
    %c0_i32_0 = arith.constant 0 : i32
    return %c0_i32, %arg0 : i32, i32
  }
  func.func @transform_1(%arg0: i32) -> (i32, i32) {
    %c0_i32 = arith.constant 0 : i32
    %c0_i32_0 = arith.constant 0 : i32
    return %arg0, %c0_i32 : i32, i32
  }
}

</mosaic_0001>

<sc_bundles>
// kernel: kernel.5.cloned.1.call-start
scs
__scs_entry_jumppad:
0x0: {  	(pc) =	sbr.rel $0x88, $3  }
0x1: {  	(tag) =	ssettag $0x0;
	lr =	simm.s32 $0x1  }
0x2: {  	[smem:$0x3F9A] =	sst lr;
	_ =	strace $0xD0000000  }
0x3: {  	_ = 	snop  }
0x4: {  	_ = 	snop  }
0x5: {  	_ = 	snop  }
0x6: {  	_ = 	snop  }
0x7: {  	_ = 	snop  }
__scs_overlays_trampoline_lowered:
0x8: {  	[smem:$0x3FA9] =	sst s0  }
0x9: {  	[smem:$0x3FAA] =	sst s1  }
0xa: {  	[smem:$0x3FAB] =	sst s2  }
0xb: {  	[smem:$0x3FAC] =	sst s3  }
0xc: {  	[smem:$0x3FAD] =	sst s4  }
0xd: {  	[smem:$0x3FAE] =	sst s5  }
0xe: {  	[smem:$0x3FAF] =	sst s6  }
0xf: {  	[smem:$0x3FB0] =	sst s7  }
0x10: {  	[smem:$0x3FB1] =	sst s8  }
0x11: {  	[smem:$0x3FB2] =	sst s9;
	s0 =	simm.s32 @!p0 $0x0  }
0x12: {  	s1 =	sld [smem:$0x3F98];
	s0 =	simm.s32 @p0 $0x1  }
0x13: {  	[smem:$0x3FB3] =	sst s0;
	s0 =	simm.s32 @!p1 $0x0  }
0x14: {  	s2 =	sld [smem:$0x3F97];
	s0 =	simm.s32 @p1 $0x1  }
0x15: {  	[smem:$0x3FB4] =	sst s0;
	s0 =	simm.s32 @!p2 $0x0  }
0x16: {  	s3 =	sld [smem:$0x3FDB];
	s0 =	simm.s32 @p2 $0x1  }
0x17: {  	s4 =	simm.s32 $0x1BF5;
	[smem:$0x3FB6] =	sst s0  }
0x18: {  	s0 =	sld [smem:$0x3F99];
	_ =	swait.ge [sflag:s4], $0x0  }
0x19: {  	s7 =	sld [smem:$0x3F9A]  }
0x1a: {  	s8 =	sadd.s32 $0xFFFFE003, lr  }
0x1b: {  	s9 =	sadd.s32 $0xFFFFFEF7, lr;
	s5 =	simm.s32 $0xFFFFFFFF;
	p2 =	slt.u32 s8, $0xFFFFF086  }
0x1c: {  	p1 =	slt.u32 s9, $0xF7A;
	s5 =	simm.s32 @!p2 $0x0  }
0x1d: {  	s5 =	simm.s32 @p1 $0x1;
	p0 =	seq.s32 s7, s2  }
0x1e: {  	s7 =	smul.u32 @!p0 $0xF7A, s2;
	p2 =	seq.s32 @!p0 s5, $0x0  }
0x1f: {  	s9 =	smul.u32 $0xF7A, s1;
	s8 =	simm.s32 @!p0 $0x1BF5;
	p2 =	por !p2, p0  }
0x20: {  	[sflag:s8] =	ssyncset.s32 @!p0 $0xFFFFF086;
	s6 =	sadd.s32 @!p0 s3, s7;
	s7 =	simm.s32 @!p0 $0x108  }
0x21: {  	s3 =	sadd.s32 s3, s9;
	s6 =	sadd.s32 @!p0 $0x88, s6;
	s7 =	simm.s32 @p2 $0x1082  }
0x22: {  	[simem:s7], [sflag:s8] =	dma.local @!p0 [hbm:s6], $0xF7A  }
0x23: {  	s9 =	sor.u32 $0xD0000000, s2;
	s6 =	simm.s32 $0x108;
	_ =	swait.ge @!p0 [sflag:s8], $0x0  }
0x24: {  	s3 =	sadd.s32 $0x88, s3;
	s6 =	simm.s32 @!p1 $0x1082;
	[sflag:s4] =	ssyncset.s32 $0xFFFFF086  }
0x25: {  	[simem:s6], [sflag:s4] =	dma.local [hbm:s3], $0xF7A  }
0x26: {  	[smem:$0x3F9A] =	sst s1;
	(tag) =	ssettag s2;
	_ =	strace s9  }
0x27: {  	s1 =	sld [smem:$0x3FAA]  }
0x28: {  	s2 =	sld [smem:$0x3FAB]  }
0x29: {  	s4 =	sld [smem:$0x3FAD]  }
0x2a: {  	p0 =	seq.s32 s5, $0x0;
	s5 =	sld [smem:$0x3FAE]  }
0x2b: {  	s6 =	sld [smem:$0x3FAF]  }
0x2c: {  	s7 =	sld [smem:$0x3FB0]  }
0x2d: {  	s3 =	simm.s32 $0x108;
	s8 =	sld [smem:$0x3FB1]  }
0x2e: {  	s3 =	simm.s32 @!p0 $0x1082;
	s9 =	sld [smem:$0x3FB2]  }
0x2f: {  	lr =	sadd.s32 s0, s3;
	s0 =	sld [smem:$0x3FA9]  }
0x30: {  	s3 =	sld [smem:$0x3FAC]  }
0x31: {  	[smem:$0x3FB5] =	sst s10  }
0x32: {  	s10 =	sld [smem:$0x3FB3];
	_ =	sdelay $0x3  }
0x33: {  	p0 =	seq.s32 s10, $0x1;
	s10 =	sld [smem:$0x3FB5];
	_ =	sdelay $0x3  }
0x34: {  	[smem:$0x3FB5] =	sst s10  }
0x35: {  	s10 =	sld [smem:$0x3FB4];
	_ =	sdelay $0x3  }
0x36: {  	p1 =	seq.s32 s10, $0x1;
	s10 =	sld [smem:$0x3FB5];
	_ =	sdelay $0x3  }
0x37: {  	[smem:$0x3FB5] =	sst s10  }
0x38: {  	s10 =	sld [smem:$0x3FB6]  }
0x39: {  	_ = 	snop;
	(pc) =	sbr.ind lr, $3  }
0x3a: {  	_ = 	snop  }
0x3b: {  	_ = 	snop  }
0x3c: {  	p2 =	seq.s32 s10, $0x1;
	s10 =	sld [smem:$0x3FB5]  }
0x3d: {  	_ =	shalt  }
0x3e: {  	_ =	shalt  }
0x3f: {  	_ =	shalt  }
0x40: {  	_ =	shalt  }
0x41: {  	_ =	shalt  }
0x42: {  	_ =	shalt  }
0x43: {  	_ =	shalt  }
0x44: {  	_ =	shalt  }
0x45: {  	_ =	shalt  }
0x46: {  	_ =	shalt  }
0x47: {  	_ =	shalt  }
0x48: {  	_ =	shalt  }
0x49: {  	_ =	shalt  }
0x4a: {  	_ =	shalt  }
0x4b: {  	_ =	shalt  }
0x4c: {  	_ =	shalt  }
0x4d: {  	_ =	shalt  }
0x4e: {  	_ =	shalt  }
0x4f: {  	_ =	shalt  }
0x50: {  	_ =	shalt  }
0x51: {  	_ =	shalt  }
0x52: {  	_ =	shalt  }
0x53: {  	_ =	shalt  }
0x54: {  	_ =	shalt  }
0x55: {  	_ =	shalt  }
0x56: {  	_ =	shalt  }
0x57: {  	_ =	shalt  }
0x58: {  	_ =	shalt  }
0x59: {  	_ =	shalt  }
0x5a: {  	_ =	shalt  }
0x5b: {  	_ =	shalt  }
0x5c: {  	_ =	shalt  }
0x5d: {  	_ =	shalt  }
0x5e: {  	_ =	shalt  }
0x5f: {  	_ =	shalt  }
0x60: {  	_ =	shalt  }
0x61: {  	_ =	shalt  }
0x62: {  	_ =	shalt  }
0x63: {  	_ =	shalt  }
0x64: {  	_ =	shalt  }
0x65: {  	_ =	shalt  }
0x66: {  	_ =	shalt  }
0x67: {  	_ =	shalt  }
0x68: {  	_ =	shalt  }
0x69: {  	_ =	shalt  }
0x6a: {  	_ =	shalt  }
0x6b: {  	_ =	shalt  }
0x6c: {  	_ =	shalt  }
0x6d: {  	_ =	shalt  }
0x6e: {  	_ =	shalt  }
0x6f: {  	_ =	shalt  }
0x70: {  	_ =	shalt  }
0x71: {  	_ =	shalt  }
0x72: {  	_ =	shalt  }
0x73: {  	_ =	shalt  }
0x74: {  	_ =	shalt  }
0x75: {  	_ =	shalt  }
0x76: {  	_ =	shalt  }
0x77: {  	_ =	shalt  }
0x78: {  	_ =	shalt  }
0x79: {  	_ =	shalt  }
0x7a: {  	_ =	shalt  }
0x7b: {  	_ =	shalt  }
0x7c: {  	_ =	shalt  }
0x7d: {  	_ =	shalt  }
0x7e: {  	_ =	shalt  }
0x7f: {  	_ =	shalt  }
0x80: {  	_ =	shalt  }
0x81: {  	_ =	shalt  }
0x82: {  	_ =	shalt  }
0x83: {  	_ =	shalt  }
0x84: {  	_ =	shalt  }
0x85: {  	_ =	shalt  }
0x86: {  	_ =	shalt  }
0x87: {  	_ =	shalt  }
.Lfunc_end0:
.L_simem_size_0:
called_computation.1_lowered:
.L_overlay_start_0:
0x88: {  	s2 =	sld [smem:$0x3FD9]  }
0x89: {  	s3 =	sld [smem:$0x3FFE];
	_ =	sdelay $0x1  }
0x8a: {  	s1 =	srdreg.scid  }
0x8b: {  	s0 =	sand.u32 $0x1, s1  }
0x8c: {  	s17 =	sshll.u32 s0, $0xA;
	s2 =	sadd.s32 s3, s2  }
0x8d: {  	s2 =	sadd.s32 s2, s17  }
0x8e: {  	[smem:$0x3FC1] =	sst s2  }
0x8f: {  	_ = 	snop  }
0x90: {  	s2 =	sld [smem:$0x3FD0];
	(tm) =	ssettm $0x1  }
0x91: {  	s18 =	sld [smem:$0x3FFB];
	_ =	sdelay $0x3  }
0x92: {  	_ =	strace s18  }
0x93: {  	s3 =	sld [smem:$0x3FFC];
	_ =	sdelay $0x3  }
0x94: {  	_ =	strace s3  }
0x95: {  	s3 =	sld [smem:$0x3FFD];
	_ =	sdelay $0x3  }
0x96: {  	_ =	strace s3  }
0x97: {  	_ =	strace $0x8FFFFFFF  }
0x98: {  	s19 =	sld [smem:$0x3FDB];
	_ =	sdelay $0x1  }
0x99: {  	s4 =	simm.s32 $_scs_section_size  }
0x9a: {  	s5 =	simm.s32 $_size__tile_overlayer_lowered;
	s6 =	simm.s32 $_tile_overlayer_lowered  }
0x9b: {  	s22 =	simm.s32 $0x1BFF;
	s21 =	sshll.u32 s6, $0x1;
	s3 =	sadd.s32 s4, s19  }
0x9c: {  	s7 =	simm.s32 $0x0;
	s20 =	sshll.u32 s5, $0x1;
	s5 =	sadd.s32 s21, s3  }
0x9d: {  	[timem:s7], [sflag:s22] =	dma.local [hbm:s5], s20  }
0x9e: {  	_ =	swait.ge [sflag:s22], s20  }
0x9f: {  	s4 =	ssub.s32 $0x0, s20;
	[sflag:s22] =	ssyncset.done $0x0  }
0xa0: {  	[sflag:s22] =	ssyncadd.s32 s4;
	_ =	sdelay $0x1  }
0xa1: {  	s23 =	simm.s32 $0x1B8B  }
0xa2: {  	_ =	swait.ge [sflag:s23], $0x1  }
0xa3: {  	[sflag:s23] =	ssyncset.done $0x0  }
0xa4: {  	s25 =	simm.s32 $0x1B8E;
	s24 =	sld [smem:$0x3FFE];
	[sflag:s23] =	ssyncadd.s32 $0xFFFFFFFF  }
0xa5: {  	s26 =	simm.s32 $execute0_lowered;
	[smem:$0x3FD2] =	sst s25  }
0xa6: {  	s5 =	sshll.u32 s26, $0x1;
	_ =	strace $0x80000046;
	[dreg:$0x1] =	wrdreg $0xFFFFFFFF  }
0xa7: {  	s28 =	simm.s32 $_size_execute0_lowered;
	s3 =	sadd.s32 s3, s5;
	[dreg:$0x0] =	wrdreg $0x0  }
0xa8: {  	s5 =	sshll.u32 s28, $0x1;
	[dreg:$0x2] =	wrdreg s3  }
0xa9: {  	[dreg:$0x3] =	wrdreg s5  }
0xaa: {  	[dreg:$0x4] =	wrdreg $0xC0  }
0xab: {  	_ =	task [dreg:s7], $0x5FFFF  }
0xac: {  	[dreg:$0x1] =	wrdreg $0xFFFFFFFF  }
0xad: {  	[dreg:$0x0] =	wrdreg $0x60  }
0xae: {  	[dreg:$0x2] =	wrdreg s24  }
0xaf: {  	[dreg:$0x3] =	wrdreg s2  }
0xb0: {  	[dreg:$0x4] =	wrdreg $0x1A9000  }
0xb1: {  	[dreg:$0x5] =	wrdreg $0x9  }
0xb2: {  	_ =	task.clear_ibuf [dreg:s7], $0x6FFFF;
	_ =	strace $0x90000046  }
0xb3: {  	s29 =	simm.s32 $0x9;
	_ =	strace $0x80000048  }
0xb4: {  	_ =	swait.ge [sflag:s29], $0x1  }
0xb5: {  	[sflag:s29] =	ssyncadd.s32 $0xFFFFFFFF  }
0xb6: {  	_ =	strace $0x90000048  }
0xb7: {  	_ =	sfence  }
0xb8: {  	s30 =	sld [smem:$0x0];
	_ =	sdelay $0x2  }
0xb9: {  	s31 =	sshll.u32 s1, $0xD;
	s1 =	sshrl.u32 s1, $0x2  }
0xba: {  	s3 =	sand.u32 $0x4000, s31;
	s1 =	sadd.s32 s1, s30  }
0xbb: {  	s0 =	sor.u32 s3, s0;
	s1 =	sshll.u32 s1, $0x11  }
0xbc: {  	s0 =	sor.u32 s1, s0  }
0xbd: {  	s0 =	sadd.s32 $0x8F2B, s0  }
0xbe: {  	[sflag:s0] =	ssyncadd.remote.s32 $0x1  }
0xbf: {  	_ =	sfence.sel $0xFFFF  }
0xc0: {  	[dreg:$0x0] =	wrdreg $0xFFFFFFFF;
	(pc) =	sbr.abs _section_cstart, $3  }
0xc1: {  	[dreg:$0x1] =	wrdreg $0xFFFFFFFF  }
0xc2: {  	_ =	task.clear_ibuf [dreg:s7], $0x2FFFF;
	_ =	strace $0x9FFFFFFF  }
0xc3: {  	(tm) =	ssettm $0x7FFFFFFF  }
tec
execute0_lowered:
.L_overlay_start_1:
0x0: {  	(tag) =	ssettag $0x1  }
0x1: {  	s0 =	rddreg [dreg:$0x0]  }
0x2: {  	s1 =	rddreg [dreg:$0x1]  }
0x3: {  	s2 =	rddreg [dreg:$0x2]  }
0x4: {  	s3 =	simm.s32 $0x0;
	s4 =	srdreg.scid;
	s5 =	stileid.u32  }
0x5: {  	s30 =	simm.s32 $0xA0;
	s31 =	simm.s32 $0x8;
	[smem:$0x7FF] =	sst s3  }
0x6: {  	s6 =	sand.u32 $0x1, s4;
	s7 =	sshll.u32 s5, $0x1;
	s4 =	sadd.s32 $0x35800, s0  }
0x7: {  	s8 =	sadd.s32 $0x1000, s0;
	s22 =	sadd.s32 $0x3000, s0;
	s7 =	sor.u32 s6, s7  }
0x8: {  	_ =	strace $0x80000047;
	[dreg:$0x4] =	wrdreg s8;
	s12 =	smul.u32 $0x6400, s7  }
0x9: {  	s9 =	sadd.s32 $0x1C800, s0;
	s29 =	smul.u32 $0xC80000, s5;
	[dreg:$0x6] =	wrdreg s22  }
0xa: {  	s16 =	smul.u32 $0xC800, s5;
	s15 =	sor.u32 $0x1E0, s12;
	[dreg:$0x5] =	wrdreg s12  }
0xb: {  	s10 =	ssub.s32 $0x2, s6;
	s17 =	sor.u32 $0xA0, s12;
	[dreg:$0xd] =	wrdreg s15  }
0xc: {  	s8 =	sadd.s32 $0x3800, s0;
	s18 =	sor.u32 $0x320, s12;
	[dreg:$0xf] =	wrdreg s17  }
0xd: {  	s23 =	sshrl.u32 s10, $0x1;
	s19 =	sor.u32 $0x140, s12;
	[dreg:$0x10] =	wrdreg s18  }
0xe: {  	s0 =	ssub.s32 s10, s23;
	s21 =	sor.u32 $0x3C0, s12;
	[dreg:$0x11] =	wrdreg s19  }
0xf: {  	s24 =	sshrl.u32 s12, $0x3;
	s0 =	smax.u32 s0, $0x1;
	[dreg:$0x13] =	wrdreg s21  }
0x10: {  	p0 =	sne.s32 s5, $0x0;
	s25 =	sadd.s32 s8, s24;
	[dreg:$0x14] =	wrdreg s0  }
0x11: {  	s26 =	sadd.s32 s9, s24;
	s28 =	sor.u32 $0x14, s24;
	[dreg:$0x7] =	wrdreg s25  }
0x12: {  	s5 =	simm.s32 $0x12;
	[dreg:$0x8] =	wrdreg s26;
	s11 =	sadd.s32 s8, s28  }
0x13: {  	s7 =	sor.u32 $0x28, s24;
	s10 =	sadd.s32 s9, s28;
	[dreg:$0x9] =	wrdreg s11  }
0x14: {  	s14 =	smul.u32 $0x640000, s6;
	s13 =	sadd.s32 s8, s7;
	[dreg:$0xa] =	wrdreg s10  }
0x15: {  	s6 =	smul.u32 $0x6400, s6;
	s7 =	sadd.s32 s9, s7;
	[dreg:$0xb] =	wrdreg s13  }
0x16: {  	s0 =	simm.s32 $0xE;
	[dreg:$0xc] =	wrdreg s7;
	s13 =	sor.u32 $0x280, s12  }
0x17: {  	s10 =	sadd.s32 s14, s29;
	s7 =	sadd.s32 s6, s16;
	s11 =	simm.s32 $0x10  }
0x18: {  	s12 =	simm.s32 $0x13;
	s14 =	simm.s32 $0x0;
	[dreg:$0xe] =	wrdreg s13  }
0x19: {  	s20 =	sor.u32 $0x400, s10;
	s26 =	sor.u32 $0xA0, s7;
	[dreg:$0x12] =	wrdreg s7  }
0x1a: {  	s23 =	sshrl.u32 s10, $0x2;
	s28 =	sor.u32 $0x140, s7;
	[dreg:$0x17] =	wrdreg s26  }
0x1b: {  	s29 =	sor.u32 $0x1E0, s7;
	s13 =	simm.s32 $0x11;
	[dreg:$0x18] =	wrdreg s28  }
0x1c: {  	s22 =	sshrl.u32 s20, $0x2;
	s25 =	sadd.s32 $0x14500, s23;
	[dreg:$0x19] =	wrdreg s29  }
0x1d: {  	s7 =	simm.s32 $0xD;
	s24 =	sadd.s32 $0x14500, s22;
	[dreg:$0x16] =	wrdreg s25  }
0x1e: {  	s26 =	simm.s32 $0x9;
	[dreg:$0x15] =	wrdreg s24;
	s24 =	simm.s32 $0xA500  }
.LBB2_1:
0x1f: {  	[dreg:$0x1a] =	wrdreg s14  }
0x20: {  	s6 =	sshrl.u32 @!p0 s2, $0x3;
	s10 =	simm.s32 @!p0 $0x1C15;
	s14 =	rddreg [dreg:$0x4]  }
0x21: {  	[spmem:s6], [sflag:s10] =	dma.local @!p0 [hbm:s14], $0x1F40  }
0x22: {  	s6 =	simm.s32 @!p0 $0x15  }
0x23: {  	_ =	swait.ge @!p0 [sflag:s6], $0x1F40  }
0x24: {  	s20 =	simm.s32 $0x14500;
	[sflag:s6] =	ssyncset.done @!p0 $0x0  }
0x25: {  	s21 =	simm.s32 $0x15;
	s19 =	rddreg [dreg:$0x6];
	[sflag:s6] =	ssyncadd.s32 @!p0 $0xFFFFE0C0  }
0x26: {  	[tilespmem:s20], [sflag:$0x15] =	stream.linear.gather [hbm4b:s19+s3], $0x3200, $0x38;
	[tilespmem:$0x1B8A0] =	vst v63  }
0x27: {  	_ =	swait.ge [sflag:s21], $0x3200  }
0x28: {  	[sflag:s21] =	ssyncset.done $0x0  }
0x29: {  	s22 =	simm.s32 $0x17700;
	[sflag:s21] =	ssyncadd.s32 $0xFFFFCE00  }
0x2a: {  	[tilespmem:s22], [sflag:$0x15] =	stream.linear.gather [hbm4b:s19+s3], $0x3200, $0x38;
	[tilespmem:$0x1B8A0] =	vst v63  }
0x2b: {  	_ =	swait.ge [sflag:s21], $0x3200  }
0x2c: {  	[sflag:s21] =	ssyncset.done $0x0  }
0x2d: {  	[sflag:s21] =	ssyncadd.s32 $0xFFFFCE00  }
0x2e: {  	[bflag:$0x0] =	sbarrier.arrive $0xFFFF  }
0x2f: {  	s23 =	rddreg [dreg:$0x7]  }
0x30: {  	[tilespmem:s3], [sflag:$0x1] =	stream.linear.gather [hbm4b:s23+s3], $0xA0, $0x38;
	[tilespmem:$0x1B8A0] =	vst v63  }
0x31: {  	s25 =	rddreg [dreg:$0x8]  }
0x32: {  	[tilespmem:s30], [sflag:$0x2] =	stream.linear.gather [hbm4b:s25+s3], $0xA0, $0x38;
	[tilespmem:$0x1B8A0] =	vst v63  }
0x33: {  	s29 =	simm.s32 $0x140;
	s28 =	rddreg [dreg:$0x9]  }
0x34: {  	[tilespmem:s29], [sflag:$0x6] =	stream.linear.gather [hbm4b:s28+s3], $0xA0, $0x38;
	[tilespmem:$0x1B8A0] =	vst v63  }
0x35: {  	s14 =	simm.s32 $0x1E0;
	s15 =	rddreg [dreg:$0xa]  }
0x36: {  	[tilespmem:s14], [sflag:$0x7] =	stream.linear.gather [hbm4b:s15+s3], $0xA0, $0x38;
	[tilespmem:$0x1B8A0] =	vst v63  }
0x37: {  	s16 =	rddreg [dreg:$0xb];
	s15 =	simm.s32 $0x280  }
0x38: {  	[tilespmem:s15], [sflag:$0xB] =	stream.linear.gather [hbm4b:s16+s3], $0xA0, $0x38;
	[tilespmem:$0x1B8A0] =	vst v63  }
0x39: {  	s18 =	simm.s32 $0x320;
	s19 =	simm.s32 $0x1;
	s17 =	rddreg [dreg:$0xc]  }
0x3a: {  	[tilespmem:s18], [sflag:$0xC] =	stream.linear.gather [hbm4b:s17+s3], $0xA0, $0x38;
	[tilespmem:$0x1B8A0] =	vst v63  }
0x3b: {  	_ =	swait.ge [sflag:s19], $0xA0  }
0x3c: {  	[sflag:s19] =	ssyncset.done $0x0  }
0x3d: {  	s20 =	simm.s32 $0x2;
	[sflag:s19] =	ssyncadd.s32 $0xFFFFFF60  }
0x3e: {  	_ =	swait.ge [sflag:s20], $0xA0  }
0x3f: {  	[sflag:s20] =	ssyncset.done $0x0  }
0x40: {  	s21 =	simm.s32 $0x500;
	[sflag:s20] =	ssyncadd.s32 $0xFFFFFF60  }
0x41: {  	[tilespmem:s21], [sflag:$0x3] =	stream.indirect.gather [hbm4b:s4+s30], $0x40, s3, s30, $0xb8;
	[tilespmem:$0x1B8A0] =	vst v63  }
0x42: {  	s22 =	simm.s32 $0x2D00;
	s23 =	simm.s32 $0x6  }
0x43: {  	[tilespmem:s22], [sflag:$0x4] =	stream.indirect.gather [spmem:s2], $0x40, s30, s30, $0xb8;
	[tilespmem:$0x1B8A0] =	vst v63  }
0x44: {  	_ =	swait.ge [sflag:s23], $0xA0  }
0x45: {  	[sflag:s23] =	ssyncset.done $0x0  }
0x46: {  	s25 =	simm.s32 $0x7;
	[sflag:s23] =	ssyncadd.s32 $0xFFFFFF60  }
0x47: {  	_ =	swait.ge [sflag:s25], $0xA0  }
0x48: {  	s17 =	rddreg [dreg:$0x19]  }
0x49: {  	s16 =	rddreg [dreg:$0x18]  }
0x4a: {  	s6 =	rddreg [dreg:$0x17]  }
0x4b: {  	[sflag:s25] =	ssyncset.done $0x0;
	s18 =	rddreg [dreg:$0x16]  }
0x4c: {  	s28 =	simm.s32 $0x5500;
	s19 =	rddreg [dreg:$0x12];
	[sflag:s25] =	ssyncadd.s32 $0xFFFFFF60  }
0x4d: {  	[tilespmem:s28], [sflag:$0x8] =	stream.indirect.gather [hbm4b:s4+s30], $0x40, s29, s30, $0xb8;
	[tilespmem:$0x1B8A0] =	vst v63  }
0x4e: {  	s22 =	simm.s32 $0x0;
	s20 =	rddreg [dreg:$0x15];
	s29 =	simm.s32 $0x7D00  }
0x4f: {  	[tilespmem:s29], [sflag:$0x9] =	stream.indirect.gather [spmem:s2], $0x40, s14, s30, $0xb8;
	[tilespmem:$0x1B8A0] =	vst v63  }
.LBB2_2:
0x50: {  	s10 =	simm.s32 $0xB  }
0x51: {  	_ =	swait.ge [sflag:s10], $0xA0  }
0x52: {  	[sflag:s10] =	ssyncset.done $0x0  }
0x53: {  	s21 =	simm.s32 $0xC;
	[sflag:s10] =	ssyncadd.s32 $0xFFFFFF60  }
0x54: {  	_ =	swait.ge [sflag:s21], $0xA0  }
0x55: {  	p1 =	seq.s32 s22, $0x0;
	[sflag:s21] =	ssyncset.done $0x0  }
0x56: {  	s10 =	simm.s32 @!p1 $0xF;
	[sflag:s21] =	ssyncadd.s32 $0xFFFFFF60  }
0x57: {  	_ =	swait.ge @!p1 [sflag:s10], $0x2800  }
0x58: {  	s14 =	smulhi.u32 $0x51EB851F, s19;
	[sflag:s10] =	ssyncset.done @!p1 $0x0  }
0x59: {  	s23 =	simm.s32 $0x280;
	s25 =	smul.u32 $0x280, s22;
	[sflag:s10] =	ssyncadd.s32 @!p1 $0xFFFFD800  }
0x5a: {  	[tilespmem:s24], [sflag:$0xD] =	stream.indirect.gather [hbm4b:s4+s30], $0x40, s23, s30, $0xb8;
	[tilespmem:$0x1B8A0] =	vst v63  }
0x5b: {  	s15 =	simm.s32 $0xCD00;
	s21 =	rddreg [dreg:$0xd];
	s24 =	simm.s32 $0x320  }
0x5c: {  	[tilespmem:s15], [sflag:$0xE] =	stream.indirect.gather [spmem:s2], $0x40, s24, s30, $0xb8;
	[tilespmem:$0x1B8A0] =	vst v63  }
0x5d: {  	s23 =	sshrl.u32 s14, $0x6;
	s15 =	sadd.s32 s25, s21  }
0x5e: {  	s10 =	smul.u32 $0xFFFF3800, s23;
	s14 =	sshrl.u32 s15, $0x3  }
0x5f: {  	s23 =	simm.s32 $0x0;
	s24 =	simm.s32 $0x3C0;
	s21 =	sadd.s32 s8, s14  }
0x60: {  	[tilespmem:s24], [sflag:$0x10] =	stream.linear.gather [hbm4b:s21+s23], $0xA0, $0x38;
	[tilespmem:$0x1B8A0] =	vst v63  }
0x61: {  	s14 =	sadd.s32 s9, s14;
	s24 =	simm.s32 $0x460  }
0x62: {  	[tilespmem:s24], [sflag:$0x11] =	stream.linear.gather [hbm4b:s14+s23], $0xA0, $0x38;
	[tilespmem:$0x1B8A0] =	vst v63  }
0x63: {  	s10 =	sshra.s32 s10, $0x2;
	s24 =	simm.s32 $0x3  }
0x64: {  	s10 =	sadd.s32 s10, s20;
	_ =	swait.ge [sflag:s24], $0x2800  }
0x65: {  	v0 =	vmov s10;
	[sflag:s24] =	ssyncset.done $0x0  }
0x66: {  	s14 =	simm.s32 $0x4;
	[sflag:s24] =	ssyncadd.s32 $0xFFFFD800  }
0x67: {  	_ =	swait.ge [sflag:s14], $0x2800  }
0x68: {  	[sflag:s14] =	ssyncset.done $0x0  }
0x69: {  	[sflag:s14] =	ssyncadd.s32 $0xFFFFD800;
	s14 =	simm.s32 $0x0  }
0x6a: {  	v1 =	vld.idx.msk [tilespmem:v0+s14+$0xFFFFFF00 ss:$0x1], $0xffff  }
0x6b: {  	v2 =	vld [tilespmem:s14+$0x2D00];
	_ =	sdelay $0x4  }
0x6c: {  	v1 =	vadd.f32 v1, v2  }
0x6d: {  	v2 =	vld [tilespmem:s14+$0x2D10]  }
0x6e: {  	[tilespmem:s14+$0x500] =	vst.add.f32.msk $0xffff, v1  }
0x6f: {  	v1 =	vld.idx.msk [tilespmem:v0+s14+$0xFFFFFF10 ss:$0x1], $0xffff;
	_ =	sdelay $0x4  }
0x70: {  	v1 =	vadd.f32 v1, v2  }
0x71: {  	v2 =	vld [tilespmem:s14+$0x2D20]  }
0x72: {  	[tilespmem:s14+$0x510] =	vst.add.f32.msk $0xffff, v1  }
0x73: {  	v1 =	vld.idx.msk [tilespmem:v0+s14+$0xFFFFFF20 ss:$0x1], $0xffff;
	_ =	sdelay $0x4  }
0x74: {  	v1 =	vadd.f32 v1, v2  }
0x75: {  	v2 =	vld [tilespmem:s14+$0x2D30]  }
0x76: {  	[tilespmem:s14+$0x520] =	vst.add.f32.msk $0xffff, v1  }
0x77: {  	v1 =	vld.idx.msk [tilespmem:v0+s14+$0xFFFFFF30 ss:$0x1], $0xffff;
	_ =	sdelay $0x4  }
0x78: {  	v1 =	vadd.f32 v1, v2  }
0x79: {  	v2 =	vld [tilespmem:s14+$0x2D40]  }
0x7a: {  	[tilespmem:s14+$0x530] =	vst.add.f32.msk $0xffff, v1  }
0x7b: {  	v1 =	vld.idx.msk [tilespmem:v0+s14+$0xFFFFFF40 ss:$0x1], $0xffff;
	_ =	sdelay $0x4  }
0x7c: {  	v1 =	vadd.f32 v1, v2  }
0x7d: {  	v2 =	vld [tilespmem:s14+$0x2D50]  }
0x7e: {  	[tilespmem:s14+$0x540] =	vst.add.f32.msk $0xffff, v1  }
0x7f: {  	v1 =	vld.idx.msk [tilespmem:v0+s14+$0xFFFFFF50 ss:$0x1], $0xffff;
	_ =	sdelay $0x4  }
0x80: {  	v1 =	vadd.f32 v1, v2  }
0x81: {  	v2 =	vld [tilespmem:s14+$0x2D60]  }
0x82: {  	[tilespmem:s14+$0x550] =	vst.add.f32.msk $0xffff, v1  }
0x83: {  	v1 =	vld.idx.msk [tilespmem:v0+s14+$0xFFFFFF60 ss:$0x1], $0xffff;
	_ =	sdelay $0x4  }
0x84: {  	v1 =	vadd.f32 v1, v2  }
0x85: {  	v2 =	vld [tilespmem:s14+$0x2D70]  }
0x86: {  	[tilespmem:s14+$0x560] =	vst.add.f32.msk $0xffff, v1  }
0x87: {  	v1 =	vld.idx.msk [tilespmem:v0+s14+$0xFFFFFF70 ss:$0x1], $0xffff;
	_ =	sdelay $0x4  }
0x88: {  	v1 =	vadd.f32 v1, v2  }
0x89: {  	v2 =	vld [tilespmem:s14+$0x2D80]  }
0x8a: {  	[tilespmem:s14+$0x570] =	vst.add.f32.msk $0xffff, v1  }
0x8b: {  	v1 =	vld.idx.msk [tilespmem:v0+s14+$0xFFFFFF80 ss:$0x1], $0xffff;
	_ =	sdelay $0x4  }
0x8c: {  	v1 =	vadd.f32 v1, v2  }
0x8d: {  	v2 =	vld [tilespmem:s14+$0x2D90]  }
0x8e: {  	[tilespmem:s14+$0x580] =	vst.add.f32.msk $0xffff, v1  }
0x8f: {  	v1 =	vld.idx.msk [tilespmem:v0+s14+$0xFFFFFF90 ss:$0x1], $0xffff;
	_ =	sdelay $0x4  }
0x90: {  	v1 =	vadd.f32 v1, v2  }
0x91: {  	v2 =	vld [tilespmem:s14+$0x2DA0]  }
0x92: {  	[tilespmem:s14+$0x590] =	vst.add.f32.msk $0xffff, v1  }
0x93: {  	v1 =	vld.idx.msk [tilespmem:v0+s14+$0xFFFFFFA0 ss:$0x1], $0xffff;
	_ =	sdelay $0x4  }
0x94: {  	v1 =	vadd.f32 v1, v2  }
0x95: {  	v2 =	vld [tilespmem:s14+$0x2DB0]  }
0x96: {  	[tilespmem:s14+$0x5A0] =	vst.add.f32.msk $0xffff, v1  }
0x97: {  	v1 =	vld.idx.msk [tilespmem:v0+s14+$0xFFFFFFB0 ss:$0x1], $0xffff;
	_ =	sdelay $0x4  }
0x98: {  	v1 =	vadd.f32 v1, v2  }
0x99: {  	v2 =	vld [tilespmem:s14+$0x2DC0]  }
0x9a: {  	[tilespmem:s14+$0x5B0] =	vst.add.f32.msk $0xffff, v1  }
0x9b: {  	v1 =	vld.idx.msk [tilespmem:v0+s14+$0xFFFFFFC0 ss:$0x1], $0xffff;
	_ =	sdelay $0x4  }
0x9c: {  	v1 =	vadd.f32 v1, v2  }
0x9d: {  	v2 =	vld [tilespmem:s14+$0x2DD0]  }
0x9e: {  	[tilespmem:s14+$0x5C0] =	vst.add.f32.msk $0xffff, v1  }
0x9f: {  	v1 =	vld.idx.msk [tilespmem:v0+s14+$0xFFFFFFD0 ss:$0x1], $0xffff;
	_ =	sdelay $0x4  }
0xa0: {  	v1 =	vadd.f32 v1, v2  }
0xa1: {  	v2 =	vld [tilespmem:s14+$0x2DE0]  }
0xa2: {  	[tilespmem:s14+$0x5D0] =	vst.add.f32.msk $0xffff, v1  }
0xa3: {  	v1 =	vld.idx.msk [tilespmem:v0+s14+$0xFFFFFFE0 ss:$0x1], $0xffff;
	_ =	sdelay $0x4  }
0xa4: {  	v1 =	vadd.f32 v1, v2  }
0xa5: {  	v2 =	vld [tilespmem:s14+$0x2DF0]  }
0xa6: {  	[tilespmem:s14+$0x5E0] =	vst.add.f32.msk $0xffff, v1  }
0xa7: {  	v1 =	vld.idx.msk [tilespmem:v0+s14+$0xFFFFFFF0 ss:$0x1], $0xffff;
	_ =	sdelay $0x4  }
0xa8: {  	v1 =	vadd.f32 v1, v2  }
0xa9: {  	v2 =	vld [tilespmem:s14+$0x2E00]  }
0xaa: {  	[tilespmem:s14+$0x5F0] =	vst.add.f32.msk $0xffff, v1  }
0xab: {  	v1 =	vld.idx.msk [tilespmem:v0+s14+$0x0 ss:$0x1], $0xffff;
	_ =	sdelay $0x4  }
0xac: {  	v1 =	vadd.f32 v1, v2  }
0xad: {  	v2 =	vld [tilespmem:s14+$0x2E10]  }
0xae: {  	[tilespmem:s14+$0x600] =	vst.add.f32.msk $0xffff, v1  }
0xaf: {  	v1 =	vld.idx.msk [tilespmem:v0+s14+$0x10 ss:$0x1], $0xffff;
	_ =	sdelay $0x4  }
0xb0: {  	v1 =	vadd.f32 v1, v2  }
0xb1: {  	v2 =	vld [tilespmem:s14+$0x2E20]  }
0xb2: {  	[tilespmem:s14+$0x610] =	vst.add.f32.msk $0xffff, v1  }
0xb3: {  	v1 =	vld.idx.msk [tilespmem:v0+s14+$0x20 ss:$0x1], $0xffff;
	_ =	sdelay $0x4  }
0xb4: {  	v1 =	vadd.f32 v1, v2  }
0xb5: {  	v2 =	vld [tilespmem:s14+$0x2E30]  }
0xb6: {  	[tilespmem:s14+$0x620] =	vst.add.f32.msk $0xffff, v1  }
0xb7: {  	v1 =	vld.idx.msk [tilespmem:v0+s14+$0x30 ss:$0x1], $0xffff;
	_ =	sdelay $0x4  }
0xb8: {  	v1 =	vadd.f32 v1, v2  }
0xb9: {  	v2 =	vld [tilespmem:s14+$0x2E40]  }
0xba: {  	[tilespmem:s14+$0x630] =	vst.add.f32.msk $0xffff, v1  }
0xbb: {  	v1 =	vld.idx.msk [tilespmem:v0+s14+$0x40 ss:$0x1], $0xffff;
	_ =	sdelay $0x4  }
0xbc: {  	v1 =	vadd.f32 v1, v2  }
0xbd: {  	v2 =	vld [tilespmem:s14+$0x2E50]  }
0xbe: {  	[tilespmem:s14+$0x640] =	vst.add.f32.msk $0xffff, v1  }
0xbf: {  	v1 =	vld.idx.msk [tilespmem:v0+s14+$0x50 ss:$0x1], $0xffff;
	_ =	sdelay $0x4  }
0xc0: {  	v1 =	vadd.f32 v1, v2  }
0xc1: {  	v2 =	vld [tilespmem:s14+$0x2E60]  }
0xc2: {  	[tilespmem:s14+$0x650] =	vst.add.f32.msk $0xffff, v1  }
0xc3: {  	v1 =	vld.idx.msk [tilespmem:v0+s14+$0x60 ss:$0x1], $0xffff;
	_ =	sdelay $0x4  }
0xc4: {  	v1 =	vadd.f32 v1, v2  }
0xc5: {  	v2 =	vld [tilespmem:s14+$0x2E70]  }
0xc6: {  	[tilespmem:s14+$0x660] =	vst.add.f32.msk $0xffff, v1  }
0xc7: {  	v1 =	vld.idx.msk [tilespmem:v0+s14+$0x70 ss:$0x1], $0xffff;
	_ =	sdelay $0x4  }
0xc8: {  	v1 =	vadd.f32 v1, v2  }
0xc9: {  	v2 =	vld [tilespmem:s14+$0x2E80]  }
0xca: {  	[tilespmem:s14+$0x670] =	vst.add.f32.msk $0xffff, v1  }
0xcb: {  	v1 =	vld.idx.msk [tilespmem:v0+s14+$0x80 ss:$0x1], $0xffff;
	_ =	sdelay $0x4  }
0xcc: {  	v1 =	vadd.f32 v1, v2  }
0xcd: {  	v2 =	vld [tilespmem:s14+$0x2E90]  }
0xce: {  	[tilespmem:s14+$0x680] =	vst.add.f32.msk $0xffff, v1  }
0xcf: {  	v1 =	vld.idx.msk [tilespmem:v0+s14+$0x90 ss:$0x1], $0xffff;
	_ =	sdelay $0x4  }
0xd0: {  	v1 =	vadd.f32 v1, v2  }
0xd1: {  	v2 =	vld [tilespmem:s14+$0x2EA0]  }
0xd2: {  	[tilespmem:s14+$0x690] =	vst.add.f32.msk $0xffff, v1  }
0xd3: {  	v1 =	vld.idx.msk [tilespmem:v0+s14+$0xA0 ss:$0x1], $0xffff;
	_ =	sdelay $0x4  }
0xd4: {  	v1 =	vadd.f32 v1, v2  }
0xd5: {  	v2 =	vld [tilespmem:s14+$0x2EB0]  }
0xd6: {  	[tilespmem:s14+$0x6A0] =	vst.add.f32.msk $0xffff, v1  }
0xd7: {  	v1 =	vld.idx.msk [tilespmem:v0+s14+$0xB0 ss:$0x1], $0xffff;
	_ =	sdelay $0x4  }
0xd8: {  	v1 =	vadd.f32 v1, v2  }
0xd9: {  	v2 =	vld [tilespmem:s14+$0x2EC0]  }
0xda: {  	[tilespmem:s14+$0x6B0] =	vst.add.f32.msk $0xffff, v1  }
0xdb: {  	v1 =	vld.idx.msk [tilespmem:v0+s14+$0xC0 ss:$0x1], $0xffff;
	_ =	sdelay $0x4  }
0xdc: {  	v1 =	vadd.f32 v1, v2  }
0xdd: {  	v2 =	vld [tilespmem:s14+$0x2ED0]  }
0xde: {  	[tilespmem:s14+$0x6C0] =	vst.add.f32.msk $0xffff, v1  }
0xdf: {  	v1 =	vld.idx.msk [tilespmem:v0+s14+$0xD0 ss:$0x1], $0xffff;
	_ =	sdelay $0x4  }
0xe0: {  	v1 =	vadd.f32 v1, v2  }
0xe1: {  	v2 =	vld [tilespmem:s14+$0x2EE0]  }
0xe2: {  	[tilespmem:s14+$0x6D0] =	vst.add.f32.msk $0xffff, v1  }
0xe3: {  	v1 =	vld.idx.msk [tilespmem:v0+s14+$0xE0 ss:$0x1], $0xffff;
	_ =	sdelay $0x4  }
0xe4: {  	v1 =	vadd.f32 v1, v2  }
0xe5: {  	s21 =	smulhi.u32 $0x51EB851F, s17;
	v2 =	vld [tilespmem:s14+$0x2EF0]  }
0xe6: {  	s23 =	smulhi.u32 $0x51EB851F, s16;
	[tilespmem:s14+$0x6E0] =	vst.add.f32.msk $0xffff, v1  }
0xe7: {  	s10 =	sshrl.u32 s21, $0x6;
	s24 =	smulhi.u32 $0x51EB851F, s6;
	v1 =	vld.idx.msk [tilespmem:v0+s14+$0xF0 ss:$0x1], $0xffff  }
0xe8: {  	s10 =	smul.u32 $0xFFFF3800, s10;
	s21 =	sshrl.u32 s23, $0x6  }
0xe9: {  	s21 =	smul.u32 $0xFFFF3800, s21;
	s23 =	sshrl.u32 s24, $0x6  }
0xea: {  	s10 =	sshra.s32 s10, $0x2;
	s23 =	smul.u32 $0xFFFF3800, s23  }
0xeb: {  	s28 =	sadd.s32 s10, s18;
	s10 =	simm.s32 $0x800;
	s21 =	sshra.s32 s21, $0x2  }
0xec: {  	s24 =	rddreg [dreg:$0x5];
	s29 =	sadd.s32 s21, s18;
	s23 =	sshra.s32 s23, $0x2;
	v1 =	vadd.f32 v1, v2  }
0xed: {  	s24 =	sadd.s32 s24, s25;
	s21 =	simm.s32 $0x0;
	s23 =	sadd.s32 s23, s18  }
.LBB2_3:
0xee: {  	s21 =	sadd.s32 $0x8, s21;
	[tilespmem:s14+$0x6F0] =	vst.add.f32.msk $0xffff, v1;
	s14 =	sshra.s32 s10, $0x2  }
0xef: {  	v1 =	vld.idx.msk [tilespmem:v0+s14+$0xFFFFFF00 ss:$0x1], $0xffff;
	p1 =	slt.u32 s21, $0x98  }
0xf0: {  	v2 =	vld [tilespmem:s14+$0x2D00];
	_ =	sdelay $0x4  }
0xf1: {  	v1 =	vadd.f32 v1, v2;
	_ =	sdelay $0x1  }
0xf2: {  	[tilespmem:s14+$0x500] =	vst.add.f32.msk $0xffff, v1  }
0xf3: {  	v1 =	vld.idx.msk [tilespmem:v0+s14+$0xFFFFFF10 ss:$0x1], $0xffff  }
0xf4: {  	v2 =	vld [tilespmem:s14+$0x2D10];
	_ =	sdelay $0x4  }
0xf5: {  	v1 =	vadd.f32 v1, v2;
	_ =	sdelay $0x1  }
0xf6: {  	[tilespmem:s14+$0x510] =	vst.add.f32.msk $0xffff, v1  }
0xf7: {  	v1 =	vld.idx.msk [tilespmem:v0+s14+$0xFFFFFF20 ss:$0x1], $0xffff  }
0xf8: {  	v2 =	vld [tilespmem:s14+$0x2D20];
	_ =	sdelay $0x4  }
0xf9: {  	v1 =	vadd.f32 v1, v2;
	_ =	sdelay $0x1  }
0xfa: {  	[tilespmem:s14+$0x520] =	vst.add.f32.msk $0xffff, v1  }
0xfb: {  	v1 =	vld.idx.msk [tilespmem:v0+s14+$0xFFFFFF30 ss:$0x1], $0xffff  }
0xfc: {  	v2 =	vld [tilespmem:s14+$0x2D30];
	_ =	sdelay $0x4  }
0xfd: {  	v1 =	vadd.f32 v1, v2;
	_ =	sdelay $0x1  }
0xfe: {  	[tilespmem:s14+$0x530] =	vst.add.f32.msk $0xffff, v1  }
0xff: {  	v1 =	vld.idx.msk [tilespmem:v0+s14+$0xFFFFFF40 ss:$0x1], $0xffff  }
0x100: {  	v2 =	vld [tilespmem:s14+$0x2D40];
	_ =	sdelay $0x4  }
0x101: {  	v1 =	vadd.f32 v1, v2;
	_ =	sdelay $0x1  }
0x102: {  	[tilespmem:s14+$0x540] =	vst.add.f32.msk $0xffff, v1  }
0x103: {  	v1 =	vld.idx.msk [tilespmem:v0+s14+$0xFFFFFF50 ss:$0x1], $0xffff  }
0x104: {  	v2 =	vld [tilespmem:s14+$0x2D50];
	_ =	sdelay $0x4  }
0x105: {  	v1 =	vadd.f32 v1, v2;
	_ =	sdelay $0x1  }
0x106: {  	[tilespmem:s14+$0x550] =	vst.add.f32.msk $0xffff, v1  }
0x107: {  	v1 =	vld.idx.msk [tilespmem:v0+s14+$0xFFFFFF60 ss:$0x1], $0xffff  }
0x108: {  	v2 =	vld [tilespmem:s14+$0x2D60];
	_ =	sdelay $0x4  }
0x109: {  	v1 =	vadd.f32 v1, v2;
	_ =	sdelay $0x1  }
0x10a: {  	[tilespmem:s14+$0x560] =	vst.add.f32.msk $0xffff, v1  }
0x10b: {  	v1 =	vld.idx.msk [tilespmem:v0+s14+$0xFFFFFF70 ss:$0x1], $0xffff  }
0x10c: {  	v2 =	vld [tilespmem:s14+$0x2D70];
	_ =	sdelay $0x4  }
0x10d: {  	v1 =	vadd.f32 v1, v2;
	_ =	sdelay $0x1  }
0x10e: {  	[tilespmem:s14+$0x570] =	vst.add.f32.msk $0xffff, v1  }
0x10f: {  	v1 =	vld.idx.msk [tilespmem:v0+s14+$0xFFFFFF80 ss:$0x1], $0xffff  }
0x110: {  	v2 =	vld [tilespmem:s14+$0x2D80];
	_ =	sdelay $0x4  }
0x111: {  	v1 =	vadd.f32 v1, v2;
	_ =	sdelay $0x1  }
0x112: {  	[tilespmem:s14+$0x580] =	vst.add.f32.msk $0xffff, v1  }
0x113: {  	v1 =	vld.idx.msk [tilespmem:v0+s14+$0xFFFFFF90 ss:$0x1], $0xffff  }
0x114: {  	v2 =	vld [tilespmem:s14+$0x2D90];
	_ =	sdelay $0x4  }
0x115: {  	v1 =	vadd.f32 v1, v2;
	_ =	sdelay $0x1  }
0x116: {  	[tilespmem:s14+$0x590] =	vst.add.f32.msk $0xffff, v1  }
0x117: {  	v1 =	vld.idx.msk [tilespmem:v0+s14+$0xFFFFFFA0 ss:$0x1], $0xffff  }
0x118: {  	v2 =	vld [tilespmem:s14+$0x2DA0];
	_ =	sdelay $0x4  }
0x119: {  	v1 =	vadd.f32 v1, v2;
	_ =	sdelay $0x1  }
0x11a: {  	[tilespmem:s14+$0x5A0] =	vst.add.f32.msk $0xffff, v1  }
0x11b: {  	v1 =	vld.idx.msk [tilespmem:v0+s14+$0xFFFFFFB0 ss:$0x1], $0xffff  }
0x11c: {  	v2 =	vld [tilespmem:s14+$0x2DB0];
	_ =	sdelay $0x4  }
0x11d: {  	v1 =	vadd.f32 v1, v2;
	_ =	sdelay $0x1  }
0x11e: {  	[tilespmem:s14+$0x5B0] =	vst.add.f32.msk $0xffff, v1  }
0x11f: {  	v1 =	vld.idx.msk [tilespmem:v0+s14+$0xFFFFFFC0 ss:$0x1], $0xffff  }
0x120: {  	v2 =	vld [tilespmem:s14+$0x2DC0];
	_ =	sdelay $0x4  }
0x121: {  	v1 =	vadd.f32 v1, v2;
	_ =	sdelay $0x1  }
0x122: {  	[tilespmem:s14+$0x5C0] =	vst.add.f32.msk $0xffff, v1  }
0x123: {  	v1 =	vld.idx.msk [tilespmem:v0+s14+$0xFFFFFFD0 ss:$0x1], $0xffff  }
0x124: {  	v2 =	vld [tilespmem:s14+$0x2DD0];
	_ =	sdelay $0x4  }
0x125: {  	v1 =	vadd.f32 v1, v2;
	_ =	sdelay $0x1  }
0x126: {  	[tilespmem:s14+$0x5D0] =	vst.add.f32.msk $0xffff, v1  }
0x127: {  	v1 =	vld.idx.msk [tilespmem:v0+s14+$0xFFFFFFE0 ss:$0x1], $0xffff  }
0x128: {  	v2 =	vld [tilespmem:s14+$0x2DE0];
	_ =	sdelay $0x4  }
0x129: {  	v1 =	vadd.f32 v1, v2;
	_ =	sdelay $0x1  }
0x12a: {  	[tilespmem:s14+$0x5E0] =	vst.add.f32.msk $0xffff, v1  }
0x12b: {  	v1 =	vld.idx.msk [tilespmem:v0+s14+$0xFFFFFFF0 ss:$0x1], $0xffff  }
0x12c: {  	v2 =	vld [tilespmem:s14+$0x2DF0];
	_ =	sdelay $0x4  }
0x12d: {  	v1 =	vadd.f32 v1, v2;
	_ =	sdelay $0x1  }
0x12e: {  	[tilespmem:s14+$0x5F0] =	vst.add.f32.msk $0xffff, v1  }
0x12f: {  	v1 =	vld.idx.msk [tilespmem:v0+s14+$0x0 ss:$0x1], $0xffff  }
0x130: {  	v2 =	vld [tilespmem:s14+$0x2E00];
	_ =	sdelay $0x4  }
0x131: {  	v1 =	vadd.f32 v1, v2;
	_ =	sdelay $0x1  }
0x132: {  	[tilespmem:s14+$0x600] =	vst.add.f32.msk $0xffff, v1  }
0x133: {  	v1 =	vld.idx.msk [tilespmem:v0+s14+$0x10 ss:$0x1], $0xffff  }
0x134: {  	v2 =	vld [tilespmem:s14+$0x2E10];
	_ =	sdelay $0x4  }
0x135: {  	v1 =	vadd.f32 v1, v2;
	_ =	sdelay $0x1  }
0x136: {  	[tilespmem:s14+$0x610] =	vst.add.f32.msk $0xffff, v1  }
0x137: {  	v1 =	vld.idx.msk [tilespmem:v0+s14+$0x20 ss:$0x1], $0xffff  }
0x138: {  	v2 =	vld [tilespmem:s14+$0x2E20];
	_ =	sdelay $0x4  }
0x139: {  	v1 =	vadd.f32 v1, v2;
	_ =	sdelay $0x1  }
0x13a: {  	[tilespmem:s14+$0x620] =	vst.add.f32.msk $0xffff, v1  }
0x13b: {  	v1 =	vld.idx.msk [tilespmem:v0+s14+$0x30 ss:$0x1], $0xffff  }
0x13c: {  	v2 =	vld [tilespmem:s14+$0x2E30];
	_ =	sdelay $0x4  }
0x13d: {  	v1 =	vadd.f32 v1, v2;
	_ =	sdelay $0x1  }
0x13e: {  	[tilespmem:s14+$0x630] =	vst.add.f32.msk $0xffff, v1  }
0x13f: {  	v1 =	vld.idx.msk [tilespmem:v0+s14+$0x40 ss:$0x1], $0xffff  }
0x140: {  	v2 =	vld [tilespmem:s14+$0x2E40];
	_ =	sdelay $0x4  }
0x141: {  	v1 =	vadd.f32 v1, v2;
	_ =	sdelay $0x1  }
0x142: {  	[tilespmem:s14+$0x640] =	vst.add.f32.msk $0xffff, v1  }
0x143: {  	v1 =	vld.idx.msk [tilespmem:v0+s14+$0x50 ss:$0x1], $0xffff  }
0x144: {  	v2 =	vld [tilespmem:s14+$0x2E50];
	_ =	sdelay $0x4  }
0x145: {  	v1 =	vadd.f32 v1, v2;
	_ =	sdelay $0x1  }
0x146: {  	[tilespmem:s14+$0x650] =	vst.add.f32.msk $0xffff, v1  }
0x147: {  	v1 =	vld.idx.msk [tilespmem:v0+s14+$0x60 ss:$0x1], $0xffff  }
0x148: {  	v2 =	vld [tilespmem:s14+$0x2E60];
	_ =	sdelay $0x4  }
0x149: {  	v1 =	vadd.f32 v1, v2;
	_ =	sdelay $0x1  }
0x14a: {  	[tilespmem:s14+$0x660] =	vst.add.f32.msk $0xffff, v1  }
0x14b: {  	v1 =	vld.idx.msk [tilespmem:v0+s14+$0x70 ss:$0x1], $0xffff  }
0x14c: {  	v2 =	vld [tilespmem:s14+$0x2E70];
	_ =	sdelay $0x4  }
0x14d: {  	v1 =	vadd.f32 v1, v2;
	_ =	sdelay $0x1  }
0x14e: {  	[tilespmem:s14+$0x670] =	vst.add.f32.msk $0xffff, v1  }
0x14f: {  	v1 =	vld.idx.msk [tilespmem:v0+s14+$0x80 ss:$0x1], $0xffff  }
0x150: {  	v2 =	vld [tilespmem:s14+$0x2E80];
	_ =	sdelay $0x4  }
0x151: {  	v1 =	vadd.f32 v1, v2;
	_ =	sdelay $0x1  }
0x152: {  	[tilespmem:s14+$0x680] =	vst.add.f32.msk $0xffff, v1  }
0x153: {  	v1 =	vld.idx.msk [tilespmem:v0+s14+$0x90 ss:$0x1], $0xffff  }
0x154: {  	v2 =	vld [tilespmem:s14+$0x2E90];
	_ =	sdelay $0x4  }
0x155: {  	v1 =	vadd.f32 v1, v2;
	_ =	sdelay $0x1  }
0x156: {  	[tilespmem:s14+$0x690] =	vst.add.f32.msk $0xffff, v1  }
0x157: {  	v1 =	vld.idx.msk [tilespmem:v0+s14+$0xA0 ss:$0x1], $0xffff  }
0x158: {  	v2 =	vld [tilespmem:s14+$0x2EA0];
	_ =	sdelay $0x4  }
0x159: {  	v1 =	vadd.f32 v1, v2;
	_ =	sdelay $0x1  }
0x15a: {  	[tilespmem:s14+$0x6A0] =	vst.add.f32.msk $0xffff, v1  }
0x15b: {  	v1 =	vld.idx.msk [tilespmem:v0+s14+$0xB0 ss:$0x1], $0xffff  }
0x15c: {  	v2 =	vld [tilespmem:s14+$0x2EB0];
	_ =	sdelay $0x4  }
0x15d: {  	v1 =	vadd.f32 v1, v2;
	_ =	sdelay $0x1  }
0x15e: {  	[tilespmem:s14+$0x6B0] =	vst.add.f32.msk $0xffff, v1  }
0x15f: {  	v1 =	vld.idx.msk [tilespmem:v0+s14+$0xC0 ss:$0x1], $0xffff  }
0x160: {  	v2 =	vld [tilespmem:s14+$0x2EC0];
	_ =	sdelay $0x4  }
0x161: {  	v1 =	vadd.f32 v1, v2;
	_ =	sdelay $0x1  }
0x162: {  	[tilespmem:s14+$0x6C0] =	vst.add.f32.msk $0xffff, v1  }
0x163: {  	v1 =	vld.idx.msk [tilespmem:v0+s14+$0xD0 ss:$0x1], $0xffff  }
0x164: {  	v2 =	vld [tilespmem:s14+$0x2ED0];
	_ =	sdelay $0x4  }
0x165: {  	v1 =	vadd.f32 v1, v2;
	_ =	sdelay $0x1  }
0x166: {  	[tilespmem:s14+$0x6D0] =	vst.add.f32.msk $0xffff, v1  }
0x167: {  	v1 =	vld.idx.msk [tilespmem:v0+s14+$0xE0 ss:$0x1], $0xffff  }
0x168: {  	v2 =	vld [tilespmem:s14+$0x2EE0];
	_ =	sdelay $0x4  }
0x169: {  	v1 =	vadd.f32 v1, v2;
	_ =	sdelay $0x1  }
0x16a: {  	[tilespmem:s14+$0x6E0] =	vst.add.f32.msk $0xffff, v1  }
0x16b: {  	v1 =	vld.idx.msk [tilespmem:v0+s14+$0xF0 ss:$0x1], $0xffff  }
0x16c: {  	v2 =	vld [tilespmem:s14+$0x2EF0];
	_ =	sdelay $0x1  }
.Ltmp0:
0x16d: {  	(pc) =	sbr.rel @p1 .LBB2_3-.Ltmp0, $3  }
0x16e: {  	_ =	sdelay $0x1  }
0x16f: {  	v1 =	vadd.f32 v1, v2  }
0x170: {  	s10 =	sadd.s32 $0x800, s10  }
0x171: {  	s10 =	sshll.u32 s24, $0x3  }
0x172: {  	[tilespmem:s14+$0x6F0] =	vst.add.f32.msk $0xffff, v1;
	s24 =	simm.s32 $0x500;
	s10 =	sadd.s32 s1, s10  }
0x173: {  	[hbm4b:s10+s3] =	stream.linear.scatter [tilespmem:s24], [sflag:$0x5], $0x2800, $0x38;
	[tilespmem:$0x1B8A0] =	vst v63  }
0x174: {  	p1 =	sne.s32 s22, $0x0;
	_ =	swait.ge [sflag:s11], $0xA0  }
.Ltmp1:
0x175: {  	[sflag:s11] =	ssyncset.done $0x0;
	(pc) =	sbr.rel @!p1 .LBB2_5-.Ltmp1, $4  }
0x176: {  	[sflag:s11] =	ssyncadd.s32 $0xFFFFFF60  }
0x177: {  	_ =	swait.ge [sflag:s13], $0xA0  }
0x178: {  	[sflag:s13] =	ssyncset.done $0x0  }
0x179: {  	[sflag:s13] =	ssyncadd.s32 $0xFFFFFF60  }
0x17a: {  	s10 =	simm.s32 $0x14  }
0x17b: {  	_ =	swait.ge [sflag:s10], $0x2800  }
0x17c: {  	s24 =	simm.s32 $0x3C0;
	[sflag:s10] =	ssyncset.done $0x0  }
0x17d: {  	s14 =	simm.s32 $0xF500;
	p2 =	seq.s32 s22, $0x27;
	[sflag:s10] =	ssyncadd.s32 $0xFFFFD800  }
0x17e: {  	[tilespmem:s14], [sflag:$0x12] =	stream.indirect.gather [hbm4b:s4+s30], $0x40, s24, s30, $0xb8;
	[tilespmem:$0x1B8A0] =	vst v63  }
.Ltmp2:
0x17f: {  	_ = 	snop;
	(pc) =	sbr.rel @p2 .LBB2_8-.Ltmp2, $4  }
.Ltmp3:
0x180: {  	_ = 	snop;
	(pc) =	sbr.rel @!p2 .LBB2_7-.Ltmp3, $4  }
0x181: {  	s21 =	simm.s32 $0x460;
	s24 =	simm.s32 $0x11D00  }
0x182: {  	[tilespmem:s24], [sflag:$0x13] =	stream.indirect.gather [spmem:s2], $0x40, s21, s30, $0xb8;
	[tilespmem:$0x1B8A0] =	vst v63  }
0x183: {  	p1 =	por $0x1, $0x1;
	s24 =	simm.s32 $0xA500  }
0x184: {  	_ = 	snop  }
.LBB2_5:
0x185: {  	s10 =	simm.s32 $0x3C0;
	s14 =	simm.s32 $0xF500  }
0x186: {  	[tilespmem:s14], [sflag:$0x12] =	stream.indirect.gather [hbm4b:s4+s30], $0x40, s10, s30, $0xb8;
	[tilespmem:$0x1B8A0] =	vst v63  }
0x187: {  	s21 =	simm.s32 $0x460;
	s24 =	simm.s32 $0x11D00  }
0x188: {  	[tilespmem:s24], [sflag:$0x13] =	stream.indirect.gather [spmem:s2], $0x40, s21, s30, $0xb8;
	[tilespmem:$0x1B8A0] =	vst v63  }
0x189: {  	s24 =	simm.s32 $0xA500  }
.LBB2_7:
0x18a: {  	s10 =	rddreg [dreg:$0xe]  }
0x18b: {  	s10 =	sadd.s32 s25, s10  }
0x18c: {  	s10 =	sshrl.u32 s10, $0x3  }
0x18d: {  	s14 =	sadd.s32 s8, s10  }
0x18e: {  	[tilespmem:s3], [sflag:$0x1] =	stream.linear.gather [hbm4b:s14+s3], $0xA0, $0x38;
	[tilespmem:$0x1B8A0] =	vst v63  }
0x18f: {  	p1 =	por $0x0, $0x0;
	s10 =	sadd.s32 s9, s10  }
0x190: {  	[tilespmem:s30], [sflag:$0x2] =	stream.linear.gather [hbm4b:s10+s3], $0xA0, $0x38;
	[tilespmem:$0x1B8A0] =	vst v63  }
.LBB2_8:
0x191: {  	_ =	swait.ge [sflag:s31], $0x2800  }
0x192: {  	v0 =	vmov s23;
	[sflag:s31] =	ssyncset.done $0x0  }
0x193: {  	[sflag:s31] =	ssyncadd.s32 $0xFFFFD800  }
0x194: {  	_ =	swait.ge [sflag:s26], $0x2800  }
0x195: {  	[sflag:s26] =	ssyncset.done $0x0  }
0x196: {  	s14 =	simm.s32 $0x0;
	[sflag:s26] =	ssyncadd.s32 $0xFFFFD800  }
0x197: {  	v1 =	vld.idx.msk [tilespmem:v0+s14+$0x2800 ss:$0x1], $0xffff  }
0x198: {  	v2 =	vld [tilespmem:s14+$0x7D00];
	_ =	sdelay $0x4  }
0x199: {  	v1 =	vadd.f32 v1, v2  }
0x19a: {  	v2 =	vld [tilespmem:s14+$0x7D10]  }
0x19b: {  	[tilespmem:s14+$0x5500] =	vst.add.f32.msk $0xffff, v1  }
0x19c: {  	v1 =	vld.idx.msk [tilespmem:v0+s14+$0x2810 ss:$0x1], $0xffff;
	_ =	sdelay $0x4  }
0x19d: {  	v1 =	vadd.f32 v1, v2  }
0x19e: {  	v2 =	vld [tilespmem:s14+$0x7D20]  }
0x19f: {  	[tilespmem:s14+$0x5510] =	vst.add.f32.msk $0xffff, v1  }
0x1a0: {  	v1 =	vld.idx.msk [tilespmem:v0+s14+$0x2820 ss:$0x1], $0xffff;
	_ =	sdelay $0x4  }
0x1a1: {  	v1 =	vadd.f32 v1, v2  }
0x1a2: {  	v2 =	vld [tilespmem:s14+$0x7D30]  }
0x1a3: {  	[tilespmem:s14+$0x5520] =	vst.add.f32.msk $0xffff, v1  }
0x1a4: {  	v1 =	vld.idx.msk [tilespmem:v0+s14+$0x2830 ss:$0x1], $0xffff;
	_ =	sdelay $0x4  }
0x1a5: {  	v1 =	vadd.f32 v1, v2  }
0x1a6: {  	v2 =	vld [tilespmem:s14+$0x7D40]  }
0x1a7: {  	[tilespmem:s14+$0x5530] =	vst.add.f32.msk $0xffff, v1  }
0x1a8: {  	v1 =	vld.idx.msk [tilespmem:v0+s14+$0x2840 ss:$0x1], $0xffff;
	_ =	sdelay $0x4  }
0x1a9: {  	v1 =	vadd.f32 v1, v2  }
0x1aa: {  	v2 =	vld [tilespmem:s14+$0x7D50]  }
0x1ab: {  	[tilespmem:s14+$0x5540] =	vst.add.f32.msk $0xffff, v1  }
0x1ac: {  	v1 =	vld.idx.msk [tilespmem:v0+s14+$0x2850 ss:$0x1], $0xffff;
	_ =	sdelay $0x4  }
0x1ad: {  	v1 =	vadd.f32 v1, v2  }
0x1ae: {  	v2 =	vld [tilespmem:s14+$0x7D60]  }
0x1af: {  	[tilespmem:s14+$0x5550] =	vst.add.f32.msk $0xffff, v1  }
0x1b0: {  	v1 =	vld.idx.msk [tilespmem:v0+s14+$0x2860 ss:$0x1], $0xffff;
	_ =	sdelay $0x4  }
0x1b1: {  	v1 =	vadd.f32 v1, v2  }
0x1b2: {  	v2 =	vld [tilespmem:s14+$0x7D70]  }
0x1b3: {  	[tilespmem:s14+$0x5560] =	vst.add.f32.msk $0xffff, v1  }
0x1b4: {  	v1 =	vld.idx.msk [tilespmem:v0+s14+$0x2870 ss:$0x1], $0xffff;
	_ =	sdelay $0x4  }
0x1b5: {  	v1 =	vadd.f32 v1, v2  }
0x1b6: {  	v2 =	vld [tilespmem:s14+$0x7D80]  }
0x1b7: {  	[tilespmem:s14+$0x5570] =	vst.add.f32.msk $0xffff, v1  }
0x1b8: {  	v1 =	vld.idx.msk [tilespmem:v0+s14+$0x2880 ss:$0x1], $0xffff;
	_ =	sdelay $0x4  }
0x1b9: {  	v1 =	vadd.f32 v1, v2  }
0x1ba: {  	v2 =	vld [tilespmem:s14+$0x7D90]  }
0x1bb: {  	[tilespmem:s14+$0x5580] =	vst.add.f32.msk $0xffff, v1  }
0x1bc: {  	v1 =	vld.idx.msk [tilespmem:v0+s14+$0x2890 ss:$0x1], $0xffff;
	_ =	sdelay $0x4  }
0x1bd: {  	v1 =	vadd.f32 v1, v2  }
0x1be: {  	v2 =	vld [tilespmem:s14+$0x7DA0]  }
0x1bf: {  	[tilespmem:s14+$0x5590] =	vst.add.f32.msk $0xffff, v1  }
0x1c0: {  	v1 =	vld.idx.msk [tilespmem:v0+s14+$0x28A0 ss:$0x1], $0xffff;
	_ =	sdelay $0x4  }
0x1c1: {  	v1 =	vadd.f32 v1, v2  }
0x1c2: {  	v2 =	vld [tilespmem:s14+$0x7DB0]  }
0x1c3: {  	[tilespmem:s14+$0x55A0] =	vst.add.f32.msk $0xffff, v1  }
0x1c4: {  	v1 =	vld.idx.msk [tilespmem:v0+s14+$0x28B0 ss:$0x1], $0xffff;
	_ =	sdelay $0x4  }
0x1c5: {  	v1 =	vadd.f32 v1, v2  }
0x1c6: {  	v2 =	vld [tilespmem:s14+$0x7DC0]  }
0x1c7: {  	[tilespmem:s14+$0x55B0] =	vst.add.f32.msk $0xffff, v1  }
0x1c8: {  	v1 =	vld.idx.msk [tilespmem:v0+s14+$0x28C0 ss:$0x1], $0xffff;
	_ =	sdelay $0x4  }
0x1c9: {  	v1 =	vadd.f32 v1, v2  }
0x1ca: {  	v2 =	vld [tilespmem:s14+$0x7DD0]  }
0x1cb: {  	[tilespmem:s14+$0x55C0] =	vst.add.f32.msk $0xffff, v1  }
0x1cc: {  	v1 =	vld.idx.msk [tilespmem:v0+s14+$0x28D0 ss:$0x1], $0xffff;
	_ =	sdelay $0x4  }
0x1cd: {  	v1 =	vadd.f32 v1, v2  }
0x1ce: {  	v2 =	vld [tilespmem:s14+$0x7DE0]  }
0x1cf: {  	[tilespmem:s14+$0x55D0] =	vst.add.f32.msk $0xffff, v1  }
0x1d0: {  	v1 =	vld.idx.msk [tilespmem:v0+s14+$0x28E0 ss:$0x1], $0xffff;
	_ =	sdelay $0x4  }
0x1d1: {  	v1 =	vadd.f32 v1, v2  }
0x1d2: {  	v2 =	vld [tilespmem:s14+$0x7DF0]  }
0x1d3: {  	[tilespmem:s14+$0x55E0] =	vst.add.f32.msk $0xffff, v1  }
0x1d4: {  	v1 =	vld.idx.msk [tilespmem:v0+s14+$0x28F0 ss:$0x1], $0xffff;
	_ =	sdelay $0x4  }
0x1d5: {  	v1 =	vadd.f32 v1, v2  }
0x1d6: {  	v2 =	vld [tilespmem:s14+$0x7E00]  }
0x1d7: {  	[tilespmem:s14+$0x55F0] =	vst.add.f32.msk $0xffff, v1  }
0x1d8: {  	v1 =	vld.idx.msk [tilespmem:v0+s14+$0x2900 ss:$0x1], $0xffff;
	_ =	sdelay $0x4  }
0x1d9: {  	v1 =	vadd.f32 v1, v2  }
0x1da: {  	v2 =	vld [tilespmem:s14+$0x7E10]  }
0x1db: {  	[tilespmem:s14+$0x5600] =	vst.add.f32.msk $0xffff, v1  }
0x1dc: {  	v1 =	vld.idx.msk [tilespmem:v0+s14+$0x2910 ss:$0x1], $0xffff;
	_ =	sdelay $0x4  }
0x1dd: {  	v1 =	vadd.f32 v1, v2  }
0x1de: {  	v2 =	vld [tilespmem:s14+$0x7E20]  }
0x1df: {  	[tilespmem:s14+$0x5610] =	vst.add.f32.msk $0xffff, v1  }
0x1e0: {  	v1 =	vld.idx.msk [tilespmem:v0+s14+$0x2920 ss:$0x1], $0xffff;
	_ =	sdelay $0x4  }
0x1e1: {  	v1 =	vadd.f32 v1, v2  }
0x1e2: {  	v2 =	vld [tilespmem:s14+$0x7E30]  }
0x1e3: {  	[tilespmem:s14+$0x5620] =	vst.add.f32.msk $0xffff, v1  }
0x1e4: {  	v1 =	vld.idx.msk [tilespmem:v0+s14+$0x2930 ss:$0x1], $0xffff;
	_ =	sdelay $0x4  }
0x1e5: {  	v1 =	vadd.f32 v1, v2  }
0x1e6: {  	v2 =	vld [tilespmem:s14+$0x7E40]  }
0x1e7: {  	[tilespmem:s14+$0x5630] =	vst.add.f32.msk $0xffff, v1  }
0x1e8: {  	v1 =	vld.idx.msk [tilespmem:v0+s14+$0x2940 ss:$0x1], $0xffff;
	_ =	sdelay $0x4  }
0x1e9: {  	v1 =	vadd.f32 v1, v2  }
0x1ea: {  	v2 =	vld [tilespmem:s14+$0x7E50]  }
0x1eb: {  	[tilespmem:s14+$0x5640] =	vst.add.f32.msk $0xffff, v1  }
0x1ec: {  	v1 =	vld.idx.msk [tilespmem:v0+s14+$0x2950 ss:$0x1], $0xffff;
	_ =	sdelay $0x4  }
0x1ed: {  	v1 =	vadd.f32 v1, v2  }
0x1ee: {  	v2 =	vld [tilespmem:s14+$0x7E60]  }
0x1ef: {  	[tilespmem:s14+$0x5650] =	vst.add.f32.msk $0xffff, v1  }
0x1f0: {  	v1 =	vld.idx.msk [tilespmem:v0+s14+$0x2960 ss:$0x1], $0xffff;
	_ =	sdelay $0x4  }
0x1f1: {  	v1 =	vadd.f32 v1, v2  }
0x1f2: {  	v2 =	vld [tilespmem:s14+$0x7E70]  }
0x1f3: {  	[tilespmem:s14+$0x5660] =	vst.add.f32.msk $0xffff, v1  }
0x1f4: {  	v1 =	vld.idx.msk [tilespmem:v0+s14+$0x2970 ss:$0x1], $0xffff;
	_ =	sdelay $0x4  }
0x1f5: {  	v1 =	vadd.f32 v1, v2  }
0x1f6: {  	v2 =	vld [tilespmem:s14+$0x7E80]  }
0x1f7: {  	[tilespmem:s14+$0x5670] =	vst.add.f32.msk $0xffff, v1  }
0x1f8: {  	v1 =	vld.idx.msk [tilespmem:v0+s14+$0x2980 ss:$0x1], $0xffff;
	_ =	sdelay $0x4  }
0x1f9: {  	v1 =	vadd.f32 v1, v2  }
0x1fa: {  	v2 =	vld [tilespmem:s14+$0x7E90]  }
0x1fb: {  	[tilespmem:s14+$0x5680] =	vst.add.f32.msk $0xffff, v1  }
0x1fc: {  	v1 =	vld.idx.msk [tilespmem:v0+s14+$0x2990 ss:$0x1], $0xffff;
	_ =	sdelay $0x4  }
0x1fd: {  	v1 =	vadd.f32 v1, v2  }
0x1fe: {  	v2 =	vld [tilespmem:s14+$0x7EA0]  }
0x1ff: {  	[tilespmem:s14+$0x5690] =	vst.add.f32.msk $0xffff, v1  }
0x200: {  	v1 =	vld.idx.msk [tilespmem:v0+s14+$0x29A0 ss:$0x1], $0xffff;
	_ =	sdelay $0x4  }
0x201: {  	v1 =	vadd.f32 v1, v2  }
0x202: {  	v2 =	vld [tilespmem:s14+$0x7EB0]  }
0x203: {  	[tilespmem:s14+$0x56A0] =	vst.add.f32.msk $0xffff, v1  }
0x204: {  	v1 =	vld.idx.msk [tilespmem:v0+s14+$0x29B0 ss:$0x1], $0xffff;
	_ =	sdelay $0x4  }
0x205: {  	v1 =	vadd.f32 v1, v2  }
0x206: {  	v2 =	vld [tilespmem:s14+$0x7EC0]  }
0x207: {  	[tilespmem:s14+$0x56B0] =	vst.add.f32.msk $0xffff, v1  }
0x208: {  	v1 =	vld.idx.msk [tilespmem:v0+s14+$0x29C0 ss:$0x1], $0xffff;
	_ =	sdelay $0x4  }
0x209: {  	v1 =	vadd.f32 v1, v2  }
0x20a: {  	v2 =	vld [tilespmem:s14+$0x7ED0]  }
0x20b: {  	[tilespmem:s14+$0x56C0] =	vst.add.f32.msk $0xffff, v1  }
0x20c: {  	v1 =	vld.idx.msk [tilespmem:v0+s14+$0x29D0 ss:$0x1], $0xffff;
	_ =	sdelay $0x4  }
0x20d: {  	v1 =	vadd.f32 v1, v2  }
0x20e: {  	v2 =	vld [tilespmem:s14+$0x7EE0]  }
0x20f: {  	[tilespmem:s14+$0x56D0] =	vst.add.f32.msk $0xffff, v1  }
0x210: {  	v1 =	vld.idx.msk [tilespmem:v0+s14+$0x29E0 ss:$0x1], $0xffff;
	_ =	sdelay $0x4  }
0x211: {  	v1 =	vadd.f32 v1, v2  }
0x212: {  	v2 =	vld [tilespmem:s14+$0x7EF0]  }
0x213: {  	[tilespmem:s14+$0x56E0] =	vst.add.f32.msk $0xffff, v1  }
0x214: {  	v1 =	vld.idx.msk [tilespmem:v0+s14+$0x29F0 ss:$0x1], $0xffff;
	_ =	sdelay $0x4  }
0x215: {  	s10 =	rddreg [dreg:$0xf];
	v1 =	vadd.f32 v1, v2  }
0x216: {  	s21 =	simm.s32 $0x0;
	s23 =	sadd.s32 s25, s10;
	s10 =	simm.s32 $0x800  }
.LBB2_9:
0x217: {  	s21 =	sadd.s32 $0x8, s21;
	[tilespmem:s14+$0x56F0] =	vst.add.f32.msk $0xffff, v1;
	s14 =	sshra.s32 s10, $0x2  }
0x218: {  	v1 =	vld.idx.msk [tilespmem:v0+s14+$0x2800 ss:$0x1], $0xffff;
	p2 =	slt.u32 s21, $0x98  }
0x219: {  	v2 =	vld [tilespmem:s14+$0x7D00];
	_ =	sdelay $0x4  }
0x21a: {  	v1 =	vadd.f32 v1, v2;
	_ =	sdelay $0x1  }
0x21b: {  	[tilespmem:s14+$0x5500] =	vst.add.f32.msk $0xffff, v1  }
0x21c: {  	v1 =	vld.idx.msk [tilespmem:v0+s14+$0x2810 ss:$0x1], $0xffff  }
0x21d: {  	v2 =	vld [tilespmem:s14+$0x7D10];
	_ =	sdelay $0x4  }
0x21e: {  	v1 =	vadd.f32 v1, v2;
	_ =	sdelay $0x1  }
0x21f: {  	[tilespmem:s14+$0x5510] =	vst.add.f32.msk $0xffff, v1  }
0x220: {  	v1 =	vld.idx.msk [tilespmem:v0+s14+$0x2820 ss:$0x1], $0xffff  }
0x221: {  	v2 =	vld [tilespmem:s14+$0x7D20];
	_ =	sdelay $0x4  }
0x222: {  	v1 =	vadd.f32 v1, v2;
	_ =	sdelay $0x1  }
0x223: {  	[tilespmem:s14+$0x5520] =	vst.add.f32.msk $0xffff, v1  }
0x224: {  	v1 =	vld.idx.msk [tilespmem:v0+s14+$0x2830 ss:$0x1], $0xffff  }
0x225: {  	v2 =	vld [tilespmem:s14+$0x7D30];
	_ =	sdelay $0x4  }
0x226: {  	v1 =	vadd.f32 v1, v2;
	_ =	sdelay $0x1  }
0x227: {  	[tilespmem:s14+$0x5530] =	vst.add.f32.msk $0xffff, v1  }
0x228: {  	v1 =	vld.idx.msk [tilespmem:v0+s14+$0x2840 ss:$0x1], $0xffff  }
0x229: {  	v2 =	vld [tilespmem:s14+$0x7D40];
	_ =	sdelay $0x4  }
0x22a: {  	v1 =	vadd.f32 v1, v2;
	_ =	sdelay $0x1  }
0x22b: {  	[tilespmem:s14+$0x5540] =	vst.add.f32.msk $0xffff, v1  }
0x22c: {  	v1 =	vld.idx.msk [tilespmem:v0+s14+$0x2850 ss:$0x1], $0xffff  }
0x22d: {  	v2 =	vld [tilespmem:s14+$0x7D50];
	_ =	sdelay $0x4  }
0x22e: {  	v1 =	vadd.f32 v1, v2;
	_ =	sdelay $0x1  }
0x22f: {  	[tilespmem:s14+$0x5550] =	vst.add.f32.msk $0xffff, v1  }
0x230: {  	v1 =	vld.idx.msk [tilespmem:v0+s14+$0x2860 ss:$0x1], $0xffff  }
0x231: {  	v2 =	vld [tilespmem:s14+$0x7D60];
	_ =	sdelay $0x4  }
0x232: {  	v1 =	vadd.f32 v1, v2;
	_ =	sdelay $0x1  }
0x233: {  	[tilespmem:s14+$0x5560] =	vst.add.f32.msk $0xffff, v1  }
0x234: {  	v1 =	vld.idx.msk [tilespmem:v0+s14+$0x2870 ss:$0x1], $0xffff  }
0x235: {  	v2 =	vld [tilespmem:s14+$0x7D70];
	_ =	sdelay $0x4  }
0x236: {  	v1 =	vadd.f32 v1, v2;
	_ =	sdelay $0x1  }
0x237: {  	[tilespmem:s14+$0x5570] =	vst.add.f32.msk $0xffff, v1  }
0x238: {  	v1 =	vld.idx.msk [tilespmem:v0+s14+$0x2880 ss:$0x1], $0xffff  }
0x239: {  	v2 =	vld [tilespmem:s14+$0x7D80];
	_ =	sdelay $0x4  }
0x23a: {  	v1 =	vadd.f32 v1, v2;
	_ =	sdelay $0x1  }
0x23b: {  	[tilespmem:s14+$0x5580] =	vst.add.f32.msk $0xffff, v1  }
0x23c: {  	v1 =	vld.idx.msk [tilespmem:v0+s14+$0x2890 ss:$0x1], $0xffff  }
0x23d: {  	v2 =	vld [tilespmem:s14+$0x7D90];
	_ =	sdelay $0x4  }
0x23e: {  	v1 =	vadd.f32 v1, v2;
	_ =	sdelay $0x1  }
0x23f: {  	[tilespmem:s14+$0x5590] =	vst.add.f32.msk $0xffff, v1  }
0x240: {  	v1 =	vld.idx.msk [tilespmem:v0+s14+$0x28A0 ss:$0x1], $0xffff  }
0x241: {  	v2 =	vld [tilespmem:s14+$0x7DA0];
	_ =	sdelay $0x4  }
0x242: {  	v1 =	vadd.f32 v1, v2;
	_ =	sdelay $0x1  }
0x243: {  	[tilespmem:s14+$0x55A0] =	vst.add.f32.msk $0xffff, v1  }
0x244: {  	v1 =	vld.idx.msk [tilespmem:v0+s14+$0x28B0 ss:$0x1], $0xffff  }
0x245: {  	v2 =	vld [tilespmem:s14+$0x7DB0];
	_ =	sdelay $0x4  }
0x246: {  	v1 =	vadd.f32 v1, v2;
	_ =	sdelay $0x1  }
0x247: {  	[tilespmem:s14+$0x55B0] =	vst.add.f32.msk $0xffff, v1  }
0x248: {  	v1 =	vld.idx.msk [tilespmem:v0+s14+$0x28C0 ss:$0x1], $0xffff  }
0x249: {  	v2 =	vld [tilespmem:s14+$0x7DC0];
	_ =	sdelay $0x4  }
0x24a: {  	v1 =	vadd.f32 v1, v2;
	_ =	sdelay $0x1  }
0x24b: {  	[tilespmem:s14+$0x55C0] =	vst.add.f32.msk $0xffff, v1  }
0x24c: {  	v1 =	vld.idx.msk [tilespmem:v0+s14+$0x28D0 ss:$0x1], $0xffff  }
0x24d: {  	v2 =	vld [tilespmem:s14+$0x7DD0];
	_ =	sdelay $0x4  }
0x24e: {  	v1 =	vadd.f32 v1, v2;
	_ =	sdelay $0x1  }
0x24f: {  	[tilespmem:s14+$0x55D0] =	vst.add.f32.msk $0xffff, v1  }
0x250: {  	v1 =	vld.idx.msk [tilespmem:v0+s14+$0x28E0 ss:$0x1], $0xffff  }
0x251: {  	v2 =	vld [tilespmem:s14+$0x7DE0];
	_ =	sdelay $0x4  }
0x252: {  	v1 =	vadd.f32 v1, v2;
	_ =	sdelay $0x1  }
0x253: {  	[tilespmem:s14+$0x55E0] =	vst.add.f32.msk $0xffff, v1  }
0x254: {  	v1 =	vld.idx.msk [tilespmem:v0+s14+$0x28F0 ss:$0x1], $0xffff  }
0x255: {  	v2 =	vld [tilespmem:s14+$0x7DF0];
	_ =	sdelay $0x4  }
0x256: {  	v1 =	vadd.f32 v1, v2;
	_ =	sdelay $0x1  }
0x257: {  	[tilespmem:s14+$0x55F0] =	vst.add.f32.msk $0xffff, v1  }
0x258: {  	v1 =	vld.idx.msk [tilespmem:v0+s14+$0x2900 ss:$0x1], $0xffff  }
0x259: {  	v2 =	vld [tilespmem:s14+$0x7E00];
	_ =	sdelay $0x4  }
0x25a: {  	v1 =	vadd.f32 v1, v2;
	_ =	sdelay $0x1  }
0x25b: {  	[tilespmem:s14+$0x5600] =	vst.add.f32.msk $0xffff, v1  }
0x25c: {  	v1 =	vld.idx.msk [tilespmem:v0+s14+$0x2910 ss:$0x1], $0xffff  }
0x25d: {  	v2 =	vld [tilespmem:s14+$0x7E10];
	_ =	sdelay $0x4  }
0x25e: {  	v1 =	vadd.f32 v1, v2;
	_ =	sdelay $0x1  }
0x25f: {  	[tilespmem:s14+$0x5610] =	vst.add.f32.msk $0xffff, v1  }
0x260: {  	v1 =	vld.idx.msk [tilespmem:v0+s14+$0x2920 ss:$0x1], $0xffff  }
0x261: {  	v2 =	vld [tilespmem:s14+$0x7E20];
	_ =	sdelay $0x4  }
0x262: {  	v1 =	vadd.f32 v1, v2;
	_ =	sdelay $0x1  }
0x263: {  	[tilespmem:s14+$0x5620] =	vst.add.f32.msk $0xffff, v1  }
0x264: {  	v1 =	vld.idx.msk [tilespmem:v0+s14+$0x2930 ss:$0x1], $0xffff  }
0x265: {  	v2 =	vld [tilespmem:s14+$0x7E30];
	_ =	sdelay $0x4  }
0x266: {  	v1 =	vadd.f32 v1, v2;
	_ =	sdelay $0x1  }
0x267: {  	[tilespmem:s14+$0x5630] =	vst.add.f32.msk $0xffff, v1  }
0x268: {  	v1 =	vld.idx.msk [tilespmem:v0+s14+$0x2940 ss:$0x1], $0xffff  }
0x269: {  	v2 =	vld [tilespmem:s14+$0x7E40];
	_ =	sdelay $0x4  }
0x26a: {  	v1 =	vadd.f32 v1, v2;
	_ =	sdelay $0x1  }
0x26b: {  	[tilespmem:s14+$0x5640] =	vst.add.f32.msk $0xffff, v1  }
0x26c: {  	v1 =	vld.idx.msk [tilespmem:v0+s14+$0x2950 ss:$0x1], $0xffff  }
0x26d: {  	v2 =	vld [tilespmem:s14+$0x7E50];
	_ =	sdelay $0x4  }
0x26e: {  	v1 =	vadd.f32 v1, v2;
	_ =	sdelay $0x1  }
0x26f: {  	[tilespmem:s14+$0x5650] =	vst.add.f32.msk $0xffff, v1  }
0x270: {  	v1 =	vld.idx.msk [tilespmem:v0+s14+$0x2960 ss:$0x1], $0xffff  }
0x271: {  	v2 =	vld [tilespmem:s14+$0x7E60];
	_ =	sdelay $0x4  }
0x272: {  	v1 =	vadd.f32 v1, v2;
	_ =	sdelay $0x1  }
0x273: {  	[tilespmem:s14+$0x5660] =	vst.add.f32.msk $0xffff, v1  }
0x274: {  	v1 =	vld.idx.msk [tilespmem:v0+s14+$0x2970 ss:$0x1], $0xffff  }
0x275: {  	v2 =	vld [tilespmem:s14+$0x7E70];
	_ =	sdelay $0x4  }
0x276: {  	v1 =	vadd.f32 v1, v2;
	_ =	sdelay $0x1  }
0x277: {  	[tilespmem:s14+$0x5670] =	vst.add.f32.msk $0xffff, v1  }
0x278: {  	v1 =	vld.idx.msk [tilespmem:v0+s14+$0x2980 ss:$0x1], $0xffff  }
0x279: {  	v2 =	vld [tilespmem:s14+$0x7E80];
	_ =	sdelay $0x4  }
0x27a: {  	v1 =	vadd.f32 v1, v2;
	_ =	sdelay $0x1  }
0x27b: {  	[tilespmem:s14+$0x5680] =	vst.add.f32.msk $0xffff, v1  }
0x27c: {  	v1 =	vld.idx.msk [tilespmem:v0+s14+$0x2990 ss:$0x1], $0xffff  }
0x27d: {  	v2 =	vld [tilespmem:s14+$0x7E90];
	_ =	sdelay $0x4  }
0x27e: {  	v1 =	vadd.f32 v1, v2;
	_ =	sdelay $0x1  }
0x27f: {  	[tilespmem:s14+$0x5690] =	vst.add.f32.msk $0xffff, v1  }
0x280: {  	v1 =	vld.idx.msk [tilespmem:v0+s14+$0x29A0 ss:$0x1], $0xffff  }
0x281: {  	v2 =	vld [tilespmem:s14+$0x7EA0];
	_ =	sdelay $0x4  }
0x282: {  	v1 =	vadd.f32 v1, v2;
	_ =	sdelay $0x1  }
0x283: {  	[tilespmem:s14+$0x56A0] =	vst.add.f32.msk $0xffff, v1  }
0x284: {  	v1 =	vld.idx.msk [tilespmem:v0+s14+$0x29B0 ss:$0x1], $0xffff  }
0x285: {  	v2 =	vld [tilespmem:s14+$0x7EB0];
	_ =	sdelay $0x4  }
0x286: {  	v1 =	vadd.f32 v1, v2;
	_ =	sdelay $0x1  }
0x287: {  	[tilespmem:s14+$0x56B0] =	vst.add.f32.msk $0xffff, v1  }
0x288: {  	v1 =	vld.idx.msk [tilespmem:v0+s14+$0x29C0 ss:$0x1], $0xffff  }
0x289: {  	v2 =	vld [tilespmem:s14+$0x7EC0];
	_ =	sdelay $0x4  }
0x28a: {  	v1 =	vadd.f32 v1, v2;
	_ =	sdelay $0x1  }
0x28b: {  	[tilespmem:s14+$0x56C0] =	vst.add.f32.msk $0xffff, v1  }
0x28c: {  	v1 =	vld.idx.msk [tilespmem:v0+s14+$0x29D0 ss:$0x1], $0xffff  }
0x28d: {  	v2 =	vld [tilespmem:s14+$0x7ED0];
	_ =	sdelay $0x4  }
0x28e: {  	v1 =	vadd.f32 v1, v2;
	_ =	sdelay $0x1  }
0x28f: {  	[tilespmem:s14+$0x56D0] =	vst.add.f32.msk $0xffff, v1  }
0x290: {  	v1 =	vld.idx.msk [tilespmem:v0+s14+$0x29E0 ss:$0x1], $0xffff  }
0x291: {  	v2 =	vld [tilespmem:s14+$0x7EE0];
	_ =	sdelay $0x4  }
0x292: {  	v1 =	vadd.f32 v1, v2;
	_ =	sdelay $0x1  }
0x293: {  	[tilespmem:s14+$0x56E0] =	vst.add.f32.msk $0xffff, v1  }
0x294: {  	v1 =	vld.idx.msk [tilespmem:v0+s14+$0x29F0 ss:$0x1], $0xffff  }
0x295: {  	v2 =	vld [tilespmem:s14+$0x7EF0];
	_ =	sdelay $0x1  }
.Ltmp4:
0x296: {  	(pc) =	sbr.rel @p2 .LBB2_9-.Ltmp4, $3  }
0x297: {  	_ =	sdelay $0x1  }
0x298: {  	v1 =	vadd.f32 v1, v2  }
0x299: {  	s10 =	sadd.s32 $0x800, s10  }
0x29a: {  	s10 =	sshll.u32 s23, $0x3  }
0x29b: {  	s10 =	sand.u32 $0x1FFFFD00, s10  }
0x29c: {  	[tilespmem:s14+$0x56F0] =	vst.add.f32.msk $0xffff, v1;
	s23 =	simm.s32 $0x5500;
	s10 =	sadd.s32 s1, s10  }
0x29d: {  	[hbm4b:s10+s3] =	stream.linear.scatter [tilespmem:s23], [sflag:$0xA], $0x2800, $0x38;
	[tilespmem:$0x1B8A0] =	vst v63  }
0x29e: {  	s10 =	simm.s32 @!p1 $0x1  }
0x29f: {  	_ =	swait.ge @!p1 [sflag:s10], $0xA0  }
0x2a0: {  	[sflag:s10] =	ssyncset.done @!p1 $0x0  }
0x2a1: {  	[sflag:s10] =	ssyncadd.s32 @!p1 $0xFFFFFF60;
	s10 =	simm.s32 @!p1 $0x2  }
0x2a2: {  	_ =	swait.ge @!p1 [sflag:s10], $0xA0  }
0x2a3: {  	[sflag:s10] =	ssyncset.done @!p1 $0x0  }
0x2a4: {  	[sflag:s10] =	ssyncadd.s32 @!p1 $0xFFFFFF60;
	s10 =	simm.s32 @!p1 $0x5  }
0x2a5: {  	_ =	swait.ge @!p1 [sflag:s10], $0x2800  }
0x2a6: {  	s14 =	simm.s32 @!p1 $0x0;
	[sflag:s10] =	ssyncset.done @!p1 $0x0  }
0x2a7: {  	s21 =	simm.s32 @!p1 $0x500;
	[sflag:s10] =	ssyncadd.s32 @!p1 $0xFFFFD800;
	s10 =	simm.s32 @!p1 $0xA0  }
0x2a8: {  	[tilespmem:s21], [sflag:$0x3] =	stream.indirect.gather @!p1 [hbm4b:s4+s10], $0x40, s14, s10, $0xb8;
	[tilespmem:$0x1B8A0] =	vst v63  }
0x2a9: {  	s21 =	simm.s32 @!p1 $0x2D00  }
0x2aa: {  	[tilespmem:s21], [sflag:$0x4] =	stream.indirect.gather @!p1 [spmem:s2], $0x40, s10, s10, $0xb8;
	[tilespmem:$0x1B8A0] =	vst v63  }
0x2ab: {  	s10 =	rddreg [dreg:$0x10]  }
0x2ac: {  	s10 =	sadd.s32 @!p1 s25, s10  }
0x2ad: {  	s10 =	sshrl.u32 @!p1 s10, $0x3  }
0x2ae: {  	s23 =	simm.s32 @!p1 $0x140;
	s21 =	sadd.s32 @!p1 s8, s10  }
0x2af: {  	[tilespmem:s23], [sflag:$0x6] =	stream.linear.gather @!p1 [hbm4b:s21+s14], $0xA0, $0x38;
	[tilespmem:$0x1B8A0] =	vst v63  }
0x2b0: {  	s10 =	sadd.s32 @!p1 s9, s10;
	s21 =	simm.s32 @!p1 $0x1E0  }
0x2b1: {  	[tilespmem:s21], [sflag:$0x7] =	stream.linear.gather @!p1 [hbm4b:s10+s14], $0xA0, $0x38;
	[tilespmem:$0x1B8A0] =	vst v63  }
0x2b2: {  	_ =	swait.ge [sflag:s7], $0x2800  }
0x2b3: {  	v0 =	vmov s29;
	[sflag:s7] =	ssyncset.done $0x0  }
0x2b4: {  	[sflag:s7] =	ssyncadd.s32 $0xFFFFD800  }
0x2b5: {  	_ =	swait.ge [sflag:s0], $0x2800  }
0x2b6: {  	[sflag:s0] =	ssyncset.done $0x0  }
0x2b7: {  	s14 =	simm.s32 $0x0;
	[sflag:s0] =	ssyncadd.s32 $0xFFFFD800  }
0x2b8: {  	v1 =	vld.idx.msk [tilespmem:v0+s14+$0x5000 ss:$0x1], $0xffff  }
0x2b9: {  	v2 =	vld [tilespmem:s14+$0xCD00];
	_ =	sdelay $0x4  }
0x2ba: {  	v1 =	vadd.f32 v1, v2  }
0x2bb: {  	v2 =	vld [tilespmem:s14+$0xCD10]  }
0x2bc: {  	[tilespmem:s14+$0xA500] =	vst.add.f32.msk $0xffff, v1  }
0x2bd: {  	v1 =	vld.idx.msk [tilespmem:v0+s14+$0x5010 ss:$0x1], $0xffff;
	_ =	sdelay $0x4  }
0x2be: {  	v1 =	vadd.f32 v1, v2  }
0x2bf: {  	v2 =	vld [tilespmem:s14+$0xCD20]  }
0x2c0: {  	[tilespmem:s14+$0xA510] =	vst.add.f32.msk $0xffff, v1  }
0x2c1: {  	v1 =	vld.idx.msk [tilespmem:v0+s14+$0x5020 ss:$0x1], $0xffff;
	_ =	sdelay $0x4  }
0x2c2: {  	v1 =	vadd.f32 v1, v2  }
0x2c3: {  	v2 =	vld [tilespmem:s14+$0xCD30]  }
0x2c4: {  	[tilespmem:s14+$0xA520] =	vst.add.f32.msk $0xffff, v1  }
0x2c5: {  	v1 =	vld.idx.msk [tilespmem:v0+s14+$0x5030 ss:$0x1], $0xffff;
	_ =	sdelay $0x4  }
0x2c6: {  	v1 =	vadd.f32 v1, v2  }
0x2c7: {  	v2 =	vld [tilespmem:s14+$0xCD40]  }
0x2c8: {  	[tilespmem:s14+$0xA530] =	vst.add.f32.msk $0xffff, v1  }
0x2c9: {  	v1 =	vld.idx.msk [tilespmem:v0+s14+$0x5040 ss:$0x1], $0xffff;
	_ =	sdelay $0x4  }
0x2ca: {  	v1 =	vadd.f32 v1, v2  }
0x2cb: {  	v2 =	vld [tilespmem:s14+$0xCD50]  }
0x2cc: {  	[tilespmem:s14+$0xA540] =	vst.add.f32.msk $0xffff, v1  }
0x2cd: {  	v1 =	vld.idx.msk [tilespmem:v0+s14+$0x5050 ss:$0x1], $0xffff;
	_ =	sdelay $0x4  }
0x2ce: {  	v1 =	vadd.f32 v1, v2  }
0x2cf: {  	v2 =	vld [tilespmem:s14+$0xCD60]  }
0x2d0: {  	[tilespmem:s14+$0xA550] =	vst.add.f32.msk $0xffff, v1  }
0x2d1: {  	v1 =	vld.idx.msk [tilespmem:v0+s14+$0x5060 ss:$0x1], $0xffff;
	_ =	sdelay $0x4  }
0x2d2: {  	v1 =	vadd.f32 v1, v2  }
0x2d3: {  	v2 =	vld [tilespmem:s14+$0xCD70]  }
0x2d4: {  	[tilespmem:s14+$0xA560] =	vst.add.f32.msk $0xffff, v1  }
0x2d5: {  	v1 =	vld.idx.msk [tilespmem:v0+s14+$0x5070 ss:$0x1], $0xffff;
	_ =	sdelay $0x4  }
0x2d6: {  	v1 =	vadd.f32 v1, v2  }
0x2d7: {  	v2 =	vld [tilespmem:s14+$0xCD80]  }
0x2d8: {  	[tilespmem:s14+$0xA570] =	vst.add.f32.msk $0xffff, v1  }
0x2d9: {  	v1 =	vld.idx.msk [tilespmem:v0+s14+$0x5080 ss:$0x1], $0xffff;
	_ =	sdelay $0x4  }
0x2da: {  	v1 =	vadd.f32 v1, v2  }
0x2db: {  	v2 =	vld [tilespmem:s14+$0xCD90]  }
0x2dc: {  	[tilespmem:s14+$0xA580] =	vst.add.f32.msk $0xffff, v1  }
0x2dd: {  	v1 =	vld.idx.msk [tilespmem:v0+s14+$0x5090 ss:$0x1], $0xffff;
	_ =	sdelay $0x4  }
0x2de: {  	v1 =	vadd.f32 v1, v2  }
0x2df: {  	v2 =	vld [tilespmem:s14+$0xCDA0]  }
0x2e0: {  	[tilespmem:s14+$0xA590] =	vst.add.f32.msk $0xffff, v1  }
0x2e1: {  	v1 =	vld.idx.msk [tilespmem:v0+s14+$0x50A0 ss:$0x1], $0xffff;
	_ =	sdelay $0x4  }
0x2e2: {  	v1 =	vadd.f32 v1, v2  }
0x2e3: {  	v2 =	vld [tilespmem:s14+$0xCDB0]  }
0x2e4: {  	[tilespmem:s14+$0xA5A0] =	vst.add.f32.msk $0xffff, v1  }
0x2e5: {  	v1 =	vld.idx.msk [tilespmem:v0+s14+$0x50B0 ss:$0x1], $0xffff;
	_ =	sdelay $0x4  }
0x2e6: {  	v1 =	vadd.f32 v1, v2  }
0x2e7: {  	v2 =	vld [tilespmem:s14+$0xCDC0]  }
0x2e8: {  	[tilespmem:s14+$0xA5B0] =	vst.add.f32.msk $0xffff, v1  }
0x2e9: {  	v1 =	vld.idx.msk [tilespmem:v0+s14+$0x50C0 ss:$0x1], $0xffff;
	_ =	sdelay $0x4  }
0x2ea: {  	v1 =	vadd.f32 v1, v2  }
0x2eb: {  	v2 =	vld [tilespmem:s14+$0xCDD0]  }
0x2ec: {  	[tilespmem:s14+$0xA5C0] =	vst.add.f32.msk $0xffff, v1  }
0x2ed: {  	v1 =	vld.idx.msk [tilespmem:v0+s14+$0x50D0 ss:$0x1], $0xffff;
	_ =	sdelay $0x4  }
0x2ee: {  	v1 =	vadd.f32 v1, v2  }
0x2ef: {  	v2 =	vld [tilespmem:s14+$0xCDE0]  }
0x2f0: {  	[tilespmem:s14+$0xA5D0] =	vst.add.f32.msk $0xffff, v1  }
0x2f1: {  	v1 =	vld.idx.msk [tilespmem:v0+s14+$0x50E0 ss:$0x1], $0xffff;
	_ =	sdelay $0x4  }
0x2f2: {  	v1 =	vadd.f32 v1, v2  }
0x2f3: {  	v2 =	vld [tilespmem:s14+$0xCDF0]  }
0x2f4: {  	[tilespmem:s14+$0xA5E0] =	vst.add.f32.msk $0xffff, v1  }
0x2f5: {  	v1 =	vld.idx.msk [tilespmem:v0+s14+$0x50F0 ss:$0x1], $0xffff;
	_ =	sdelay $0x4  }
0x2f6: {  	v1 =	vadd.f32 v1, v2  }
0x2f7: {  	v2 =	vld [tilespmem:s14+$0xCE00]  }
0x2f8: {  	[tilespmem:s14+$0xA5F0] =	vst.add.f32.msk $0xffff, v1  }
0x2f9: {  	v1 =	vld.idx.msk [tilespmem:v0+s14+$0x5100 ss:$0x1], $0xffff;
	_ =	sdelay $0x4  }
0x2fa: {  	v1 =	vadd.f32 v1, v2  }
0x2fb: {  	v2 =	vld [tilespmem:s14+$0xCE10]  }
0x2fc: {  	[tilespmem:s14+$0xA600] =	vst.add.f32.msk $0xffff, v1  }
0x2fd: {  	v1 =	vld.idx.msk [tilespmem:v0+s14+$0x5110 ss:$0x1], $0xffff;
	_ =	sdelay $0x4  }
0x2fe: {  	v1 =	vadd.f32 v1, v2  }
0x2ff: {  	v2 =	vld [tilespmem:s14+$0xCE20]  }
0x300: {  	[tilespmem:s14+$0xA610] =	vst.add.f32.msk $0xffff, v1  }
0x301: {  	v1 =	vld.idx.msk [tilespmem:v0+s14+$0x5120 ss:$0x1], $0xffff;
	_ =	sdelay $0x4  }
0x302: {  	v1 =	vadd.f32 v1, v2  }
0x303: {  	v2 =	vld [tilespmem:s14+$0xCE30]  }
0x304: {  	[tilespmem:s14+$0xA620] =	vst.add.f32.msk $0xffff, v1  }
0x305: {  	v1 =	vld.idx.msk [tilespmem:v0+s14+$0x5130 ss:$0x1], $0xffff;
	_ =	sdelay $0x4  }
0x306: {  	v1 =	vadd.f32 v1, v2  }
0x307: {  	v2 =	vld [tilespmem:s14+$0xCE40]  }
0x308: {  	[tilespmem:s14+$0xA630] =	vst.add.f32.msk $0xffff, v1  }
0x309: {  	v1 =	vld.idx.msk [tilespmem:v0+s14+$0x5140 ss:$0x1], $0xffff;
	_ =	sdelay $0x4  }
0x30a: {  	v1 =	vadd.f32 v1, v2  }
0x30b: {  	v2 =	vld [tilespmem:s14+$0xCE50]  }
0x30c: {  	[tilespmem:s14+$0xA640] =	vst.add.f32.msk $0xffff, v1  }
0x30d: {  	v1 =	vld.idx.msk [tilespmem:v0+s14+$0x5150 ss:$0x1], $0xffff;
	_ =	sdelay $0x4  }
0x30e: {  	v1 =	vadd.f32 v1, v2  }
0x30f: {  	v2 =	vld [tilespmem:s14+$0xCE60]  }
0x310: {  	[tilespmem:s14+$0xA650] =	vst.add.f32.msk $0xffff, v1  }
0x311: {  	v1 =	vld.idx.msk [tilespmem:v0+s14+$0x5160 ss:$0x1], $0xffff;
	_ =	sdelay $0x4  }
0x312: {  	v1 =	vadd.f32 v1, v2  }
0x313: {  	v2 =	vld [tilespmem:s14+$0xCE70]  }
0x314: {  	[tilespmem:s14+$0xA660] =	vst.add.f32.msk $0xffff, v1  }
0x315: {  	v1 =	vld.idx.msk [tilespmem:v0+s14+$0x5170 ss:$0x1], $0xffff;
	_ =	sdelay $0x4  }
0x316: {  	v1 =	vadd.f32 v1, v2  }
0x317: {  	v2 =	vld [tilespmem:s14+$0xCE80]  }
0x318: {  	[tilespmem:s14+$0xA670] =	vst.add.f32.msk $0xffff, v1  }
0x319: {  	v1 =	vld.idx.msk [tilespmem:v0+s14+$0x5180 ss:$0x1], $0xffff;
	_ =	sdelay $0x4  }
0x31a: {  	v1 =	vadd.f32 v1, v2  }
0x31b: {  	v2 =	vld [tilespmem:s14+$0xCE90]  }
0x31c: {  	[tilespmem:s14+$0xA680] =	vst.add.f32.msk $0xffff, v1  }
0x31d: {  	v1 =	vld.idx.msk [tilespmem:v0+s14+$0x5190 ss:$0x1], $0xffff;
	_ =	sdelay $0x4  }
0x31e: {  	v1 =	vadd.f32 v1, v2  }
0x31f: {  	v2 =	vld [tilespmem:s14+$0xCEA0]  }
0x320: {  	[tilespmem:s14+$0xA690] =	vst.add.f32.msk $0xffff, v1  }
0x321: {  	v1 =	vld.idx.msk [tilespmem:v0+s14+$0x51A0 ss:$0x1], $0xffff;
	_ =	sdelay $0x4  }
0x322: {  	v1 =	vadd.f32 v1, v2  }
0x323: {  	v2 =	vld [tilespmem:s14+$0xCEB0]  }
0x324: {  	[tilespmem:s14+$0xA6A0] =	vst.add.f32.msk $0xffff, v1  }
0x325: {  	v1 =	vld.idx.msk [tilespmem:v0+s14+$0x51B0 ss:$0x1], $0xffff;
	_ =	sdelay $0x4  }
0x326: {  	v1 =	vadd.f32 v1, v2  }
0x327: {  	v2 =	vld [tilespmem:s14+$0xCEC0]  }
0x328: {  	[tilespmem:s14+$0xA6B0] =	vst.add.f32.msk $0xffff, v1  }
0x329: {  	v1 =	vld.idx.msk [tilespmem:v0+s14+$0x51C0 ss:$0x1], $0xffff;
	_ =	sdelay $0x4  }
0x32a: {  	v1 =	vadd.f32 v1, v2  }
0x32b: {  	v2 =	vld [tilespmem:s14+$0xCED0]  }
0x32c: {  	[tilespmem:s14+$0xA6C0] =	vst.add.f32.msk $0xffff, v1  }
0x32d: {  	v1 =	vld.idx.msk [tilespmem:v0+s14+$0x51D0 ss:$0x1], $0xffff;
	_ =	sdelay $0x4  }
0x32e: {  	v1 =	vadd.f32 v1, v2  }
0x32f: {  	v2 =	vld [tilespmem:s14+$0xCEE0]  }
0x330: {  	[tilespmem:s14+$0xA6D0] =	vst.add.f32.msk $0xffff, v1  }
0x331: {  	v1 =	vld.idx.msk [tilespmem:v0+s14+$0x51E0 ss:$0x1], $0xffff;
	_ =	sdelay $0x4  }
0x332: {  	v1 =	vadd.f32 v1, v2  }
0x333: {  	v2 =	vld [tilespmem:s14+$0xCEF0]  }
0x334: {  	[tilespmem:s14+$0xA6E0] =	vst.add.f32.msk $0xffff, v1  }
0x335: {  	v1 =	vld.idx.msk [tilespmem:v0+s14+$0x51F0 ss:$0x1], $0xffff;
	_ =	sdelay $0x4  }
0x336: {  	s29 =	rddreg [dreg:$0x11];
	v1 =	vadd.f32 v1, v2  }
0x337: {  	s21 =	simm.s32 $0x0;
	s10 =	simm.s32 $0x800;
	s23 =	sadd.s32 s25, s29  }
.LBB2_11:
0x338: {  	s21 =	sadd.s32 $0x8, s21;
	[tilespmem:s14+$0xA6F0] =	vst.add.f32.msk $0xffff, v1;
	s14 =	sshra.s32 s10, $0x2  }
0x339: {  	v1 =	vld.idx.msk [tilespmem:v0+s14+$0x5000 ss:$0x1], $0xffff;
	p2 =	slt.u32 s21, $0x98  }
0x33a: {  	v2 =	vld [tilespmem:s14+$0xCD00];
	_ =	sdelay $0x4  }
0x33b: {  	v1 =	vadd.f32 v1, v2;
	_ =	sdelay $0x1  }
0x33c: {  	[tilespmem:s14+$0xA500] =	vst.add.f32.msk $0xffff, v1  }
0x33d: {  	v1 =	vld.idx.msk [tilespmem:v0+s14+$0x5010 ss:$0x1], $0xffff  }
0x33e: {  	v2 =	vld [tilespmem:s14+$0xCD10];
	_ =	sdelay $0x4  }
0x33f: {  	v1 =	vadd.f32 v1, v2;
	_ =	sdelay $0x1  }
0x340: {  	[tilespmem:s14+$0xA510] =	vst.add.f32.msk $0xffff, v1  }
0x341: {  	v1 =	vld.idx.msk [tilespmem:v0+s14+$0x5020 ss:$0x1], $0xffff  }
0x342: {  	v2 =	vld [tilespmem:s14+$0xCD20];
	_ =	sdelay $0x4  }
0x343: {  	v1 =	vadd.f32 v1, v2;
	_ =	sdelay $0x1  }
0x344: {  	[tilespmem:s14+$0xA520] =	vst.add.f32.msk $0xffff, v1  }
0x345: {  	v1 =	vld.idx.msk [tilespmem:v0+s14+$0x5030 ss:$0x1], $0xffff  }
0x346: {  	v2 =	vld [tilespmem:s14+$0xCD30];
	_ =	sdelay $0x4  }
0x347: {  	v1 =	vadd.f32 v1, v2;
	_ =	sdelay $0x1  }
0x348: {  	[tilespmem:s14+$0xA530] =	vst.add.f32.msk $0xffff, v1  }
0x349: {  	v1 =	vld.idx.msk [tilespmem:v0+s14+$0x5040 ss:$0x1], $0xffff  }
0x34a: {  	v2 =	vld [tilespmem:s14+$0xCD40];
	_ =	sdelay $0x4  }
0x34b: {  	v1 =	vadd.f32 v1, v2;
	_ =	sdelay $0x1  }
0x34c: {  	[tilespmem:s14+$0xA540] =	vst.add.f32.msk $0xffff, v1  }
0x34d: {  	v1 =	vld.idx.msk [tilespmem:v0+s14+$0x5050 ss:$0x1], $0xffff  }
0x34e: {  	v2 =	vld [tilespmem:s14+$0xCD50];
	_ =	sdelay $0x4  }
0x34f: {  	v1 =	vadd.f32 v1, v2;
	_ =	sdelay $0x1  }
0x350: {  	[tilespmem:s14+$0xA550] =	vst.add.f32.msk $0xffff, v1  }
0x351: {  	v1 =	vld.idx.msk [tilespmem:v0+s14+$0x5060 ss:$0x1], $0xffff  }
0x352: {  	v2 =	vld [tilespmem:s14+$0xCD60];
	_ =	sdelay $0x4  }
0x353: {  	v1 =	vadd.f32 v1, v2;
	_ =	sdelay $0x1  }
0x354: {  	[tilespmem:s14+$0xA560] =	vst.add.f32.msk $0xffff, v1  }
0x355: {  	v1 =	vld.idx.msk [tilespmem:v0+s14+$0x5070 ss:$0x1], $0xffff  }
0x356: {  	v2 =	vld [tilespmem:s14+$0xCD70];
	_ =	sdelay $0x4  }
0x357: {  	v1 =	vadd.f32 v1, v2;
	_ =	sdelay $0x1  }
0x358: {  	[tilespmem:s14+$0xA570] =	vst.add.f32.msk $0xffff, v1  }
0x359: {  	v1 =	vld.idx.msk [tilespmem:v0+s14+$0x5080 ss:$0x1], $0xffff  }
0x35a: {  	v2 =	vld [tilespmem:s14+$0xCD80];
	_ =	sdelay $0x4  }
0x35b: {  	v1 =	vadd.f32 v1, v2;
	_ =	sdelay $0x1  }
0x35c: {  	[tilespmem:s14+$0xA580] =	vst.add.f32.msk $0xffff, v1  }
0x35d: {  	v1 =	vld.idx.msk [tilespmem:v0+s14+$0x5090 ss:$0x1], $0xffff  }
0x35e: {  	v2 =	vld [tilespmem:s14+$0xCD90];
	_ =	sdelay $0x4  }
0x35f: {  	v1 =	vadd.f32 v1, v2;
	_ =	sdelay $0x1  }
0x360: {  	[tilespmem:s14+$0xA590] =	vst.add.f32.msk $0xffff, v1  }
0x361: {  	v1 =	vld.idx.msk [tilespmem:v0+s14+$0x50A0 ss:$0x1], $0xffff  }
0x362: {  	v2 =	vld [tilespmem:s14+$0xCDA0];
	_ =	sdelay $0x4  }
0x363: {  	v1 =	vadd.f32 v1, v2;
	_ =	sdelay $0x1  }
0x364: {  	[tilespmem:s14+$0xA5A0] =	vst.add.f32.msk $0xffff, v1  }
0x365: {  	v1 =	vld.idx.msk [tilespmem:v0+s14+$0x50B0 ss:$0x1], $0xffff  }
0x366: {  	v2 =	vld [tilespmem:s14+$0xCDB0];
	_ =	sdelay $0x4  }
0x367: {  	v1 =	vadd.f32 v1, v2;
	_ =	sdelay $0x1  }
0x368: {  	[tilespmem:s14+$0xA5B0] =	vst.add.f32.msk $0xffff, v1  }
0x369: {  	v1 =	vld.idx.msk [tilespmem:v0+s14+$0x50C0 ss:$0x1], $0xffff  }
0x36a: {  	v2 =	vld [tilespmem:s14+$0xCDC0];
	_ =	sdelay $0x4  }
0x36b: {  	v1 =	vadd.f32 v1, v2;
	_ =	sdelay $0x1  }
0x36c: {  	[tilespmem:s14+$0xA5C0] =	vst.add.f32.msk $0xffff, v1  }
0x36d: {  	v1 =	vld.idx.msk [tilespmem:v0+s14+$0x50D0 ss:$0x1], $0xffff  }
0x36e: {  	v2 =	vld [tilespmem:s14+$0xCDD0];
	_ =	sdelay $0x4  }
0x36f: {  	v1 =	vadd.f32 v1, v2;
	_ =	sdelay $0x1  }
0x370: {  	[tilespmem:s14+$0xA5D0] =	vst.add.f32.msk $0xffff, v1  }
0x371: {  	v1 =	vld.idx.msk [tilespmem:v0+s14+$0x50E0 ss:$0x1], $0xffff  }
0x372: {  	v2 =	vld [tilespmem:s14+$0xCDE0];
	_ =	sdelay $0x4  }
0x373: {  	v1 =	vadd.f32 v1, v2;
	_ =	sdelay $0x1  }
0x374: {  	[tilespmem:s14+$0xA5E0] =	vst.add.f32.msk $0xffff, v1  }
0x375: {  	v1 =	vld.idx.msk [tilespmem:v0+s14+$0x50F0 ss:$0x1], $0xffff  }
0x376: {  	v2 =	vld [tilespmem:s14+$0xCDF0];
	_ =	sdelay $0x4  }
0x377: {  	v1 =	vadd.f32 v1, v2;
	_ =	sdelay $0x1  }
0x378: {  	[tilespmem:s14+$0xA5F0] =	vst.add.f32.msk $0xffff, v1  }
0x379: {  	v1 =	vld.idx.msk [tilespmem:v0+s14+$0x5100 ss:$0x1], $0xffff  }
0x37a: {  	v2 =	vld [tilespmem:s14+$0xCE00];
	_ =	sdelay $0x4  }
0x37b: {  	v1 =	vadd.f32 v1, v2;
	_ =	sdelay $0x1  }
0x37c: {  	[tilespmem:s14+$0xA600] =	vst.add.f32.msk $0xffff, v1  }
0x37d: {  	v1 =	vld.idx.msk [tilespmem:v0+s14+$0x5110 ss:$0x1], $0xffff  }
0x37e: {  	v2 =	vld [tilespmem:s14+$0xCE10];
	_ =	sdelay $0x4  }
0x37f: {  	v1 =	vadd.f32 v1, v2;
	_ =	sdelay $0x1  }
0x380: {  	[tilespmem:s14+$0xA610] =	vst.add.f32.msk $0xffff, v1  }
0x381: {  	v1 =	vld.idx.msk [tilespmem:v0+s14+$0x5120 ss:$0x1], $0xffff  }
0x382: {  	v2 =	vld [tilespmem:s14+$0xCE20];
	_ =	sdelay $0x4  }
0x383: {  	v1 =	vadd.f32 v1, v2;
	_ =	sdelay $0x1  }
0x384: {  	[tilespmem:s14+$0xA620] =	vst.add.f32.msk $0xffff, v1  }
0x385: {  	v1 =	vld.idx.msk [tilespmem:v0+s14+$0x5130 ss:$0x1], $0xffff  }
0x386: {  	v2 =	vld [tilespmem:s14+$0xCE30];
	_ =	sdelay $0x4  }
0x387: {  	v1 =	vadd.f32 v1, v2;
	_ =	sdelay $0x1  }
0x388: {  	[tilespmem:s14+$0xA630] =	vst.add.f32.msk $0xffff, v1  }
0x389: {  	v1 =	vld.idx.msk [tilespmem:v0+s14+$0x5140 ss:$0x1], $0xffff  }
0x38a: {  	v2 =	vld [tilespmem:s14+$0xCE40];
	_ =	sdelay $0x4  }
0x38b: {  	v1 =	vadd.f32 v1, v2;
	_ =	sdelay $0x1  }
0x38c: {  	[tilespmem:s14+$0xA640] =	vst.add.f32.msk $0xffff, v1  }
0x38d: {  	v1 =	vld.idx.msk [tilespmem:v0+s14+$0x5150 ss:$0x1], $0xffff  }
0x38e: {  	v2 =	vld [tilespmem:s14+$0xCE50];
	_ =	sdelay $0x4  }
0x38f: {  	v1 =	vadd.f32 v1, v2;
	_ =	sdelay $0x1  }
0x390: {  	[tilespmem:s14+$0xA650] =	vst.add.f32.msk $0xffff, v1  }
0x391: {  	v1 =	vld.idx.msk [tilespmem:v0+s14+$0x5160 ss:$0x1], $0xffff  }
0x392: {  	v2 =	vld [tilespmem:s14+$0xCE60];
	_ =	sdelay $0x4  }
0x393: {  	v1 =	vadd.f32 v1, v2;
	_ =	sdelay $0x1  }
0x394: {  	[tilespmem:s14+$0xA660] =	vst.add.f32.msk $0xffff, v1  }
0x395: {  	v1 =	vld.idx.msk [tilespmem:v0+s14+$0x5170 ss:$0x1], $0xffff  }
0x396: {  	v2 =	vld [tilespmem:s14+$0xCE70];
	_ =	sdelay $0x4  }
0x397: {  	v1 =	vadd.f32 v1, v2;
	_ =	sdelay $0x1  }
0x398: {  	[tilespmem:s14+$0xA670] =	vst.add.f32.msk $0xffff, v1  }
0x399: {  	v1 =	vld.idx.msk [tilespmem:v0+s14+$0x5180 ss:$0x1], $0xffff  }
0x39a: {  	v2 =	vld [tilespmem:s14+$0xCE80];
	_ =	sdelay $0x4  }
0x39b: {  	v1 =	vadd.f32 v1, v2;
	_ =	sdelay $0x1  }
0x39c: {  	[tilespmem:s14+$0xA680] =	vst.add.f32.msk $0xffff, v1  }
0x39d: {  	v1 =	vld.idx.msk [tilespmem:v0+s14+$0x5190 ss:$0x1], $0xffff  }
0x39e: {  	v2 =	vld [tilespmem:s14+$0xCE90];
	_ =	sdelay $0x4  }
0x39f: {  	v1 =	vadd.f32 v1, v2;
	_ =	sdelay $0x1  }
0x3a0: {  	[tilespmem:s14+$0xA690] =	vst.add.f32.msk $0xffff, v1  }
0x3a1: {  	v1 =	vld.idx.msk [tilespmem:v0+s14+$0x51A0 ss:$0x1], $0xffff  }
0x3a2: {  	v2 =	vld [tilespmem:s14+$0xCEA0];
	_ =	sdelay $0x4  }
0x3a3: {  	v1 =	vadd.f32 v1, v2;
	_ =	sdelay $0x1  }
0x3a4: {  	[tilespmem:s14+$0xA6A0] =	vst.add.f32.msk $0xffff, v1  }
0x3a5: {  	v1 =	vld.idx.msk [tilespmem:v0+s14+$0x51B0 ss:$0x1], $0xffff  }
0x3a6: {  	v2 =	vld [tilespmem:s14+$0xCEB0];
	_ =	sdelay $0x4  }
0x3a7: {  	v1 =	vadd.f32 v1, v2;
	_ =	sdelay $0x1  }
0x3a8: {  	[tilespmem:s14+$0xA6B0] =	vst.add.f32.msk $0xffff, v1  }
0x3a9: {  	v1 =	vld.idx.msk [tilespmem:v0+s14+$0x51C0 ss:$0x1], $0xffff  }
0x3aa: {  	v2 =	vld [tilespmem:s14+$0xCEC0];
	_ =	sdelay $0x4  }
0x3ab: {  	v1 =	vadd.f32 v1, v2;
	_ =	sdelay $0x1  }
0x3ac: {  	[tilespmem:s14+$0xA6C0] =	vst.add.f32.msk $0xffff, v1  }
0x3ad: {  	v1 =	vld.idx.msk [tilespmem:v0+s14+$0x51D0 ss:$0x1], $0xffff  }
0x3ae: {  	v2 =	vld [tilespmem:s14+$0xCED0];
	_ =	sdelay $0x4  }
0x3af: {  	v1 =	vadd.f32 v1, v2;
	_ =	sdelay $0x1  }
0x3b0: {  	[tilespmem:s14+$0xA6D0] =	vst.add.f32.msk $0xffff, v1  }
0x3b1: {  	v1 =	vld.idx.msk [tilespmem:v0+s14+$0x51E0 ss:$0x1], $0xffff  }
0x3b2: {  	v2 =	vld [tilespmem:s14+$0xCEE0];
	_ =	sdelay $0x4  }
0x3b3: {  	v1 =	vadd.f32 v1, v2;
	_ =	sdelay $0x1  }
0x3b4: {  	[tilespmem:s14+$0xA6E0] =	vst.add.f32.msk $0xffff, v1  }
0x3b5: {  	v1 =	vld.idx.msk [tilespmem:v0+s14+$0x51F0 ss:$0x1], $0xffff  }
0x3b6: {  	v2 =	vld [tilespmem:s14+$0xCEF0];
	_ =	sdelay $0x1  }
.Ltmp5:
0x3b7: {  	(pc) =	sbr.rel @p2 .LBB2_11-.Ltmp5, $3  }
0x3b8: {  	_ =	sdelay $0x1  }
0x3b9: {  	v1 =	vadd.f32 v1, v2  }
0x3ba: {  	s10 =	sadd.s32 $0x800, s10  }
0x3bb: {  	s10 =	sshll.u32 s23, $0x3  }
0x3bc: {  	s10 =	sand.u32 $0x1FFFFE00, s10  }
0x3bd: {  	[tilespmem:s14+$0xA6F0] =	vst.add.f32.msk $0xffff, v1;
	s10 =	sadd.s32 s1, s10  }
0x3be: {  	[hbm4b:s10+s3] =	stream.linear.scatter [tilespmem:s24], [sflag:$0xF], $0x2800, $0x38;
	[tilespmem:$0x1B8A0] =	vst v63  }
0x3bf: {  	s10 =	simm.s32 @!p1 $0x6  }
0x3c0: {  	_ =	swait.ge @!p1 [sflag:s10], $0xA0  }
0x3c1: {  	[sflag:s10] =	ssyncset.done @!p1 $0x0  }
0x3c2: {  	[sflag:s10] =	ssyncadd.s32 @!p1 $0xFFFFFF60;
	s10 =	simm.s32 @!p1 $0x7  }
0x3c3: {  	_ =	swait.ge @!p1 [sflag:s10], $0xA0  }
0x3c4: {  	[sflag:s10] =	ssyncset.done @!p1 $0x0  }
0x3c5: {  	[sflag:s10] =	ssyncadd.s32 @!p1 $0xFFFFFF60;
	s10 =	simm.s32 @!p1 $0xA  }
0x3c6: {  	_ =	swait.ge @!p1 [sflag:s10], $0x2800  }
0x3c7: {  	s14 =	simm.s32 @!p1 $0x140;
	[sflag:s10] =	ssyncset.done @!p1 $0x0  }
0x3c8: {  	s21 =	simm.s32 @!p1 $0x5500;
	[sflag:s10] =	ssyncadd.s32 @!p1 $0xFFFFD800;
	s10 =	simm.s32 @!p1 $0xA0  }
0x3c9: {  	[tilespmem:s21], [sflag:$0x8] =	stream.indirect.gather @!p1 [hbm4b:s4+s10], $0x40, s14, s10, $0xb8;
	[tilespmem:$0x1B8A0] =	vst v63  }
0x3ca: {  	s14 =	simm.s32 @!p1 $0x1E0;
	s21 =	simm.s32 @!p1 $0x7D00  }
0x3cb: {  	[tilespmem:s21], [sflag:$0x9] =	stream.indirect.gather @!p1 [spmem:s2], $0x40, s14, s10, $0xb8;
	[tilespmem:$0x1B8A0] =	vst v63  }
0x3cc: {  	s10 =	rddreg [dreg:$0x13]  }
0x3cd: {  	s10 =	sadd.s32 @!p1 s25, s10  }
0x3ce: {  	s10 =	sshrl.u32 @!p1 s10, $0x3  }
0x3cf: {  	s23 =	simm.s32 @!p1 $0x280;
	s21 =	simm.s32 @!p1 $0x0;
	s14 =	sadd.s32 @!p1 s8, s10  }
0x3d0: {  	[tilespmem:s23], [sflag:$0xB] =	stream.linear.gather @!p1 [hbm4b:s14+s21], $0xA0, $0x38;
	[tilespmem:$0x1B8A0] =	vst v63  }
0x3d1: {  	s10 =	sadd.s32 @!p1 s9, s10;
	s14 =	simm.s32 @!p1 $0x320  }
0x3d2: {  	[tilespmem:s14], [sflag:$0xC] =	stream.linear.gather @!p1 [hbm4b:s10+s21], $0xA0, $0x38;
	[tilespmem:$0x1B8A0] =	vst v63  }
0x3d3: {  	_ =	swait.ge [sflag:s5], $0x2800  }
0x3d4: {  	v0 =	vmov s28;
	[sflag:s5] =	ssyncset.done $0x0  }
0x3d5: {  	[sflag:s5] =	ssyncadd.s32 $0xFFFFD800  }
0x3d6: {  	_ =	swait.ge [sflag:s12], $0x2800  }
0x3d7: {  	[sflag:s12] =	ssyncset.done $0x0  }
0x3d8: {  	s14 =	simm.s32 $0x0;
	[sflag:s12] =	ssyncadd.s32 $0xFFFFD800  }
0x3d9: {  	v1 =	vld.idx.msk [tilespmem:v0+s14+$0x7800 ss:$0x1], $0xffff  }
0x3da: {  	v2 =	vld [tilespmem:s14+$0x11D00];
	_ =	sdelay $0x4  }
0x3db: {  	v1 =	vadd.f32 v1, v2  }
0x3dc: {  	v2 =	vld [tilespmem:s14+$0x11D10]  }
0x3dd: {  	[tilespmem:s14+$0xF500] =	vst.add.f32.msk $0xffff, v1  }
0x3de: {  	v1 =	vld.idx.msk [tilespmem:v0+s14+$0x7810 ss:$0x1], $0xffff;
	_ =	sdelay $0x4  }
0x3df: {  	v1 =	vadd.f32 v1, v2  }
0x3e0: {  	v2 =	vld [tilespmem:s14+$0x11D20]  }
0x3e1: {  	[tilespmem:s14+$0xF510] =	vst.add.f32.msk $0xffff, v1  }
0x3e2: {  	v1 =	vld.idx.msk [tilespmem:v0+s14+$0x7820 ss:$0x1], $0xffff;
	_ =	sdelay $0x4  }
0x3e3: {  	v1 =	vadd.f32 v1, v2  }
0x3e4: {  	v2 =	vld [tilespmem:s14+$0x11D30]  }
0x3e5: {  	[tilespmem:s14+$0xF520] =	vst.add.f32.msk $0xffff, v1  }
0x3e6: {  	v1 =	vld.idx.msk [tilespmem:v0+s14+$0x7830 ss:$0x1], $0xffff;
	_ =	sdelay $0x4  }
0x3e7: {  	v1 =	vadd.f32 v1, v2  }
0x3e8: {  	v2 =	vld [tilespmem:s14+$0x11D40]  }
0x3e9: {  	[tilespmem:s14+$0xF530] =	vst.add.f32.msk $0xffff, v1  }
0x3ea: {  	v1 =	vld.idx.msk [tilespmem:v0+s14+$0x7840 ss:$0x1], $0xffff;
	_ =	sdelay $0x4  }
0x3eb: {  	v1 =	vadd.f32 v1, v2  }
0x3ec: {  	v2 =	vld [tilespmem:s14+$0x11D50]  }
0x3ed: {  	[tilespmem:s14+$0xF540] =	vst.add.f32.msk $0xffff, v1  }
0x3ee: {  	v1 =	vld.idx.msk [tilespmem:v0+s14+$0x7850 ss:$0x1], $0xffff;
	_ =	sdelay $0x4  }
0x3ef: {  	v1 =	vadd.f32 v1, v2  }
0x3f0: {  	v2 =	vld [tilespmem:s14+$0x11D60]  }
0x3f1: {  	[tilespmem:s14+$0xF550] =	vst.add.f32.msk $0xffff, v1  }
0x3f2: {  	v1 =	vld.idx.msk [tilespmem:v0+s14+$0x7860 ss:$0x1], $0xffff;
	_ =	sdelay $0x4  }
0x3f3: {  	v1 =	vadd.f32 v1, v2  }
0x3f4: {  	v2 =	vld [tilespmem:s14+$0x11D70]  }
0x3f5: {  	[tilespmem:s14+$0xF560] =	vst.add.f32.msk $0xffff, v1  }
0x3f6: {  	v1 =	vld.idx.msk [tilespmem:v0+s14+$0x7870 ss:$0x1], $0xffff;
	_ =	sdelay $0x4  }
0x3f7: {  	v1 =	vadd.f32 v1, v2  }
0x3f8: {  	v2 =	vld [tilespmem:s14+$0x11D80]  }
0x3f9: {  	[tilespmem:s14+$0xF570] =	vst.add.f32.msk $0xffff, v1  }
0x3fa: {  	v1 =	vld.idx.msk [tilespmem:v0+s14+$0x7880 ss:$0x1], $0xffff;
	_ =	sdelay $0x4  }
0x3fb: {  	v1 =	vadd.f32 v1, v2  }
0x3fc: {  	v2 =	vld [tilespmem:s14+$0x11D90]  }
0x3fd: {  	[tilespmem:s14+$0xF580] =	vst.add.f32.msk $0xffff, v1  }
0x3fe: {  	v1 =	vld.idx.msk [tilespmem:v0+s14+$0x7890 ss:$0x1], $0xffff;
	_ =	sdelay $0x4  }
0x3ff: {  	v1 =	vadd.f32 v1, v2  }
0x400: {  	v2 =	vld [tilespmem:s14+$0x11DA0]  }
0x401: {  	[tilespmem:s14+$0xF590] =	vst.add.f32.msk $0xffff, v1  }
0x402: {  	v1 =	vld.idx.msk [tilespmem:v0+s14+$0x78A0 ss:$0x1], $0xffff;
	_ =	sdelay $0x4  }
0x403: {  	v1 =	vadd.f32 v1, v2  }
0x404: {  	v2 =	vld [tilespmem:s14+$0x11DB0]  }
0x405: {  	[tilespmem:s14+$0xF5A0] =	vst.add.f32.msk $0xffff, v1  }
0x406: {  	v1 =	vld.idx.msk [tilespmem:v0+s14+$0x78B0 ss:$0x1], $0xffff;
	_ =	sdelay $0x4  }
0x407: {  	v1 =	vadd.f32 v1, v2  }
0x408: {  	v2 =	vld [tilespmem:s14+$0x11DC0]  }
0x409: {  	[tilespmem:s14+$0xF5B0] =	vst.add.f32.msk $0xffff, v1  }
0x40a: {  	v1 =	vld.idx.msk [tilespmem:v0+s14+$0x78C0 ss:$0x1], $0xffff;
	_ =	sdelay $0x4  }
0x40b: {  	v1 =	vadd.f32 v1, v2  }
0x40c: {  	v2 =	vld [tilespmem:s14+$0x11DD0]  }
0x40d: {  	[tilespmem:s14+$0xF5C0] =	vst.add.f32.msk $0xffff, v1  }
0x40e: {  	v1 =	vld.idx.msk [tilespmem:v0+s14+$0x78D0 ss:$0x1], $0xffff;
	_ =	sdelay $0x4  }
0x40f: {  	v1 =	vadd.f32 v1, v2  }
0x410: {  	v2 =	vld [tilespmem:s14+$0x11DE0]  }
0x411: {  	[tilespmem:s14+$0xF5D0] =	vst.add.f32.msk $0xffff, v1  }
0x412: {  	v1 =	vld.idx.msk [tilespmem:v0+s14+$0x78E0 ss:$0x1], $0xffff;
	_ =	sdelay $0x4  }
0x413: {  	v1 =	vadd.f32 v1, v2  }
0x414: {  	v2 =	vld [tilespmem:s14+$0x11DF0]  }
0x415: {  	[tilespmem:s14+$0xF5E0] =	vst.add.f32.msk $0xffff, v1  }
0x416: {  	v1 =	vld.idx.msk [tilespmem:v0+s14+$0x78F0 ss:$0x1], $0xffff;
	_ =	sdelay $0x4  }
0x417: {  	v1 =	vadd.f32 v1, v2  }
0x418: {  	v2 =	vld [tilespmem:s14+$0x11E00]  }
0x419: {  	[tilespmem:s14+$0xF5F0] =	vst.add.f32.msk $0xffff, v1  }
0x41a: {  	v1 =	vld.idx.msk [tilespmem:v0+s14+$0x7900 ss:$0x1], $0xffff;
	_ =	sdelay $0x4  }
0x41b: {  	v1 =	vadd.f32 v1, v2  }
0x41c: {  	v2 =	vld [tilespmem:s14+$0x11E10]  }
0x41d: {  	[tilespmem:s14+$0xF600] =	vst.add.f32.msk $0xffff, v1  }
0x41e: {  	v1 =	vld.idx.msk [tilespmem:v0+s14+$0x7910 ss:$0x1], $0xffff;
	_ =	sdelay $0x4  }
0x41f: {  	v1 =	vadd.f32 v1, v2  }
0x420: {  	v2 =	vld [tilespmem:s14+$0x11E20]  }
0x421: {  	[tilespmem:s14+$0xF610] =	vst.add.f32.msk $0xffff, v1  }
0x422: {  	v1 =	vld.idx.msk [tilespmem:v0+s14+$0x7920 ss:$0x1], $0xffff;
	_ =	sdelay $0x4  }
0x423: {  	v1 =	vadd.f32 v1, v2  }
0x424: {  	v2 =	vld [tilespmem:s14+$0x11E30]  }
0x425: {  	[tilespmem:s14+$0xF620] =	vst.add.f32.msk $0xffff, v1  }
0x426: {  	v1 =	vld.idx.msk [tilespmem:v0+s14+$0x7930 ss:$0x1], $0xffff;
	_ =	sdelay $0x4  }
0x427: {  	v1 =	vadd.f32 v1, v2  }
0x428: {  	v2 =	vld [tilespmem:s14+$0x11E40]  }
0x429: {  	[tilespmem:s14+$0xF630] =	vst.add.f32.msk $0xffff, v1  }
0x42a: {  	v1 =	vld.idx.msk [tilespmem:v0+s14+$0x7940 ss:$0x1], $0xffff;
	_ =	sdelay $0x4  }
0x42b: {  	v1 =	vadd.f32 v1, v2  }
0x42c: {  	v2 =	vld [tilespmem:s14+$0x11E50]  }
0x42d: {  	[tilespmem:s14+$0xF640] =	vst.add.f32.msk $0xffff, v1  }
0x42e: {  	v1 =	vld.idx.msk [tilespmem:v0+s14+$0x7950 ss:$0x1], $0xffff;
	_ =	sdelay $0x4  }
0x42f: {  	v1 =	vadd.f32 v1, v2  }
0x430: {  	v2 =	vld [tilespmem:s14+$0x11E60]  }
0x431: {  	[tilespmem:s14+$0xF650] =	vst.add.f32.msk $0xffff, v1  }
0x432: {  	v1 =	vld.idx.msk [tilespmem:v0+s14+$0x7960 ss:$0x1], $0xffff;
	_ =	sdelay $0x4  }
0x433: {  	v1 =	vadd.f32 v1, v2  }
0x434: {  	v2 =	vld [tilespmem:s14+$0x11E70]  }
0x435: {  	[tilespmem:s14+$0xF660] =	vst.add.f32.msk $0xffff, v1  }
0x436: {  	v1 =	vld.idx.msk [tilespmem:v0+s14+$0x7970 ss:$0x1], $0xffff;
	_ =	sdelay $0x4  }
0x437: {  	v1 =	vadd.f32 v1, v2  }
0x438: {  	v2 =	vld [tilespmem:s14+$0x11E80]  }
0x439: {  	[tilespmem:s14+$0xF670] =	vst.add.f32.msk $0xffff, v1  }
0x43a: {  	v1 =	vld.idx.msk [tilespmem:v0+s14+$0x7980 ss:$0x1], $0xffff;
	_ =	sdelay $0x4  }
0x43b: {  	v1 =	vadd.f32 v1, v2  }
0x43c: {  	v2 =	vld [tilespmem:s14+$0x11E90]  }
0x43d: {  	[tilespmem:s14+$0xF680] =	vst.add.f32.msk $0xffff, v1  }
0x43e: {  	v1 =	vld.idx.msk [tilespmem:v0+s14+$0x7990 ss:$0x1], $0xffff;
	_ =	sdelay $0x4  }
0x43f: {  	v1 =	vadd.f32 v1, v2  }
0x440: {  	v2 =	vld [tilespmem:s14+$0x11EA0]  }
0x441: {  	[tilespmem:s14+$0xF690] =	vst.add.f32.msk $0xffff, v1  }
0x442: {  	v1 =	vld.idx.msk [tilespmem:v0+s14+$0x79A0 ss:$0x1], $0xffff;
	_ =	sdelay $0x4  }
0x443: {  	v1 =	vadd.f32 v1, v2  }
0x444: {  	v2 =	vld [tilespmem:s14+$0x11EB0]  }
0x445: {  	[tilespmem:s14+$0xF6A0] =	vst.add.f32.msk $0xffff, v1  }
0x446: {  	v1 =	vld.idx.msk [tilespmem:v0+s14+$0x79B0 ss:$0x1], $0xffff;
	_ =	sdelay $0x4  }
0x447: {  	v1 =	vadd.f32 v1, v2  }
0x448: {  	v2 =	vld [tilespmem:s14+$0x11EC0]  }
0x449: {  	[tilespmem:s14+$0xF6B0] =	vst.add.f32.msk $0xffff, v1  }
0x44a: {  	v1 =	vld.idx.msk [tilespmem:v0+s14+$0x79C0 ss:$0x1], $0xffff;
	_ =	sdelay $0x4  }
0x44b: {  	v1 =	vadd.f32 v1, v2  }
0x44c: {  	v2 =	vld [tilespmem:s14+$0x11ED0]  }
0x44d: {  	[tilespmem:s14+$0xF6C0] =	vst.add.f32.msk $0xffff, v1  }
0x44e: {  	v1 =	vld.idx.msk [tilespmem:v0+s14+$0x79D0 ss:$0x1], $0xffff;
	_ =	sdelay $0x4  }
0x44f: {  	v1 =	vadd.f32 v1, v2  }
0x450: {  	v2 =	vld [tilespmem:s14+$0x11EE0]  }
0x451: {  	[tilespmem:s14+$0xF6D0] =	vst.add.f32.msk $0xffff, v1  }
0x452: {  	v1 =	vld.idx.msk [tilespmem:v0+s14+$0x79E0 ss:$0x1], $0xffff;
	_ =	sdelay $0x4  }
0x453: {  	v1 =	vadd.f32 v1, v2  }
0x454: {  	v2 =	vld [tilespmem:s14+$0x11EF0]  }
0x455: {  	[tilespmem:s14+$0xF6E0] =	vst.add.f32.msk $0xffff, v1  }
0x456: {  	v1 =	vld.idx.msk [tilespmem:v0+s14+$0x79F0 ss:$0x1], $0xffff;
	_ =	sdelay $0x4  }
0x457: {  	v1 =	vadd.f32 v1, v2  }
0x458: {  	s21 =	simm.s32 $0x0;
	s10 =	simm.s32 $0x800  }
.LBB2_13:
0x459: {  	s21 =	sadd.s32 $0x8, s21;
	[tilespmem:s14+$0xF6F0] =	vst.add.f32.msk $0xffff, v1;
	s14 =	sshra.s32 s10, $0x2  }
0x45a: {  	v1 =	vld.idx.msk [tilespmem:v0+s14+$0x7800 ss:$0x1], $0xffff;
	p1 =	slt.u32 s21, $0x98  }
0x45b: {  	v2 =	vld [tilespmem:s14+$0x11D00];
	_ =	sdelay $0x4  }
0x45c: {  	v1 =	vadd.f32 v1, v2;
	_ =	sdelay $0x1  }
0x45d: {  	[tilespmem:s14+$0xF500] =	vst.add.f32.msk $0xffff, v1  }
0x45e: {  	v1 =	vld.idx.msk [tilespmem:v0+s14+$0x7810 ss:$0x1], $0xffff  }
0x45f: {  	v2 =	vld [tilespmem:s14+$0x11D10];
	_ =	sdelay $0x4  }
0x460: {  	v1 =	vadd.f32 v1, v2;
	_ =	sdelay $0x1  }
0x461: {  	[tilespmem:s14+$0xF510] =	vst.add.f32.msk $0xffff, v1  }
0x462: {  	v1 =	vld.idx.msk [tilespmem:v0+s14+$0x7820 ss:$0x1], $0xffff  }
0x463: {  	v2 =	vld [tilespmem:s14+$0x11D20];
	_ =	sdelay $0x4  }
0x464: {  	v1 =	vadd.f32 v1, v2;
	_ =	sdelay $0x1  }
0x465: {  	[tilespmem:s14+$0xF520] =	vst.add.f32.msk $0xffff, v1  }
0x466: {  	v1 =	vld.idx.msk [tilespmem:v0+s14+$0x7830 ss:$0x1], $0xffff  }
0x467: {  	v2 =	vld [tilespmem:s14+$0x11D30];
	_ =	sdelay $0x4  }
0x468: {  	v1 =	vadd.f32 v1, v2;
	_ =	sdelay $0x1  }
0x469: {  	[tilespmem:s14+$0xF530] =	vst.add.f32.msk $0xffff, v1  }
0x46a: {  	v1 =	vld.idx.msk [tilespmem:v0+s14+$0x7840 ss:$0x1], $0xffff  }
0x46b: {  	v2 =	vld [tilespmem:s14+$0x11D40];
	_ =	sdelay $0x4  }
0x46c: {  	v1 =	vadd.f32 v1, v2;
	_ =	sdelay $0x1  }
0x46d: {  	[tilespmem:s14+$0xF540] =	vst.add.f32.msk $0xffff, v1  }
0x46e: {  	v1 =	vld.idx.msk [tilespmem:v0+s14+$0x7850 ss:$0x1], $0xffff  }
0x46f: {  	v2 =	vld [tilespmem:s14+$0x11D50];
	_ =	sdelay $0x4  }
0x470: {  	v1 =	vadd.f32 v1, v2;
	_ =	sdelay $0x1  }
0x471: {  	[tilespmem:s14+$0xF550] =	vst.add.f32.msk $0xffff, v1  }
0x472: {  	v1 =	vld.idx.msk [tilespmem:v0+s14+$0x7860 ss:$0x1], $0xffff  }
0x473: {  	v2 =	vld [tilespmem:s14+$0x11D60];
	_ =	sdelay $0x4  }
0x474: {  	v1 =	vadd.f32 v1, v2;
	_ =	sdelay $0x1  }
0x475: {  	[tilespmem:s14+$0xF560] =	vst.add.f32.msk $0xffff, v1  }
0x476: {  	v1 =	vld.idx.msk [tilespmem:v0+s14+$0x7870 ss:$0x1], $0xffff  }
0x477: {  	v2 =	vld [tilespmem:s14+$0x11D70];
	_ =	sdelay $0x4  }
0x478: {  	v1 =	vadd.f32 v1, v2;
	_ =	sdelay $0x1  }
0x479: {  	[tilespmem:s14+$0xF570] =	vst.add.f32.msk $0xffff, v1  }
0x47a: {  	v1 =	vld.idx.msk [tilespmem:v0+s14+$0x7880 ss:$0x1], $0xffff  }
0x47b: {  	v2 =	vld [tilespmem:s14+$0x11D80];
	_ =	sdelay $0x4  }
0x47c: {  	v1 =	vadd.f32 v1, v2;
	_ =	sdelay $0x1  }
0x47d: {  	[tilespmem:s14+$0xF580] =	vst.add.f32.msk $0xffff, v1  }
0x47e: {  	v1 =	vld.idx.msk [tilespmem:v0+s14+$0x7890 ss:$0x1], $0xffff  }
0x47f: {  	v2 =	vld [tilespmem:s14+$0x11D90];
	_ =	sdelay $0x4  }
0x480: {  	v1 =	vadd.f32 v1, v2;
	_ =	sdelay $0x1  }
0x481: {  	[tilespmem:s14+$0xF590] =	vst.add.f32.msk $0xffff, v1  }
0x482: {  	v1 =	vld.idx.msk [tilespmem:v0+s14+$0x78A0 ss:$0x1], $0xffff  }
0x483: {  	v2 =	vld [tilespmem:s14+$0x11DA0];
	_ =	sdelay $0x4  }
0x484: {  	v1 =	vadd.f32 v1, v2;
	_ =	sdelay $0x1  }
0x485: {  	[tilespmem:s14+$0xF5A0] =	vst.add.f32.msk $0xffff, v1  }
0x486: {  	v1 =	vld.idx.msk [tilespmem:v0+s14+$0x78B0 ss:$0x1], $0xffff  }
0x487: {  	v2 =	vld [tilespmem:s14+$0x11DB0];
	_ =	sdelay $0x4  }
0x488: {  	v1 =	vadd.f32 v1, v2;
	_ =	sdelay $0x1  }
0x489: {  	[tilespmem:s14+$0xF5B0] =	vst.add.f32.msk $0xffff, v1  }
0x48a: {  	v1 =	vld.idx.msk [tilespmem:v0+s14+$0x78C0 ss:$0x1], $0xffff  }
0x48b: {  	v2 =	vld [tilespmem:s14+$0x11DC0];
	_ =	sdelay $0x4  }
0x48c: {  	v1 =	vadd.f32 v1, v2;
	_ =	sdelay $0x1  }
0x48d: {  	[tilespmem:s14+$0xF5C0] =	vst.add.f32.msk $0xffff, v1  }
0x48e: {  	v1 =	vld.idx.msk [tilespmem:v0+s14+$0x78D0 ss:$0x1], $0xffff  }
0x48f: {  	v2 =	vld [tilespmem:s14+$0x11DD0];
	_ =	sdelay $0x4  }
0x490: {  	v1 =	vadd.f32 v1, v2;
	_ =	sdelay $0x1  }
0x491: {  	[tilespmem:s14+$0xF5D0] =	vst.add.f32.msk $0xffff, v1  }
0x492: {  	v1 =	vld.idx.msk [tilespmem:v0+s14+$0x78E0 ss:$0x1], $0xffff  }
0x493: {  	v2 =	vld [tilespmem:s14+$0x11DE0];
	_ =	sdelay $0x4  }
0x494: {  	v1 =	vadd.f32 v1, v2;
	_ =	sdelay $0x1  }
0x495: {  	[tilespmem:s14+$0xF5E0] =	vst.add.f32.msk $0xffff, v1  }
0x496: {  	v1 =	vld.idx.msk [tilespmem:v0+s14+$0x78F0 ss:$0x1], $0xffff  }
0x497: {  	v2 =	vld [tilespmem:s14+$0x11DF0];
	_ =	sdelay $0x4  }
0x498: {  	v1 =	vadd.f32 v1, v2;
	_ =	sdelay $0x1  }
0x499: {  	[tilespmem:s14+$0xF5F0] =	vst.add.f32.msk $0xffff, v1  }
0x49a: {  	v1 =	vld.idx.msk [tilespmem:v0+s14+$0x7900 ss:$0x1], $0xffff  }
0x49b: {  	v2 =	vld [tilespmem:s14+$0x11E00];
	_ =	sdelay $0x4  }
0x49c: {  	v1 =	vadd.f32 v1, v2;
	_ =	sdelay $0x1  }
0x49d: {  	[tilespmem:s14+$0xF600] =	vst.add.f32.msk $0xffff, v1  }
0x49e: {  	v1 =	vld.idx.msk [tilespmem:v0+s14+$0x7910 ss:$0x1], $0xffff  }
0x49f: {  	v2 =	vld [tilespmem:s14+$0x11E10];
	_ =	sdelay $0x4  }
0x4a0: {  	v1 =	vadd.f32 v1, v2;
	_ =	sdelay $0x1  }
0x4a1: {  	[tilespmem:s14+$0xF610] =	vst.add.f32.msk $0xffff, v1  }
0x4a2: {  	v1 =	vld.idx.msk [tilespmem:v0+s14+$0x7920 ss:$0x1], $0xffff  }
0x4a3: {  	v2 =	vld [tilespmem:s14+$0x11E20];
	_ =	sdelay $0x4  }
0x4a4: {  	v1 =	vadd.f32 v1, v2;
	_ =	sdelay $0x1  }
0x4a5: {  	[tilespmem:s14+$0xF620] =	vst.add.f32.msk $0xffff, v1  }
0x4a6: {  	v1 =	vld.idx.msk [tilespmem:v0+s14+$0x7930 ss:$0x1], $0xffff  }
0x4a7: {  	v2 =	vld [tilespmem:s14+$0x11E30];
	_ =	sdelay $0x4  }
0x4a8: {  	v1 =	vadd.f32 v1, v2;
	_ =	sdelay $0x1  }
0x4a9: {  	[tilespmem:s14+$0xF630] =	vst.add.f32.msk $0xffff, v1  }
0x4aa: {  	v1 =	vld.idx.msk [tilespmem:v0+s14+$0x7940 ss:$0x1], $0xffff  }
0x4ab: {  	v2 =	vld [tilespmem:s14+$0x11E40];
	_ =	sdelay $0x4  }
0x4ac: {  	v1 =	vadd.f32 v1, v2;
	_ =	sdelay $0x1  }
0x4ad: {  	[tilespmem:s14+$0xF640] =	vst.add.f32.msk $0xffff, v1  }
0x4ae: {  	v1 =	vld.idx.msk [tilespmem:v0+s14+$0x7950 ss:$0x1], $0xffff  }
0x4af: {  	v2 =	vld [tilespmem:s14+$0x11E50];
	_ =	sdelay $0x4  }
0x4b0: {  	v1 =	vadd.f32 v1, v2;
	_ =	sdelay $0x1  }
0x4b1: {  	[tilespmem:s14+$0xF650] =	vst.add.f32.msk $0xffff, v1  }
0x4b2: {  	v1 =	vld.idx.msk [tilespmem:v0+s14+$0x7960 ss:$0x1], $0xffff  }
0x4b3: {  	v2 =	vld [tilespmem:s14+$0x11E60];
	_ =	sdelay $0x4  }
0x4b4: {  	v1 =	vadd.f32 v1, v2;
	_ =	sdelay $0x1  }
0x4b5: {  	[tilespmem:s14+$0xF660] =	vst.add.f32.msk $0xffff, v1  }
0x4b6: {  	v1 =	vld.idx.msk [tilespmem:v0+s14+$0x7970 ss:$0x1], $0xffff  }
0x4b7: {  	v2 =	vld [tilespmem:s14+$0x11E70];
	_ =	sdelay $0x4  }
0x4b8: {  	v1 =	vadd.f32 v1, v2;
	_ =	sdelay $0x1  }
0x4b9: {  	[tilespmem:s14+$0xF670] =	vst.add.f32.msk $0xffff, v1  }
0x4ba: {  	v1 =	vld.idx.msk [tilespmem:v0+s14+$0x7980 ss:$0x1], $0xffff  }
0x4bb: {  	v2 =	vld [tilespmem:s14+$0x11E80];
	_ =	sdelay $0x4  }
0x4bc: {  	v1 =	vadd.f32 v1, v2;
	_ =	sdelay $0x1  }
0x4bd: {  	[tilespmem:s14+$0xF680] =	vst.add.f32.msk $0xffff, v1  }
0x4be: {  	v1 =	vld.idx.msk [tilespmem:v0+s14+$0x7990 ss:$0x1], $0xffff  }
0x4bf: {  	v2 =	vld [tilespmem:s14+$0x11E90];
	_ =	sdelay $0x4  }
0x4c0: {  	v1 =	vadd.f32 v1, v2;
	_ =	sdelay $0x1  }
0x4c1: {  	[tilespmem:s14+$0xF690] =	vst.add.f32.msk $0xffff, v1  }
0x4c2: {  	v1 =	vld.idx.msk [tilespmem:v0+s14+$0x79A0 ss:$0x1], $0xffff  }
0x4c3: {  	v2 =	vld [tilespmem:s14+$0x11EA0];
	_ =	sdelay $0x4  }
0x4c4: {  	v1 =	vadd.f32 v1, v2;
	_ =	sdelay $0x1  }
0x4c5: {  	[tilespmem:s14+$0xF6A0] =	vst.add.f32.msk $0xffff, v1  }
0x4c6: {  	v1 =	vld.idx.msk [tilespmem:v0+s14+$0x79B0 ss:$0x1], $0xffff  }
0x4c7: {  	v2 =	vld [tilespmem:s14+$0x11EB0];
	_ =	sdelay $0x4  }
0x4c8: {  	v1 =	vadd.f32 v1, v2;
	_ =	sdelay $0x1  }
0x4c9: {  	[tilespmem:s14+$0xF6B0] =	vst.add.f32.msk $0xffff, v1  }
0x4ca: {  	v1 =	vld.idx.msk [tilespmem:v0+s14+$0x79C0 ss:$0x1], $0xffff  }
0x4cb: {  	v2 =	vld [tilespmem:s14+$0x11EC0];
	_ =	sdelay $0x4  }
0x4cc: {  	v1 =	vadd.f32 v1, v2;
	_ =	sdelay $0x1  }
0x4cd: {  	[tilespmem:s14+$0xF6C0] =	vst.add.f32.msk $0xffff, v1  }
0x4ce: {  	v1 =	vld.idx.msk [tilespmem:v0+s14+$0x79D0 ss:$0x1], $0xffff  }
0x4cf: {  	v2 =	vld [tilespmem:s14+$0x11ED0];
	_ =	sdelay $0x4  }
0x4d0: {  	v1 =	vadd.f32 v1, v2;
	_ =	sdelay $0x1  }
0x4d1: {  	[tilespmem:s14+$0xF6D0] =	vst.add.f32.msk $0xffff, v1  }
0x4d2: {  	v1 =	vld.idx.msk [tilespmem:v0+s14+$0x79E0 ss:$0x1], $0xffff  }
0x4d3: {  	v2 =	vld [tilespmem:s14+$0x11EE0];
	_ =	sdelay $0x4  }
0x4d4: {  	v1 =	vadd.f32 v1, v2;
	_ =	sdelay $0x1  }
0x4d5: {  	[tilespmem:s14+$0xF6E0] =	vst.add.f32.msk $0xffff, v1  }
0x4d6: {  	v1 =	vld.idx.msk [tilespmem:v0+s14+$0x79F0 ss:$0x1], $0xffff  }
0x4d7: {  	v2 =	vld [tilespmem:s14+$0x11EF0];
	_ =	sdelay $0x1  }
.Ltmp6:
0x4d8: {  	(pc) =	sbr.rel @p1 .LBB2_13-.Ltmp6, $3  }
0x4d9: {  	_ =	sdelay $0x1  }
0x4da: {  	v1 =	vadd.f32 v1, v2  }
0x4db: {  	s10 =	sadd.s32 $0x800, s10  }
0x4dc: {  	s22 =	sadd.s32 $0x1, s22  }
0x4dd: {  	p1 =	sne.s32 s22, $0x28  }
.Ltmp7:
0x4de: {  	s10 =	sshll.u32 s15, $0x3;
	(pc) =	sbr.rel @p1 .LBB2_2-.Ltmp7, $4  }
0x4df: {  	s29 =	simm.s32 $0xF500;
	s20 =	sadd.s32 $0xA000, s20;
	s19 =	sadd.s32 $0x280, s19  }
0x4e0: {  	s18 =	sadd.s32 $0xA000, s18;
	s6 =	sadd.s32 $0x280, s6;
	s10 =	sand.u32 $0x1FFFFF00, s10  }
0x4e1: {  	[tilespmem:s14+$0xF6F0] =	vst.add.f32.msk $0xffff, v1;
	s16 =	sadd.s32 $0x280, s16;
	s17 =	sadd.s32 $0x280, s17;
	s10 =	sadd.s32 s1, s10  }
0x4e2: {  	[hbm4b:s10+s3] =	stream.linear.scatter [tilespmem:s29], [sflag:$0x14], $0x2800, $0x38;
	[tilespmem:$0x1B8A0] =	vst v63  }
0x4e3: {  	s6 =	simm.s32 $0x5  }
0x4e4: {  	_ =	swait.ge [sflag:s6], $0x2800  }
0x4e5: {  	[sflag:s6] =	ssyncset.done $0x0  }
0x4e6: {  	s25 =	simm.s32 $0xA;
	[sflag:s6] =	ssyncadd.s32 $0xFFFFD800  }
0x4e7: {  	_ =	swait.ge [sflag:s25], $0x2800  }
0x4e8: {  	[sflag:s25] =	ssyncset.done $0x0  }
0x4e9: {  	s28 =	simm.s32 $0xF;
	[sflag:s25] =	ssyncadd.s32 $0xFFFFD800  }
0x4ea: {  	_ =	swait.ge [sflag:s28], $0x2800  }
0x4eb: {  	[sflag:s28] =	ssyncset.done $0x0  }
0x4ec: {  	s10 =	simm.s32 $0x14;
	[sflag:s28] =	ssyncadd.s32 $0xFFFFD800  }
0x4ed: {  	_ =	swait.ge [sflag:s10], $0x2800  }
0x4ee: {  	s14 =	rddreg [dreg:$0x1a]  }
0x4ef: {  	s29 =	rddreg [dreg:$0x14];
	s14 =	sadd.s32 $0x1, s14  }
0x4f0: {  	p1 =	sne.s32 s14, s29  }
.Ltmp8:
0x4f1: {  	_ = 	snop;
	(pc) =	sbr.rel @p1 .LBB2_1-.Ltmp8, $3  }
0x4f2: {  	_ =	sdelay $0x1  }
0x4f3: {  	[sflag:s10] =	ssyncset.done $0x0  }
0x4f4: {  	[sflag:s10] =	ssyncadd.s32 $0xFFFFD800  }
0x4f5: {  	_ =	sfence.sel $0x180000  }
0x4f6: {  	[bflag:$0x0] =	sbarrier.arrive $0xFFFF  }
0x4f7: {  	_ =	strace $0x90000047  }
0x4f8: {  	[bflag:$0x2] =	sbarrier.arrive $0xFFFF  }
0x4f9: {  	s0 =	rddreg [dreg:$0x3]  }
0x4fa: {  	s0 =	sadd.s32 @!p0 $0x100000, s0  }
0x4fb: {  	[sflag:s0] =	ssyncadd.tile.s32 @!p0 $0x1;
	_ =	shalt  }
.Lfunc_end2:
_tile_overlayer_lowered:
.L_overlay_start_2:
0x4fc: {  	(tag) =	ssettag $0x2  }
0x4fd: {  	s0 =	rddreg [dreg:$0x0];
	s2 =	stileid.u32  }
0x4fe: {  	s1 =	rddreg [dreg:$0x1];
	p0 =	sne.s32 s2, $0x0  }
0x4ff: {  	s3 =	rddreg [dreg:$0x2];
	[bflag:$0x3] =	sbarrier.arrive $0xFFFF;
	s2 =	simm.s32 @!p0 $0x1C15  }
0x500: {  	[timem:s3], [sflag:s2] =	dma.local @!p0 [hbm:s0], s1  }
0x501: {  	s0 =	simm.s32 @!p0 $0x15  }
0x502: {  	_ =	swait.ge @!p0 [sflag:s0], s1  }
0x503: {  	s1 =	ssub.s32 @!p0 $0x0, s1;
	[sflag:s0] =	ssyncset.done @!p0 $0x0  }
0x504: {  	[sflag:s0] =	ssyncadd.s32 @!p0 s1  }
0x505: {  	[bflag:$0x3] =	sbarrier.arrive $0xFFFF  }
0x506: {  	_ =	shalt  }

// kernel: sparse-core-data-format-call.cloned.1.call-start
scs
called_computation_lowered:
.L_overlay_start_0:
0x0: {  	s2 =	sld [smem:$0x3FD9]  }
0x1: {  	s3 =	sld [smem:$0x3FFE];
	_ =	sdelay $0x1  }
0x2: {  	s1 =	srdreg.scid  }
0x3: {  	s0 =	sand.u32 $0x1, s1  }
0x4: {  	s18 =	sshll.u32 s0, $0xA;
	s2 =	sadd.s32 s3, s2  }
0x5: {  	s2 =	sadd.s32 s2, s18  }
0x6: {  	[smem:$0x3FC1] =	sst s2  }
0x7: {  	_ = 	snop  }
0x8: {  	s2 =	sld [smem:$0x3FD0];
	(tm) =	ssettm $0x1  }
0x9: {  	s19 =	sld [smem:$0x3FFB];
	_ =	sdelay $0x3  }
0xa: {  	_ =	strace s19  }
0xb: {  	s3 =	sld [smem:$0x3FFC];
	_ =	sdelay $0x3  }
0xc: {  	_ =	strace s3  }
0xd: {  	s3 =	sld [smem:$0x3FFD];
	_ =	sdelay $0x3  }
0xe: {  	_ =	strace s3  }
0xf: {  	_ =	strace $0x8FFFFFFF  }
0x10: {  	s20 =	sld [smem:$0x3FDB];
	_ =	sdelay $0x1  }
0x11: {  	s4 =	simm.s32 $_scs_section_size  }
0x12: {  	s5 =	simm.s32 $_size__tile_overlayer_lowered;
	s6 =	simm.s32 $_tile_overlayer_lowered  }
0x13: {  	s23 =	simm.s32 $0x1BFF;
	s22 =	sshll.u32 s6, $0x1;
	s3 =	sadd.s32 s4, s20  }
0x14: {  	s7 =	simm.s32 $0x0;
	s21 =	sshll.u32 s5, $0x1;
	s5 =	sadd.s32 s22, s3  }
0x15: {  	[timem:s7], [sflag:s23] =	dma.local [hbm:s5], s21  }
0x16: {  	_ =	swait.ge [sflag:s23], s21  }
0x17: {  	s4 =	ssub.s32 $0x0, s21;
	[sflag:s23] =	ssyncset.done $0x0  }
0x18: {  	[sflag:s23] =	ssyncadd.s32 s4;
	_ =	sdelay $0x1  }
0x19: {  	s24 =	simm.s32 $0x1B8B  }
0x1a: {  	_ =	swait.ge [sflag:s24], $0x1  }
0x1b: {  	[sflag:s24] =	ssyncset.done $0x0  }
0x1c: {  	s26 =	simm.s32 $0x1B8E;
	s25 =	sld [smem:$0x3FFE];
	[sflag:s24] =	ssyncadd.s32 $0xFFFFFFFF  }
0x1d: {  	s27 =	simm.s32 $execute0_lowered;
	[smem:$0x3FD2] =	sst s26  }
0x1e: {  	s5 =	sshll.u32 s27, $0x1;
	_ =	strace $0x80000049;
	[dreg:$0x1] =	wrdreg $0xFFFFFFFF  }
0x1f: {  	s28 =	simm.s32 $_size_execute0_lowered;
	s3 =	sadd.s32 s3, s5;
	[dreg:$0x0] =	wrdreg $0x0  }
0x20: {  	s5 =	sshll.u32 s28, $0x1;
	[dreg:$0x2] =	wrdreg s3  }
0x21: {  	[dreg:$0x3] =	wrdreg s5  }
0x22: {  	[dreg:$0x4] =	wrdreg $0xC0  }
0x23: {  	_ =	task [dreg:s7], $0x5FFFF  }
0x24: {  	[dreg:$0x1] =	wrdreg $0xFFFFFFFF  }
0x25: {  	[dreg:$0x0] =	wrdreg $0x60  }
0x26: {  	[dreg:$0x2] =	wrdreg s25  }
0x27: {  	[dreg:$0x3] =	wrdreg s2  }
0x28: {  	[dreg:$0x4] =	wrdreg $0x9  }
0x29: {  	_ =	task.clear_ibuf [dreg:s7], $0x5FFFF;
	_ =	strace $0x90000049  }
0x2a: {  	s29 =	simm.s32 $0x9;
	_ =	strace $0x8000004B  }
0x2b: {  	_ =	swait.ge [sflag:s29], $0x1  }
0x2c: {  	[sflag:s29] =	ssyncadd.s32 $0xFFFFFFFF  }
0x2d: {  	_ =	strace $0x9000004B  }
0x2e: {  	_ =	sfence  }
0x2f: {  	s30 =	sld [smem:$0x0];
	_ =	sdelay $0x2  }
0x30: {  	s31 =	sshll.u32 s1, $0xD;
	s1 =	sshrl.u32 s1, $0x2  }
0x31: {  	s3 =	sand.u32 $0x4000, s31;
	s1 =	sadd.s32 s1, s30  }
0x32: {  	s0 =	sor.u32 s3, s0;
	s1 =	sshll.u32 s1, $0x11  }
0x33: {  	s0 =	sor.u32 s1, s0  }
0x34: {  	s0 =	sadd.s32 $0x8F2B, s0  }
0x35: {  	[sflag:s0] =	ssyncadd.remote.s32 $0x1  }
0x36: {  	_ =	sfence.sel $0xFFFF  }
0x37: {  	[dreg:$0x0] =	wrdreg $0xFFFFFFFF;
	(pc) =	sbr.abs _section_cstart, $3  }
0x38: {  	[dreg:$0x1] =	wrdreg $0xFFFFFFFF  }
0x39: {  	_ =	task.clear_ibuf [dreg:s7], $0x2FFFF;
	_ =	strace $0x9FFFFFFF  }
0x3a: {  	(tm) =	ssettm $0x7FFFFFFF  }
0x3b: {  	_ =	shalt  }
tec
execute0_lowered:
.L_overlay_start_1:
0x0: {  	(tag) =	ssettag $0x1  }
0x1: {  	s0 =	srdreg.scid  }
0x2: {  	s1 =	sshll.u32 s0, $0x4  }
0x3: {  	s0 =	stileid.u32;
	s1 =	sand.u32 $0x10, s1  }
0x4: {  	s1 =	sor.u32 s0, s1  }
0x5: {  	s6 =	rddreg [dreg:$0x0];
	s4 =	simm.s32 $0x1;
	s2 =	sshll.u32 s1, $0x7  }
0x6: {  	s7 =	simm.s32 $0x2;
	s12 =	simm.s32 $0x0;
	s1 =	ssub.s32 $0x1000, s2  }
0x7: {  	s8 =	simm.s32 $0x8000;
	s13 =	simm.s32 $0x0;
	s3 =	sand.u32 $0xF80, s1  }
0x8: {  	s9 =	simm.s32 $0x0;
	s5 =	sshrl.u32 s1, $0xC;
	p0 =	sne.s32 s3, $0x0  }
.Ltmp0:
0x9: {  	s1 =	rddreg [dreg:$0x2];
	s4 =	simm.s32 @!p0 $0x0;
	(pc) =	sbr.rel .LBB1_1-.Ltmp0, $4  }
0xa: {  	s11 =	simm.s32 $0x0;
	s3 =	rddreg [dreg:$0x1];
	s5 =	sadd.s32 s4, s5  }
0xb: {  	_ =	strace $0x8000004A;
	s4 =	simm.s32 $0x1;
	s5 =	smul.u32 $0xC8, s5  }
0xc: {  	s6 =	sadd.s32 $0x1000, s6;
	s10 =	smov.u32 s2;
	[sflag:s4] =	ssyncpa.u1 $0x0  }
0xd: {  	p0 =	por $0x0, $0x0;
	[sflag:s7] =	ssyncpa.u1 $0x0;
	s7 =	sor.u32 $0x1, s5  }
.LBB1_4:
0xe: {  	s16 =	sshll.u32 s13, $0x3;
	s17 =	sand.u32 $0x78, s13  }
0xf: {  	s30 =	sand.u32 $0x7E00, s13;
	s12 =	sshll.u32 s12, $0xF;
	s16 =	sand.u32 $0xC00, s16  }
0x10: {  	[tilespmem:s15+$0x810 ss:$0x81] =	vst.msk $0xffff, v2;
	s31 =	sand.u32 $0x7, s13;
	s16 =	sor.u32 s17, s16;
	s17 =	sadd.s32 s3, s30  }
0x11: {  	[tilespmem:s15+$0x1020 ss:$0x81] =	vst.msk $0xffff, v0;
	s13 =	sshll.u32 s31, $0x12;
	s12 =	sadd.s32 s12, s17;
	s16 =	sshrl.u32 s16, $0x3  }
0x12: {  	[tilespmem:s15+$0x0 ss:$0x81] =	vst.msk $0xffff, v1;
	s13 =	sor.u32 $0x400, s13;
	s12 =	sadd.s32 s16, s12  }
0x13: {  	[hbm4b:s12+s13] =	stream.strided.scatter [tilespmem:s14], [sflag:$0x2], $0x2000, s8, s13, $0x20;
	[tilespmem:$0x8080] =	vst v63  }
.LBB1_5:
0x14: {  	s14 =	sadd.s32 $0x1, s9  }
0x15: {  	s12 =	sadd.s32 $0x1000, s10;
	s16 =	smov.u32 s10;
	p2 =	sgt.s32 s14, $0xC7  }
0x16: {  	s16 =	smov.u32 @p2 s12  }
0x17: {  	s14 =	simm.s32 @p2 $0x0;
	p2 =	sgt.s32 s16, $0xFFF  }
0x18: {  	s16 =	smov.u32 @p2 s2;
	p2 =	sne.s32 s11, s7  }
.Ltmp1:
0x19: {  	p1 =	slt.u32 s11, $0x2;
	(pc) =	sbr.rel @!p2 .LBB1_6-.Ltmp1, $4  }
0x1a: {  	s15 =	simm.s32 @!p1 $0x2  }
0x1b: {  	s13 =	smov.u32 s10;
	p0 =	por !p0, !p0;
	_ =	swait.ge @!p1 [sflag:s15], $0x2000  }
0x1c: {  	s12 =	smov.u32 s9;
	[sflag:s15] =	ssyncset.done @!p1 $0x0;
	s9 =	smov.u32 s14  }
0x1d: {  	s11 =	sadd.s32 $0x1, s11;
	[sflag:s15] =	ssyncadd.s32 @!p1 $0xFFFFE000;
	s10 =	smov.u32 s16  }
.LBB1_1:
0x1e: {  	p1 =	sge.u32 s11, s5  }
0x1f: {  	s14 =	sand.u32 @!p1 $0x1FFFFFF, s9  }
0x20: {  	s15 =	smulhi.u32 @!p1 $0x147AE15, s14;
	_ =	sdelay $0x1  }
0x21: {  	s15 =	smul.u32 @!p1 $0xC8, s15  }
0x22: {  	s16 =	sxor.u32 @!p1 $0xFFFFFFFF, s11;
	s17 =	smul.u32 @!p1 $0xC80, s10  }
0x23: {  	s31 =	sadd.s32 $0xFFFFFFFF, s11;
	s16 =	sshll.u32 @!p1 s16, $0xD;
	s14 =	ssub.s32 @!p1 s14, s15  }
0x24: {  	s15 =	sand.u32 @!p1 $0x2000, s16;
	s16 =	sadd.s32 @!p1 s6, s17;
	s14 =	sshll.u32 @!p1 s14, $0x4  }
0x25: {  	s17 =	simm.s32 @!p1 $0x6400;
	s14 =	sadd.s32 @!p1 s14, s16;
	s16 =	simm.s32 @!p1 $0x40  }
0x26: {  	[tilespmem:s15], [sflag:$0x1] =	stream.strided.gather @!p1 [hbm4b:s14+s16], $0x2000, s17, s16, $0x38;
	[tilespmem:$0x8080] =	vst v63  }
0x27: {  	p1 =	sge.u32 s31, s5  }
.Ltmp2:
0x28: {  	_ = 	snop;
	(pc) =	sbr.rel @p1 .LBB1_5-.Ltmp2, $1  }
0x29: {  	_ =	sdelay $0x3  }
0x2a: {  	s14 =	simm.s32 $0x1  }
0x2b: {  	_ =	swait.ge [sflag:s4], $0x2000;
	s14 =	simm.s32 @!p0 $0x0  }
0x2c: {  	[sflag:s4] =	ssyncset.done $0x0;
	s15 =	sshll.u32 s14, $0xD  }
0x2d: {  	[sflag:s4] =	ssyncadd.s32 $0xFFFFE000;
	s18 =	sor.u32 $0x20, s15  }
0x2e: {  	s14 =	smul.u32 $0x8100, s14;
	v3 =	vld [tilespmem:s18+$0x10]  }
0x2f: {  	s30 =	sand.u32 $0x1, s11;
	v2 =	vld [tilespmem:s18+$0xFFFFFFF0]  }
0x30: {  	s15 =	smul.u32 $0x8100, s30;
	s14 =	sshrl.u32 s14, $0x2;
	v0 =	vld [tilespmem:s18+$0x0]  }
0x31: {  	v1 =	vld [tilespmem:s18+$0xFFFFFFE0];
	s16 =	sor.u32 $0x4000, s14  }
0x32: {  	s31 =	sshrl.u32 s15, $0x2;
	s15 =	sadd.s32 $0x0, s16  }
0x33: {  	s17 =	simm.s32 $0x4;
	s18 =	sadd.s32 $0x40, s18;
	s14 =	sor.u32 $0x4000, s31;
	[tilespmem:s15+$0x1830 ss:$0x81] =	vst.msk $0xffff, v3  }
.LBB1_3:
0x34: {  	v3 =	vld [tilespmem:s18+$0x10];
	p1 =	sne.s32 s17, $0x1FC;
	[tilespmem:s15+$0x810 ss:$0x81] =	vst.msk $0xffff, v2;
	s19 =	smov.u32 s17;
	s17 =	sadd.s32 $0x4, s17  }
.Ltmp3:
0x35: {  	v2 =	vld [tilespmem:s18+$0xFFFFFFF0];
	[tilespmem:s15+$0x1020 ss:$0x81] =	vst.msk $0xffff, v0;
	(pc) =	sbr.rel @p1 .LBB1_3-.Ltmp3, $4  }
0x36: {  	v0 =	vld [tilespmem:s18+$0x0];
	[tilespmem:s15+$0x0 ss:$0x81] =	vst.msk $0xffff, v1  }
0x37: {  	s15 =	sshra.s32 s19, $0x2;
	v1 =	vld [tilespmem:s18+$0xFFFFFFE0]  }
0x38: {  	s15 =	sadd.s32 s15, s16  }
0x39: {  	s18 =	sadd.s32 $0x40, s18;
	[tilespmem:s15+$0x1830 ss:$0x81] =	vst.msk $0xffff, v3  }
.Ltmp4:
0x3a: {  	_ = 	snop;
	(pc) =	sbr.rel .LBB1_4-.Ltmp4, $1  }
0x3b: {  	_ =	sdelay $0x3  }
.LBB1_6:
0x3c: {  	_ =	sfence.sel $0x180000  }
0x3d: {  	s2 =	simm.s32 $0x1;
	[bflag:$0x0] =	sbarrier.arrive $0xFFFF  }
0x3e: {  	s31 =	simm.s32 $0x2;
	[sflag:s2] =	ssyncpa.u1 $0x1  }
0x3f: {  	[sflag:s31] =	ssyncpa.u1 $0x1  }
0x40: {  	p0 =	sne.s32 s0, $0x0;
	_ =	strace $0x9000004A  }
0x41: {  	s0 =	sadd.s32 @!p0 $0x100000, s1;
	[bflag:$0x2] =	sbarrier.arrive $0xFFFF  }
0x42: {  	[sflag:s0] =	ssyncadd.tile.s32 @!p0 $0x1;
	_ =	shalt  }
.Lfunc_end1:
_tile_overlayer_lowered:
.L_overlay_start_2:
0x43: {  	(tag) =	ssettag $0x2  }
0x44: {  	s0 =	rddreg [dreg:$0x0];
	s2 =	stileid.u32  }
0x45: {  	s1 =	rddreg [dreg:$0x1];
	p0 =	sne.s32 s2, $0x0  }
0x46: {  	s3 =	rddreg [dreg:$0x2];
	[bflag:$0x3] =	sbarrier.arrive $0xFFFF;
	s2 =	simm.s32 @!p0 $0x1C01  }
0x47: {  	[timem:s3], [sflag:s2] =	dma.local @!p0 [hbm:s0], s1  }
0x48: {  	s0 =	simm.s32 @!p0 $0x1  }
0x49: {  	_ =	swait.ge @!p0 [sflag:s0], s1  }
0x4a: {  	s1 =	ssub.s32 @!p0 $0x0, s1;
	[sflag:s0] =	ssyncset.done @!p0 $0x0  }
0x4b: {  	[sflag:s0] =	ssyncadd.s32 @!p0 s1  }
0x4c: {  	[bflag:$0x3] =	sbarrier.arrive $0xFFFF  }
0x4d: {  	_ =	shalt  }

</sc_bundles>
